<compile_context>
chip_gen: v7x
topology: tpu7x:2x2x1
jax: 0.10.2.dev20260603
libtpu: 0.0.44.dev20260713+nightly
codegen_flags: <defaults>
</compile_context>

<pallas_src>
import jax
import jax.numpy as jnp
from jax import lax
from jax.experimental import pallas as pl
from jax.experimental.pallas import tpu as pltpu
from jax.experimental.pallas import tpu_sc as plsc

HIDDEN = 128
SEQ = 200
L = 16
NWORKERS = 32
CHUNK = 128


def _fast_rsqrt(x):
    i = lax.bitcast_convert_type(x, jnp.int32)
    i = jnp.int32(0x5F3759DF) - lax.shift_right_logical(i, 1)
    y = lax.bitcast_convert_type(i, jnp.float32)
    for _ in range(2):
        y = y * (1.5 - 0.5 * x * y * y)
    return y


def _body(ids_hbm, tids_hbm, word_hbm, pos_hbm, type_hbm, gamma_hbm, beta_hbm,
          out_hbm, ids_v, tids_v, rows_v, xbuf_v, comb_v, pos_v, type_v,
          gamma_v, beta_v, sem):
    wid = lax.axis_index("s") * 2 + lax.axis_index("c")
    iota = lax.iota(jnp.int32, L)
    n_tokens = out_hbm.shape[0]
    per_worker = n_tokens // NWORKERS

    pltpu.sync_copy(pos_hbm.at[pl.ds(0, SEQ)], pos_v)
    pltpu.sync_copy(type_hbm, type_v)
    pltpu.sync_copy(gamma_hbm, gamma_v)
    pltpu.sync_copy(beta_hbm, beta_v)

    def build_blk(cb, _):
        c_v = cb * L + iota
        p_v = lax.shift_right_logical(c_v, 1)
        t_v = lax.bitwise_and(c_v, 1)

        @plsc.parallel_loop(0, HIDDEN, unroll=8)
        def build_j(j):
            jv = jnp.broadcast_to(j, (L,))
            val = (plsc.load_gather(pos_v, [p_v, jv]) +
                   plsc.load_gather(type_v, [t_v, jv]))
            plsc.store_scatter(comb_v, [c_v, jv], val)

        return 0

    lax.fori_loop(0, 2 * SEQ // L, build_blk, 0)

    nh = HIDDEN // L
    gamma_vecs = [gamma_v[pl.ds(h * L, L)] for h in range(nh)]
    beta_vecs = [beta_v[pl.ds(h * L, L)] for h in range(nh)]

    def chunk_body(ck, _):
        base = wid * per_worker + ck * CHUNK
        pltpu.sync_copy(ids_hbm.at[pl.ds(base, CHUNK)], ids_v)
        pltpu.sync_copy(tids_hbm.at[pl.ds(base, CHUNK)], tids_v)
        pltpu.async_copy(word_hbm.at[ids_v], rows_v, sem).wait()

        @plsc.parallel_loop(0, CHUNK // L)
        def group(g):
            tid_vec = tids_v[pl.ds(g * L, L)]
            for k in range(L):
                tok = g * L + k
                p = lax.rem(base + tok, SEQ)
                c = p * 2 + tid_vec[k]
                x = [rows_v[tok, pl.ds(h * L, L)] +
                     comb_v[c, pl.ds(h * L, L)] for h in range(nh)]
                s = x[0]
                for h in range(1, nh):
                    s = s + x[h]
                sq = [v * v for v in x]
                ss = sq[0]
                for h in range(1, nh):
                    ss = ss + sq[h]
                total = jnp.sum(s)
                totsq = jnp.sum(ss)
                mean = total * (1.0 / HIDDEN)
                var = totsq * (1.0 / HIDDEN) - mean * mean
                rstd = _fast_rsqrt(jnp.broadcast_to(var + 1e-12, (L,)))
                mean_b = jnp.broadcast_to(mean, (L,))
                for h in range(nh):
                    xbuf_v[tok, pl.ds(h * L, L)] = (
                        (x[h] - mean_b) * rstd * gamma_vecs[h] + beta_vecs[h])

        pltpu.sync_copy(xbuf_v, out_hbm.at[pl.ds(base, CHUNK)])
        return 0

    lax.fori_loop(0, per_worker // CHUNK, chunk_body, 0)


@jax.jit
def kernel(input_ids, token_type_ids, word_emb, pos_emb, type_emb, gamma,
           beta):
    b, s = input_ids.shape
    n = b * s
    ids = input_ids.reshape(n).astype(jnp.int32)
    tids = token_type_ids.reshape(n).astype(jnp.int32)
    mesh = plsc.VectorSubcoreMesh(core_axis_name="c", subcore_axis_name="s")
    run = pl.kernel(
        _body,
        out_type=jax.ShapeDtypeStruct((n, HIDDEN), jnp.float32),
        mesh=mesh,
        compiler_params=pltpu.CompilerParams(needs_layout_passes=False),
        scratch_types=[
            pltpu.VMEM((CHUNK,), jnp.int32),
            pltpu.VMEM((CHUNK,), jnp.int32),
            pltpu.VMEM((CHUNK, HIDDEN), jnp.float32),
            pltpu.VMEM((CHUNK, HIDDEN), jnp.float32),
            pltpu.VMEM((2 * SEQ, HIDDEN), jnp.float32),
            pltpu.VMEM((SEQ, HIDDEN), jnp.float32),
            pltpu.VMEM((2, HIDDEN), jnp.float32),
            pltpu.VMEM((HIDDEN,), jnp.float32),
            pltpu.VMEM((HIDDEN,), jnp.float32),
            pltpu.SemaphoreType.DMA,
        ],
    )
    out = run(ids, tids, word_emb, pos_emb, type_emb, gamma, beta)
    return out.reshape(b, s, HIDDEN)

# --- scband reference (transcript-rebuilt; emitter-appended) ---
"""Pipeline reference for scband-input-embeddings-9560597201453 (READ-ONLY COPY).

The authoritative reference and input builder live on the scoring server;
editing this copy changes nothing except your own understanding.
"""

import jax, jax.numpy as jnp
import numpy as np

VOCAB = 100000
HIDDEN = 128
MAX_POS = 512
TYPE_VOCAB = 2
EPS = 1e-12


def setup_inputs(seed: int = 0) -> dict:
    key = jax.random.key(seed)
    k1, k2, k3, k4, k5, k6 = jax.random.split(key, 6)
    input_ids = jax.random.randint(k1, (1024, 200), 0, VOCAB, dtype=jnp.int64 if jax.config.jax_enable_x64 else jnp.int32)
    token_type_ids = jax.random.randint(k2, (1024, 200), 0, TYPE_VOCAB, dtype=input_ids.dtype)
    word_emb = jax.random.normal(k3, (VOCAB, HIDDEN), dtype=jnp.float32) * 0.02
    word_emb = word_emb.at[0].set(0.0)  # padding_idx=0
    pos_emb = jax.random.normal(k4, (MAX_POS, HIDDEN), dtype=jnp.float32) * 0.02
    type_emb = jax.random.normal(k5, (TYPE_VOCAB, HIDDEN), dtype=jnp.float32) * 0.02
    gamma = jnp.ones((HIDDEN,), dtype=jnp.float32)
    beta = jnp.zeros((HIDDEN,), dtype=jnp.float32)
    return {
        "input_ids": input_ids,
        "token_type_ids": token_type_ids,
        "word_emb": word_emb,
        "pos_emb": pos_emb,
        "type_emb": type_emb,
        "gamma": gamma,
        "beta": beta,
    }


def reference(input_ids, token_type_ids, word_emb, pos_emb, type_emb, gamma, beta):
    seq_length = input_ids.shape[1]
    position_ids = jnp.arange(seq_length, dtype=input_ids.dtype)
    position_ids = jnp.broadcast_to(position_ids[None, :], input_ids.shape)
    words_embeddings = jnp.take(word_emb, input_ids, axis=0)
    position_embeddings = jnp.take(pos_emb, position_ids, axis=0)
    embeddings = words_embeddings + position_embeddings
    token_type_embeddings = jnp.take(type_emb, token_type_ids, axis=0)
    embeddings = embeddings + token_type_embeddings
    # LayerNorm over last dim, eps=1e-12
    mean = jnp.mean(embeddings, axis=-1, keepdims=True)
    var = jnp.mean(jnp.square(embeddings - mean), axis=-1, keepdims=True)
    normed = (embeddings - mean) / jnp.sqrt(var + EPS)
    out = normed * gamma + beta
    # dropout is identity in eval / deterministic reference
    return out

if __name__ == "__main__":
    import jax
    _d = setup_inputs()
    print(jax.jit(kernel)(*tuple(_d.values())))

</pallas_src>

<mosaic_0001>
#map = affine_map<(d0, d1) -> (0)>
#map1 = affine_map<(d0, d1) -> (0, 0)>
module attributes {stable_mosaic.version = 14 : i64} {
  func.func @_body(%arg0: i32, %arg1: i32, %arg2: memref<204800xi32, #tpu.memory_space<hbm>>, %arg3: memref<204800xi32, #tpu.memory_space<hbm>>, %arg4: memref<100000x128xf32, #tpu.memory_space<hbm>>, %arg5: memref<512x128xf32, #tpu.memory_space<hbm>>, %arg6: memref<2x128xf32, #tpu.memory_space<hbm>>, %arg7: memref<128xf32, #tpu.memory_space<hbm>>, %arg8: memref<128xf32, #tpu.memory_space<hbm>>, %arg9: memref<204800x128xf32, #tpu.memory_space<hbm>>, %arg10: memref<128xi32, #tpu.memory_space<vmem>>, %arg11: memref<128xi32, #tpu.memory_space<vmem>>, %arg12: memref<128x128xf32, #tpu.memory_space<vmem>>, %arg13: memref<128x128xf32, #tpu.memory_space<vmem>>, %arg14: memref<400x128xf32, #tpu.memory_space<vmem>>, %arg15: memref<200x128xf32, #tpu.memory_space<vmem>>, %arg16: memref<2x128xf32, #tpu.memory_space<vmem>>, %arg17: memref<128xf32, #tpu.memory_space<vmem>>, %arg18: memref<128xf32, #tpu.memory_space<vmem>>, %arg19: memref<!tpu.dma_semaphore, #tpu.memory_space<semaphore_mem>>) attributes {dimension_semantics = [#tpu.dimension_semantics<core_parallel>, #tpu.dimension_semantics<subcore_parallel>], iteration_bounds = array<i64: 2, 16>, scalar_prefetch = 0 : i64, scratch_operands = 10 : i64, tpu.core_type = #tpu.core_type<sc_vector_subcore>, window_params = [{transform_indices = #map}, {transform_indices = #map}, {transform_indices = #map1}, {transform_indices = #map1}, {transform_indices = #map1}, {transform_indices = #map}, {transform_indices = #map}, {transform_indices = #map1}]} {
    %mul3A = arith.constant 2 : i32
    %mul3A_0 = arith.muli %arg1, %mul3A : i32
    %add3A = arith.addi %mul3A_0, %arg0 : i32
    %iota3A = tpu.iota {dimensions = array<i32: 0>} : vector<16xi32>
    "tpu.region"() ({
      %run_scoped3A = tpu.sem_alloc : memref<!tpu.dma_semaphore, #tpu.memory_space<semaphore_mem>>
      %dma_start3A = arith.constant 0 : i32
      %dma_start3A_45 = arith.constant 0 : i32
      %dma_start3A_46 = tpu.memref_slice %arg5[%dma_start3A, %dma_start3A_45] : memref<512x128xf32, #tpu.memory_space<hbm>> -> memref<200x128xf32, #tpu.memory_space<hbm>>
      %dma_start3A_47 = arith.constant 0 : i32
      %dma_start3A_48 = arith.constant 0 : i32
      %dma_start3A_49 = tpu.memref_slice %arg5[%dma_start3A_47, %dma_start3A_48] : memref<512x128xf32, #tpu.memory_space<hbm>> -> memref<200x128xf32, #tpu.memory_space<hbm>>
      tpu.enqueue_dma source(%dma_start3A_49 : memref<200x128xf32, #tpu.memory_space<hbm>>) target(%arg15 : memref<200x128xf32, #tpu.memory_space<vmem>>) target_semaphore(%run_scoped3A : memref<!tpu.dma_semaphore, #tpu.memory_space<semaphore_mem>>)
      %dma_wait3A = arith.constant 0 : i32
      %dma_wait3A_50 = arith.constant 0 : i32
      %dma_wait3A_51 = tpu.memref_slice %arg5[%dma_wait3A, %dma_wait3A_50] : memref<512x128xf32, #tpu.memory_space<hbm>> -> memref<200x128xf32, #tpu.memory_space<hbm>>
      %dma_wait3A_52 = arith.constant 0 : i32
      %dma_wait3A_53 = arith.constant 0 : i32
      %dma_wait3A_54 = tpu.memref_slice %arg5[%dma_wait3A_52, %dma_wait3A_53] : memref<512x128xf32, #tpu.memory_space<hbm>> -> memref<200x128xf32, #tpu.memory_space<hbm>>
      tpu.wait_dma2 semaphore(%run_scoped3A : memref<!tpu.dma_semaphore, #tpu.memory_space<semaphore_mem>>) src(%dma_wait3A_54 : memref<200x128xf32, #tpu.memory_space<hbm>>) dst(%arg15 : memref<200x128xf32, #tpu.memory_space<vmem>>)
      tpu.yield
    }) : () -> ()
    "tpu.region"() ({
      %run_scoped3A = tpu.sem_alloc : memref<!tpu.dma_semaphore, #tpu.memory_space<semaphore_mem>>
      tpu.enqueue_dma source(%arg6 : memref<2x128xf32, #tpu.memory_space<hbm>>) target(%arg16 : memref<2x128xf32, #tpu.memory_space<vmem>>) target_semaphore(%run_scoped3A : memref<!tpu.dma_semaphore, #tpu.memory_space<semaphore_mem>>)
      tpu.wait_dma2 semaphore(%run_scoped3A : memref<!tpu.dma_semaphore, #tpu.memory_space<semaphore_mem>>) src(%arg6 : memref<2x128xf32, #tpu.memory_space<hbm>>) dst(%arg16 : memref<2x128xf32, #tpu.memory_space<vmem>>)
      tpu.yield
    }) : () -> ()
    "tpu.region"() ({
      %run_scoped3A = tpu.sem_alloc : memref<!tpu.dma_semaphore, #tpu.memory_space<semaphore_mem>>
      tpu.enqueue_dma source(%arg7 : memref<128xf32, #tpu.memory_space<hbm>>) target(%arg17 : memref<128xf32, #tpu.memory_space<vmem>>) target_semaphore(%run_scoped3A : memref<!tpu.dma_semaphore, #tpu.memory_space<semaphore_mem>>)
      tpu.wait_dma2 semaphore(%run_scoped3A : memref<!tpu.dma_semaphore, #tpu.memory_space<semaphore_mem>>) src(%arg7 : memref<128xf32, #tpu.memory_space<hbm>>) dst(%arg17 : memref<128xf32, #tpu.memory_space<vmem>>)
      tpu.yield
    }) : () -> ()
    "tpu.region"() ({
      %run_scoped3A = tpu.sem_alloc : memref<!tpu.dma_semaphore, #tpu.memory_space<semaphore_mem>>
      tpu.enqueue_dma source(%arg8 : memref<128xf32, #tpu.memory_space<hbm>>) target(%arg18 : memref<128xf32, #tpu.memory_space<vmem>>) target_semaphore(%run_scoped3A : memref<!tpu.dma_semaphore, #tpu.memory_space<semaphore_mem>>)
      tpu.wait_dma2 semaphore(%run_scoped3A : memref<!tpu.dma_semaphore, #tpu.memory_space<semaphore_mem>>) src(%arg8 : memref<128xf32, #tpu.memory_space<hbm>>) dst(%arg18 : memref<128xf32, #tpu.memory_space<vmem>>)
      tpu.yield
    }) : () -> ()
    %scan3A = arith.constant 0 : i32
    %scan3A_1 = arith.constant 0 : i32
    %scan3A_2 = arith.constant 25 : i32
    %scan3A_3 = arith.addi %scan3A_1, %scan3A_2 : i32
    %scan3A_4 = arith.constant 1 : i32
    %scan3A_5 = scf.for %scan3A_45 = %scan3A_1 to %scan3A_3 step %scan3A_4 iter_args(%scan3A_46 = %scan3A) -> (i32)  : i32 {
      %mul3A_47 = arith.constant 16 : i32
      %mul3A_48 = arith.muli %scan3A_45, %mul3A_47 : i32
      %add3A_49 = vector.broadcast %mul3A_48 : i32 to vector<16xi32>
      %add3A_50 = arith.addi %add3A_49, %iota3A : vector<16xi32>
      %shift_right_logical3A = arith.constant 1 : i32
      %shift_right_logical3A_51 = vector.broadcast %shift_right_logical3A : i32 to vector<16xi32>
      %shift_right_logical3A_52 = arith.shrui %add3A_50, %shift_right_logical3A_51 : vector<16xi32>
      %and3A = arith.constant 1 : i32
      %and3A_53 = vector.broadcast %and3A : i32 to vector<16xi32>
      %and3A_54 = arith.andi %add3A_50, %and3A_53 : vector<16xi32>
      %parallel_loop3A = arith.constant 0 : i32
      %parallel_loop3A_55 = arith.constant 128 : i32
      %parallel_loop3A_56 = arith.constant 1 : i32
      scf.for %parallel_loop3A_58 = %parallel_loop3A to %parallel_loop3A_55 step %parallel_loop3A_56  : i32 {
        %parallel_loop3A_59 = vector.broadcast %parallel_loop3A_58 : i32 to vector<16xi32>
        %parallel_loop3A_60 = tpu.vector_load_idx %arg15[%shift_right_logical3A_52, %parallel_loop3A_59] : memref<200x128xf32, #tpu.memory_space<vmem>>[vector<16xi32>, vector<16xi32>], vector<16xf32>,
        %parallel_loop3A_61 = tpu.vector_load_idx %arg16[%and3A_54, %parallel_loop3A_59] : memref<2x128xf32, #tpu.memory_space<vmem>>[vector<16xi32>, vector<16xi32>], vector<16xf32>,
        %parallel_loop3A_62 = arith.addf %parallel_loop3A_60, %parallel_loop3A_61 : vector<16xf32>
        tpu.vector_store_idx %arg14[%add3A_50, %parallel_loop3A_59], %parallel_loop3A_62 : memref<400x128xf32, #tpu.memory_space<vmem>>[vector<16xi32>, vector<16xi32>], vector<16xf32>,
      } {sc.loop_unroll_factor = 8 : i64, sc.parallel_access}
      %scan3A_57 = arith.constant 0 : i32
      scf.yield %scan3A_57 : i32
    }
    %scan3A_6 = arith.constant 25 : i32
    %get3A = arith.constant 0 : index
    %get3A_7 = tpu.vector_load %arg17[%get3A] {strides = array<i32>} : memref<128xf32, #tpu.memory_space<vmem>>, vector<16xf32>,
    %get3A_8 = arith.constant 16 : index
    %get3A_9 = tpu.vector_load %arg17[%get3A_8] {strides = array<i32>} : memref<128xf32, #tpu.memory_space<vmem>>, vector<16xf32>,
    %get3A_10 = arith.constant 32 : index
    %get3A_11 = tpu.vector_load %arg17[%get3A_10] {strides = array<i32>} : memref<128xf32, #tpu.memory_space<vmem>>, vector<16xf32>,
    %get3A_12 = arith.constant 48 : index
    %get3A_13 = tpu.vector_load %arg17[%get3A_12] {strides = array<i32>} : memref<128xf32, #tpu.memory_space<vmem>>, vector<16xf32>,
    %get3A_14 = arith.constant 64 : index
    %get3A_15 = tpu.vector_load %arg17[%get3A_14] {strides = array<i32>} : memref<128xf32, #tpu.memory_space<vmem>>, vector<16xf32>,
    %get3A_16 = arith.constant 80 : index
    %get3A_17 = tpu.vector_load %arg17[%get3A_16] {strides = array<i32>} : memref<128xf32, #tpu.memory_space<vmem>>, vector<16xf32>,
    %get3A_18 = arith.constant 96 : index
    %get3A_19 = tpu.vector_load %arg17[%get3A_18] {strides = array<i32>} : memref<128xf32, #tpu.memory_space<vmem>>, vector<16xf32>,
    %get3A_20 = arith.constant 112 : index
    %get3A_21 = tpu.vector_load %arg17[%get3A_20] {strides = array<i32>} : memref<128xf32, #tpu.memory_space<vmem>>, vector<16xf32>,
    %get3A_22 = arith.constant 0 : index
    %get3A_23 = tpu.vector_load %arg18[%get3A_22] {strides = array<i32>} : memref<128xf32, #tpu.memory_space<vmem>>, vector<16xf32>,
    %get3A_24 = arith.constant 16 : index
    %get3A_25 = tpu.vector_load %arg18[%get3A_24] {strides = array<i32>} : memref<128xf32, #tpu.memory_space<vmem>>, vector<16xf32>,
    %get3A_26 = arith.constant 32 : index
    %get3A_27 = tpu.vector_load %arg18[%get3A_26] {strides = array<i32>} : memref<128xf32, #tpu.memory_space<vmem>>, vector<16xf32>,
    %get3A_28 = arith.constant 48 : index
    %get3A_29 = tpu.vector_load %arg18[%get3A_28] {strides = array<i32>} : memref<128xf32, #tpu.memory_space<vmem>>, vector<16xf32>,
    %get3A_30 = arith.constant 64 : index
    %get3A_31 = tpu.vector_load %arg18[%get3A_30] {strides = array<i32>} : memref<128xf32, #tpu.memory_space<vmem>>, vector<16xf32>,
    %get3A_32 = arith.constant 80 : index
    %get3A_33 = tpu.vector_load %arg18[%get3A_32] {strides = array<i32>} : memref<128xf32, #tpu.memory_space<vmem>>, vector<16xf32>,
    %get3A_34 = arith.constant 96 : index
    %get3A_35 = tpu.vector_load %arg18[%get3A_34] {strides = array<i32>} : memref<128xf32, #tpu.memory_space<vmem>>, vector<16xf32>,
    %get3A_36 = arith.constant 112 : index
    %get3A_37 = tpu.vector_load %arg18[%get3A_36] {strides = array<i32>} : memref<128xf32, #tpu.memory_space<vmem>>, vector<16xf32>,
    %scan3A_38 = arith.constant 0 : i32
    %scan3A_39 = arith.constant 0 : i32
    %scan3A_40 = arith.constant 50 : i32
    %scan3A_41 = arith.addi %scan3A_39, %scan3A_40 : i32
    %scan3A_42 = arith.constant 1 : i32
    %scan3A_43 = scf.for %scan3A_45 = %scan3A_39 to %scan3A_41 step %scan3A_42 iter_args(%scan3A_46 = %scan3A_38) -> (i32)  : i32 {
      %mul3A_47 = arith.constant 6400 : i32
      %mul3A_48 = arith.muli %add3A, %mul3A_47 : i32
      %mul3A_49 = arith.constant 128 : i32
      %mul3A_50 = arith.muli %scan3A_45, %mul3A_49 : i32
      %add3A_51 = arith.addi %mul3A_48, %mul3A_50 : i32
      "tpu.region"() ({
        %run_scoped3A = tpu.sem_alloc : memref<!tpu.dma_semaphore, #tpu.memory_space<semaphore_mem>>
        %dma_start3A_59 = tpu.memref_slice %arg2[%add3A_51] : memref<204800xi32, #tpu.memory_space<hbm>> -> memref<128xi32, #tpu.memory_space<hbm>>
        %dma_start3A_60 = tpu.memref_slice %arg2[%add3A_51] : memref<204800xi32, #tpu.memory_space<hbm>> -> memref<128xi32, #tpu.memory_space<hbm>>
        tpu.enqueue_dma source(%dma_start3A_60 : memref<128xi32, #tpu.memory_space<hbm>>) target(%arg10 : memref<128xi32, #tpu.memory_space<vmem>>) target_semaphore(%run_scoped3A : memref<!tpu.dma_semaphore, #tpu.memory_space<semaphore_mem>>)
        %dma_wait3A_61 = tpu.memref_slice %arg2[%add3A_51] : memref<204800xi32, #tpu.memory_space<hbm>> -> memref<128xi32, #tpu.memory_space<hbm>>
        %dma_wait3A_62 = tpu.memref_slice %arg2[%add3A_51] : memref<204800xi32, #tpu.memory_space<hbm>> -> memref<128xi32, #tpu.memory_space<hbm>>
        tpu.wait_dma2 semaphore(%run_scoped3A : memref<!tpu.dma_semaphore, #tpu.memory_space<semaphore_mem>>) src(%dma_wait3A_62 : memref<128xi32, #tpu.memory_space<hbm>>) dst(%arg10 : memref<128xi32, #tpu.memory_space<vmem>>)
        tpu.yield
      }) : () -> ()
      "tpu.region"() ({
        %run_scoped3A = tpu.sem_alloc : memref<!tpu.dma_semaphore, #tpu.memory_space<semaphore_mem>>
        %dma_start3A_59 = tpu.memref_slice %arg3[%add3A_51] : memref<204800xi32, #tpu.memory_space<hbm>> -> memref<128xi32, #tpu.memory_space<hbm>>
        %dma_start3A_60 = tpu.memref_slice %arg3[%add3A_51] : memref<204800xi32, #tpu.memory_space<hbm>> -> memref<128xi32, #tpu.memory_space<hbm>>
        tpu.enqueue_dma source(%dma_start3A_60 : memref<128xi32, #tpu.memory_space<hbm>>) target(%arg11 : memref<128xi32, #tpu.memory_space<vmem>>) target_semaphore(%run_scoped3A : memref<!tpu.dma_semaphore, #tpu.memory_space<semaphore_mem>>)
        %dma_wait3A_61 = tpu.memref_slice %arg3[%add3A_51] : memref<204800xi32, #tpu.memory_space<hbm>> -> memref<128xi32, #tpu.memory_space<hbm>>
        %dma_wait3A_62 = tpu.memref_slice %arg3[%add3A_51] : memref<204800xi32, #tpu.memory_space<hbm>> -> memref<128xi32, #tpu.memory_space<hbm>>
        tpu.wait_dma2 semaphore(%run_scoped3A : memref<!tpu.dma_semaphore, #tpu.memory_space<semaphore_mem>>) src(%dma_wait3A_62 : memref<128xi32, #tpu.memory_space<hbm>>) dst(%arg11 : memref<128xi32, #tpu.memory_space<vmem>>)
        tpu.yield
      }) : () -> ()
      %dma_start3A = arith.constant 0 : i32
      %dma_start3A_52 = arith.constant 0 : i32
      %dma_start3A_53 = tpu.memref_slice %arg4[%dma_start3A, %dma_start3A_52] : memref<100000x128xf32, #tpu.memory_space<hbm>> -> memref<100000x128xf32, #tpu.memory_space<hbm>>
      tpu.enqueue_indirect_dma source(%dma_start3A_53 : memref<100000x128xf32, #tpu.memory_space<hbm>>) target(%arg12 : memref<128x128xf32, #tpu.memory_space<vmem>>) offsets(%arg10 : memref<128xi32, #tpu.memory_space<vmem>>) semaphore(%arg19 : memref<!tpu.dma_semaphore, #tpu.memory_space<semaphore_mem>>)
      %dma_wait3A = arith.constant 0 : i32
      %dma_wait3A_54 = arith.constant 0 : i32
      %dma_wait3A_55 = tpu.memref_slice %arg4[%dma_wait3A, %dma_wait3A_54] : memref<100000x128xf32, #tpu.memory_space<hbm>> -> memref<100000x128xf32, #tpu.memory_space<hbm>>
      tpu.wait_indirect_dma semaphore(%arg19 : memref<!tpu.dma_semaphore, #tpu.memory_space<semaphore_mem>>) src(%dma_wait3A_55 : memref<100000x128xf32, #tpu.memory_space<hbm>>) dst(%arg12 : memref<128x128xf32, #tpu.memory_space<vmem>>)
      %parallel_loop3A = arith.constant 0 : i32
      %parallel_loop3A_56 = arith.constant 8 : i32
      %parallel_loop3A_57 = arith.constant 1 : i32
      scf.for %parallel_loop3A_59 = %parallel_loop3A to %parallel_loop3A_56 step %parallel_loop3A_57  : i32 {
        %parallel_loop3A_60 = arith.constant 16 : i32
        %parallel_loop3A_61 = arith.muli %parallel_loop3A_59, %parallel_loop3A_60 : i32
        %parallel_loop3A_62 = arith.index_cast %parallel_loop3A_61 : i32 to index
        %parallel_loop3A_63 = tpu.vector_load %arg11[%parallel_loop3A_62] {strides = array<i32>} : memref<128xi32, #tpu.memory_space<vmem>>, vector<16xi32>,
        %parallel_loop3A_64 = arith.constant 16 : i32
        %parallel_loop3A_65 = arith.muli %parallel_loop3A_59, %parallel_loop3A_64 : i32
        %parallel_loop3A_66 = arith.constant 0 : i32
        %parallel_loop3A_67 = arith.addi %parallel_loop3A_65, %parallel_loop3A_66 : i32
        %parallel_loop3A_68 = arith.addi %add3A_51, %parallel_loop3A_67 : i32
        %parallel_loop3A_69 = arith.constant 200 : i32
        %parallel_loop3A_70 = arith.remsi %parallel_loop3A_68, %parallel_loop3A_69 : i32
        %parallel_loop3A_71 = arith.constant 2 : i32
        %parallel_loop3A_72 = arith.muli %parallel_loop3A_70, %parallel_loop3A_71 : i32
        %parallel_loop3A_73 = vector.extract_strided_slice %parallel_loop3A_63 {offsets = [0], sizes = [1], strides = [1]} : vector<16xi32> to vector<1xi32>
        %parallel_loop3A_74 = vector.extract %parallel_loop3A_73[0] : i32 from vector<1xi32>
        %parallel_loop3A_75 = arith.addi %parallel_loop3A_72, %parallel_loop3A_74 : i32
        %parallel_loop3A_76 = arith.index_cast %parallel_loop3A_67 : i32 to index
        %parallel_loop3A_77 = arith.constant 0 : index
        %parallel_loop3A_78 = tpu.vector_load %arg12[%parallel_loop3A_76, %parallel_loop3A_77] {strides = array<i32>} : memref<128x128xf32, #tpu.memory_space<vmem>>, vector<16xf32>,
        %parallel_loop3A_79 = arith.index_cast %parallel_loop3A_75 : i32 to index
        %parallel_loop3A_80 = arith.constant 0 : index
        %parallel_loop3A_81 = tpu.vector_load %arg14[%parallel_loop3A_79, %parallel_loop3A_80] {strides = array<i32>} : memref<400x128xf32, #tpu.memory_space<vmem>>, vector<16xf32>,
        %parallel_loop3A_82 = arith.addf %parallel_loop3A_78, %parallel_loop3A_81 : vector<16xf32>
        %parallel_loop3A_83 = arith.index_cast %parallel_loop3A_67 : i32 to index
        %parallel_loop3A_84 = arith.constant 16 : index
        %parallel_loop3A_85 = tpu.vector_load %arg12[%parallel_loop3A_83, %parallel_loop3A_84] {strides = array<i32>} : memref<128x128xf32, #tpu.memory_space<vmem>>, vector<16xf32>,
        %parallel_loop3A_86 = arith.index_cast %parallel_loop3A_75 : i32 to index
        %parallel_loop3A_87 = arith.constant 16 : index
        %parallel_loop3A_88 = tpu.vector_load %arg14[%parallel_loop3A_86, %parallel_loop3A_87] {strides = array<i32>} : memref<400x128xf32, #tpu.memory_space<vmem>>, vector<16xf32>,
        %parallel_loop3A_89 = arith.addf %parallel_loop3A_85, %parallel_loop3A_88 : vector<16xf32>
        %parallel_loop3A_90 = arith.index_cast %parallel_loop3A_67 : i32 to index
        %parallel_loop3A_91 = arith.constant 32 : index
        %parallel_loop3A_92 = tpu.vector_load %arg12[%parallel_loop3A_90, %parallel_loop3A_91] {strides = array<i32>} : memref<128x128xf32, #tpu.memory_space<vmem>>, vector<16xf32>,
        %parallel_loop3A_93 = arith.index_cast %parallel_loop3A_75 : i32 to index
        %parallel_loop3A_94 = arith.constant 32 : index
        %parallel_loop3A_95 = tpu.vector_load %arg14[%parallel_loop3A_93, %parallel_loop3A_94] {strides = array<i32>} : memref<400x128xf32, #tpu.memory_space<vmem>>, vector<16xf32>,
        %parallel_loop3A_96 = arith.addf %parallel_loop3A_92, %parallel_loop3A_95 : vector<16xf32>
        %parallel_loop3A_97 = arith.index_cast %parallel_loop3A_67 : i32 to index
        %parallel_loop3A_98 = arith.constant 48 : index
        %parallel_loop3A_99 = tpu.vector_load %arg12[%parallel_loop3A_97, %parallel_loop3A_98] {strides = array<i32>} : memref<128x128xf32, #tpu.memory_space<vmem>>, vector<16xf32>,
        %parallel_loop3A_100 = arith.index_cast %parallel_loop3A_75 : i32 to index
        %parallel_loop3A_101 = arith.constant 48 : index
        %parallel_loop3A_102 = tpu.vector_load %arg14[%parallel_loop3A_100, %parallel_loop3A_101] {strides = array<i32>} : memref<400x128xf32, #tpu.memory_space<vmem>>, vector<16xf32>,
        %parallel_loop3A_103 = arith.addf %parallel_loop3A_99, %parallel_loop3A_102 : vector<16xf32>
        %parallel_loop3A_104 = arith.index_cast %parallel_loop3A_67 : i32 to index
        %parallel_loop3A_105 = arith.constant 64 : index
        %parallel_loop3A_106 = tpu.vector_load %arg12[%parallel_loop3A_104, %parallel_loop3A_105] {strides = array<i32>} : memref<128x128xf32, #tpu.memory_space<vmem>>, vector<16xf32>,
        %parallel_loop3A_107 = arith.index_cast %parallel_loop3A_75 : i32 to index
        %parallel_loop3A_108 = arith.constant 64 : index
        %parallel_loop3A_109 = tpu.vector_load %arg14[%parallel_loop3A_107, %parallel_loop3A_108] {strides = array<i32>} : memref<400x128xf32, #tpu.memory_space<vmem>>, vector<16xf32>,
        %parallel_loop3A_110 = arith.addf %parallel_loop3A_106, %parallel_loop3A_109 : vector<16xf32>
        %parallel_loop3A_111 = arith.index_cast %parallel_loop3A_67 : i32 to index
        %parallel_loop3A_112 = arith.constant 80 : index
        %parallel_loop3A_113 = tpu.vector_load %arg12[%parallel_loop3A_111, %parallel_loop3A_112] {strides = array<i32>} : memref<128x128xf32, #tpu.memory_space<vmem>>, vector<16xf32>,
        %parallel_loop3A_114 = arith.index_cast %parallel_loop3A_75 : i32 to index
        %parallel_loop3A_115 = arith.constant 80 : index
        %parallel_loop3A_116 = tpu.vector_load %arg14[%parallel_loop3A_114, %parallel_loop3A_115] {strides = array<i32>} : memref<400x128xf32, #tpu.memory_space<vmem>>, vector<16xf32>,
        %parallel_loop3A_117 = arith.addf %parallel_loop3A_113, %parallel_loop3A_116 : vector<16xf32>
        %parallel_loop3A_118 = arith.index_cast %parallel_loop3A_67 : i32 to index
        %parallel_loop3A_119 = arith.constant 96 : index
        %parallel_loop3A_120 = tpu.vector_load %arg12[%parallel_loop3A_118, %parallel_loop3A_119] {strides = array<i32>} : memref<128x128xf32, #tpu.memory_space<vmem>>, vector<16xf32>,
        %parallel_loop3A_121 = arith.index_cast %parallel_loop3A_75 : i32 to index
        %parallel_loop3A_122 = arith.constant 96 : index
        %parallel_loop3A_123 = tpu.vector_load %arg14[%parallel_loop3A_121, %parallel_loop3A_122] {strides = array<i32>} : memref<400x128xf32, #tpu.memory_space<vmem>>, vector<16xf32>,
        %parallel_loop3A_124 = arith.addf %parallel_loop3A_120, %parallel_loop3A_123 : vector<16xf32>
        %parallel_loop3A_125 = arith.index_cast %parallel_loop3A_67 : i32 to index
        %parallel_loop3A_126 = arith.constant 112 : index
        %parallel_loop3A_127 = tpu.vector_load %arg12[%parallel_loop3A_125, %parallel_loop3A_126] {strides = array<i32>} : memref<128x128xf32, #tpu.memory_space<vmem>>, vector<16xf32>,
        %parallel_loop3A_128 = arith.index_cast %parallel_loop3A_75 : i32 to index
        %parallel_loop3A_129 = arith.constant 112 : index
        %parallel_loop3A_130 = tpu.vector_load %arg14[%parallel_loop3A_128, %parallel_loop3A_129] {strides = array<i32>} : memref<400x128xf32, #tpu.memory_space<vmem>>, vector<16xf32>,
        %parallel_loop3A_131 = arith.addf %parallel_loop3A_127, %parallel_loop3A_130 : vector<16xf32>
        %parallel_loop3A_132 = arith.addf %parallel_loop3A_82, %parallel_loop3A_89 : vector<16xf32>
        %parallel_loop3A_133 = arith.addf %parallel_loop3A_132, %parallel_loop3A_96 : vector<16xf32>
        %parallel_loop3A_134 = arith.addf %parallel_loop3A_133, %parallel_loop3A_103 : vector<16xf32>
        %parallel_loop3A_135 = arith.addf %parallel_loop3A_134, %parallel_loop3A_110 : vector<16xf32>
        %parallel_loop3A_136 = arith.addf %parallel_loop3A_135, %parallel_loop3A_117 : vector<16xf32>
        %parallel_loop3A_137 = arith.addf %parallel_loop3A_136, %parallel_loop3A_124 : vector<16xf32>
        %parallel_loop3A_138 = arith.addf %parallel_loop3A_137, %parallel_loop3A_131 : vector<16xf32>
        %parallel_loop3A_139 = arith.mulf %parallel_loop3A_82, %parallel_loop3A_82 : vector<16xf32>
        %parallel_loop3A_140 = arith.mulf %parallel_loop3A_89, %parallel_loop3A_89 : vector<16xf32>
        %parallel_loop3A_141 = arith.mulf %parallel_loop3A_96, %parallel_loop3A_96 : vector<16xf32>
        %parallel_loop3A_142 = arith.mulf %parallel_loop3A_103, %parallel_loop3A_103 : vector<16xf32>
        %parallel_loop3A_143 = arith.mulf %parallel_loop3A_110, %parallel_loop3A_110 : vector<16xf32>
        %parallel_loop3A_144 = arith.mulf %parallel_loop3A_117, %parallel_loop3A_117 : vector<16xf32>
        %parallel_loop3A_145 = arith.mulf %parallel_loop3A_124, %parallel_loop3A_124 : vector<16xf32>
        %parallel_loop3A_146 = arith.mulf %parallel_loop3A_131, %parallel_loop3A_131 : vector<16xf32>
        %parallel_loop3A_147 = arith.addf %parallel_loop3A_139, %parallel_loop3A_140 : vector<16xf32>
        %parallel_loop3A_148 = arith.addf %parallel_loop3A_147, %parallel_loop3A_141 : vector<16xf32>
        %parallel_loop3A_149 = arith.addf %parallel_loop3A_148, %parallel_loop3A_142 : vector<16xf32>
        %parallel_loop3A_150 = arith.addf %parallel_loop3A_149, %parallel_loop3A_143 : vector<16xf32>
        %parallel_loop3A_151 = arith.addf %parallel_loop3A_150, %parallel_loop3A_144 : vector<16xf32>
        %parallel_loop3A_152 = arith.addf %parallel_loop3A_151, %parallel_loop3A_145 : vector<16xf32>
        %parallel_loop3A_153 = arith.addf %parallel_loop3A_152, %parallel_loop3A_146 : vector<16xf32>
        %parallel_loop3A_154 = arith.constant true
        %parallel_loop3A_155 = vector.broadcast %parallel_loop3A_154 : i1 to vector<16xi1>
        %parallel_loop3A_156 = tpu.scan <sum>, %parallel_loop3A_138 masked %parallel_loop3A_155 : vector<16xf32>, vector<16xi1> -> vector<16xf32>
        %parallel_loop3A_157 = vector.extract %parallel_loop3A_156[15] : f32 from vector<16xf32>
        %parallel_loop3A_158 = arith.constant true
        %parallel_loop3A_159 = vector.broadcast %parallel_loop3A_158 : i1 to vector<16xi1>
        %parallel_loop3A_160 = tpu.scan <sum>, %parallel_loop3A_153 masked %parallel_loop3A_159 : vector<16xf32>, vector<16xi1> -> vector<16xf32>
        %parallel_loop3A_161 = vector.extract %parallel_loop3A_160[15] : f32 from vector<16xf32>
        %parallel_loop3A_162 = arith.constant 7.812500e-03 : f32
        %parallel_loop3A_163 = arith.mulf %parallel_loop3A_157, %parallel_loop3A_162 : f32
        %parallel_loop3A_164 = arith.constant 7.812500e-03 : f32
        %parallel_loop3A_165 = arith.mulf %parallel_loop3A_161, %parallel_loop3A_164 : f32
        %parallel_loop3A_166 = arith.mulf %parallel_loop3A_163, %parallel_loop3A_163 : f32
        %parallel_loop3A_167 = arith.subf %parallel_loop3A_165, %parallel_loop3A_166 : f32
        %parallel_loop3A_168 = arith.constant 9.99999996E-13 : f32
        %parallel_loop3A_169 = arith.addf %parallel_loop3A_167, %parallel_loop3A_168 : f32
        %parallel_loop3A_170 = vector.broadcast %parallel_loop3A_169 : f32 to vector<16xf32>
        %parallel_loop3A_171 = tpu.bitcast %parallel_loop3A_170 : vector<16xf32> -> vector<16xi32>
        %parallel_loop3A_172 = arith.constant 1 : i32
        %parallel_loop3A_173 = vector.broadcast %parallel_loop3A_172 : i32 to vector<16xi32>
        %parallel_loop3A_174 = arith.shrui %parallel_loop3A_171, %parallel_loop3A_173 : vector<16xi32>
        %parallel_loop3A_175 = arith.constant 1597463007 : i32
        %parallel_loop3A_176 = vector.broadcast %parallel_loop3A_175 : i32 to vector<16xi32>
        %parallel_loop3A_177 = arith.subi %parallel_loop3A_176, %parallel_loop3A_174 : vector<16xi32>
        %parallel_loop3A_178 = tpu.bitcast %parallel_loop3A_177 : vector<16xi32> -> vector<16xf32>
        %parallel_loop3A_179 = arith.constant 5.000000e-01 : f32
        %parallel_loop3A_180 = vector.broadcast %parallel_loop3A_179 : f32 to vector<16xf32>
        %parallel_loop3A_181 = arith.mulf %parallel_loop3A_180, %parallel_loop3A_170 : vector<16xf32>
        %parallel_loop3A_182 = arith.mulf %parallel_loop3A_181, %parallel_loop3A_178 : vector<16xf32>
        %parallel_loop3A_183 = arith.mulf %parallel_loop3A_182, %parallel_loop3A_178 : vector<16xf32>
        %parallel_loop3A_184 = arith.constant 1.500000e+00 : f32
        %parallel_loop3A_185 = vector.broadcast %parallel_loop3A_184 : f32 to vector<16xf32>
        %parallel_loop3A_186 = arith.subf %parallel_loop3A_185, %parallel_loop3A_183 : vector<16xf32>
        %parallel_loop3A_187 = arith.mulf %parallel_loop3A_178, %parallel_loop3A_186 : vector<16xf32>
        %parallel_loop3A_188 = arith.constant 5.000000e-01 : f32
        %parallel_loop3A_189 = vector.broadcast %parallel_loop3A_188 : f32 to vector<16xf32>
        %parallel_loop3A_190 = arith.mulf %parallel_loop3A_189, %parallel_loop3A_170 : vector<16xf32>
        %parallel_loop3A_191 = arith.mulf %parallel_loop3A_190, %parallel_loop3A_187 : vector<16xf32>
        %parallel_loop3A_192 = arith.mulf %parallel_loop3A_191, %parallel_loop3A_187 : vector<16xf32>
        %parallel_loop3A_193 = arith.constant 1.500000e+00 : f32
        %parallel_loop3A_194 = vector.broadcast %parallel_loop3A_193 : f32 to vector<16xf32>
        %parallel_loop3A_195 = arith.subf %parallel_loop3A_194, %parallel_loop3A_192 : vector<16xf32>
        %parallel_loop3A_196 = arith.mulf %parallel_loop3A_187, %parallel_loop3A_195 : vector<16xf32>
        %parallel_loop3A_197 = vector.broadcast %parallel_loop3A_163 : f32 to vector<16xf32>
        %parallel_loop3A_198 = arith.subf %parallel_loop3A_82, %parallel_loop3A_197 : vector<16xf32>
        %parallel_loop3A_199 = arith.mulf %parallel_loop3A_198, %parallel_loop3A_196 : vector<16xf32>
        %parallel_loop3A_200 = arith.mulf %parallel_loop3A_199, %get3A_7 : vector<16xf32>
        %parallel_loop3A_201 = arith.addf %parallel_loop3A_200, %get3A_23 : vector<16xf32>
        %parallel_loop3A_202 = arith.index_cast %parallel_loop3A_67 : i32 to index
        %parallel_loop3A_203 = arith.constant 0 : index
        %parallel_loop3A_204 = tpu.vector_load %arg13[%parallel_loop3A_202, %parallel_loop3A_203] {strides = array<i32>} : memref<128x128xf32, #tpu.memory_space<vmem>>, vector<16xf32>,
        tpu.vector_store %arg13[%parallel_loop3A_202, %parallel_loop3A_203], %parallel_loop3A_201 {strides = array<i32>} : memref<128x128xf32, #tpu.memory_space<vmem>>, vector<16xf32>,
        %parallel_loop3A_205 = arith.subf %parallel_loop3A_89, %parallel_loop3A_197 : vector<16xf32>
        %parallel_loop3A_206 = arith.mulf %parallel_loop3A_205, %parallel_loop3A_196 : vector<16xf32>
        %parallel_loop3A_207 = arith.mulf %parallel_loop3A_206, %get3A_9 : vector<16xf32>
        %parallel_loop3A_208 = arith.addf %parallel_loop3A_207, %get3A_25 : vector<16xf32>
        %parallel_loop3A_209 = arith.index_cast %parallel_loop3A_67 : i32 to index
        %parallel_loop3A_210 = arith.constant 16 : index
        %parallel_loop3A_211 = tpu.vector_load %arg13[%parallel_loop3A_209, %parallel_loop3A_210] {strides = array<i32>} : memref<128x128xf32, #tpu.memory_space<vmem>>, vector<16xf32>,
        tpu.vector_store %arg13[%parallel_loop3A_209, %parallel_loop3A_210], %parallel_loop3A_208 {strides = array<i32>} : memref<128x128xf32, #tpu.memory_space<vmem>>, vector<16xf32>,
        %parallel_loop3A_212 = arith.subf %parallel_loop3A_96, %parallel_loop3A_197 : vector<16xf32>
        %parallel_loop3A_213 = arith.mulf %parallel_loop3A_212, %parallel_loop3A_196 : vector<16xf32>
        %parallel_loop3A_214 = arith.mulf %parallel_loop3A_213, %get3A_11 : vector<16xf32>
        %parallel_loop3A_215 = arith.addf %parallel_loop3A_214, %get3A_27 : vector<16xf32>
        %parallel_loop3A_216 = arith.index_cast %parallel_loop3A_67 : i32 to index
        %parallel_loop3A_217 = arith.constant 32 : index
        %parallel_loop3A_218 = tpu.vector_load %arg13[%parallel_loop3A_216, %parallel_loop3A_217] {strides = array<i32>} : memref<128x128xf32, #tpu.memory_space<vmem>>, vector<16xf32>,
        tpu.vector_store %arg13[%parallel_loop3A_216, %parallel_loop3A_217], %parallel_loop3A_215 {strides = array<i32>} : memref<128x128xf32, #tpu.memory_space<vmem>>, vector<16xf32>,
        %parallel_loop3A_219 = arith.subf %parallel_loop3A_103, %parallel_loop3A_197 : vector<16xf32>
        %parallel_loop3A_220 = arith.mulf %parallel_loop3A_219, %parallel_loop3A_196 : vector<16xf32>
        %parallel_loop3A_221 = arith.mulf %parallel_loop3A_220, %get3A_13 : vector<16xf32>
        %parallel_loop3A_222 = arith.addf %parallel_loop3A_221, %get3A_29 : vector<16xf32>
        %parallel_loop3A_223 = arith.index_cast %parallel_loop3A_67 : i32 to index
        %parallel_loop3A_224 = arith.constant 48 : index
        %parallel_loop3A_225 = tpu.vector_load %arg13[%parallel_loop3A_223, %parallel_loop3A_224] {strides = array<i32>} : memref<128x128xf32, #tpu.memory_space<vmem>>, vector<16xf32>,
        tpu.vector_store %arg13[%parallel_loop3A_223, %parallel_loop3A_224], %parallel_loop3A_222 {strides = array<i32>} : memref<128x128xf32, #tpu.memory_space<vmem>>, vector<16xf32>,
        %parallel_loop3A_226 = arith.subf %parallel_loop3A_110, %parallel_loop3A_197 : vector<16xf32>
        %parallel_loop3A_227 = arith.mulf %parallel_loop3A_226, %parallel_loop3A_196 : vector<16xf32>
        %parallel_loop3A_228 = arith.mulf %parallel_loop3A_227, %get3A_15 : vector<16xf32>
        %parallel_loop3A_229 = arith.addf %parallel_loop3A_228, %get3A_31 : vector<16xf32>
        %parallel_loop3A_230 = arith.index_cast %parallel_loop3A_67 : i32 to index
        %parallel_loop3A_231 = arith.constant 64 : index
        %parallel_loop3A_232 = tpu.vector_load %arg13[%parallel_loop3A_230, %parallel_loop3A_231] {strides = array<i32>} : memref<128x128xf32, #tpu.memory_space<vmem>>, vector<16xf32>,
        tpu.vector_store %arg13[%parallel_loop3A_230, %parallel_loop3A_231], %parallel_loop3A_229 {strides = array<i32>} : memref<128x128xf32, #tpu.memory_space<vmem>>, vector<16xf32>,
        %parallel_loop3A_233 = arith.subf %parallel_loop3A_117, %parallel_loop3A_197 : vector<16xf32>
        %parallel_loop3A_234 = arith.mulf %parallel_loop3A_233, %parallel_loop3A_196 : vector<16xf32>
        %parallel_loop3A_235 = arith.mulf %parallel_loop3A_234, %get3A_17 : vector<16xf32>
        %parallel_loop3A_236 = arith.addf %parallel_loop3A_235, %get3A_33 : vector<16xf32>
        %parallel_loop3A_237 = arith.index_cast %parallel_loop3A_67 : i32 to index
        %parallel_loop3A_238 = arith.constant 80 : index
        %parallel_loop3A_239 = tpu.vector_load %arg13[%parallel_loop3A_237, %parallel_loop3A_238] {strides = array<i32>} : memref<128x128xf32, #tpu.memory_space<vmem>>, vector<16xf32>,
        tpu.vector_store %arg13[%parallel_loop3A_237, %parallel_loop3A_238], %parallel_loop3A_236 {strides = array<i32>} : memref<128x128xf32, #tpu.memory_space<vmem>>, vector<16xf32>,
        %parallel_loop3A_240 = arith.subf %parallel_loop3A_124, %parallel_loop3A_197 : vector<16xf32>
        %parallel_loop3A_241 = arith.mulf %parallel_loop3A_240, %parallel_loop3A_196 : vector<16xf32>
        %parallel_loop3A_242 = arith.mulf %parallel_loop3A_241, %get3A_19 : vector<16xf32>
        %parallel_loop3A_243 = arith.addf %parallel_loop3A_242, %get3A_35 : vector<16xf32>
        %parallel_loop3A_244 = arith.index_cast %parallel_loop3A_67 : i32 to index
        %parallel_loop3A_245 = arith.constant 96 : index
        %parallel_loop3A_246 = tpu.vector_load %arg13[%parallel_loop3A_244, %parallel_loop3A_245] {strides = array<i32>} : memref<128x128xf32, #tpu.memory_space<vmem>>, vector<16xf32>,
        tpu.vector_store %arg13[%parallel_loop3A_244, %parallel_loop3A_245], %parallel_loop3A_243 {strides = array<i32>} : memref<128x128xf32, #tpu.memory_space<vmem>>, vector<16xf32>,
        %parallel_loop3A_247 = arith.subf %parallel_loop3A_131, %parallel_loop3A_197 : vector<16xf32>
        %parallel_loop3A_248 = arith.mulf %parallel_loop3A_247, %parallel_loop3A_196 : vector<16xf32>
        %parallel_loop3A_249 = arith.mulf %parallel_loop3A_248, %get3A_21 : vector<16xf32>
        %parallel_loop3A_250 = arith.addf %parallel_loop3A_249, %get3A_37 : vector<16xf32>
        %parallel_loop3A_251 = arith.index_cast %parallel_loop3A_67 : i32 to index
        %parallel_loop3A_252 = arith.constant 112 : index
        %parallel_loop3A_253 = tpu.vector_load %arg13[%parallel_loop3A_251, %parallel_loop3A_252] {strides = array<i32>} : memref<128x128xf32, #tpu.memory_space<vmem>>, vector<16xf32>,
        tpu.vector_store %arg13[%parallel_loop3A_251, %parallel_loop3A_252], %parallel_loop3A_250 {strides = array<i32>} : memref<128x128xf32, #tpu.memory_space<vmem>>, vector<16xf32>,
        %parallel_loop3A_254 = arith.constant 16 : i32
        %parallel_loop3A_255 = arith.muli %parallel_loop3A_59, %parallel_loop3A_254 : i32
        %parallel_loop3A_256 = arith.constant 1 : i32
        %parallel_loop3A_257 = arith.addi %parallel_loop3A_255, %parallel_loop3A_256 : i32
        %parallel_loop3A_258 = arith.addi %add3A_51, %parallel_loop3A_257 : i32
        %parallel_loop3A_259 = arith.constant 200 : i32
        %parallel_loop3A_260 = arith.remsi %parallel_loop3A_258, %parallel_loop3A_259 : i32
        %parallel_loop3A_261 = arith.constant 2 : i32
        %parallel_loop3A_262 = arith.muli %parallel_loop3A_260, %parallel_loop3A_261 : i32
        %parallel_loop3A_263 = vector.extract_strided_slice %parallel_loop3A_63 {offsets = [1], sizes = [1], strides = [1]} : vector<16xi32> to vector<1xi32>
        %parallel_loop3A_264 = vector.extract %parallel_loop3A_263[0] : i32 from vector<1xi32>
        %parallel_loop3A_265 = arith.addi %parallel_loop3A_262, %parallel_loop3A_264 : i32
        %parallel_loop3A_266 = arith.index_cast %parallel_loop3A_257 : i32 to index
        %parallel_loop3A_267 = arith.constant 0 : index
        %parallel_loop3A_268 = tpu.vector_load %arg12[%parallel_loop3A_266, %parallel_loop3A_267] {strides = array<i32>} : memref<128x128xf32, #tpu.memory_space<vmem>>, vector<16xf32>,
        %parallel_loop3A_269 = arith.index_cast %parallel_loop3A_265 : i32 to index
        %parallel_loop3A_270 = arith.constant 0 : index
        %parallel_loop3A_271 = tpu.vector_load %arg14[%parallel_loop3A_269, %parallel_loop3A_270] {strides = array<i32>} : memref<400x128xf32, #tpu.memory_space<vmem>>, vector<16xf32>,
        %parallel_loop3A_272 = arith.addf %parallel_loop3A_268, %parallel_loop3A_271 : vector<16xf32>
        %parallel_loop3A_273 = arith.index_cast %parallel_loop3A_257 : i32 to index
        %parallel_loop3A_274 = arith.constant 16 : index
        %parallel_loop3A_275 = tpu.vector_load %arg12[%parallel_loop3A_273, %parallel_loop3A_274] {strides = array<i32>} : memref<128x128xf32, #tpu.memory_space<vmem>>, vector<16xf32>,
        %parallel_loop3A_276 = arith.index_cast %parallel_loop3A_265 : i32 to index
        %parallel_loop3A_277 = arith.constant 16 : index
        %parallel_loop3A_278 = tpu.vector_load %arg14[%parallel_loop3A_276, %parallel_loop3A_277] {strides = array<i32>} : memref<400x128xf32, #tpu.memory_space<vmem>>, vector<16xf32>,
        %parallel_loop3A_279 = arith.addf %parallel_loop3A_275, %parallel_loop3A_278 : vector<16xf32>
        %parallel_loop3A_280 = arith.index_cast %parallel_loop3A_257 : i32 to index
        %parallel_loop3A_281 = arith.constant 32 : index
        %parallel_loop3A_282 = tpu.vector_load %arg12[%parallel_loop3A_280, %parallel_loop3A_281] {strides = array<i32>} : memref<128x128xf32, #tpu.memory_space<vmem>>, vector<16xf32>,
        %parallel_loop3A_283 = arith.index_cast %parallel_loop3A_265 : i32 to index
        %parallel_loop3A_284 = arith.constant 32 : index
        %parallel_loop3A_285 = tpu.vector_load %arg14[%parallel_loop3A_283, %parallel_loop3A_284] {strides = array<i32>} : memref<400x128xf32, #tpu.memory_space<vmem>>, vector<16xf32>,
        %parallel_loop3A_286 = arith.addf %parallel_loop3A_282, %parallel_loop3A_285 : vector<16xf32>
        %parallel_loop3A_287 = arith.index_cast %parallel_loop3A_257 : i32 to index
        %parallel_loop3A_288 = arith.constant 48 : index
        %parallel_loop3A_289 = tpu.vector_load %arg12[%parallel_loop3A_287, %parallel_loop3A_288] {strides = array<i32>} : memref<128x128xf32, #tpu.memory_space<vmem>>, vector<16xf32>,
        %parallel_loop3A_290 = arith.index_cast %parallel_loop3A_265 : i32 to index
        %parallel_loop3A_291 = arith.constant 48 : index
        %parallel_loop3A_292 = tpu.vector_load %arg14[%parallel_loop3A_290, %parallel_loop3A_291] {strides = array<i32>} : memref<400x128xf32, #tpu.memory_space<vmem>>, vector<16xf32>,
        %parallel_loop3A_293 = arith.addf %parallel_loop3A_289, %parallel_loop3A_292 : vector<16xf32>
        %parallel_loop3A_294 = arith.index_cast %parallel_loop3A_257 : i32 to index
        %parallel_loop3A_295 = arith.constant 64 : index
        %parallel_loop3A_296 = tpu.vector_load %arg12[%parallel_loop3A_294, %parallel_loop3A_295] {strides = array<i32>} : memref<128x128xf32, #tpu.memory_space<vmem>>, vector<16xf32>,
        %parallel_loop3A_297 = arith.index_cast %parallel_loop3A_265 : i32 to index
        %parallel_loop3A_298 = arith.constant 64 : index
        %parallel_loop3A_299 = tpu.vector_load %arg14[%parallel_loop3A_297, %parallel_loop3A_298] {strides = array<i32>} : memref<400x128xf32, #tpu.memory_space<vmem>>, vector<16xf32>,
        %parallel_loop3A_300 = arith.addf %parallel_loop3A_296, %parallel_loop3A_299 : vector<16xf32>
        %parallel_loop3A_301 = arith.index_cast %parallel_loop3A_257 : i32 to index
        %parallel_loop3A_302 = arith.constant 80 : index
        %parallel_loop3A_303 = tpu.vector_load %arg12[%parallel_loop3A_301, %parallel_loop3A_302] {strides = array<i32>} : memref<128x128xf32, #tpu.memory_space<vmem>>, vector<16xf32>,
        %parallel_loop3A_304 = arith.index_cast %parallel_loop3A_265 : i32 to index
        %parallel_loop3A_305 = arith.constant 80 : index
        %parallel_loop3A_306 = tpu.vector_load %arg14[%parallel_loop3A_304, %parallel_loop3A_305] {strides = array<i32>} : memref<400x128xf32, #tpu.memory_space<vmem>>, vector<16xf32>,
        %parallel_loop3A_307 = arith.addf %parallel_loop3A_303, %parallel_loop3A_306 : vector<16xf32>
        %parallel_loop3A_308 = arith.index_cast %parallel_loop3A_257 : i32 to index
        %parallel_loop3A_309 = arith.constant 96 : index
        %parallel_loop3A_310 = tpu.vector_load %arg12[%parallel_loop3A_308, %parallel_loop3A_309] {strides = array<i32>} : memref<128x128xf32, #tpu.memory_space<vmem>>, vector<16xf32>,
        %parallel_loop3A_311 = arith.index_cast %parallel_loop3A_265 : i32 to index
        %parallel_loop3A_312 = arith.constant 96 : index
        %parallel_loop3A_313 = tpu.vector_load %arg14[%parallel_loop3A_311, %parallel_loop3A_312] {strides = array<i32>} : memref<400x128xf32, #tpu.memory_space<vmem>>, vector<16xf32>,
        %parallel_loop3A_314 = arith.addf %parallel_loop3A_310, %parallel_loop3A_313 : vector<16xf32>
        %parallel_loop3A_315 = arith.index_cast %parallel_loop3A_257 : i32 to index
        %parallel_loop3A_316 = arith.constant 112 : index
        %parallel_loop3A_317 = tpu.vector_load %arg12[%parallel_loop3A_315, %parallel_loop3A_316] {strides = array<i32>} : memref<128x128xf32, #tpu.memory_space<vmem>>, vector<16xf32>,
        %parallel_loop3A_318 = arith.index_cast %parallel_loop3A_265 : i32 to index
        %parallel_loop3A_319 = arith.constant 112 : index
        %parallel_loop3A_320 = tpu.vector_load %arg14[%parallel_loop3A_318, %parallel_loop3A_319] {strides = array<i32>} : memref<400x128xf32, #tpu.memory_space<vmem>>, vector<16xf32>,
        %parallel_loop3A_321 = arith.addf %parallel_loop3A_317, %parallel_loop3A_320 : vector<16xf32>
        %parallel_loop3A_322 = arith.addf %parallel_loop3A_272, %parallel_loop3A_279 : vector<16xf32>
        %parallel_loop3A_323 = arith.addf %parallel_loop3A_322, %parallel_loop3A_286 : vector<16xf32>
        %parallel_loop3A_324 = arith.addf %parallel_loop3A_323, %parallel_loop3A_293 : vector<16xf32>
        %parallel_loop3A_325 = arith.addf %parallel_loop3A_324, %parallel_loop3A_300 : vector<16xf32>
        %parallel_loop3A_326 = arith.addf %parallel_loop3A_325, %parallel_loop3A_307 : vector<16xf32>
        %parallel_loop3A_327 = arith.addf %parallel_loop3A_326, %parallel_loop3A_314 : vector<16xf32>
        %parallel_loop3A_328 = arith.addf %parallel_loop3A_327, %parallel_loop3A_321 : vector<16xf32>
        %parallel_loop3A_329 = arith.mulf %parallel_loop3A_272, %parallel_loop3A_272 : vector<16xf32>
        %parallel_loop3A_330 = arith.mulf %parallel_loop3A_279, %parallel_loop3A_279 : vector<16xf32>
        %parallel_loop3A_331 = arith.mulf %parallel_loop3A_286, %parallel_loop3A_286 : vector<16xf32>
        %parallel_loop3A_332 = arith.mulf %parallel_loop3A_293, %parallel_loop3A_293 : vector<16xf32>
        %parallel_loop3A_333 = arith.mulf %parallel_loop3A_300, %parallel_loop3A_300 : vector<16xf32>
        %parallel_loop3A_334 = arith.mulf %parallel_loop3A_307, %parallel_loop3A_307 : vector<16xf32>
        %parallel_loop3A_335 = arith.mulf %parallel_loop3A_314, %parallel_loop3A_314 : vector<16xf32>
        %parallel_loop3A_336 = arith.mulf %parallel_loop3A_321, %parallel_loop3A_321 : vector<16xf32>
        %parallel_loop3A_337 = arith.addf %parallel_loop3A_329, %parallel_loop3A_330 : vector<16xf32>
        %parallel_loop3A_338 = arith.addf %parallel_loop3A_337, %parallel_loop3A_331 : vector<16xf32>
        %parallel_loop3A_339 = arith.addf %parallel_loop3A_338, %parallel_loop3A_332 : vector<16xf32>
        %parallel_loop3A_340 = arith.addf %parallel_loop3A_339, %parallel_loop3A_333 : vector<16xf32>
        %parallel_loop3A_341 = arith.addf %parallel_loop3A_340, %parallel_loop3A_334 : vector<16xf32>
        %parallel_loop3A_342 = arith.addf %parallel_loop3A_341, %parallel_loop3A_335 : vector<16xf32>
        %parallel_loop3A_343 = arith.addf %parallel_loop3A_342, %parallel_loop3A_336 : vector<16xf32>
        %parallel_loop3A_344 = arith.constant true
        %parallel_loop3A_345 = vector.broadcast %parallel_loop3A_344 : i1 to vector<16xi1>
        %parallel_loop3A_346 = tpu.scan <sum>, %parallel_loop3A_328 masked %parallel_loop3A_345 : vector<16xf32>, vector<16xi1> -> vector<16xf32>
        %parallel_loop3A_347 = vector.extract %parallel_loop3A_346[15] : f32 from vector<16xf32>
        %parallel_loop3A_348 = arith.constant true
        %parallel_loop3A_349 = vector.broadcast %parallel_loop3A_348 : i1 to vector<16xi1>
        %parallel_loop3A_350 = tpu.scan <sum>, %parallel_loop3A_343 masked %parallel_loop3A_349 : vector<16xf32>, vector<16xi1> -> vector<16xf32>
        %parallel_loop3A_351 = vector.extract %parallel_loop3A_350[15] : f32 from vector<16xf32>
        %parallel_loop3A_352 = arith.constant 7.812500e-03 : f32
        %parallel_loop3A_353 = arith.mulf %parallel_loop3A_347, %parallel_loop3A_352 : f32
        %parallel_loop3A_354 = arith.constant 7.812500e-03 : f32
        %parallel_loop3A_355 = arith.mulf %parallel_loop3A_351, %parallel_loop3A_354 : f32
        %parallel_loop3A_356 = arith.mulf %parallel_loop3A_353, %parallel_loop3A_353 : f32
        %parallel_loop3A_357 = arith.subf %parallel_loop3A_355, %parallel_loop3A_356 : f32
        %parallel_loop3A_358 = arith.constant 9.99999996E-13 : f32
        %parallel_loop3A_359 = arith.addf %parallel_loop3A_357, %parallel_loop3A_358 : f32
        %parallel_loop3A_360 = vector.broadcast %parallel_loop3A_359 : f32 to vector<16xf32>
        %parallel_loop3A_361 = tpu.bitcast %parallel_loop3A_360 : vector<16xf32> -> vector<16xi32>
        %parallel_loop3A_362 = arith.constant 1 : i32
        %parallel_loop3A_363 = vector.broadcast %parallel_loop3A_362 : i32 to vector<16xi32>
        %parallel_loop3A_364 = arith.shrui %parallel_loop3A_361, %parallel_loop3A_363 : vector<16xi32>
        %parallel_loop3A_365 = arith.constant 1597463007 : i32
        %parallel_loop3A_366 = vector.broadcast %parallel_loop3A_365 : i32 to vector<16xi32>
        %parallel_loop3A_367 = arith.subi %parallel_loop3A_366, %parallel_loop3A_364 : vector<16xi32>
        %parallel_loop3A_368 = tpu.bitcast %parallel_loop3A_367 : vector<16xi32> -> vector<16xf32>
        %parallel_loop3A_369 = arith.constant 5.000000e-01 : f32
        %parallel_loop3A_370 = vector.broadcast %parallel_loop3A_369 : f32 to vector<16xf32>
        %parallel_loop3A_371 = arith.mulf %parallel_loop3A_370, %parallel_loop3A_360 : vector<16xf32>
        %parallel_loop3A_372 = arith.mulf %parallel_loop3A_371, %parallel_loop3A_368 : vector<16xf32>
        %parallel_loop3A_373 = arith.mulf %parallel_loop3A_372, %parallel_loop3A_368 : vector<16xf32>
        %parallel_loop3A_374 = arith.constant 1.500000e+00 : f32
        %parallel_loop3A_375 = vector.broadcast %parallel_loop3A_374 : f32 to vector<16xf32>
        %parallel_loop3A_376 = arith.subf %parallel_loop3A_375, %parallel_loop3A_373 : vector<16xf32>
        %parallel_loop3A_377 = arith.mulf %parallel_loop3A_368, %parallel_loop3A_376 : vector<16xf32>
        %parallel_loop3A_378 = arith.constant 5.000000e-01 : f32
        %parallel_loop3A_379 = vector.broadcast %parallel_loop3A_378 : f32 to vector<16xf32>
        %parallel_loop3A_380 = arith.mulf %parallel_loop3A_379, %parallel_loop3A_360 : vector<16xf32>
        %parallel_loop3A_381 = arith.mulf %parallel_loop3A_380, %parallel_loop3A_377 : vector<16xf32>
        %parallel_loop3A_382 = arith.mulf %parallel_loop3A_381, %parallel_loop3A_377 : vector<16xf32>
        %parallel_loop3A_383 = arith.constant 1.500000e+00 : f32
        %parallel_loop3A_384 = vector.broadcast %parallel_loop3A_383 : f32 to vector<16xf32>
        %parallel_loop3A_385 = arith.subf %parallel_loop3A_384, %parallel_loop3A_382 : vector<16xf32>
        %parallel_loop3A_386 = arith.mulf %parallel_loop3A_377, %parallel_loop3A_385 : vector<16xf32>
        %parallel_loop3A_387 = vector.broadcast %parallel_loop3A_353 : f32 to vector<16xf32>
        %parallel_loop3A_388 = arith.subf %parallel_loop3A_272, %parallel_loop3A_387 : vector<16xf32>
        %parallel_loop3A_389 = arith.mulf %parallel_loop3A_388, %parallel_loop3A_386 : vector<16xf32>
        %parallel_loop3A_390 = arith.mulf %parallel_loop3A_389, %get3A_7 : vector<16xf32>
        %parallel_loop3A_391 = arith.addf %parallel_loop3A_390, %get3A_23 : vector<16xf32>
        %parallel_loop3A_392 = arith.index_cast %parallel_loop3A_257 : i32 to index
        %parallel_loop3A_393 = arith.constant 0 : index
        %parallel_loop3A_394 = tpu.vector_load %arg13[%parallel_loop3A_392, %parallel_loop3A_393] {strides = array<i32>} : memref<128x128xf32, #tpu.memory_space<vmem>>, vector<16xf32>,
        tpu.vector_store %arg13[%parallel_loop3A_392, %parallel_loop3A_393], %parallel_loop3A_391 {strides = array<i32>} : memref<128x128xf32, #tpu.memory_space<vmem>>, vector<16xf32>,
        %parallel_loop3A_395 = arith.subf %parallel_loop3A_279, %parallel_loop3A_387 : vector<16xf32>
        %parallel_loop3A_396 = arith.mulf %parallel_loop3A_395, %parallel_loop3A_386 : vector<16xf32>
        %parallel_loop3A_397 = arith.mulf %parallel_loop3A_396, %get3A_9 : vector<16xf32>
        %parallel_loop3A_398 = arith.addf %parallel_loop3A_397, %get3A_25 : vector<16xf32>
        %parallel_loop3A_399 = arith.index_cast %parallel_loop3A_257 : i32 to index
        %parallel_loop3A_400 = arith.constant 16 : index
        %parallel_loop3A_401 = tpu.vector_load %arg13[%parallel_loop3A_399, %parallel_loop3A_400] {strides = array<i32>} : memref<128x128xf32, #tpu.memory_space<vmem>>, vector<16xf32>,
        tpu.vector_store %arg13[%parallel_loop3A_399, %parallel_loop3A_400], %parallel_loop3A_398 {strides = array<i32>} : memref<128x128xf32, #tpu.memory_space<vmem>>, vector<16xf32>,
        %parallel_loop3A_402 = arith.subf %parallel_loop3A_286, %parallel_loop3A_387 : vector<16xf32>
        %parallel_loop3A_403 = arith.mulf %parallel_loop3A_402, %parallel_loop3A_386 : vector<16xf32>
        %parallel_loop3A_404 = arith.mulf %parallel_loop3A_403, %get3A_11 : vector<16xf32>
        %parallel_loop3A_405 = arith.addf %parallel_loop3A_404, %get3A_27 : vector<16xf32>
        %parallel_loop3A_406 = arith.index_cast %parallel_loop3A_257 : i32 to index
        %parallel_loop3A_407 = arith.constant 32 : index
        %parallel_loop3A_408 = tpu.vector_load %arg13[%parallel_loop3A_406, %parallel_loop3A_407] {strides = array<i32>} : memref<128x128xf32, #tpu.memory_space<vmem>>, vector<16xf32>,
        tpu.vector_store %arg13[%parallel_loop3A_406, %parallel_loop3A_407], %parallel_loop3A_405 {strides = array<i32>} : memref<128x128xf32, #tpu.memory_space<vmem>>, vector<16xf32>,
        %parallel_loop3A_409 = arith.subf %parallel_loop3A_293, %parallel_loop3A_387 : vector<16xf32>
        %parallel_loop3A_410 = arith.mulf %parallel_loop3A_409, %parallel_loop3A_386 : vector<16xf32>
        %parallel_loop3A_411 = arith.mulf %parallel_loop3A_410, %get3A_13 : vector<16xf32>
        %parallel_loop3A_412 = arith.addf %parallel_loop3A_411, %get3A_29 : vector<16xf32>
        %parallel_loop3A_413 = arith.index_cast %parallel_loop3A_257 : i32 to index
        %parallel_loop3A_414 = arith.constant 48 : index
        %parallel_loop3A_415 = tpu.vector_load %arg13[%parallel_loop3A_413, %parallel_loop3A_414] {strides = array<i32>} : memref<128x128xf32, #tpu.memory_space<vmem>>, vector<16xf32>,
        tpu.vector_store %arg13[%parallel_loop3A_413, %parallel_loop3A_414], %parallel_loop3A_412 {strides = array<i32>} : memref<128x128xf32, #tpu.memory_space<vmem>>, vector<16xf32>,
        %parallel_loop3A_416 = arith.subf %parallel_loop3A_300, %parallel_loop3A_387 : vector<16xf32>
        %parallel_loop3A_417 = arith.mulf %parallel_loop3A_416, %parallel_loop3A_386 : vector<16xf32>
        %parallel_loop3A_418 = arith.mulf %parallel_loop3A_417, %get3A_15 : vector<16xf32>
        %parallel_loop3A_419 = arith.addf %parallel_loop3A_418, %get3A_31 : vector<16xf32>
        %parallel_loop3A_420 = arith.index_cast %parallel_loop3A_257 : i32 to index
        %parallel_loop3A_421 = arith.constant 64 : index
        %parallel_loop3A_422 = tpu.vector_load %arg13[%parallel_loop3A_420, %parallel_loop3A_421] {strides = array<i32>} : memref<128x128xf32, #tpu.memory_space<vmem>>, vector<16xf32>,
        tpu.vector_store %arg13[%parallel_loop3A_420, %parallel_loop3A_421], %parallel_loop3A_419 {strides = array<i32>} : memref<128x128xf32, #tpu.memory_space<vmem>>, vector<16xf32>,
        %parallel_loop3A_423 = arith.subf %parallel_loop3A_307, %parallel_loop3A_387 : vector<16xf32>
        %parallel_loop3A_424 = arith.mulf %parallel_loop3A_423, %parallel_loop3A_386 : vector<16xf32>
        %parallel_loop3A_425 = arith.mulf %parallel_loop3A_424, %get3A_17 : vector<16xf32>
        %parallel_loop3A_426 = arith.addf %parallel_loop3A_425, %get3A_33 : vector<16xf32>
        %parallel_loop3A_427 = arith.index_cast %parallel_loop3A_257 : i32 to index
        %parallel_loop3A_428 = arith.constant 80 : index
        %parallel_loop3A_429 = tpu.vector_load %arg13[%parallel_loop3A_427, %parallel_loop3A_428] {strides = array<i32>} : memref<128x128xf32, #tpu.memory_space<vmem>>, vector<16xf32>,
        tpu.vector_store %arg13[%parallel_loop3A_427, %parallel_loop3A_428], %parallel_loop3A_426 {strides = array<i32>} : memref<128x128xf32, #tpu.memory_space<vmem>>, vector<16xf32>,
        %parallel_loop3A_430 = arith.subf %parallel_loop3A_314, %parallel_loop3A_387 : vector<16xf32>
        %parallel_loop3A_431 = arith.mulf %parallel_loop3A_430, %parallel_loop3A_386 : vector<16xf32>
        %parallel_loop3A_432 = arith.mulf %parallel_loop3A_431, %get3A_19 : vector<16xf32>
        %parallel_loop3A_433 = arith.addf %parallel_loop3A_432, %get3A_35 : vector<16xf32>
        %parallel_loop3A_434 = arith.index_cast %parallel_loop3A_257 : i32 to index
        %parallel_loop3A_435 = arith.constant 96 : index
        %parallel_loop3A_436 = tpu.vector_load %arg13[%parallel_loop3A_434, %parallel_loop3A_435] {strides = array<i32>} : memref<128x128xf32, #tpu.memory_space<vmem>>, vector<16xf32>,
        tpu.vector_store %arg13[%parallel_loop3A_434, %parallel_loop3A_435], %parallel_loop3A_433 {strides = array<i32>} : memref<128x128xf32, #tpu.memory_space<vmem>>, vector<16xf32>,
        %parallel_loop3A_437 = arith.subf %parallel_loop3A_321, %parallel_loop3A_387 : vector<16xf32>
        %parallel_loop3A_438 = arith.mulf %parallel_loop3A_437, %parallel_loop3A_386 : vector<16xf32>
        %parallel_loop3A_439 = arith.mulf %parallel_loop3A_438, %get3A_21 : vector<16xf32>
        %parallel_loop3A_440 = arith.addf %parallel_loop3A_439, %get3A_37 : vector<16xf32>
        %parallel_loop3A_441 = arith.index_cast %parallel_loop3A_257 : i32 to index
        %parallel_loop3A_442 = arith.constant 112 : index
        %parallel_loop3A_443 = tpu.vector_load %arg13[%parallel_loop3A_441, %parallel_loop3A_442] {strides = array<i32>} : memref<128x128xf32, #tpu.memory_space<vmem>>, vector<16xf32>,
        tpu.vector_store %arg13[%parallel_loop3A_441, %parallel_loop3A_442], %parallel_loop3A_440 {strides = array<i32>} : memref<128x128xf32, #tpu.memory_space<vmem>>, vector<16xf32>,
        %parallel_loop3A_444 = arith.constant 16 : i32
        %parallel_loop3A_445 = arith.muli %parallel_loop3A_59, %parallel_loop3A_444 : i32
        %parallel_loop3A_446 = arith.constant 2 : i32
        %parallel_loop3A_447 = arith.addi %parallel_loop3A_445, %parallel_loop3A_446 : i32
        %parallel_loop3A_448 = arith.addi %add3A_51, %parallel_loop3A_447 : i32
        %parallel_loop3A_449 = arith.constant 200 : i32
        %parallel_loop3A_450 = arith.remsi %parallel_loop3A_448, %parallel_loop3A_449 : i32
        %parallel_loop3A_451 = arith.constant 2 : i32
        %parallel_loop3A_452 = arith.muli %parallel_loop3A_450, %parallel_loop3A_451 : i32
        %parallel_loop3A_453 = vector.extract_strided_slice %parallel_loop3A_63 {offsets = [2], sizes = [1], strides = [1]} : vector<16xi32> to vector<1xi32>
        %parallel_loop3A_454 = vector.extract %parallel_loop3A_453[0] : i32 from vector<1xi32>
        %parallel_loop3A_455 = arith.addi %parallel_loop3A_452, %parallel_loop3A_454 : i32
        %parallel_loop3A_456 = arith.index_cast %parallel_loop3A_447 : i32 to index
        %parallel_loop3A_457 = arith.constant 0 : index
        %parallel_loop3A_458 = tpu.vector_load %arg12[%parallel_loop3A_456, %parallel_loop3A_457] {strides = array<i32>} : memref<128x128xf32, #tpu.memory_space<vmem>>, vector<16xf32>,
        %parallel_loop3A_459 = arith.index_cast %parallel_loop3A_455 : i32 to index
        %parallel_loop3A_460 = arith.constant 0 : index
        %parallel_loop3A_461 = tpu.vector_load %arg14[%parallel_loop3A_459, %parallel_loop3A_460] {strides = array<i32>} : memref<400x128xf32, #tpu.memory_space<vmem>>, vector<16xf32>,
        %parallel_loop3A_462 = arith.addf %parallel_loop3A_458, %parallel_loop3A_461 : vector<16xf32>
        %parallel_loop3A_463 = arith.index_cast %parallel_loop3A_447 : i32 to index
        %parallel_loop3A_464 = arith.constant 16 : index
        %parallel_loop3A_465 = tpu.vector_load %arg12[%parallel_loop3A_463, %parallel_loop3A_464] {strides = array<i32>} : memref<128x128xf32, #tpu.memory_space<vmem>>, vector<16xf32>,
        %parallel_loop3A_466 = arith.index_cast %parallel_loop3A_455 : i32 to index
        %parallel_loop3A_467 = arith.constant 16 : index
        %parallel_loop3A_468 = tpu.vector_load %arg14[%parallel_loop3A_466, %parallel_loop3A_467] {strides = array<i32>} : memref<400x128xf32, #tpu.memory_space<vmem>>, vector<16xf32>,
        %parallel_loop3A_469 = arith.addf %parallel_loop3A_465, %parallel_loop3A_468 : vector<16xf32>
        %parallel_loop3A_470 = arith.index_cast %parallel_loop3A_447 : i32 to index
        %parallel_loop3A_471 = arith.constant 32 : index
        %parallel_loop3A_472 = tpu.vector_load %arg12[%parallel_loop3A_470, %parallel_loop3A_471] {strides = array<i32>} : memref<128x128xf32, #tpu.memory_space<vmem>>, vector<16xf32>,
        %parallel_loop3A_473 = arith.index_cast %parallel_loop3A_455 : i32 to index
        %parallel_loop3A_474 = arith.constant 32 : index
        %parallel_loop3A_475 = tpu.vector_load %arg14[%parallel_loop3A_473, %parallel_loop3A_474] {strides = array<i32>} : memref<400x128xf32, #tpu.memory_space<vmem>>, vector<16xf32>,
        %parallel_loop3A_476 = arith.addf %parallel_loop3A_472, %parallel_loop3A_475 : vector<16xf32>
        %parallel_loop3A_477 = arith.index_cast %parallel_loop3A_447 : i32 to index
        %parallel_loop3A_478 = arith.constant 48 : index
        %parallel_loop3A_479 = tpu.vector_load %arg12[%parallel_loop3A_477, %parallel_loop3A_478] {strides = array<i32>} : memref<128x128xf32, #tpu.memory_space<vmem>>, vector<16xf32>,
        %parallel_loop3A_480 = arith.index_cast %parallel_loop3A_455 : i32 to index
        %parallel_loop3A_481 = arith.constant 48 : index
        %parallel_loop3A_482 = tpu.vector_load %arg14[%parallel_loop3A_480, %parallel_loop3A_481] {strides = array<i32>} : memref<400x128xf32, #tpu.memory_space<vmem>>, vector<16xf32>,
        %parallel_loop3A_483 = arith.addf %parallel_loop3A_479, %parallel_loop3A_482 : vector<16xf32>
        %parallel_loop3A_484 = arith.index_cast %parallel_loop3A_447 : i32 to index
        %parallel_loop3A_485 = arith.constant 64 : index
        %parallel_loop3A_486 = tpu.vector_load %arg12[%parallel_loop3A_484, %parallel_loop3A_485] {strides = array<i32>} : memref<128x128xf32, #tpu.memory_space<vmem>>, vector<16xf32>,
        %parallel_loop3A_487 = arith.index_cast %parallel_loop3A_455 : i32 to index
        %parallel_loop3A_488 = arith.constant 64 : index
        %parallel_loop3A_489 = tpu.vector_load %arg14[%parallel_loop3A_487, %parallel_loop3A_488] {strides = array<i32>} : memref<400x128xf32, #tpu.memory_space<vmem>>, vector<16xf32>,
        %parallel_loop3A_490 = arith.addf %parallel_loop3A_486, %parallel_loop3A_489 : vector<16xf32>
        %parallel_loop3A_491 = arith.index_cast %parallel_loop3A_447 : i32 to index
        %parallel_loop3A_492 = arith.constant 80 : index
        %parallel_loop3A_493 = tpu.vector_load %arg12[%parallel_loop3A_491, %parallel_loop3A_492] {strides = array<i32>} : memref<128x128xf32, #tpu.memory_space<vmem>>, vector<16xf32>,
        %parallel_loop3A_494 = arith.index_cast %parallel_loop3A_455 : i32 to index
        %parallel_loop3A_495 = arith.constant 80 : index
        %parallel_loop3A_496 = tpu.vector_load %arg14[%parallel_loop3A_494, %parallel_loop3A_495] {strides = array<i32>} : memref<400x128xf32, #tpu.memory_space<vmem>>, vector<16xf32>,
        %parallel_loop3A_497 = arith.addf %parallel_loop3A_493, %parallel_loop3A_496 : vector<16xf32>
        %parallel_loop3A_498 = arith.index_cast %parallel_loop3A_447 : i32 to index
        %parallel_loop3A_499 = arith.constant 96 : index
        %parallel_loop3A_500 = tpu.vector_load %arg12[%parallel_loop3A_498, %parallel_loop3A_499] {strides = array<i32>} : memref<128x128xf32, #tpu.memory_space<vmem>>, vector<16xf32>,
        %parallel_loop3A_501 = arith.index_cast %parallel_loop3A_455 : i32 to index
        %parallel_loop3A_502 = arith.constant 96 : index
        %parallel_loop3A_503 = tpu.vector_load %arg14[%parallel_loop3A_501, %parallel_loop3A_502] {strides = array<i32>} : memref<400x128xf32, #tpu.memory_space<vmem>>, vector<16xf32>,
        %parallel_loop3A_504 = arith.addf %parallel_loop3A_500, %parallel_loop3A_503 : vector<16xf32>
        %parallel_loop3A_505 = arith.index_cast %parallel_loop3A_447 : i32 to index
        %parallel_loop3A_506 = arith.constant 112 : index
        %parallel_loop3A_507 = tpu.vector_load %arg12[%parallel_loop3A_505, %parallel_loop3A_506] {strides = array<i32>} : memref<128x128xf32, #tpu.memory_space<vmem>>, vector<16xf32>,
        %parallel_loop3A_508 = arith.index_cast %parallel_loop3A_455 : i32 to index
        %parallel_loop3A_509 = arith.constant 112 : index
        %parallel_loop3A_510 = tpu.vector_load %arg14[%parallel_loop3A_508, %parallel_loop3A_509] {strides = array<i32>} : memref<400x128xf32, #tpu.memory_space<vmem>>, vector<16xf32>,
        %parallel_loop3A_511 = arith.addf %parallel_loop3A_507, %parallel_loop3A_510 : vector<16xf32>
        %parallel_loop3A_512 = arith.addf %parallel_loop3A_462, %parallel_loop3A_469 : vector<16xf32>
        %parallel_loop3A_513 = arith.addf %parallel_loop3A_512, %parallel_loop3A_476 : vector<16xf32>
        %parallel_loop3A_514 = arith.addf %parallel_loop3A_513, %parallel_loop3A_483 : vector<16xf32>
        %parallel_loop3A_515 = arith.addf %parallel_loop3A_514, %parallel_loop3A_490 : vector<16xf32>
        %parallel_loop3A_516 = arith.addf %parallel_loop3A_515, %parallel_loop3A_497 : vector<16xf32>
        %parallel_loop3A_517 = arith.addf %parallel_loop3A_516, %parallel_loop3A_504 : vector<16xf32>
        %parallel_loop3A_518 = arith.addf %parallel_loop3A_517, %parallel_loop3A_511 : vector<16xf32>
        %parallel_loop3A_519 = arith.mulf %parallel_loop3A_462, %parallel_loop3A_462 : vector<16xf32>
        %parallel_loop3A_520 = arith.mulf %parallel_loop3A_469, %parallel_loop3A_469 : vector<16xf32>
        %parallel_loop3A_521 = arith.mulf %parallel_loop3A_476, %parallel_loop3A_476 : vector<16xf32>
        %parallel_loop3A_522 = arith.mulf %parallel_loop3A_483, %parallel_loop3A_483 : vector<16xf32>
        %parallel_loop3A_523 = arith.mulf %parallel_loop3A_490, %parallel_loop3A_490 : vector<16xf32>
        %parallel_loop3A_524 = arith.mulf %parallel_loop3A_497, %parallel_loop3A_497 : vector<16xf32>
        %parallel_loop3A_525 = arith.mulf %parallel_loop3A_504, %parallel_loop3A_504 : vector<16xf32>
        %parallel_loop3A_526 = arith.mulf %parallel_loop3A_511, %parallel_loop3A_511 : vector<16xf32>
        %parallel_loop3A_527 = arith.addf %parallel_loop3A_519, %parallel_loop3A_520 : vector<16xf32>
        %parallel_loop3A_528 = arith.addf %parallel_loop3A_527, %parallel_loop3A_521 : vector<16xf32>
        %parallel_loop3A_529 = arith.addf %parallel_loop3A_528, %parallel_loop3A_522 : vector<16xf32>
        %parallel_loop3A_530 = arith.addf %parallel_loop3A_529, %parallel_loop3A_523 : vector<16xf32>
        %parallel_loop3A_531 = arith.addf %parallel_loop3A_530, %parallel_loop3A_524 : vector<16xf32>
        %parallel_loop3A_532 = arith.addf %parallel_loop3A_531, %parallel_loop3A_525 : vector<16xf32>
        %parallel_loop3A_533 = arith.addf %parallel_loop3A_532, %parallel_loop3A_526 : vector<16xf32>
        %parallel_loop3A_534 = arith.constant true
        %parallel_loop3A_535 = vector.broadcast %parallel_loop3A_534 : i1 to vector<16xi1>
        %parallel_loop3A_536 = tpu.scan <sum>, %parallel_loop3A_518 masked %parallel_loop3A_535 : vector<16xf32>, vector<16xi1> -> vector<16xf32>
        %parallel_loop3A_537 = vector.extract %parallel_loop3A_536[15] : f32 from vector<16xf32>
        %parallel_loop3A_538 = arith.constant true
        %parallel_loop3A_539 = vector.broadcast %parallel_loop3A_538 : i1 to vector<16xi1>
        %parallel_loop3A_540 = tpu.scan <sum>, %parallel_loop3A_533 masked %parallel_loop3A_539 : vector<16xf32>, vector<16xi1> -> vector<16xf32>
        %parallel_loop3A_541 = vector.extract %parallel_loop3A_540[15] : f32 from vector<16xf32>
        %parallel_loop3A_542 = arith.constant 7.812500e-03 : f32
        %parallel_loop3A_543 = arith.mulf %parallel_loop3A_537, %parallel_loop3A_542 : f32
        %parallel_loop3A_544 = arith.constant 7.812500e-03 : f32
        %parallel_loop3A_545 = arith.mulf %parallel_loop3A_541, %parallel_loop3A_544 : f32
        %parallel_loop3A_546 = arith.mulf %parallel_loop3A_543, %parallel_loop3A_543 : f32
        %parallel_loop3A_547 = arith.subf %parallel_loop3A_545, %parallel_loop3A_546 : f32
        %parallel_loop3A_548 = arith.constant 9.99999996E-13 : f32
        %parallel_loop3A_549 = arith.addf %parallel_loop3A_547, %parallel_loop3A_548 : f32
        %parallel_loop3A_550 = vector.broadcast %parallel_loop3A_549 : f32 to vector<16xf32>
        %parallel_loop3A_551 = tpu.bitcast %parallel_loop3A_550 : vector<16xf32> -> vector<16xi32>
        %parallel_loop3A_552 = arith.constant 1 : i32
        %parallel_loop3A_553 = vector.broadcast %parallel_loop3A_552 : i32 to vector<16xi32>
        %parallel_loop3A_554 = arith.shrui %parallel_loop3A_551, %parallel_loop3A_553 : vector<16xi32>
        %parallel_loop3A_555 = arith.constant 1597463007 : i32
        %parallel_loop3A_556 = vector.broadcast %parallel_loop3A_555 : i32 to vector<16xi32>
        %parallel_loop3A_557 = arith.subi %parallel_loop3A_556, %parallel_loop3A_554 : vector<16xi32>
        %parallel_loop3A_558 = tpu.bitcast %parallel_loop3A_557 : vector<16xi32> -> vector<16xf32>
        %parallel_loop3A_559 = arith.constant 5.000000e-01 : f32
        %parallel_loop3A_560 = vector.broadcast %parallel_loop3A_559 : f32 to vector<16xf32>
        %parallel_loop3A_561 = arith.mulf %parallel_loop3A_560, %parallel_loop3A_550 : vector<16xf32>
        %parallel_loop3A_562 = arith.mulf %parallel_loop3A_561, %parallel_loop3A_558 : vector<16xf32>
        %parallel_loop3A_563 = arith.mulf %parallel_loop3A_562, %parallel_loop3A_558 : vector<16xf32>
        %parallel_loop3A_564 = arith.constant 1.500000e+00 : f32
        %parallel_loop3A_565 = vector.broadcast %parallel_loop3A_564 : f32 to vector<16xf32>
        %parallel_loop3A_566 = arith.subf %parallel_loop3A_565, %parallel_loop3A_563 : vector<16xf32>
        %parallel_loop3A_567 = arith.mulf %parallel_loop3A_558, %parallel_loop3A_566 : vector<16xf32>
        %parallel_loop3A_568 = arith.constant 5.000000e-01 : f32
        %parallel_loop3A_569 = vector.broadcast %parallel_loop3A_568 : f32 to vector<16xf32>
        %parallel_loop3A_570 = arith.mulf %parallel_loop3A_569, %parallel_loop3A_550 : vector<16xf32>
        %parallel_loop3A_571 = arith.mulf %parallel_loop3A_570, %parallel_loop3A_567 : vector<16xf32>
        %parallel_loop3A_572 = arith.mulf %parallel_loop3A_571, %parallel_loop3A_567 : vector<16xf32>
        %parallel_loop3A_573 = arith.constant 1.500000e+00 : f32
        %parallel_loop3A_574 = vector.broadcast %parallel_loop3A_573 : f32 to vector<16xf32>
        %parallel_loop3A_575 = arith.subf %parallel_loop3A_574, %parallel_loop3A_572 : vector<16xf32>
        %parallel_loop3A_576 = arith.mulf %parallel_loop3A_567, %parallel_loop3A_575 : vector<16xf32>
        %parallel_loop3A_577 = vector.broadcast %parallel_loop3A_543 : f32 to vector<16xf32>
        %parallel_loop3A_578 = arith.subf %parallel_loop3A_462, %parallel_loop3A_577 : vector<16xf32>
        %parallel_loop3A_579 = arith.mulf %parallel_loop3A_578, %parallel_loop3A_576 : vector<16xf32>
        %parallel_loop3A_580 = arith.mulf %parallel_loop3A_579, %get3A_7 : vector<16xf32>
        %parallel_loop3A_581 = arith.addf %parallel_loop3A_580, %get3A_23 : vector<16xf32>
        %parallel_loop3A_582 = arith.index_cast %parallel_loop3A_447 : i32 to index
        %parallel_loop3A_583 = arith.constant 0 : index
        %parallel_loop3A_584 = tpu.vector_load %arg13[%parallel_loop3A_582, %parallel_loop3A_583] {strides = array<i32>} : memref<128x128xf32, #tpu.memory_space<vmem>>, vector<16xf32>,
        tpu.vector_store %arg13[%parallel_loop3A_582, %parallel_loop3A_583], %parallel_loop3A_581 {strides = array<i32>} : memref<128x128xf32, #tpu.memory_space<vmem>>, vector<16xf32>,
        %parallel_loop3A_585 = arith.subf %parallel_loop3A_469, %parallel_loop3A_577 : vector<16xf32>
        %parallel_loop3A_586 = arith.mulf %parallel_loop3A_585, %parallel_loop3A_576 : vector<16xf32>
        %parallel_loop3A_587 = arith.mulf %parallel_loop3A_586, %get3A_9 : vector<16xf32>
        %parallel_loop3A_588 = arith.addf %parallel_loop3A_587, %get3A_25 : vector<16xf32>
        %parallel_loop3A_589 = arith.index_cast %parallel_loop3A_447 : i32 to index
        %parallel_loop3A_590 = arith.constant 16 : index
        %parallel_loop3A_591 = tpu.vector_load %arg13[%parallel_loop3A_589, %parallel_loop3A_590] {strides = array<i32>} : memref<128x128xf32, #tpu.memory_space<vmem>>, vector<16xf32>,
        tpu.vector_store %arg13[%parallel_loop3A_589, %parallel_loop3A_590], %parallel_loop3A_588 {strides = array<i32>} : memref<128x128xf32, #tpu.memory_space<vmem>>, vector<16xf32>,
        %parallel_loop3A_592 = arith.subf %parallel_loop3A_476, %parallel_loop3A_577 : vector<16xf32>
        %parallel_loop3A_593 = arith.mulf %parallel_loop3A_592, %parallel_loop3A_576 : vector<16xf32>
        %parallel_loop3A_594 = arith.mulf %parallel_loop3A_593, %get3A_11 : vector<16xf32>
        %parallel_loop3A_595 = arith.addf %parallel_loop3A_594, %get3A_27 : vector<16xf32>
        %parallel_loop3A_596 = arith.index_cast %parallel_loop3A_447 : i32 to index
        %parallel_loop3A_597 = arith.constant 32 : index
        %parallel_loop3A_598 = tpu.vector_load %arg13[%parallel_loop3A_596, %parallel_loop3A_597] {strides = array<i32>} : memref<128x128xf32, #tpu.memory_space<vmem>>, vector<16xf32>,
        tpu.vector_store %arg13[%parallel_loop3A_596, %parallel_loop3A_597], %parallel_loop3A_595 {strides = array<i32>} : memref<128x128xf32, #tpu.memory_space<vmem>>, vector<16xf32>,
        %parallel_loop3A_599 = arith.subf %parallel_loop3A_483, %parallel_loop3A_577 : vector<16xf32>
        %parallel_loop3A_600 = arith.mulf %parallel_loop3A_599, %parallel_loop3A_576 : vector<16xf32>
        %parallel_loop3A_601 = arith.mulf %parallel_loop3A_600, %get3A_13 : vector<16xf32>
        %parallel_loop3A_602 = arith.addf %parallel_loop3A_601, %get3A_29 : vector<16xf32>
        %parallel_loop3A_603 = arith.index_cast %parallel_loop3A_447 : i32 to index
        %parallel_loop3A_604 = arith.constant 48 : index
        %parallel_loop3A_605 = tpu.vector_load %arg13[%parallel_loop3A_603, %parallel_loop3A_604] {strides = array<i32>} : memref<128x128xf32, #tpu.memory_space<vmem>>, vector<16xf32>,
        tpu.vector_store %arg13[%parallel_loop3A_603, %parallel_loop3A_604], %parallel_loop3A_602 {strides = array<i32>} : memref<128x128xf32, #tpu.memory_space<vmem>>, vector<16xf32>,
        %parallel_loop3A_606 = arith.subf %parallel_loop3A_490, %parallel_loop3A_577 : vector<16xf32>
        %parallel_loop3A_607 = arith.mulf %parallel_loop3A_606, %parallel_loop3A_576 : vector<16xf32>
        %parallel_loop3A_608 = arith.mulf %parallel_loop3A_607, %get3A_15 : vector<16xf32>
        %parallel_loop3A_609 = arith.addf %parallel_loop3A_608, %get3A_31 : vector<16xf32>
        %parallel_loop3A_610 = arith.index_cast %parallel_loop3A_447 : i32 to index
        %parallel_loop3A_611 = arith.constant 64 : index
        %parallel_loop3A_612 = tpu.vector_load %arg13[%parallel_loop3A_610, %parallel_loop3A_611] {strides = array<i32>} : memref<128x128xf32, #tpu.memory_space<vmem>>, vector<16xf32>,
        tpu.vector_store %arg13[%parallel_loop3A_610, %parallel_loop3A_611], %parallel_loop3A_609 {strides = array<i32>} : memref<128x128xf32, #tpu.memory_space<vmem>>, vector<16xf32>,
        %parallel_loop3A_613 = arith.subf %parallel_loop3A_497, %parallel_loop3A_577 : vector<16xf32>
        %parallel_loop3A_614 = arith.mulf %parallel_loop3A_613, %parallel_loop3A_576 : vector<16xf32>
        %parallel_loop3A_615 = arith.mulf %parallel_loop3A_614, %get3A_17 : vector<16xf32>
        %parallel_loop3A_616 = arith.addf %parallel_loop3A_615, %get3A_33 : vector<16xf32>
        %parallel_loop3A_617 = arith.index_cast %parallel_loop3A_447 : i32 to index
        %parallel_loop3A_618 = arith.constant 80 : index
        %parallel_loop3A_619 = tpu.vector_load %arg13[%parallel_loop3A_617, %parallel_loop3A_618] {strides = array<i32>} : memref<128x128xf32, #tpu.memory_space<vmem>>, vector<16xf32>,
        tpu.vector_store %arg13[%parallel_loop3A_617, %parallel_loop3A_618], %parallel_loop3A_616 {strides = array<i32>} : memref<128x128xf32, #tpu.memory_space<vmem>>, vector<16xf32>,
        %parallel_loop3A_620 = arith.subf %parallel_loop3A_504, %parallel_loop3A_577 : vector<16xf32>
        %parallel_loop3A_621 = arith.mulf %parallel_loop3A_620, %parallel_loop3A_576 : vector<16xf32>
        %parallel_loop3A_622 = arith.mulf %parallel_loop3A_621, %get3A_19 : vector<16xf32>
        %parallel_loop3A_623 = arith.addf %parallel_loop3A_622, %get3A_35 : vector<16xf32>
        %parallel_loop3A_624 = arith.index_cast %parallel_loop3A_447 : i32 to index
        %parallel_loop3A_625 = arith.constant 96 : index
        %parallel_loop3A_626 = tpu.vector_load %arg13[%parallel_loop3A_624, %parallel_loop3A_625] {strides = array<i32>} : memref<128x128xf32, #tpu.memory_space<vmem>>, vector<16xf32>,
        tpu.vector_store %arg13[%parallel_loop3A_624, %parallel_loop3A_625], %parallel_loop3A_623 {strides = array<i32>} : memref<128x128xf32, #tpu.memory_space<vmem>>, vector<16xf32>,
        %parallel_loop3A_627 = arith.subf %parallel_loop3A_511, %parallel_loop3A_577 : vector<16xf32>
        %parallel_loop3A_628 = arith.mulf %parallel_loop3A_627, %parallel_loop3A_576 : vector<16xf32>
        %parallel_loop3A_629 = arith.mulf %parallel_loop3A_628, %get3A_21 : vector<16xf32>
        %parallel_loop3A_630 = arith.addf %parallel_loop3A_629, %get3A_37 : vector<16xf32>
        %parallel_loop3A_631 = arith.index_cast %parallel_loop3A_447 : i32 to index
        %parallel_loop3A_632 = arith.constant 112 : index
        %parallel_loop3A_633 = tpu.vector_load %arg13[%parallel_loop3A_631, %parallel_loop3A_632] {strides = array<i32>} : memref<128x128xf32, #tpu.memory_space<vmem>>, vector<16xf32>,
        tpu.vector_store %arg13[%parallel_loop3A_631, %parallel_loop3A_632], %parallel_loop3A_630 {strides = array<i32>} : memref<128x128xf32, #tpu.memory_space<vmem>>, vector<16xf32>,
        %parallel_loop3A_634 = arith.constant 16 : i32
        %parallel_loop3A_635 = arith.muli %parallel_loop3A_59, %parallel_loop3A_634 : i32
        %parallel_loop3A_636 = arith.constant 3 : i32
        %parallel_loop3A_637 = arith.addi %parallel_loop3A_635, %parallel_loop3A_636 : i32
        %parallel_loop3A_638 = arith.addi %add3A_51, %parallel_loop3A_637 : i32
        %parallel_loop3A_639 = arith.constant 200 : i32
        %parallel_loop3A_640 = arith.remsi %parallel_loop3A_638, %parallel_loop3A_639 : i32
        %parallel_loop3A_641 = arith.constant 2 : i32
        %parallel_loop3A_642 = arith.muli %parallel_loop3A_640, %parallel_loop3A_641 : i32
        %parallel_loop3A_643 = vector.extract_strided_slice %parallel_loop3A_63 {offsets = [3], sizes = [1], strides = [1]} : vector<16xi32> to vector<1xi32>
        %parallel_loop3A_644 = vector.extract %parallel_loop3A_643[0] : i32 from vector<1xi32>
        %parallel_loop3A_645 = arith.addi %parallel_loop3A_642, %parallel_loop3A_644 : i32
        %parallel_loop3A_646 = arith.index_cast %parallel_loop3A_637 : i32 to index
        %parallel_loop3A_647 = arith.constant 0 : index
        %parallel_loop3A_648 = tpu.vector_load %arg12[%parallel_loop3A_646, %parallel_loop3A_647] {strides = array<i32>} : memref<128x128xf32, #tpu.memory_space<vmem>>, vector<16xf32>,
        %parallel_loop3A_649 = arith.index_cast %parallel_loop3A_645 : i32 to index
        %parallel_loop3A_650 = arith.constant 0 : index
        %parallel_loop3A_651 = tpu.vector_load %arg14[%parallel_loop3A_649, %parallel_loop3A_650] {strides = array<i32>} : memref<400x128xf32, #tpu.memory_space<vmem>>, vector<16xf32>,
        %parallel_loop3A_652 = arith.addf %parallel_loop3A_648, %parallel_loop3A_651 : vector<16xf32>
        %parallel_loop3A_653 = arith.index_cast %parallel_loop3A_637 : i32 to index
        %parallel_loop3A_654 = arith.constant 16 : index
        %parallel_loop3A_655 = tpu.vector_load %arg12[%parallel_loop3A_653, %parallel_loop3A_654] {strides = array<i32>} : memref<128x128xf32, #tpu.memory_space<vmem>>, vector<16xf32>,
        %parallel_loop3A_656 = arith.index_cast %parallel_loop3A_645 : i32 to index
        %parallel_loop3A_657 = arith.constant 16 : index
        %parallel_loop3A_658 = tpu.vector_load %arg14[%parallel_loop3A_656, %parallel_loop3A_657] {strides = array<i32>} : memref<400x128xf32, #tpu.memory_space<vmem>>, vector<16xf32>,
        %parallel_loop3A_659 = arith.addf %parallel_loop3A_655, %parallel_loop3A_658 : vector<16xf32>
        %parallel_loop3A_660 = arith.index_cast %parallel_loop3A_637 : i32 to index
        %parallel_loop3A_661 = arith.constant 32 : index
        %parallel_loop3A_662 = tpu.vector_load %arg12[%parallel_loop3A_660, %parallel_loop3A_661] {strides = array<i32>} : memref<128x128xf32, #tpu.memory_space<vmem>>, vector<16xf32>,
        %parallel_loop3A_663 = arith.index_cast %parallel_loop3A_645 : i32 to index
        %parallel_loop3A_664 = arith.constant 32 : index
        %parallel_loop3A_665 = tpu.vector_load %arg14[%parallel_loop3A_663, %parallel_loop3A_664] {strides = array<i32>} : memref<400x128xf32, #tpu.memory_space<vmem>>, vector<16xf32>,
        %parallel_loop3A_666 = arith.addf %parallel_loop3A_662, %parallel_loop3A_665 : vector<16xf32>
        %parallel_loop3A_667 = arith.index_cast %parallel_loop3A_637 : i32 to index
        %parallel_loop3A_668 = arith.constant 48 : index
        %parallel_loop3A_669 = tpu.vector_load %arg12[%parallel_loop3A_667, %parallel_loop3A_668] {strides = array<i32>} : memref<128x128xf32, #tpu.memory_space<vmem>>, vector<16xf32>,
        %parallel_loop3A_670 = arith.index_cast %parallel_loop3A_645 : i32 to index
        %parallel_loop3A_671 = arith.constant 48 : index
        %parallel_loop3A_672 = tpu.vector_load %arg14[%parallel_loop3A_670, %parallel_loop3A_671] {strides = array<i32>} : memref<400x128xf32, #tpu.memory_space<vmem>>, vector<16xf32>,
        %parallel_loop3A_673 = arith.addf %parallel_loop3A_669, %parallel_loop3A_672 : vector<16xf32>
        %parallel_loop3A_674 = arith.index_cast %parallel_loop3A_637 : i32 to index
        %parallel_loop3A_675 = arith.constant 64 : index
        %parallel_loop3A_676 = tpu.vector_load %arg12[%parallel_loop3A_674, %parallel_loop3A_675] {strides = array<i32>} : memref<128x128xf32, #tpu.memory_space<vmem>>, vector<16xf32>,
        %parallel_loop3A_677 = arith.index_cast %parallel_loop3A_645 : i32 to index
        %parallel_loop3A_678 = arith.constant 64 : index
        %parallel_loop3A_679 = tpu.vector_load %arg14[%parallel_loop3A_677, %parallel_loop3A_678] {strides = array<i32>} : memref<400x128xf32, #tpu.memory_space<vmem>>, vector<16xf32>,
        %parallel_loop3A_680 = arith.addf %parallel_loop3A_676, %parallel_loop3A_679 : vector<16xf32>
        %parallel_loop3A_681 = arith.index_cast %parallel_loop3A_637 : i32 to index
        %parallel_loop3A_682 = arith.constant 80 : index
        %parallel_loop3A_683 = tpu.vector_load %arg12[%parallel_loop3A_681, %parallel_loop3A_682] {strides = array<i32>} : memref<128x128xf32, #tpu.memory_space<vmem>>, vector<16xf32>,
        %parallel_loop3A_684 = arith.index_cast %parallel_loop3A_645 : i32 to index
        %parallel_loop3A_685 = arith.constant 80 : index
        %parallel_loop3A_686 = tpu.vector_load %arg14[%parallel_loop3A_684, %parallel_loop3A_685] {strides = array<i32>} : memref<400x128xf32, #tpu.memory_space<vmem>>, vector<16xf32>,
        %parallel_loop3A_687 = arith.addf %parallel_loop3A_683, %parallel_loop3A_686 : vector<16xf32>
        %parallel_loop3A_688 = arith.index_cast %parallel_loop3A_637 : i32 to index
        %parallel_loop3A_689 = arith.constant 96 : index
        %parallel_loop3A_690 = tpu.vector_load %arg12[%parallel_loop3A_688, %parallel_loop3A_689] {strides = array<i32>} : memref<128x128xf32, #tpu.memory_space<vmem>>, vector<16xf32>,
        %parallel_loop3A_691 = arith.index_cast %parallel_loop3A_645 : i32 to index
        %parallel_loop3A_692 = arith.constant 96 : index
        %parallel_loop3A_693 = tpu.vector_load %arg14[%parallel_loop3A_691, %parallel_loop3A_692] {strides = array<i32>} : memref<400x128xf32, #tpu.memory_space<vmem>>, vector<16xf32>,
        %parallel_loop3A_694 = arith.addf %parallel_loop3A_690, %parallel_loop3A_693 : vector<16xf32>
        %parallel_loop3A_695 = arith.index_cast %parallel_loop3A_637 : i32 to index
        %parallel_loop3A_696 = arith.constant 112 : index
        %parallel_loop3A_697 = tpu.vector_load %arg12[%parallel_loop3A_695, %parallel_loop3A_696] {strides = array<i32>} : memref<128x128xf32, #tpu.memory_space<vmem>>, vector<16xf32>,
        %parallel_loop3A_698 = arith.index_cast %parallel_loop3A_645 : i32 to index
        %parallel_loop3A_699 = arith.constant 112 : index
        %parallel_loop3A_700 = tpu.vector_load %arg14[%parallel_loop3A_698, %parallel_loop3A_699] {strides = array<i32>} : memref<400x128xf32, #tpu.memory_space<vmem>>, vector<16xf32>,
        %parallel_loop3A_701 = arith.addf %parallel_loop3A_697, %parallel_loop3A_700 : vector<16xf32>
        %parallel_loop3A_702 = arith.addf %parallel_loop3A_652, %parallel_loop3A_659 : vector<16xf32>
        %parallel_loop3A_703 = arith.addf %parallel_loop3A_702, %parallel_loop3A_666 : vector<16xf32>
        %parallel_loop3A_704 = arith.addf %parallel_loop3A_703, %parallel_loop3A_673 : vector<16xf32>
        %parallel_loop3A_705 = arith.addf %parallel_loop3A_704, %parallel_loop3A_680 : vector<16xf32>
        %parallel_loop3A_706 = arith.addf %parallel_loop3A_705, %parallel_loop3A_687 : vector<16xf32>
        %parallel_loop3A_707 = arith.addf %parallel_loop3A_706, %parallel_loop3A_694 : vector<16xf32>
        %parallel_loop3A_708 = arith.addf %parallel_loop3A_707, %parallel_loop3A_701 : vector<16xf32>
        %parallel_loop3A_709 = arith.mulf %parallel_loop3A_652, %parallel_loop3A_652 : vector<16xf32>
        %parallel_loop3A_710 = arith.mulf %parallel_loop3A_659, %parallel_loop3A_659 : vector<16xf32>
        %parallel_loop3A_711 = arith.mulf %parallel_loop3A_666, %parallel_loop3A_666 : vector<16xf32>
        %parallel_loop3A_712 = arith.mulf %parallel_loop3A_673, %parallel_loop3A_673 : vector<16xf32>
        %parallel_loop3A_713 = arith.mulf %parallel_loop3A_680, %parallel_loop3A_680 : vector<16xf32>
        %parallel_loop3A_714 = arith.mulf %parallel_loop3A_687, %parallel_loop3A_687 : vector<16xf32>
        %parallel_loop3A_715 = arith.mulf %parallel_loop3A_694, %parallel_loop3A_694 : vector<16xf32>
        %parallel_loop3A_716 = arith.mulf %parallel_loop3A_701, %parallel_loop3A_701 : vector<16xf32>
        %parallel_loop3A_717 = arith.addf %parallel_loop3A_709, %parallel_loop3A_710 : vector<16xf32>
        %parallel_loop3A_718 = arith.addf %parallel_loop3A_717, %parallel_loop3A_711 : vector<16xf32>
        %parallel_loop3A_719 = arith.addf %parallel_loop3A_718, %parallel_loop3A_712 : vector<16xf32>
        %parallel_loop3A_720 = arith.addf %parallel_loop3A_719, %parallel_loop3A_713 : vector<16xf32>
        %parallel_loop3A_721 = arith.addf %parallel_loop3A_720, %parallel_loop3A_714 : vector<16xf32>
        %parallel_loop3A_722 = arith.addf %parallel_loop3A_721, %parallel_loop3A_715 : vector<16xf32>
        %parallel_loop3A_723 = arith.addf %parallel_loop3A_722, %parallel_loop3A_716 : vector<16xf32>
        %parallel_loop3A_724 = arith.constant true
        %parallel_loop3A_725 = vector.broadcast %parallel_loop3A_724 : i1 to vector<16xi1>
        %parallel_loop3A_726 = tpu.scan <sum>, %parallel_loop3A_708 masked %parallel_loop3A_725 : vector<16xf32>, vector<16xi1> -> vector<16xf32>
        %parallel_loop3A_727 = vector.extract %parallel_loop3A_726[15] : f32 from vector<16xf32>
        %parallel_loop3A_728 = arith.constant true
        %parallel_loop3A_729 = vector.broadcast %parallel_loop3A_728 : i1 to vector<16xi1>
        %parallel_loop3A_730 = tpu.scan <sum>, %parallel_loop3A_723 masked %parallel_loop3A_729 : vector<16xf32>, vector<16xi1> -> vector<16xf32>
        %parallel_loop3A_731 = vector.extract %parallel_loop3A_730[15] : f32 from vector<16xf32>
        %parallel_loop3A_732 = arith.constant 7.812500e-03 : f32
        %parallel_loop3A_733 = arith.mulf %parallel_loop3A_727, %parallel_loop3A_732 : f32
        %parallel_loop3A_734 = arith.constant 7.812500e-03 : f32
        %parallel_loop3A_735 = arith.mulf %parallel_loop3A_731, %parallel_loop3A_734 : f32
        %parallel_loop3A_736 = arith.mulf %parallel_loop3A_733, %parallel_loop3A_733 : f32
        %parallel_loop3A_737 = arith.subf %parallel_loop3A_735, %parallel_loop3A_736 : f32
        %parallel_loop3A_738 = arith.constant 9.99999996E-13 : f32
        %parallel_loop3A_739 = arith.addf %parallel_loop3A_737, %parallel_loop3A_738 : f32
        %parallel_loop3A_740 = vector.broadcast %parallel_loop3A_739 : f32 to vector<16xf32>
        %parallel_loop3A_741 = tpu.bitcast %parallel_loop3A_740 : vector<16xf32> -> vector<16xi32>
        %parallel_loop3A_742 = arith.constant 1 : i32
        %parallel_loop3A_743 = vector.broadcast %parallel_loop3A_742 : i32 to vector<16xi32>
        %parallel_loop3A_744 = arith.shrui %parallel_loop3A_741, %parallel_loop3A_743 : vector<16xi32>
        %parallel_loop3A_745 = arith.constant 1597463007 : i32
        %parallel_loop3A_746 = vector.broadcast %parallel_loop3A_745 : i32 to vector<16xi32>
        %parallel_loop3A_747 = arith.subi %parallel_loop3A_746, %parallel_loop3A_744 : vector<16xi32>
        %parallel_loop3A_748 = tpu.bitcast %parallel_loop3A_747 : vector<16xi32> -> vector<16xf32>
        %parallel_loop3A_749 = arith.constant 5.000000e-01 : f32
        %parallel_loop3A_750 = vector.broadcast %parallel_loop3A_749 : f32 to vector<16xf32>
        %parallel_loop3A_751 = arith.mulf %parallel_loop3A_750, %parallel_loop3A_740 : vector<16xf32>
        %parallel_loop3A_752 = arith.mulf %parallel_loop3A_751, %parallel_loop3A_748 : vector<16xf32>
        %parallel_loop3A_753 = arith.mulf %parallel_loop3A_752, %parallel_loop3A_748 : vector<16xf32>
        %parallel_loop3A_754 = arith.constant 1.500000e+00 : f32
        %parallel_loop3A_755 = vector.broadcast %parallel_loop3A_754 : f32 to vector<16xf32>
        %parallel_loop3A_756 = arith.subf %parallel_loop3A_755, %parallel_loop3A_753 : vector<16xf32>
        %parallel_loop3A_757 = arith.mulf %parallel_loop3A_748, %parallel_loop3A_756 : vector<16xf32>
        %parallel_loop3A_758 = arith.constant 5.000000e-01 : f32
        %parallel_loop3A_759 = vector.broadcast %parallel_loop3A_758 : f32 to vector<16xf32>
        %parallel_loop3A_760 = arith.mulf %parallel_loop3A_759, %parallel_loop3A_740 : vector<16xf32>
        %parallel_loop3A_761 = arith.mulf %parallel_loop3A_760, %parallel_loop3A_757 : vector<16xf32>
        %parallel_loop3A_762 = arith.mulf %parallel_loop3A_761, %parallel_loop3A_757 : vector<16xf32>
        %parallel_loop3A_763 = arith.constant 1.500000e+00 : f32
        %parallel_loop3A_764 = vector.broadcast %parallel_loop3A_763 : f32 to vector<16xf32>
        %parallel_loop3A_765 = arith.subf %parallel_loop3A_764, %parallel_loop3A_762 : vector<16xf32>
        %parallel_loop3A_766 = arith.mulf %parallel_loop3A_757, %parallel_loop3A_765 : vector<16xf32>
        %parallel_loop3A_767 = vector.broadcast %parallel_loop3A_733 : f32 to vector<16xf32>
        %parallel_loop3A_768 = arith.subf %parallel_loop3A_652, %parallel_loop3A_767 : vector<16xf32>
        %parallel_loop3A_769 = arith.mulf %parallel_loop3A_768, %parallel_loop3A_766 : vector<16xf32>
        %parallel_loop3A_770 = arith.mulf %parallel_loop3A_769, %get3A_7 : vector<16xf32>
        %parallel_loop3A_771 = arith.addf %parallel_loop3A_770, %get3A_23 : vector<16xf32>
        %parallel_loop3A_772 = arith.index_cast %parallel_loop3A_637 : i32 to index
        %parallel_loop3A_773 = arith.constant 0 : index
        %parallel_loop3A_774 = tpu.vector_load %arg13[%parallel_loop3A_772, %parallel_loop3A_773] {strides = array<i32>} : memref<128x128xf32, #tpu.memory_space<vmem>>, vector<16xf32>,
        tpu.vector_store %arg13[%parallel_loop3A_772, %parallel_loop3A_773], %parallel_loop3A_771 {strides = array<i32>} : memref<128x128xf32, #tpu.memory_space<vmem>>, vector<16xf32>,
        %parallel_loop3A_775 = arith.subf %parallel_loop3A_659, %parallel_loop3A_767 : vector<16xf32>
        %parallel_loop3A_776 = arith.mulf %parallel_loop3A_775, %parallel_loop3A_766 : vector<16xf32>
        %parallel_loop3A_777 = arith.mulf %parallel_loop3A_776, %get3A_9 : vector<16xf32>
        %parallel_loop3A_778 = arith.addf %parallel_loop3A_777, %get3A_25 : vector<16xf32>
        %parallel_loop3A_779 = arith.index_cast %parallel_loop3A_637 : i32 to index
        %parallel_loop3A_780 = arith.constant 16 : index
        %parallel_loop3A_781 = tpu.vector_load %arg13[%parallel_loop3A_779, %parallel_loop3A_780] {strides = array<i32>} : memref<128x128xf32, #tpu.memory_space<vmem>>, vector<16xf32>,
        tpu.vector_store %arg13[%parallel_loop3A_779, %parallel_loop3A_780], %parallel_loop3A_778 {strides = array<i32>} : memref<128x128xf32, #tpu.memory_space<vmem>>, vector<16xf32>,
        %parallel_loop3A_782 = arith.subf %parallel_loop3A_666, %parallel_loop3A_767 : vector<16xf32>
        %parallel_loop3A_783 = arith.mulf %parallel_loop3A_782, %parallel_loop3A_766 : vector<16xf32>
        %parallel_loop3A_784 = arith.mulf %parallel_loop3A_783, %get3A_11 : vector<16xf32>
        %parallel_loop3A_785 = arith.addf %parallel_loop3A_784, %get3A_27 : vector<16xf32>
        %parallel_loop3A_786 = arith.index_cast %parallel_loop3A_637 : i32 to index
        %parallel_loop3A_787 = arith.constant 32 : index
        %parallel_loop3A_788 = tpu.vector_load %arg13[%parallel_loop3A_786, %parallel_loop3A_787] {strides = array<i32>} : memref<128x128xf32, #tpu.memory_space<vmem>>, vector<16xf32>,
        tpu.vector_store %arg13[%parallel_loop3A_786, %parallel_loop3A_787], %parallel_loop3A_785 {strides = array<i32>} : memref<128x128xf32, #tpu.memory_space<vmem>>, vector<16xf32>,
        %parallel_loop3A_789 = arith.subf %parallel_loop3A_673, %parallel_loop3A_767 : vector<16xf32>
        %parallel_loop3A_790 = arith.mulf %parallel_loop3A_789, %parallel_loop3A_766 : vector<16xf32>
        %parallel_loop3A_791 = arith.mulf %parallel_loop3A_790, %get3A_13 : vector<16xf32>
        %parallel_loop3A_792 = arith.addf %parallel_loop3A_791, %get3A_29 : vector<16xf32>
        %parallel_loop3A_793 = arith.index_cast %parallel_loop3A_637 : i32 to index
        %parallel_loop3A_794 = arith.constant 48 : index
        %parallel_loop3A_795 = tpu.vector_load %arg13[%parallel_loop3A_793, %parallel_loop3A_794] {strides = array<i32>} : memref<128x128xf32, #tpu.memory_space<vmem>>, vector<16xf32>,
        tpu.vector_store %arg13[%parallel_loop3A_793, %parallel_loop3A_794], %parallel_loop3A_792 {strides = array<i32>} : memref<128x128xf32, #tpu.memory_space<vmem>>, vector<16xf32>,
        %parallel_loop3A_796 = arith.subf %parallel_loop3A_680, %parallel_loop3A_767 : vector<16xf32>
        %parallel_loop3A_797 = arith.mulf %parallel_loop3A_796, %parallel_loop3A_766 : vector<16xf32>
        %parallel_loop3A_798 = arith.mulf %parallel_loop3A_797, %get3A_15 : vector<16xf32>
        %parallel_loop3A_799 = arith.addf %parallel_loop3A_798, %get3A_31 : vector<16xf32>
        %parallel_loop3A_800 = arith.index_cast %parallel_loop3A_637 : i32 to index
        %parallel_loop3A_801 = arith.constant 64 : index
        %parallel_loop3A_802 = tpu.vector_load %arg13[%parallel_loop3A_800, %parallel_loop3A_801] {strides = array<i32>} : memref<128x128xf32, #tpu.memory_space<vmem>>, vector<16xf32>,
        tpu.vector_store %arg13[%parallel_loop3A_800, %parallel_loop3A_801], %parallel_loop3A_799 {strides = array<i32>} : memref<128x128xf32, #tpu.memory_space<vmem>>, vector<16xf32>,
        %parallel_loop3A_803 = arith.subf %parallel_loop3A_687, %parallel_loop3A_767 : vector<16xf32>
        %parallel_loop3A_804 = arith.mulf %parallel_loop3A_803, %parallel_loop3A_766 : vector<16xf32>
        %parallel_loop3A_805 = arith.mulf %parallel_loop3A_804, %get3A_17 : vector<16xf32>
        %parallel_loop3A_806 = arith.addf %parallel_loop3A_805, %get3A_33 : vector<16xf32>
        %parallel_loop3A_807 = arith.index_cast %parallel_loop3A_637 : i32 to index
        %parallel_loop3A_808 = arith.constant 80 : index
        %parallel_loop3A_809 = tpu.vector_load %arg13[%parallel_loop3A_807, %parallel_loop3A_808] {strides = array<i32>} : memref<128x128xf32, #tpu.memory_space<vmem>>, vector<16xf32>,
        tpu.vector_store %arg13[%parallel_loop3A_807, %parallel_loop3A_808], %parallel_loop3A_806 {strides = array<i32>} : memref<128x128xf32, #tpu.memory_space<vmem>>, vector<16xf32>,
        %parallel_loop3A_810 = arith.subf %parallel_loop3A_694, %parallel_loop3A_767 : vector<16xf32>
        %parallel_loop3A_811 = arith.mulf %parallel_loop3A_810, %parallel_loop3A_766 : vector<16xf32>
        %parallel_loop3A_812 = arith.mulf %parallel_loop3A_811, %get3A_19 : vector<16xf32>
        %parallel_loop3A_813 = arith.addf %parallel_loop3A_812, %get3A_35 : vector<16xf32>
        %parallel_loop3A_814 = arith.index_cast %parallel_loop3A_637 : i32 to index
        %parallel_loop3A_815 = arith.constant 96 : index
        %parallel_loop3A_816 = tpu.vector_load %arg13[%parallel_loop3A_814, %parallel_loop3A_815] {strides = array<i32>} : memref<128x128xf32, #tpu.memory_space<vmem>>, vector<16xf32>,
        tpu.vector_store %arg13[%parallel_loop3A_814, %parallel_loop3A_815], %parallel_loop3A_813 {strides = array<i32>} : memref<128x128xf32, #tpu.memory_space<vmem>>, vector<16xf32>,
        %parallel_loop3A_817 = arith.subf %parallel_loop3A_701, %parallel_loop3A_767 : vector<16xf32>
        %parallel_loop3A_818 = arith.mulf %parallel_loop3A_817, %parallel_loop3A_766 : vector<16xf32>
        %parallel_loop3A_819 = arith.mulf %parallel_loop3A_818, %get3A_21 : vector<16xf32>
        %parallel_loop3A_820 = arith.addf %parallel_loop3A_819, %get3A_37 : vector<16xf32>
        %parallel_loop3A_821 = arith.index_cast %parallel_loop3A_637 : i32 to index
        %parallel_loop3A_822 = arith.constant 112 : index
        %parallel_loop3A_823 = tpu.vector_load %arg13[%parallel_loop3A_821, %parallel_loop3A_822] {strides = array<i32>} : memref<128x128xf32, #tpu.memory_space<vmem>>, vector<16xf32>,
        tpu.vector_store %arg13[%parallel_loop3A_821, %parallel_loop3A_822], %parallel_loop3A_820 {strides = array<i32>} : memref<128x128xf32, #tpu.memory_space<vmem>>, vector<16xf32>,
        %parallel_loop3A_824 = arith.constant 16 : i32
        %parallel_loop3A_825 = arith.muli %parallel_loop3A_59, %parallel_loop3A_824 : i32
        %parallel_loop3A_826 = arith.constant 4 : i32
        %parallel_loop3A_827 = arith.addi %parallel_loop3A_825, %parallel_loop3A_826 : i32
        %parallel_loop3A_828 = arith.addi %add3A_51, %parallel_loop3A_827 : i32
        %parallel_loop3A_829 = arith.constant 200 : i32
        %parallel_loop3A_830 = arith.remsi %parallel_loop3A_828, %parallel_loop3A_829 : i32
        %parallel_loop3A_831 = arith.constant 2 : i32
        %parallel_loop3A_832 = arith.muli %parallel_loop3A_830, %parallel_loop3A_831 : i32
        %parallel_loop3A_833 = vector.extract_strided_slice %parallel_loop3A_63 {offsets = [4], sizes = [1], strides = [1]} : vector<16xi32> to vector<1xi32>
        %parallel_loop3A_834 = vector.extract %parallel_loop3A_833[0] : i32 from vector<1xi32>
        %parallel_loop3A_835 = arith.addi %parallel_loop3A_832, %parallel_loop3A_834 : i32
        %parallel_loop3A_836 = arith.index_cast %parallel_loop3A_827 : i32 to index
        %parallel_loop3A_837 = arith.constant 0 : index
        %parallel_loop3A_838 = tpu.vector_load %arg12[%parallel_loop3A_836, %parallel_loop3A_837] {strides = array<i32>} : memref<128x128xf32, #tpu.memory_space<vmem>>, vector<16xf32>,
        %parallel_loop3A_839 = arith.index_cast %parallel_loop3A_835 : i32 to index
        %parallel_loop3A_840 = arith.constant 0 : index
        %parallel_loop3A_841 = tpu.vector_load %arg14[%parallel_loop3A_839, %parallel_loop3A_840] {strides = array<i32>} : memref<400x128xf32, #tpu.memory_space<vmem>>, vector<16xf32>,
        %parallel_loop3A_842 = arith.addf %parallel_loop3A_838, %parallel_loop3A_841 : vector<16xf32>
        %parallel_loop3A_843 = arith.index_cast %parallel_loop3A_827 : i32 to index
        %parallel_loop3A_844 = arith.constant 16 : index
        %parallel_loop3A_845 = tpu.vector_load %arg12[%parallel_loop3A_843, %parallel_loop3A_844] {strides = array<i32>} : memref<128x128xf32, #tpu.memory_space<vmem>>, vector<16xf32>,
        %parallel_loop3A_846 = arith.index_cast %parallel_loop3A_835 : i32 to index
        %parallel_loop3A_847 = arith.constant 16 : index
        %parallel_loop3A_848 = tpu.vector_load %arg14[%parallel_loop3A_846, %parallel_loop3A_847] {strides = array<i32>} : memref<400x128xf32, #tpu.memory_space<vmem>>, vector<16xf32>,
        %parallel_loop3A_849 = arith.addf %parallel_loop3A_845, %parallel_loop3A_848 : vector<16xf32>
        %parallel_loop3A_850 = arith.index_cast %parallel_loop3A_827 : i32 to index
        %parallel_loop3A_851 = arith.constant 32 : index
        %parallel_loop3A_852 = tpu.vector_load %arg12[%parallel_loop3A_850, %parallel_loop3A_851] {strides = array<i32>} : memref<128x128xf32, #tpu.memory_space<vmem>>, vector<16xf32>,
        %parallel_loop3A_853 = arith.index_cast %parallel_loop3A_835 : i32 to index
        %parallel_loop3A_854 = arith.constant 32 : index
        %parallel_loop3A_855 = tpu.vector_load %arg14[%parallel_loop3A_853, %parallel_loop3A_854] {strides = array<i32>} : memref<400x128xf32, #tpu.memory_space<vmem>>, vector<16xf32>,
        %parallel_loop3A_856 = arith.addf %parallel_loop3A_852, %parallel_loop3A_855 : vector<16xf32>
        %parallel_loop3A_857 = arith.index_cast %parallel_loop3A_827 : i32 to index
        %parallel_loop3A_858 = arith.constant 48 : index
        %parallel_loop3A_859 = tpu.vector_load %arg12[%parallel_loop3A_857, %parallel_loop3A_858] {strides = array<i32>} : memref<128x128xf32, #tpu.memory_space<vmem>>, vector<16xf32>,
        %parallel_loop3A_860 = arith.index_cast %parallel_loop3A_835 : i32 to index
        %parallel_loop3A_861 = arith.constant 48 : index
        %parallel_loop3A_862 = tpu.vector_load %arg14[%parallel_loop3A_860, %parallel_loop3A_861] {strides = array<i32>} : memref<400x128xf32, #tpu.memory_space<vmem>>, vector<16xf32>,
        %parallel_loop3A_863 = arith.addf %parallel_loop3A_859, %parallel_loop3A_862 : vector<16xf32>
        %parallel_loop3A_864 = arith.index_cast %parallel_loop3A_827 : i32 to index
        %parallel_loop3A_865 = arith.constant 64 : index
        %parallel_loop3A_866 = tpu.vector_load %arg12[%parallel_loop3A_864, %parallel_loop3A_865] {strides = array<i32>} : memref<128x128xf32, #tpu.memory_space<vmem>>, vector<16xf32>,
        %parallel_loop3A_867 = arith.index_cast %parallel_loop3A_835 : i32 to index
        %parallel_loop3A_868 = arith.constant 64 : index
        %parallel_loop3A_869 = tpu.vector_load %arg14[%parallel_loop3A_867, %parallel_loop3A_868] {strides = array<i32>} : memref<400x128xf32, #tpu.memory_space<vmem>>, vector<16xf32>,
        %parallel_loop3A_870 = arith.addf %parallel_loop3A_866, %parallel_loop3A_869 : vector<16xf32>
        %parallel_loop3A_871 = arith.index_cast %parallel_loop3A_827 : i32 to index
        %parallel_loop3A_872 = arith.constant 80 : index
        %parallel_loop3A_873 = tpu.vector_load %arg12[%parallel_loop3A_871, %parallel_loop3A_872] {strides = array<i32>} : memref<128x128xf32, #tpu.memory_space<vmem>>, vector<16xf32>,
        %parallel_loop3A_874 = arith.index_cast %parallel_loop3A_835 : i32 to index
        %parallel_loop3A_875 = arith.constant 80 : index
        %parallel_loop3A_876 = tpu.vector_load %arg14[%parallel_loop3A_874, %parallel_loop3A_875] {strides = array<i32>} : memref<400x128xf32, #tpu.memory_space<vmem>>, vector<16xf32>,
        %parallel_loop3A_877 = arith.addf %parallel_loop3A_873, %parallel_loop3A_876 : vector<16xf32>
        %parallel_loop3A_878 = arith.index_cast %parallel_loop3A_827 : i32 to index
        %parallel_loop3A_879 = arith.constant 96 : index
        %parallel_loop3A_880 = tpu.vector_load %arg12[%parallel_loop3A_878, %parallel_loop3A_879] {strides = array<i32>} : memref<128x128xf32, #tpu.memory_space<vmem>>, vector<16xf32>,
        %parallel_loop3A_881 = arith.index_cast %parallel_loop3A_835 : i32 to index
        %parallel_loop3A_882 = arith.constant 96 : index
        %parallel_loop3A_883 = tpu.vector_load %arg14[%parallel_loop3A_881, %parallel_loop3A_882] {strides = array<i32>} : memref<400x128xf32, #tpu.memory_space<vmem>>, vector<16xf32>,
        %parallel_loop3A_884 = arith.addf %parallel_loop3A_880, %parallel_loop3A_883 : vector<16xf32>
        %parallel_loop3A_885 = arith.index_cast %parallel_loop3A_827 : i32 to index
        %parallel_loop3A_886 = arith.constant 112 : index
        %parallel_loop3A_887 = tpu.vector_load %arg12[%parallel_loop3A_885, %parallel_loop3A_886] {strides = array<i32>} : memref<128x128xf32, #tpu.memory_space<vmem>>, vector<16xf32>,
        %parallel_loop3A_888 = arith.index_cast %parallel_loop3A_835 : i32 to index
        %parallel_loop3A_889 = arith.constant 112 : index
        %parallel_loop3A_890 = tpu.vector_load %arg14[%parallel_loop3A_888, %parallel_loop3A_889] {strides = array<i32>} : memref<400x128xf32, #tpu.memory_space<vmem>>, vector<16xf32>,
        %parallel_loop3A_891 = arith.addf %parallel_loop3A_887, %parallel_loop3A_890 : vector<16xf32>
        %parallel_loop3A_892 = arith.addf %parallel_loop3A_842, %parallel_loop3A_849 : vector<16xf32>
        %parallel_loop3A_893 = arith.addf %parallel_loop3A_892, %parallel_loop3A_856 : vector<16xf32>
        %parallel_loop3A_894 = arith.addf %parallel_loop3A_893, %parallel_loop3A_863 : vector<16xf32>
        %parallel_loop3A_895 = arith.addf %parallel_loop3A_894, %parallel_loop3A_870 : vector<16xf32>
        %parallel_loop3A_896 = arith.addf %parallel_loop3A_895, %parallel_loop3A_877 : vector<16xf32>
        %parallel_loop3A_897 = arith.addf %parallel_loop3A_896, %parallel_loop3A_884 : vector<16xf32>
        %parallel_loop3A_898 = arith.addf %parallel_loop3A_897, %parallel_loop3A_891 : vector<16xf32>
        %parallel_loop3A_899 = arith.mulf %parallel_loop3A_842, %parallel_loop3A_842 : vector<16xf32>
        %parallel_loop3A_900 = arith.mulf %parallel_loop3A_849, %parallel_loop3A_849 : vector<16xf32>
        %parallel_loop3A_901 = arith.mulf %parallel_loop3A_856, %parallel_loop3A_856 : vector<16xf32>
        %parallel_loop3A_902 = arith.mulf %parallel_loop3A_863, %parallel_loop3A_863 : vector<16xf32>
        %parallel_loop3A_903 = arith.mulf %parallel_loop3A_870, %parallel_loop3A_870 : vector<16xf32>
        %parallel_loop3A_904 = arith.mulf %parallel_loop3A_877, %parallel_loop3A_877 : vector<16xf32>
        %parallel_loop3A_905 = arith.mulf %parallel_loop3A_884, %parallel_loop3A_884 : vector<16xf32>
        %parallel_loop3A_906 = arith.mulf %parallel_loop3A_891, %parallel_loop3A_891 : vector<16xf32>
        %parallel_loop3A_907 = arith.addf %parallel_loop3A_899, %parallel_loop3A_900 : vector<16xf32>
        %parallel_loop3A_908 = arith.addf %parallel_loop3A_907, %parallel_loop3A_901 : vector<16xf32>
        %parallel_loop3A_909 = arith.addf %parallel_loop3A_908, %parallel_loop3A_902 : vector<16xf32>
        %parallel_loop3A_910 = arith.addf %parallel_loop3A_909, %parallel_loop3A_903 : vector<16xf32>
        %parallel_loop3A_911 = arith.addf %parallel_loop3A_910, %parallel_loop3A_904 : vector<16xf32>
        %parallel_loop3A_912 = arith.addf %parallel_loop3A_911, %parallel_loop3A_905 : vector<16xf32>
        %parallel_loop3A_913 = arith.addf %parallel_loop3A_912, %parallel_loop3A_906 : vector<16xf32>
        %parallel_loop3A_914 = arith.constant true
        %parallel_loop3A_915 = vector.broadcast %parallel_loop3A_914 : i1 to vector<16xi1>
        %parallel_loop3A_916 = tpu.scan <sum>, %parallel_loop3A_898 masked %parallel_loop3A_915 : vector<16xf32>, vector<16xi1> -> vector<16xf32>
        %parallel_loop3A_917 = vector.extract %parallel_loop3A_916[15] : f32 from vector<16xf32>
        %parallel_loop3A_918 = arith.constant true
        %parallel_loop3A_919 = vector.broadcast %parallel_loop3A_918 : i1 to vector<16xi1>
        %parallel_loop3A_920 = tpu.scan <sum>, %parallel_loop3A_913 masked %parallel_loop3A_919 : vector<16xf32>, vector<16xi1> -> vector<16xf32>
        %parallel_loop3A_921 = vector.extract %parallel_loop3A_920[15] : f32 from vector<16xf32>
        %parallel_loop3A_922 = arith.constant 7.812500e-03 : f32
        %parallel_loop3A_923 = arith.mulf %parallel_loop3A_917, %parallel_loop3A_922 : f32
        %parallel_loop3A_924 = arith.constant 7.812500e-03 : f32
        %parallel_loop3A_925 = arith.mulf %parallel_loop3A_921, %parallel_loop3A_924 : f32
        %parallel_loop3A_926 = arith.mulf %parallel_loop3A_923, %parallel_loop3A_923 : f32
        %parallel_loop3A_927 = arith.subf %parallel_loop3A_925, %parallel_loop3A_926 : f32
        %parallel_loop3A_928 = arith.constant 9.99999996E-13 : f32
        %parallel_loop3A_929 = arith.addf %parallel_loop3A_927, %parallel_loop3A_928 : f32
        %parallel_loop3A_930 = vector.broadcast %parallel_loop3A_929 : f32 to vector<16xf32>
        %parallel_loop3A_931 = tpu.bitcast %parallel_loop3A_930 : vector<16xf32> -> vector<16xi32>
        %parallel_loop3A_932 = arith.constant 1 : i32
        %parallel_loop3A_933 = vector.broadcast %parallel_loop3A_932 : i32 to vector<16xi32>
        %parallel_loop3A_934 = arith.shrui %parallel_loop3A_931, %parallel_loop3A_933 : vector<16xi32>
        %parallel_loop3A_935 = arith.constant 1597463007 : i32
        %parallel_loop3A_936 = vector.broadcast %parallel_loop3A_935 : i32 to vector<16xi32>
        %parallel_loop3A_937 = arith.subi %parallel_loop3A_936, %parallel_loop3A_934 : vector<16xi32>
        %parallel_loop3A_938 = tpu.bitcast %parallel_loop3A_937 : vector<16xi32> -> vector<16xf32>
        %parallel_loop3A_939 = arith.constant 5.000000e-01 : f32
        %parallel_loop3A_940 = vector.broadcast %parallel_loop3A_939 : f32 to vector<16xf32>
        %parallel_loop3A_941 = arith.mulf %parallel_loop3A_940, %parallel_loop3A_930 : vector<16xf32>
        %parallel_loop3A_942 = arith.mulf %parallel_loop3A_941, %parallel_loop3A_938 : vector<16xf32>
        %parallel_loop3A_943 = arith.mulf %parallel_loop3A_942, %parallel_loop3A_938 : vector<16xf32>
        %parallel_loop3A_944 = arith.constant 1.500000e+00 : f32
        %parallel_loop3A_945 = vector.broadcast %parallel_loop3A_944 : f32 to vector<16xf32>
        %parallel_loop3A_946 = arith.subf %parallel_loop3A_945, %parallel_loop3A_943 : vector<16xf32>
        %parallel_loop3A_947 = arith.mulf %parallel_loop3A_938, %parallel_loop3A_946 : vector<16xf32>
        %parallel_loop3A_948 = arith.constant 5.000000e-01 : f32
        %parallel_loop3A_949 = vector.broadcast %parallel_loop3A_948 : f32 to vector<16xf32>
        %parallel_loop3A_950 = arith.mulf %parallel_loop3A_949, %parallel_loop3A_930 : vector<16xf32>
        %parallel_loop3A_951 = arith.mulf %parallel_loop3A_950, %parallel_loop3A_947 : vector<16xf32>
        %parallel_loop3A_952 = arith.mulf %parallel_loop3A_951, %parallel_loop3A_947 : vector<16xf32>
        %parallel_loop3A_953 = arith.constant 1.500000e+00 : f32
        %parallel_loop3A_954 = vector.broadcast %parallel_loop3A_953 : f32 to vector<16xf32>
        %parallel_loop3A_955 = arith.subf %parallel_loop3A_954, %parallel_loop3A_952 : vector<16xf32>
        %parallel_loop3A_956 = arith.mulf %parallel_loop3A_947, %parallel_loop3A_955 : vector<16xf32>
        %parallel_loop3A_957 = vector.broadcast %parallel_loop3A_923 : f32 to vector<16xf32>
        %parallel_loop3A_958 = arith.subf %parallel_loop3A_842, %parallel_loop3A_957 : vector<16xf32>
        %parallel_loop3A_959 = arith.mulf %parallel_loop3A_958, %parallel_loop3A_956 : vector<16xf32>
        %parallel_loop3A_960 = arith.mulf %parallel_loop3A_959, %get3A_7 : vector<16xf32>
        %parallel_loop3A_961 = arith.addf %parallel_loop3A_960, %get3A_23 : vector<16xf32>
        %parallel_loop3A_962 = arith.index_cast %parallel_loop3A_827 : i32 to index
        %parallel_loop3A_963 = arith.constant 0 : index
        %parallel_loop3A_964 = tpu.vector_load %arg13[%parallel_loop3A_962, %parallel_loop3A_963] {strides = array<i32>} : memref<128x128xf32, #tpu.memory_space<vmem>>, vector<16xf32>,
        tpu.vector_store %arg13[%parallel_loop3A_962, %parallel_loop3A_963], %parallel_loop3A_961 {strides = array<i32>} : memref<128x128xf32, #tpu.memory_space<vmem>>, vector<16xf32>,
        %parallel_loop3A_965 = arith.subf %parallel_loop3A_849, %parallel_loop3A_957 : vector<16xf32>
        %parallel_loop3A_966 = arith.mulf %parallel_loop3A_965, %parallel_loop3A_956 : vector<16xf32>
        %parallel_loop3A_967 = arith.mulf %parallel_loop3A_966, %get3A_9 : vector<16xf32>
        %parallel_loop3A_968 = arith.addf %parallel_loop3A_967, %get3A_25 : vector<16xf32>
        %parallel_loop3A_969 = arith.index_cast %parallel_loop3A_827 : i32 to index
        %parallel_loop3A_970 = arith.constant 16 : index
        %parallel_loop3A_971 = tpu.vector_load %arg13[%parallel_loop3A_969, %parallel_loop3A_970] {strides = array<i32>} : memref<128x128xf32, #tpu.memory_space<vmem>>, vector<16xf32>,
        tpu.vector_store %arg13[%parallel_loop3A_969, %parallel_loop3A_970], %parallel_loop3A_968 {strides = array<i32>} : memref<128x128xf32, #tpu.memory_space<vmem>>, vector<16xf32>,
        %parallel_loop3A_972 = arith.subf %parallel_loop3A_856, %parallel_loop3A_957 : vector<16xf32>
        %parallel_loop3A_973 = arith.mulf %parallel_loop3A_972, %parallel_loop3A_956 : vector<16xf32>
        %parallel_loop3A_974 = arith.mulf %parallel_loop3A_973, %get3A_11 : vector<16xf32>
        %parallel_loop3A_975 = arith.addf %parallel_loop3A_974, %get3A_27 : vector<16xf32>
        %parallel_loop3A_976 = arith.index_cast %parallel_loop3A_827 : i32 to index
        %parallel_loop3A_977 = arith.constant 32 : index
        %parallel_loop3A_978 = tpu.vector_load %arg13[%parallel_loop3A_976, %parallel_loop3A_977] {strides = array<i32>} : memref<128x128xf32, #tpu.memory_space<vmem>>, vector<16xf32>,
        tpu.vector_store %arg13[%parallel_loop3A_976, %parallel_loop3A_977], %parallel_loop3A_975 {strides = array<i32>} : memref<128x128xf32, #tpu.memory_space<vmem>>, vector<16xf32>,
        %parallel_loop3A_979 = arith.subf %parallel_loop3A_863, %parallel_loop3A_957 : vector<16xf32>
        %parallel_loop3A_980 = arith.mulf %parallel_loop3A_979, %parallel_loop3A_956 : vector<16xf32>
        %parallel_loop3A_981 = arith.mulf %parallel_loop3A_980, %get3A_13 : vector<16xf32>
        %parallel_loop3A_982 = arith.addf %parallel_loop3A_981, %get3A_29 : vector<16xf32>
        %parallel_loop3A_983 = arith.index_cast %parallel_loop3A_827 : i32 to index
        %parallel_loop3A_984 = arith.constant 48 : index
        %parallel_loop3A_985 = tpu.vector_load %arg13[%parallel_loop3A_983, %parallel_loop3A_984] {strides = array<i32>} : memref<128x128xf32, #tpu.memory_space<vmem>>, vector<16xf32>,
        tpu.vector_store %arg13[%parallel_loop3A_983, %parallel_loop3A_984], %parallel_loop3A_982 {strides = array<i32>} : memref<128x128xf32, #tpu.memory_space<vmem>>, vector<16xf32>,
        %parallel_loop3A_986 = arith.subf %parallel_loop3A_870, %parallel_loop3A_957 : vector<16xf32>
        %parallel_loop3A_987 = arith.mulf %parallel_loop3A_986, %parallel_loop3A_956 : vector<16xf32>
        %parallel_loop3A_988 = arith.mulf %parallel_loop3A_987, %get3A_15 : vector<16xf32>
        %parallel_loop3A_989 = arith.addf %parallel_loop3A_988, %get3A_31 : vector<16xf32>
        %parallel_loop3A_990 = arith.index_cast %parallel_loop3A_827 : i32 to index
        %parallel_loop3A_991 = arith.constant 64 : index
        %parallel_loop3A_992 = tpu.vector_load %arg13[%parallel_loop3A_990, %parallel_loop3A_991] {strides = array<i32>} : memref<128x128xf32, #tpu.memory_space<vmem>>, vector<16xf32>,
        tpu.vector_store %arg13[%parallel_loop3A_990, %parallel_loop3A_991], %parallel_loop3A_989 {strides = array<i32>} : memref<128x128xf32, #tpu.memory_space<vmem>>, vector<16xf32>,
        %parallel_loop3A_993 = arith.subf %parallel_loop3A_877, %parallel_loop3A_957 : vector<16xf32>
        %parallel_loop3A_994 = arith.mulf %parallel_loop3A_993, %parallel_loop3A_956 : vector<16xf32>
        %parallel_loop3A_995 = arith.mulf %parallel_loop3A_994, %get3A_17 : vector<16xf32>
        %parallel_loop3A_996 = arith.addf %parallel_loop3A_995, %get3A_33 : vector<16xf32>
        %parallel_loop3A_997 = arith.index_cast %parallel_loop3A_827 : i32 to index
        %parallel_loop3A_998 = arith.constant 80 : index
        %parallel_loop3A_999 = tpu.vector_load %arg13[%parallel_loop3A_997, %parallel_loop3A_998] {strides = array<i32>} : memref<128x128xf32, #tpu.memory_space<vmem>>, vector<16xf32>,
        tpu.vector_store %arg13[%parallel_loop3A_997, %parallel_loop3A_998], %parallel_loop3A_996 {strides = array<i32>} : memref<128x128xf32, #tpu.memory_space<vmem>>, vector<16xf32>,
        %parallel_loop3A_1000 = arith.subf %parallel_loop3A_884, %parallel_loop3A_957 : vector<16xf32>
        %parallel_loop3A_1001 = arith.mulf %parallel_loop3A_1000, %parallel_loop3A_956 : vector<16xf32>
        %parallel_loop3A_1002 = arith.mulf %parallel_loop3A_1001, %get3A_19 : vector<16xf32>
        %parallel_loop3A_1003 = arith.addf %parallel_loop3A_1002, %get3A_35 : vector<16xf32>
        %parallel_loop3A_1004 = arith.index_cast %parallel_loop3A_827 : i32 to index
        %parallel_loop3A_1005 = arith.constant 96 : index
        %parallel_loop3A_1006 = tpu.vector_load %arg13[%parallel_loop3A_1004, %parallel_loop3A_1005] {strides = array<i32>} : memref<128x128xf32, #tpu.memory_space<vmem>>, vector<16xf32>,
        tpu.vector_store %arg13[%parallel_loop3A_1004, %parallel_loop3A_1005], %parallel_loop3A_1003 {strides = array<i32>} : memref<128x128xf32, #tpu.memory_space<vmem>>, vector<16xf32>,
        %parallel_loop3A_1007 = arith.subf %parallel_loop3A_891, %parallel_loop3A_957 : vector<16xf32>
        %parallel_loop3A_1008 = arith.mulf %parallel_loop3A_1007, %parallel_loop3A_956 : vector<16xf32>
        %parallel_loop3A_1009 = arith.mulf %parallel_loop3A_1008, %get3A_21 : vector<16xf32>
        %parallel_loop3A_1010 = arith.addf %parallel_loop3A_1009, %get3A_37 : vector<16xf32>
        %parallel_loop3A_1011 = arith.index_cast %parallel_loop3A_827 : i32 to index
        %parallel_loop3A_1012 = arith.constant 112 : index
        %parallel_loop3A_1013 = tpu.vector_load %arg13[%parallel_loop3A_1011, %parallel_loop3A_1012] {strides = array<i32>} : memref<128x128xf32, #tpu.memory_space<vmem>>, vector<16xf32>,
        tpu.vector_store %arg13[%parallel_loop3A_1011, %parallel_loop3A_1012], %parallel_loop3A_1010 {strides = array<i32>} : memref<128x128xf32, #tpu.memory_space<vmem>>, vector<16xf32>,
        %parallel_loop3A_1014 = arith.constant 16 : i32
        %parallel_loop3A_1015 = arith.muli %parallel_loop3A_59, %parallel_loop3A_1014 : i32
        %parallel_loop3A_1016 = arith.constant 5 : i32
        %parallel_loop3A_1017 = arith.addi %parallel_loop3A_1015, %parallel_loop3A_1016 : i32
        %parallel_loop3A_1018 = arith.addi %add3A_51, %parallel_loop3A_1017 : i32
        %parallel_loop3A_1019 = arith.constant 200 : i32
        %parallel_loop3A_1020 = arith.remsi %parallel_loop3A_1018, %parallel_loop3A_1019 : i32
        %parallel_loop3A_1021 = arith.constant 2 : i32
        %parallel_loop3A_1022 = arith.muli %parallel_loop3A_1020, %parallel_loop3A_1021 : i32
        %parallel_loop3A_1023 = vector.extract_strided_slice %parallel_loop3A_63 {offsets = [5], sizes = [1], strides = [1]} : vector<16xi32> to vector<1xi32>
        %parallel_loop3A_1024 = vector.extract %parallel_loop3A_1023[0] : i32 from vector<1xi32>
        %parallel_loop3A_1025 = arith.addi %parallel_loop3A_1022, %parallel_loop3A_1024 : i32
        %parallel_loop3A_1026 = arith.index_cast %parallel_loop3A_1017 : i32 to index
        %parallel_loop3A_1027 = arith.constant 0 : index
        %parallel_loop3A_1028 = tpu.vector_load %arg12[%parallel_loop3A_1026, %parallel_loop3A_1027] {strides = array<i32>} : memref<128x128xf32, #tpu.memory_space<vmem>>, vector<16xf32>,
        %parallel_loop3A_1029 = arith.index_cast %parallel_loop3A_1025 : i32 to index
        %parallel_loop3A_1030 = arith.constant 0 : index
        %parallel_loop3A_1031 = tpu.vector_load %arg14[%parallel_loop3A_1029, %parallel_loop3A_1030] {strides = array<i32>} : memref<400x128xf32, #tpu.memory_space<vmem>>, vector<16xf32>,
        %parallel_loop3A_1032 = arith.addf %parallel_loop3A_1028, %parallel_loop3A_1031 : vector<16xf32>
        %parallel_loop3A_1033 = arith.index_cast %parallel_loop3A_1017 : i32 to index
        %parallel_loop3A_1034 = arith.constant 16 : index
        %parallel_loop3A_1035 = tpu.vector_load %arg12[%parallel_loop3A_1033, %parallel_loop3A_1034] {strides = array<i32>} : memref<128x128xf32, #tpu.memory_space<vmem>>, vector<16xf32>,
        %parallel_loop3A_1036 = arith.index_cast %parallel_loop3A_1025 : i32 to index
        %parallel_loop3A_1037 = arith.constant 16 : index
        %parallel_loop3A_1038 = tpu.vector_load %arg14[%parallel_loop3A_1036, %parallel_loop3A_1037] {strides = array<i32>} : memref<400x128xf32, #tpu.memory_space<vmem>>, vector<16xf32>,
        %parallel_loop3A_1039 = arith.addf %parallel_loop3A_1035, %parallel_loop3A_1038 : vector<16xf32>
        %parallel_loop3A_1040 = arith.index_cast %parallel_loop3A_1017 : i32 to index
        %parallel_loop3A_1041 = arith.constant 32 : index
        %parallel_loop3A_1042 = tpu.vector_load %arg12[%parallel_loop3A_1040, %parallel_loop3A_1041] {strides = array<i32>} : memref<128x128xf32, #tpu.memory_space<vmem>>, vector<16xf32>,
        %parallel_loop3A_1043 = arith.index_cast %parallel_loop3A_1025 : i32 to index
        %parallel_loop3A_1044 = arith.constant 32 : index
        %parallel_loop3A_1045 = tpu.vector_load %arg14[%parallel_loop3A_1043, %parallel_loop3A_1044] {strides = array<i32>} : memref<400x128xf32, #tpu.memory_space<vmem>>, vector<16xf32>,
        %parallel_loop3A_1046 = arith.addf %parallel_loop3A_1042, %parallel_loop3A_1045 : vector<16xf32>
        %parallel_loop3A_1047 = arith.index_cast %parallel_loop3A_1017 : i32 to index
        %parallel_loop3A_1048 = arith.constant 48 : index
        %parallel_loop3A_1049 = tpu.vector_load %arg12[%parallel_loop3A_1047, %parallel_loop3A_1048] {strides = array<i32>} : memref<128x128xf32, #tpu.memory_space<vmem>>, vector<16xf32>,
        %parallel_loop3A_1050 = arith.index_cast %parallel_loop3A_1025 : i32 to index
        %parallel_loop3A_1051 = arith.constant 48 : index
        %parallel_loop3A_1052 = tpu.vector_load %arg14[%parallel_loop3A_1050, %parallel_loop3A_1051] {strides = array<i32>} : memref<400x128xf32, #tpu.memory_space<vmem>>, vector<16xf32>,
        %parallel_loop3A_1053 = arith.addf %parallel_loop3A_1049, %parallel_loop3A_1052 : vector<16xf32>
        %parallel_loop3A_1054 = arith.index_cast %parallel_loop3A_1017 : i32 to index
        %parallel_loop3A_1055 = arith.constant 64 : index
        %parallel_loop3A_1056 = tpu.vector_load %arg12[%parallel_loop3A_1054, %parallel_loop3A_1055] {strides = array<i32>} : memref<128x128xf32, #tpu.memory_space<vmem>>, vector<16xf32>,
        %parallel_loop3A_1057 = arith.index_cast %parallel_loop3A_1025 : i32 to index
        %parallel_loop3A_1058 = arith.constant 64 : index
        %parallel_loop3A_1059 = tpu.vector_load %arg14[%parallel_loop3A_1057, %parallel_loop3A_1058] {strides = array<i32>} : memref<400x128xf32, #tpu.memory_space<vmem>>, vector<16xf32>,
        %parallel_loop3A_1060 = arith.addf %parallel_loop3A_1056, %parallel_loop3A_1059 : vector<16xf32>
        %parallel_loop3A_1061 = arith.index_cast %parallel_loop3A_1017 : i32 to index
        %parallel_loop3A_1062 = arith.constant 80 : index
        %parallel_loop3A_1063 = tpu.vector_load %arg12[%parallel_loop3A_1061, %parallel_loop3A_1062] {strides = array<i32>} : memref<128x128xf32, #tpu.memory_space<vmem>>, vector<16xf32>,
        %parallel_loop3A_1064 = arith.index_cast %parallel_loop3A_1025 : i32 to index
        %parallel_loop3A_1065 = arith.constant 80 : index
        %parallel_loop3A_1066 = tpu.vector_load %arg14[%parallel_loop3A_1064, %parallel_loop3A_1065] {strides = array<i32>} : memref<400x128xf32, #tpu.memory_space<vmem>>, vector<16xf32>,
        %parallel_loop3A_1067 = arith.addf %parallel_loop3A_1063, %parallel_loop3A_1066 : vector<16xf32>
        %parallel_loop3A_1068 = arith.index_cast %parallel_loop3A_1017 : i32 to index
        %parallel_loop3A_1069 = arith.constant 96 : index
        %parallel_loop3A_1070 = tpu.vector_load %arg12[%parallel_loop3A_1068, %parallel_loop3A_1069] {strides = array<i32>} : memref<128x128xf32, #tpu.memory_space<vmem>>, vector<16xf32>,
        %parallel_loop3A_1071 = arith.index_cast %parallel_loop3A_1025 : i32 to index
        %parallel_loop3A_1072 = arith.constant 96 : index
        %parallel_loop3A_1073 = tpu.vector_load %arg14[%parallel_loop3A_1071, %parallel_loop3A_1072] {strides = array<i32>} : memref<400x128xf32, #tpu.memory_space<vmem>>, vector<16xf32>,
        %parallel_loop3A_1074 = arith.addf %parallel_loop3A_1070, %parallel_loop3A_1073 : vector<16xf32>
        %parallel_loop3A_1075 = arith.index_cast %parallel_loop3A_1017 : i32 to index
        %parallel_loop3A_1076 = arith.constant 112 : index
        %parallel_loop3A_1077 = tpu.vector_load %arg12[%parallel_loop3A_1075, %parallel_loop3A_1076] {strides = array<i32>} : memref<128x128xf32, #tpu.memory_space<vmem>>, vector<16xf32>,
        %parallel_loop3A_1078 = arith.index_cast %parallel_loop3A_1025 : i32 to index
        %parallel_loop3A_1079 = arith.constant 112 : index
        %parallel_loop3A_1080 = tpu.vector_load %arg14[%parallel_loop3A_1078, %parallel_loop3A_1079] {strides = array<i32>} : memref<400x128xf32, #tpu.memory_space<vmem>>, vector<16xf32>,
        %parallel_loop3A_1081 = arith.addf %parallel_loop3A_1077, %parallel_loop3A_1080 : vector<16xf32>
        %parallel_loop3A_1082 = arith.addf %parallel_loop3A_1032, %parallel_loop3A_1039 : vector<16xf32>
        %parallel_loop3A_1083 = arith.addf %parallel_loop3A_1082, %parallel_loop3A_1046 : vector<16xf32>
        %parallel_loop3A_1084 = arith.addf %parallel_loop3A_1083, %parallel_loop3A_1053 : vector<16xf32>
        %parallel_loop3A_1085 = arith.addf %parallel_loop3A_1084, %parallel_loop3A_1060 : vector<16xf32>
        %parallel_loop3A_1086 = arith.addf %parallel_loop3A_1085, %parallel_loop3A_1067 : vector<16xf32>
        %parallel_loop3A_1087 = arith.addf %parallel_loop3A_1086, %parallel_loop3A_1074 : vector<16xf32>
        %parallel_loop3A_1088 = arith.addf %parallel_loop3A_1087, %parallel_loop3A_1081 : vector<16xf32>
        %parallel_loop3A_1089 = arith.mulf %parallel_loop3A_1032, %parallel_loop3A_1032 : vector<16xf32>
        %parallel_loop3A_1090 = arith.mulf %parallel_loop3A_1039, %parallel_loop3A_1039 : vector<16xf32>
        %parallel_loop3A_1091 = arith.mulf %parallel_loop3A_1046, %parallel_loop3A_1046 : vector<16xf32>
        %parallel_loop3A_1092 = arith.mulf %parallel_loop3A_1053, %parallel_loop3A_1053 : vector<16xf32>
        %parallel_loop3A_1093 = arith.mulf %parallel_loop3A_1060, %parallel_loop3A_1060 : vector<16xf32>
        %parallel_loop3A_1094 = arith.mulf %parallel_loop3A_1067, %parallel_loop3A_1067 : vector<16xf32>
        %parallel_loop3A_1095 = arith.mulf %parallel_loop3A_1074, %parallel_loop3A_1074 : vector<16xf32>
        %parallel_loop3A_1096 = arith.mulf %parallel_loop3A_1081, %parallel_loop3A_1081 : vector<16xf32>
        %parallel_loop3A_1097 = arith.addf %parallel_loop3A_1089, %parallel_loop3A_1090 : vector<16xf32>
        %parallel_loop3A_1098 = arith.addf %parallel_loop3A_1097, %parallel_loop3A_1091 : vector<16xf32>
        %parallel_loop3A_1099 = arith.addf %parallel_loop3A_1098, %parallel_loop3A_1092 : vector<16xf32>
        %parallel_loop3A_1100 = arith.addf %parallel_loop3A_1099, %parallel_loop3A_1093 : vector<16xf32>
        %parallel_loop3A_1101 = arith.addf %parallel_loop3A_1100, %parallel_loop3A_1094 : vector<16xf32>
        %parallel_loop3A_1102 = arith.addf %parallel_loop3A_1101, %parallel_loop3A_1095 : vector<16xf32>
        %parallel_loop3A_1103 = arith.addf %parallel_loop3A_1102, %parallel_loop3A_1096 : vector<16xf32>
        %parallel_loop3A_1104 = arith.constant true
        %parallel_loop3A_1105 = vector.broadcast %parallel_loop3A_1104 : i1 to vector<16xi1>
        %parallel_loop3A_1106 = tpu.scan <sum>, %parallel_loop3A_1088 masked %parallel_loop3A_1105 : vector<16xf32>, vector<16xi1> -> vector<16xf32>
        %parallel_loop3A_1107 = vector.extract %parallel_loop3A_1106[15] : f32 from vector<16xf32>
        %parallel_loop3A_1108 = arith.constant true
        %parallel_loop3A_1109 = vector.broadcast %parallel_loop3A_1108 : i1 to vector<16xi1>
        %parallel_loop3A_1110 = tpu.scan <sum>, %parallel_loop3A_1103 masked %parallel_loop3A_1109 : vector<16xf32>, vector<16xi1> -> vector<16xf32>
        %parallel_loop3A_1111 = vector.extract %parallel_loop3A_1110[15] : f32 from vector<16xf32>
        %parallel_loop3A_1112 = arith.constant 7.812500e-03 : f32
        %parallel_loop3A_1113 = arith.mulf %parallel_loop3A_1107, %parallel_loop3A_1112 : f32
        %parallel_loop3A_1114 = arith.constant 7.812500e-03 : f32
        %parallel_loop3A_1115 = arith.mulf %parallel_loop3A_1111, %parallel_loop3A_1114 : f32
        %parallel_loop3A_1116 = arith.mulf %parallel_loop3A_1113, %parallel_loop3A_1113 : f32
        %parallel_loop3A_1117 = arith.subf %parallel_loop3A_1115, %parallel_loop3A_1116 : f32
        %parallel_loop3A_1118 = arith.constant 9.99999996E-13 : f32
        %parallel_loop3A_1119 = arith.addf %parallel_loop3A_1117, %parallel_loop3A_1118 : f32
        %parallel_loop3A_1120 = vector.broadcast %parallel_loop3A_1119 : f32 to vector<16xf32>
        %parallel_loop3A_1121 = tpu.bitcast %parallel_loop3A_1120 : vector<16xf32> -> vector<16xi32>
        %parallel_loop3A_1122 = arith.constant 1 : i32
        %parallel_loop3A_1123 = vector.broadcast %parallel_loop3A_1122 : i32 to vector<16xi32>
        %parallel_loop3A_1124 = arith.shrui %parallel_loop3A_1121, %parallel_loop3A_1123 : vector<16xi32>
        %parallel_loop3A_1125 = arith.constant 1597463007 : i32
        %parallel_loop3A_1126 = vector.broadcast %parallel_loop3A_1125 : i32 to vector<16xi32>
        %parallel_loop3A_1127 = arith.subi %parallel_loop3A_1126, %parallel_loop3A_1124 : vector<16xi32>
        %parallel_loop3A_1128 = tpu.bitcast %parallel_loop3A_1127 : vector<16xi32> -> vector<16xf32>
        %parallel_loop3A_1129 = arith.constant 5.000000e-01 : f32
        %parallel_loop3A_1130 = vector.broadcast %parallel_loop3A_1129 : f32 to vector<16xf32>
        %parallel_loop3A_1131 = arith.mulf %parallel_loop3A_1130, %parallel_loop3A_1120 : vector<16xf32>
        %parallel_loop3A_1132 = arith.mulf %parallel_loop3A_1131, %parallel_loop3A_1128 : vector<16xf32>
        %parallel_loop3A_1133 = arith.mulf %parallel_loop3A_1132, %parallel_loop3A_1128 : vector<16xf32>
        %parallel_loop3A_1134 = arith.constant 1.500000e+00 : f32
        %parallel_loop3A_1135 = vector.broadcast %parallel_loop3A_1134 : f32 to vector<16xf32>
        %parallel_loop3A_1136 = arith.subf %parallel_loop3A_1135, %parallel_loop3A_1133 : vector<16xf32>
        %parallel_loop3A_1137 = arith.mulf %parallel_loop3A_1128, %parallel_loop3A_1136 : vector<16xf32>
        %parallel_loop3A_1138 = arith.constant 5.000000e-01 : f32
        %parallel_loop3A_1139 = vector.broadcast %parallel_loop3A_1138 : f32 to vector<16xf32>
        %parallel_loop3A_1140 = arith.mulf %parallel_loop3A_1139, %parallel_loop3A_1120 : vector<16xf32>
        %parallel_loop3A_1141 = arith.mulf %parallel_loop3A_1140, %parallel_loop3A_1137 : vector<16xf32>
        %parallel_loop3A_1142 = arith.mulf %parallel_loop3A_1141, %parallel_loop3A_1137 : vector<16xf32>
        %parallel_loop3A_1143 = arith.constant 1.500000e+00 : f32
        %parallel_loop3A_1144 = vector.broadcast %parallel_loop3A_1143 : f32 to vector<16xf32>
        %parallel_loop3A_1145 = arith.subf %parallel_loop3A_1144, %parallel_loop3A_1142 : vector<16xf32>
        %parallel_loop3A_1146 = arith.mulf %parallel_loop3A_1137, %parallel_loop3A_1145 : vector<16xf32>
        %parallel_loop3A_1147 = vector.broadcast %parallel_loop3A_1113 : f32 to vector<16xf32>
        %parallel_loop3A_1148 = arith.subf %parallel_loop3A_1032, %parallel_loop3A_1147 : vector<16xf32>
        %parallel_loop3A_1149 = arith.mulf %parallel_loop3A_1148, %parallel_loop3A_1146 : vector<16xf32>
        %parallel_loop3A_1150 = arith.mulf %parallel_loop3A_1149, %get3A_7 : vector<16xf32>
        %parallel_loop3A_1151 = arith.addf %parallel_loop3A_1150, %get3A_23 : vector<16xf32>
        %parallel_loop3A_1152 = arith.index_cast %parallel_loop3A_1017 : i32 to index
        %parallel_loop3A_1153 = arith.constant 0 : index
        %parallel_loop3A_1154 = tpu.vector_load %arg13[%parallel_loop3A_1152, %parallel_loop3A_1153] {strides = array<i32>} : memref<128x128xf32, #tpu.memory_space<vmem>>, vector<16xf32>,
        tpu.vector_store %arg13[%parallel_loop3A_1152, %parallel_loop3A_1153], %parallel_loop3A_1151 {strides = array<i32>} : memref<128x128xf32, #tpu.memory_space<vmem>>, vector<16xf32>,
        %parallel_loop3A_1155 = arith.subf %parallel_loop3A_1039, %parallel_loop3A_1147 : vector<16xf32>
        %parallel_loop3A_1156 = arith.mulf %parallel_loop3A_1155, %parallel_loop3A_1146 : vector<16xf32>
        %parallel_loop3A_1157 = arith.mulf %parallel_loop3A_1156, %get3A_9 : vector<16xf32>
        %parallel_loop3A_1158 = arith.addf %parallel_loop3A_1157, %get3A_25 : vector<16xf32>
        %parallel_loop3A_1159 = arith.index_cast %parallel_loop3A_1017 : i32 to index
        %parallel_loop3A_1160 = arith.constant 16 : index
        %parallel_loop3A_1161 = tpu.vector_load %arg13[%parallel_loop3A_1159, %parallel_loop3A_1160] {strides = array<i32>} : memref<128x128xf32, #tpu.memory_space<vmem>>, vector<16xf32>,
        tpu.vector_store %arg13[%parallel_loop3A_1159, %parallel_loop3A_1160], %parallel_loop3A_1158 {strides = array<i32>} : memref<128x128xf32, #tpu.memory_space<vmem>>, vector<16xf32>,
        %parallel_loop3A_1162 = arith.subf %parallel_loop3A_1046, %parallel_loop3A_1147 : vector<16xf32>
        %parallel_loop3A_1163 = arith.mulf %parallel_loop3A_1162, %parallel_loop3A_1146 : vector<16xf32>
        %parallel_loop3A_1164 = arith.mulf %parallel_loop3A_1163, %get3A_11 : vector<16xf32>
        %parallel_loop3A_1165 = arith.addf %parallel_loop3A_1164, %get3A_27 : vector<16xf32>
        %parallel_loop3A_1166 = arith.index_cast %parallel_loop3A_1017 : i32 to index
        %parallel_loop3A_1167 = arith.constant 32 : index
        %parallel_loop3A_1168 = tpu.vector_load %arg13[%parallel_loop3A_1166, %parallel_loop3A_1167] {strides = array<i32>} : memref<128x128xf32, #tpu.memory_space<vmem>>, vector<16xf32>,
        tpu.vector_store %arg13[%parallel_loop3A_1166, %parallel_loop3A_1167], %parallel_loop3A_1165 {strides = array<i32>} : memref<128x128xf32, #tpu.memory_space<vmem>>, vector<16xf32>,
        %parallel_loop3A_1169 = arith.subf %parallel_loop3A_1053, %parallel_loop3A_1147 : vector<16xf32>
        %parallel_loop3A_1170 = arith.mulf %parallel_loop3A_1169, %parallel_loop3A_1146 : vector<16xf32>
        %parallel_loop3A_1171 = arith.mulf %parallel_loop3A_1170, %get3A_13 : vector<16xf32>
        %parallel_loop3A_1172 = arith.addf %parallel_loop3A_1171, %get3A_29 : vector<16xf32>
        %parallel_loop3A_1173 = arith.index_cast %parallel_loop3A_1017 : i32 to index
        %parallel_loop3A_1174 = arith.constant 48 : index
        %parallel_loop3A_1175 = tpu.vector_load %arg13[%parallel_loop3A_1173, %parallel_loop3A_1174] {strides = array<i32>} : memref<128x128xf32, #tpu.memory_space<vmem>>, vector<16xf32>,
        tpu.vector_store %arg13[%parallel_loop3A_1173, %parallel_loop3A_1174], %parallel_loop3A_1172 {strides = array<i32>} : memref<128x128xf32, #tpu.memory_space<vmem>>, vector<16xf32>,
        %parallel_loop3A_1176 = arith.subf %parallel_loop3A_1060, %parallel_loop3A_1147 : vector<16xf32>
        %parallel_loop3A_1177 = arith.mulf %parallel_loop3A_1176, %parallel_loop3A_1146 : vector<16xf32>
        %parallel_loop3A_1178 = arith.mulf %parallel_loop3A_1177, %get3A_15 : vector<16xf32>
        %parallel_loop3A_1179 = arith.addf %parallel_loop3A_1178, %get3A_31 : vector<16xf32>
        %parallel_loop3A_1180 = arith.index_cast %parallel_loop3A_1017 : i32 to index
        %parallel_loop3A_1181 = arith.constant 64 : index
        %parallel_loop3A_1182 = tpu.vector_load %arg13[%parallel_loop3A_1180, %parallel_loop3A_1181] {strides = array<i32>} : memref<128x128xf32, #tpu.memory_space<vmem>>, vector<16xf32>,
        tpu.vector_store %arg13[%parallel_loop3A_1180, %parallel_loop3A_1181], %parallel_loop3A_1179 {strides = array<i32>} : memref<128x128xf32, #tpu.memory_space<vmem>>, vector<16xf32>,
        %parallel_loop3A_1183 = arith.subf %parallel_loop3A_1067, %parallel_loop3A_1147 : vector<16xf32>
        %parallel_loop3A_1184 = arith.mulf %parallel_loop3A_1183, %parallel_loop3A_1146 : vector<16xf32>
        %parallel_loop3A_1185 = arith.mulf %parallel_loop3A_1184, %get3A_17 : vector<16xf32>
        %parallel_loop3A_1186 = arith.addf %parallel_loop3A_1185, %get3A_33 : vector<16xf32>
        %parallel_loop3A_1187 = arith.index_cast %parallel_loop3A_1017 : i32 to index
        %parallel_loop3A_1188 = arith.constant 80 : index
        %parallel_loop3A_1189 = tpu.vector_load %arg13[%parallel_loop3A_1187, %parallel_loop3A_1188] {strides = array<i32>} : memref<128x128xf32, #tpu.memory_space<vmem>>, vector<16xf32>,
        tpu.vector_store %arg13[%parallel_loop3A_1187, %parallel_loop3A_1188], %parallel_loop3A_1186 {strides = array<i32>} : memref<128x128xf32, #tpu.memory_space<vmem>>, vector<16xf32>,
        %parallel_loop3A_1190 = arith.subf %parallel_loop3A_1074, %parallel_loop3A_1147 : vector<16xf32>
        %parallel_loop3A_1191 = arith.mulf %parallel_loop3A_1190, %parallel_loop3A_1146 : vector<16xf32>
        %parallel_loop3A_1192 = arith.mulf %parallel_loop3A_1191, %get3A_19 : vector<16xf32>
        %parallel_loop3A_1193 = arith.addf %parallel_loop3A_1192, %get3A_35 : vector<16xf32>
        %parallel_loop3A_1194 = arith.index_cast %parallel_loop3A_1017 : i32 to index
        %parallel_loop3A_1195 = arith.constant 96 : index
        %parallel_loop3A_1196 = tpu.vector_load %arg13[%parallel_loop3A_1194, %parallel_loop3A_1195] {strides = array<i32>} : memref<128x128xf32, #tpu.memory_space<vmem>>, vector<16xf32>,
        tpu.vector_store %arg13[%parallel_loop3A_1194, %parallel_loop3A_1195], %parallel_loop3A_1193 {strides = array<i32>} : memref<128x128xf32, #tpu.memory_space<vmem>>, vector<16xf32>,
        %parallel_loop3A_1197 = arith.subf %parallel_loop3A_1081, %parallel_loop3A_1147 : vector<16xf32>
        %parallel_loop3A_1198 = arith.mulf %parallel_loop3A_1197, %parallel_loop3A_1146 : vector<16xf32>
        %parallel_loop3A_1199 = arith.mulf %parallel_loop3A_1198, %get3A_21 : vector<16xf32>
        %parallel_loop3A_1200 = arith.addf %parallel_loop3A_1199, %get3A_37 : vector<16xf32>
        %parallel_loop3A_1201 = arith.index_cast %parallel_loop3A_1017 : i32 to index
        %parallel_loop3A_1202 = arith.constant 112 : index
        %parallel_loop3A_1203 = tpu.vector_load %arg13[%parallel_loop3A_1201, %parallel_loop3A_1202] {strides = array<i32>} : memref<128x128xf32, #tpu.memory_space<vmem>>, vector<16xf32>,
        tpu.vector_store %arg13[%parallel_loop3A_1201, %parallel_loop3A_1202], %parallel_loop3A_1200 {strides = array<i32>} : memref<128x128xf32, #tpu.memory_space<vmem>>, vector<16xf32>,
        %parallel_loop3A_1204 = arith.constant 16 : i32
        %parallel_loop3A_1205 = arith.muli %parallel_loop3A_59, %parallel_loop3A_1204 : i32
        %parallel_loop3A_1206 = arith.constant 6 : i32
        %parallel_loop3A_1207 = arith.addi %parallel_loop3A_1205, %parallel_loop3A_1206 : i32
        %parallel_loop3A_1208 = arith.addi %add3A_51, %parallel_loop3A_1207 : i32
        %parallel_loop3A_1209 = arith.constant 200 : i32
        %parallel_loop3A_1210 = arith.remsi %parallel_loop3A_1208, %parallel_loop3A_1209 : i32
        %parallel_loop3A_1211 = arith.constant 2 : i32
        %parallel_loop3A_1212 = arith.muli %parallel_loop3A_1210, %parallel_loop3A_1211 : i32
        %parallel_loop3A_1213 = vector.extract_strided_slice %parallel_loop3A_63 {offsets = [6], sizes = [1], strides = [1]} : vector<16xi32> to vector<1xi32>
        %parallel_loop3A_1214 = vector.extract %parallel_loop3A_1213[0] : i32 from vector<1xi32>
        %parallel_loop3A_1215 = arith.addi %parallel_loop3A_1212, %parallel_loop3A_1214 : i32
        %parallel_loop3A_1216 = arith.index_cast %parallel_loop3A_1207 : i32 to index
        %parallel_loop3A_1217 = arith.constant 0 : index
        %parallel_loop3A_1218 = tpu.vector_load %arg12[%parallel_loop3A_1216, %parallel_loop3A_1217] {strides = array<i32>} : memref<128x128xf32, #tpu.memory_space<vmem>>, vector<16xf32>,
        %parallel_loop3A_1219 = arith.index_cast %parallel_loop3A_1215 : i32 to index
        %parallel_loop3A_1220 = arith.constant 0 : index
        %parallel_loop3A_1221 = tpu.vector_load %arg14[%parallel_loop3A_1219, %parallel_loop3A_1220] {strides = array<i32>} : memref<400x128xf32, #tpu.memory_space<vmem>>, vector<16xf32>,
        %parallel_loop3A_1222 = arith.addf %parallel_loop3A_1218, %parallel_loop3A_1221 : vector<16xf32>
        %parallel_loop3A_1223 = arith.index_cast %parallel_loop3A_1207 : i32 to index
        %parallel_loop3A_1224 = arith.constant 16 : index
        %parallel_loop3A_1225 = tpu.vector_load %arg12[%parallel_loop3A_1223, %parallel_loop3A_1224] {strides = array<i32>} : memref<128x128xf32, #tpu.memory_space<vmem>>, vector<16xf32>,
        %parallel_loop3A_1226 = arith.index_cast %parallel_loop3A_1215 : i32 to index
        %parallel_loop3A_1227 = arith.constant 16 : index
        %parallel_loop3A_1228 = tpu.vector_load %arg14[%parallel_loop3A_1226, %parallel_loop3A_1227] {strides = array<i32>} : memref<400x128xf32, #tpu.memory_space<vmem>>, vector<16xf32>,
        %parallel_loop3A_1229 = arith.addf %parallel_loop3A_1225, %parallel_loop3A_1228 : vector<16xf32>
        %parallel_loop3A_1230 = arith.index_cast %parallel_loop3A_1207 : i32 to index
        %parallel_loop3A_1231 = arith.constant 32 : index
        %parallel_loop3A_1232 = tpu.vector_load %arg12[%parallel_loop3A_1230, %parallel_loop3A_1231] {strides = array<i32>} : memref<128x128xf32, #tpu.memory_space<vmem>>, vector<16xf32>,
        %parallel_loop3A_1233 = arith.index_cast %parallel_loop3A_1215 : i32 to index
        %parallel_loop3A_1234 = arith.constant 32 : index
        %parallel_loop3A_1235 = tpu.vector_load %arg14[%parallel_loop3A_1233, %parallel_loop3A_1234] {strides = array<i32>} : memref<400x128xf32, #tpu.memory_space<vmem>>, vector<16xf32>,
        %parallel_loop3A_1236 = arith.addf %parallel_loop3A_1232, %parallel_loop3A_1235 : vector<16xf32>
        %parallel_loop3A_1237 = arith.index_cast %parallel_loop3A_1207 : i32 to index
        %parallel_loop3A_1238 = arith.constant 48 : index
        %parallel_loop3A_1239 = tpu.vector_load %arg12[%parallel_loop3A_1237, %parallel_loop3A_1238] {strides = array<i32>} : memref<128x128xf32, #tpu.memory_space<vmem>>, vector<16xf32>,
        %parallel_loop3A_1240 = arith.index_cast %parallel_loop3A_1215 : i32 to index
        %parallel_loop3A_1241 = arith.constant 48 : index
        %parallel_loop3A_1242 = tpu.vector_load %arg14[%parallel_loop3A_1240, %parallel_loop3A_1241] {strides = array<i32>} : memref<400x128xf32, #tpu.memory_space<vmem>>, vector<16xf32>,
        %parallel_loop3A_1243 = arith.addf %parallel_loop3A_1239, %parallel_loop3A_1242 : vector<16xf32>
        %parallel_loop3A_1244 = arith.index_cast %parallel_loop3A_1207 : i32 to index
        %parallel_loop3A_1245 = arith.constant 64 : index
        %parallel_loop3A_1246 = tpu.vector_load %arg12[%parallel_loop3A_1244, %parallel_loop3A_1245] {strides = array<i32>} : memref<128x128xf32, #tpu.memory_space<vmem>>, vector<16xf32>,
        %parallel_loop3A_1247 = arith.index_cast %parallel_loop3A_1215 : i32 to index
        %parallel_loop3A_1248 = arith.constant 64 : index
        %parallel_loop3A_1249 = tpu.vector_load %arg14[%parallel_loop3A_1247, %parallel_loop3A_1248] {strides = array<i32>} : memref<400x128xf32, #tpu.memory_space<vmem>>, vector<16xf32>,
        %parallel_loop3A_1250 = arith.addf %parallel_loop3A_1246, %parallel_loop3A_1249 : vector<16xf32>
        %parallel_loop3A_1251 = arith.index_cast %parallel_loop3A_1207 : i32 to index
        %parallel_loop3A_1252 = arith.constant 80 : index
        %parallel_loop3A_1253 = tpu.vector_load %arg12[%parallel_loop3A_1251, %parallel_loop3A_1252] {strides = array<i32>} : memref<128x128xf32, #tpu.memory_space<vmem>>, vector<16xf32>,
        %parallel_loop3A_1254 = arith.index_cast %parallel_loop3A_1215 : i32 to index
        %parallel_loop3A_1255 = arith.constant 80 : index
        %parallel_loop3A_1256 = tpu.vector_load %arg14[%parallel_loop3A_1254, %parallel_loop3A_1255] {strides = array<i32>} : memref<400x128xf32, #tpu.memory_space<vmem>>, vector<16xf32>,
        %parallel_loop3A_1257 = arith.addf %parallel_loop3A_1253, %parallel_loop3A_1256 : vector<16xf32>
        %parallel_loop3A_1258 = arith.index_cast %parallel_loop3A_1207 : i32 to index
        %parallel_loop3A_1259 = arith.constant 96 : index
        %parallel_loop3A_1260 = tpu.vector_load %arg12[%parallel_loop3A_1258, %parallel_loop3A_1259] {strides = array<i32>} : memref<128x128xf32, #tpu.memory_space<vmem>>, vector<16xf32>,
        %parallel_loop3A_1261 = arith.index_cast %parallel_loop3A_1215 : i32 to index
        %parallel_loop3A_1262 = arith.constant 96 : index
        %parallel_loop3A_1263 = tpu.vector_load %arg14[%parallel_loop3A_1261, %parallel_loop3A_1262] {strides = array<i32>} : memref<400x128xf32, #tpu.memory_space<vmem>>, vector<16xf32>,
        %parallel_loop3A_1264 = arith.addf %parallel_loop3A_1260, %parallel_loop3A_1263 : vector<16xf32>
        %parallel_loop3A_1265 = arith.index_cast %parallel_loop3A_1207 : i32 to index
        %parallel_loop3A_1266 = arith.constant 112 : index
        %parallel_loop3A_1267 = tpu.vector_load %arg12[%parallel_loop3A_1265, %parallel_loop3A_1266] {strides = array<i32>} : memref<128x128xf32, #tpu.memory_space<vmem>>, vector<16xf32>,
        %parallel_loop3A_1268 = arith.index_cast %parallel_loop3A_1215 : i32 to index
        %parallel_loop3A_1269 = arith.constant 112 : index
        %parallel_loop3A_1270 = tpu.vector_load %arg14[%parallel_loop3A_1268, %parallel_loop3A_1269] {strides = array<i32>} : memref<400x128xf32, #tpu.memory_space<vmem>>, vector<16xf32>,
        %parallel_loop3A_1271 = arith.addf %parallel_loop3A_1267, %parallel_loop3A_1270 : vector<16xf32>
        %parallel_loop3A_1272 = arith.addf %parallel_loop3A_1222, %parallel_loop3A_1229 : vector<16xf32>
        %parallel_loop3A_1273 = arith.addf %parallel_loop3A_1272, %parallel_loop3A_1236 : vector<16xf32>
        %parallel_loop3A_1274 = arith.addf %parallel_loop3A_1273, %parallel_loop3A_1243 : vector<16xf32>
        %parallel_loop3A_1275 = arith.addf %parallel_loop3A_1274, %parallel_loop3A_1250 : vector<16xf32>
        %parallel_loop3A_1276 = arith.addf %parallel_loop3A_1275, %parallel_loop3A_1257 : vector<16xf32>
        %parallel_loop3A_1277 = arith.addf %parallel_loop3A_1276, %parallel_loop3A_1264 : vector<16xf32>
        %parallel_loop3A_1278 = arith.addf %parallel_loop3A_1277, %parallel_loop3A_1271 : vector<16xf32>
        %parallel_loop3A_1279 = arith.mulf %parallel_loop3A_1222, %parallel_loop3A_1222 : vector<16xf32>
        %parallel_loop3A_1280 = arith.mulf %parallel_loop3A_1229, %parallel_loop3A_1229 : vector<16xf32>
        %parallel_loop3A_1281 = arith.mulf %parallel_loop3A_1236, %parallel_loop3A_1236 : vector<16xf32>
        %parallel_loop3A_1282 = arith.mulf %parallel_loop3A_1243, %parallel_loop3A_1243 : vector<16xf32>
        %parallel_loop3A_1283 = arith.mulf %parallel_loop3A_1250, %parallel_loop3A_1250 : vector<16xf32>
        %parallel_loop3A_1284 = arith.mulf %parallel_loop3A_1257, %parallel_loop3A_1257 : vector<16xf32>
        %parallel_loop3A_1285 = arith.mulf %parallel_loop3A_1264, %parallel_loop3A_1264 : vector<16xf32>
        %parallel_loop3A_1286 = arith.mulf %parallel_loop3A_1271, %parallel_loop3A_1271 : vector<16xf32>
        %parallel_loop3A_1287 = arith.addf %parallel_loop3A_1279, %parallel_loop3A_1280 : vector<16xf32>
        %parallel_loop3A_1288 = arith.addf %parallel_loop3A_1287, %parallel_loop3A_1281 : vector<16xf32>
        %parallel_loop3A_1289 = arith.addf %parallel_loop3A_1288, %parallel_loop3A_1282 : vector<16xf32>
        %parallel_loop3A_1290 = arith.addf %parallel_loop3A_1289, %parallel_loop3A_1283 : vector<16xf32>
        %parallel_loop3A_1291 = arith.addf %parallel_loop3A_1290, %parallel_loop3A_1284 : vector<16xf32>
        %parallel_loop3A_1292 = arith.addf %parallel_loop3A_1291, %parallel_loop3A_1285 : vector<16xf32>
        %parallel_loop3A_1293 = arith.addf %parallel_loop3A_1292, %parallel_loop3A_1286 : vector<16xf32>
        %parallel_loop3A_1294 = arith.constant true
        %parallel_loop3A_1295 = vector.broadcast %parallel_loop3A_1294 : i1 to vector<16xi1>
        %parallel_loop3A_1296 = tpu.scan <sum>, %parallel_loop3A_1278 masked %parallel_loop3A_1295 : vector<16xf32>, vector<16xi1> -> vector<16xf32>
        %parallel_loop3A_1297 = vector.extract %parallel_loop3A_1296[15] : f32 from vector<16xf32>
        %parallel_loop3A_1298 = arith.constant true
        %parallel_loop3A_1299 = vector.broadcast %parallel_loop3A_1298 : i1 to vector<16xi1>
        %parallel_loop3A_1300 = tpu.scan <sum>, %parallel_loop3A_1293 masked %parallel_loop3A_1299 : vector<16xf32>, vector<16xi1> -> vector<16xf32>
        %parallel_loop3A_1301 = vector.extract %parallel_loop3A_1300[15] : f32 from vector<16xf32>
        %parallel_loop3A_1302 = arith.constant 7.812500e-03 : f32
        %parallel_loop3A_1303 = arith.mulf %parallel_loop3A_1297, %parallel_loop3A_1302 : f32
        %parallel_loop3A_1304 = arith.constant 7.812500e-03 : f32
        %parallel_loop3A_1305 = arith.mulf %parallel_loop3A_1301, %parallel_loop3A_1304 : f32
        %parallel_loop3A_1306 = arith.mulf %parallel_loop3A_1303, %parallel_loop3A_1303 : f32
        %parallel_loop3A_1307 = arith.subf %parallel_loop3A_1305, %parallel_loop3A_1306 : f32
        %parallel_loop3A_1308 = arith.constant 9.99999996E-13 : f32
        %parallel_loop3A_1309 = arith.addf %parallel_loop3A_1307, %parallel_loop3A_1308 : f32
        %parallel_loop3A_1310 = vector.broadcast %parallel_loop3A_1309 : f32 to vector<16xf32>
        %parallel_loop3A_1311 = tpu.bitcast %parallel_loop3A_1310 : vector<16xf32> -> vector<16xi32>
        %parallel_loop3A_1312 = arith.constant 1 : i32
        %parallel_loop3A_1313 = vector.broadcast %parallel_loop3A_1312 : i32 to vector<16xi32>
        %parallel_loop3A_1314 = arith.shrui %parallel_loop3A_1311, %parallel_loop3A_1313 : vector<16xi32>
        %parallel_loop3A_1315 = arith.constant 1597463007 : i32
        %parallel_loop3A_1316 = vector.broadcast %parallel_loop3A_1315 : i32 to vector<16xi32>
        %parallel_loop3A_1317 = arith.subi %parallel_loop3A_1316, %parallel_loop3A_1314 : vector<16xi32>
        %parallel_loop3A_1318 = tpu.bitcast %parallel_loop3A_1317 : vector<16xi32> -> vector<16xf32>
        %parallel_loop3A_1319 = arith.constant 5.000000e-01 : f32
        %parallel_loop3A_1320 = vector.broadcast %parallel_loop3A_1319 : f32 to vector<16xf32>
        %parallel_loop3A_1321 = arith.mulf %parallel_loop3A_1320, %parallel_loop3A_1310 : vector<16xf32>
        %parallel_loop3A_1322 = arith.mulf %parallel_loop3A_1321, %parallel_loop3A_1318 : vector<16xf32>
        %parallel_loop3A_1323 = arith.mulf %parallel_loop3A_1322, %parallel_loop3A_1318 : vector<16xf32>
        %parallel_loop3A_1324 = arith.constant 1.500000e+00 : f32
        %parallel_loop3A_1325 = vector.broadcast %parallel_loop3A_1324 : f32 to vector<16xf32>
        %parallel_loop3A_1326 = arith.subf %parallel_loop3A_1325, %parallel_loop3A_1323 : vector<16xf32>
        %parallel_loop3A_1327 = arith.mulf %parallel_loop3A_1318, %parallel_loop3A_1326 : vector<16xf32>
        %parallel_loop3A_1328 = arith.constant 5.000000e-01 : f32
        %parallel_loop3A_1329 = vector.broadcast %parallel_loop3A_1328 : f32 to vector<16xf32>
        %parallel_loop3A_1330 = arith.mulf %parallel_loop3A_1329, %parallel_loop3A_1310 : vector<16xf32>
        %parallel_loop3A_1331 = arith.mulf %parallel_loop3A_1330, %parallel_loop3A_1327 : vector<16xf32>
        %parallel_loop3A_1332 = arith.mulf %parallel_loop3A_1331, %parallel_loop3A_1327 : vector<16xf32>
        %parallel_loop3A_1333 = arith.constant 1.500000e+00 : f32
        %parallel_loop3A_1334 = vector.broadcast %parallel_loop3A_1333 : f32 to vector<16xf32>
        %parallel_loop3A_1335 = arith.subf %parallel_loop3A_1334, %parallel_loop3A_1332 : vector<16xf32>
        %parallel_loop3A_1336 = arith.mulf %parallel_loop3A_1327, %parallel_loop3A_1335 : vector<16xf32>
        %parallel_loop3A_1337 = vector.broadcast %parallel_loop3A_1303 : f32 to vector<16xf32>
        %parallel_loop3A_1338 = arith.subf %parallel_loop3A_1222, %parallel_loop3A_1337 : vector<16xf32>
        %parallel_loop3A_1339 = arith.mulf %parallel_loop3A_1338, %parallel_loop3A_1336 : vector<16xf32>
        %parallel_loop3A_1340 = arith.mulf %parallel_loop3A_1339, %get3A_7 : vector<16xf32>
        %parallel_loop3A_1341 = arith.addf %parallel_loop3A_1340, %get3A_23 : vector<16xf32>
        %parallel_loop3A_1342 = arith.index_cast %parallel_loop3A_1207 : i32 to index
        %parallel_loop3A_1343 = arith.constant 0 : index
        %parallel_loop3A_1344 = tpu.vector_load %arg13[%parallel_loop3A_1342, %parallel_loop3A_1343] {strides = array<i32>} : memref<128x128xf32, #tpu.memory_space<vmem>>, vector<16xf32>,
        tpu.vector_store %arg13[%parallel_loop3A_1342, %parallel_loop3A_1343], %parallel_loop3A_1341 {strides = array<i32>} : memref<128x128xf32, #tpu.memory_space<vmem>>, vector<16xf32>,
        %parallel_loop3A_1345 = arith.subf %parallel_loop3A_1229, %parallel_loop3A_1337 : vector<16xf32>
        %parallel_loop3A_1346 = arith.mulf %parallel_loop3A_1345, %parallel_loop3A_1336 : vector<16xf32>
        %parallel_loop3A_1347 = arith.mulf %parallel_loop3A_1346, %get3A_9 : vector<16xf32>
        %parallel_loop3A_1348 = arith.addf %parallel_loop3A_1347, %get3A_25 : vector<16xf32>
        %parallel_loop3A_1349 = arith.index_cast %parallel_loop3A_1207 : i32 to index
        %parallel_loop3A_1350 = arith.constant 16 : index
        %parallel_loop3A_1351 = tpu.vector_load %arg13[%parallel_loop3A_1349, %parallel_loop3A_1350] {strides = array<i32>} : memref<128x128xf32, #tpu.memory_space<vmem>>, vector<16xf32>,
        tpu.vector_store %arg13[%parallel_loop3A_1349, %parallel_loop3A_1350], %parallel_loop3A_1348 {strides = array<i32>} : memref<128x128xf32, #tpu.memory_space<vmem>>, vector<16xf32>,
        %parallel_loop3A_1352 = arith.subf %parallel_loop3A_1236, %parallel_loop3A_1337 : vector<16xf32>
        %parallel_loop3A_1353 = arith.mulf %parallel_loop3A_1352, %parallel_loop3A_1336 : vector<16xf32>
        %parallel_loop3A_1354 = arith.mulf %parallel_loop3A_1353, %get3A_11 : vector<16xf32>
        %parallel_loop3A_1355 = arith.addf %parallel_loop3A_1354, %get3A_27 : vector<16xf32>
        %parallel_loop3A_1356 = arith.index_cast %parallel_loop3A_1207 : i32 to index
        %parallel_loop3A_1357 = arith.constant 32 : index
        %parallel_loop3A_1358 = tpu.vector_load %arg13[%parallel_loop3A_1356, %parallel_loop3A_1357] {strides = array<i32>} : memref<128x128xf32, #tpu.memory_space<vmem>>, vector<16xf32>,
        tpu.vector_store %arg13[%parallel_loop3A_1356, %parallel_loop3A_1357], %parallel_loop3A_1355 {strides = array<i32>} : memref<128x128xf32, #tpu.memory_space<vmem>>, vector<16xf32>,
        %parallel_loop3A_1359 = arith.subf %parallel_loop3A_1243, %parallel_loop3A_1337 : vector<16xf32>
        %parallel_loop3A_1360 = arith.mulf %parallel_loop3A_1359, %parallel_loop3A_1336 : vector<16xf32>
        %parallel_loop3A_1361 = arith.mulf %parallel_loop3A_1360, %get3A_13 : vector<16xf32>
        %parallel_loop3A_1362 = arith.addf %parallel_loop3A_1361, %get3A_29 : vector<16xf32>
        %parallel_loop3A_1363 = arith.index_cast %parallel_loop3A_1207 : i32 to index
        %parallel_loop3A_1364 = arith.constant 48 : index
        %parallel_loop3A_1365 = tpu.vector_load %arg13[%parallel_loop3A_1363, %parallel_loop3A_1364] {strides = array<i32>} : memref<128x128xf32, #tpu.memory_space<vmem>>, vector<16xf32>,
        tpu.vector_store %arg13[%parallel_loop3A_1363, %parallel_loop3A_1364], %parallel_loop3A_1362 {strides = array<i32>} : memref<128x128xf32, #tpu.memory_space<vmem>>, vector<16xf32>,
        %parallel_loop3A_1366 = arith.subf %parallel_loop3A_1250, %parallel_loop3A_1337 : vector<16xf32>
        %parallel_loop3A_1367 = arith.mulf %parallel_loop3A_1366, %parallel_loop3A_1336 : vector<16xf32>
        %parallel_loop3A_1368 = arith.mulf %parallel_loop3A_1367, %get3A_15 : vector<16xf32>
        %parallel_loop3A_1369 = arith.addf %parallel_loop3A_1368, %get3A_31 : vector<16xf32>
        %parallel_loop3A_1370 = arith.index_cast %parallel_loop3A_1207 : i32 to index
        %parallel_loop3A_1371 = arith.constant 64 : index
        %parallel_loop3A_1372 = tpu.vector_load %arg13[%parallel_loop3A_1370, %parallel_loop3A_1371] {strides = array<i32>} : memref<128x128xf32, #tpu.memory_space<vmem>>, vector<16xf32>,
        tpu.vector_store %arg13[%parallel_loop3A_1370, %parallel_loop3A_1371], %parallel_loop3A_1369 {strides = array<i32>} : memref<128x128xf32, #tpu.memory_space<vmem>>, vector<16xf32>,
        %parallel_loop3A_1373 = arith.subf %parallel_loop3A_1257, %parallel_loop3A_1337 : vector<16xf32>
        %parallel_loop3A_1374 = arith.mulf %parallel_loop3A_1373, %parallel_loop3A_1336 : vector<16xf32>
        %parallel_loop3A_1375 = arith.mulf %parallel_loop3A_1374, %get3A_17 : vector<16xf32>
        %parallel_loop3A_1376 = arith.addf %parallel_loop3A_1375, %get3A_33 : vector<16xf32>
        %parallel_loop3A_1377 = arith.index_cast %parallel_loop3A_1207 : i32 to index
        %parallel_loop3A_1378 = arith.constant 80 : index
        %parallel_loop3A_1379 = tpu.vector_load %arg13[%parallel_loop3A_1377, %parallel_loop3A_1378] {strides = array<i32>} : memref<128x128xf32, #tpu.memory_space<vmem>>, vector<16xf32>,
        tpu.vector_store %arg13[%parallel_loop3A_1377, %parallel_loop3A_1378], %parallel_loop3A_1376 {strides = array<i32>} : memref<128x128xf32, #tpu.memory_space<vmem>>, vector<16xf32>,
        %parallel_loop3A_1380 = arith.subf %parallel_loop3A_1264, %parallel_loop3A_1337 : vector<16xf32>
        %parallel_loop3A_1381 = arith.mulf %parallel_loop3A_1380, %parallel_loop3A_1336 : vector<16xf32>
        %parallel_loop3A_1382 = arith.mulf %parallel_loop3A_1381, %get3A_19 : vector<16xf32>
        %parallel_loop3A_1383 = arith.addf %parallel_loop3A_1382, %get3A_35 : vector<16xf32>
        %parallel_loop3A_1384 = arith.index_cast %parallel_loop3A_1207 : i32 to index
        %parallel_loop3A_1385 = arith.constant 96 : index
        %parallel_loop3A_1386 = tpu.vector_load %arg13[%parallel_loop3A_1384, %parallel_loop3A_1385] {strides = array<i32>} : memref<128x128xf32, #tpu.memory_space<vmem>>, vector<16xf32>,
        tpu.vector_store %arg13[%parallel_loop3A_1384, %parallel_loop3A_1385], %parallel_loop3A_1383 {strides = array<i32>} : memref<128x128xf32, #tpu.memory_space<vmem>>, vector<16xf32>,
        %parallel_loop3A_1387 = arith.subf %parallel_loop3A_1271, %parallel_loop3A_1337 : vector<16xf32>
        %parallel_loop3A_1388 = arith.mulf %parallel_loop3A_1387, %parallel_loop3A_1336 : vector<16xf32>
        %parallel_loop3A_1389 = arith.mulf %parallel_loop3A_1388, %get3A_21 : vector<16xf32>
        %parallel_loop3A_1390 = arith.addf %parallel_loop3A_1389, %get3A_37 : vector<16xf32>
        %parallel_loop3A_1391 = arith.index_cast %parallel_loop3A_1207 : i32 to index
        %parallel_loop3A_1392 = arith.constant 112 : index
        %parallel_loop3A_1393 = tpu.vector_load %arg13[%parallel_loop3A_1391, %parallel_loop3A_1392] {strides = array<i32>} : memref<128x128xf32, #tpu.memory_space<vmem>>, vector<16xf32>,
        tpu.vector_store %arg13[%parallel_loop3A_1391, %parallel_loop3A_1392], %parallel_loop3A_1390 {strides = array<i32>} : memref<128x128xf32, #tpu.memory_space<vmem>>, vector<16xf32>,
        %parallel_loop3A_1394 = arith.constant 16 : i32
        %parallel_loop3A_1395 = arith.muli %parallel_loop3A_59, %parallel_loop3A_1394 : i32
        %parallel_loop3A_1396 = arith.constant 7 : i32
        %parallel_loop3A_1397 = arith.addi %parallel_loop3A_1395, %parallel_loop3A_1396 : i32
        %parallel_loop3A_1398 = arith.addi %add3A_51, %parallel_loop3A_1397 : i32
        %parallel_loop3A_1399 = arith.constant 200 : i32
        %parallel_loop3A_1400 = arith.remsi %parallel_loop3A_1398, %parallel_loop3A_1399 : i32
        %parallel_loop3A_1401 = arith.constant 2 : i32
        %parallel_loop3A_1402 = arith.muli %parallel_loop3A_1400, %parallel_loop3A_1401 : i32
        %parallel_loop3A_1403 = vector.extract_strided_slice %parallel_loop3A_63 {offsets = [7], sizes = [1], strides = [1]} : vector<16xi32> to vector<1xi32>
        %parallel_loop3A_1404 = vector.extract %parallel_loop3A_1403[0] : i32 from vector<1xi32>
        %parallel_loop3A_1405 = arith.addi %parallel_loop3A_1402, %parallel_loop3A_1404 : i32
        %parallel_loop3A_1406 = arith.index_cast %parallel_loop3A_1397 : i32 to index
        %parallel_loop3A_1407 = arith.constant 0 : index
        %parallel_loop3A_1408 = tpu.vector_load %arg12[%parallel_loop3A_1406, %parallel_loop3A_1407] {strides = array<i32>} : memref<128x128xf32, #tpu.memory_space<vmem>>, vector<16xf32>,
        %parallel_loop3A_1409 = arith.index_cast %parallel_loop3A_1405 : i32 to index
        %parallel_loop3A_1410 = arith.constant 0 : index
        %parallel_loop3A_1411 = tpu.vector_load %arg14[%parallel_loop3A_1409, %parallel_loop3A_1410] {strides = array<i32>} : memref<400x128xf32, #tpu.memory_space<vmem>>, vector<16xf32>,
        %parallel_loop3A_1412 = arith.addf %parallel_loop3A_1408, %parallel_loop3A_1411 : vector<16xf32>
        %parallel_loop3A_1413 = arith.index_cast %parallel_loop3A_1397 : i32 to index
        %parallel_loop3A_1414 = arith.constant 16 : index
        %parallel_loop3A_1415 = tpu.vector_load %arg12[%parallel_loop3A_1413, %parallel_loop3A_1414] {strides = array<i32>} : memref<128x128xf32, #tpu.memory_space<vmem>>, vector<16xf32>,
        %parallel_loop3A_1416 = arith.index_cast %parallel_loop3A_1405 : i32 to index
        %parallel_loop3A_1417 = arith.constant 16 : index
        %parallel_loop3A_1418 = tpu.vector_load %arg14[%parallel_loop3A_1416, %parallel_loop3A_1417] {strides = array<i32>} : memref<400x128xf32, #tpu.memory_space<vmem>>, vector<16xf32>,
        %parallel_loop3A_1419 = arith.addf %parallel_loop3A_1415, %parallel_loop3A_1418 : vector<16xf32>
        %parallel_loop3A_1420 = arith.index_cast %parallel_loop3A_1397 : i32 to index
        %parallel_loop3A_1421 = arith.constant 32 : index
        %parallel_loop3A_1422 = tpu.vector_load %arg12[%parallel_loop3A_1420, %parallel_loop3A_1421] {strides = array<i32>} : memref<128x128xf32, #tpu.memory_space<vmem>>, vector<16xf32>,
        %parallel_loop3A_1423 = arith.index_cast %parallel_loop3A_1405 : i32 to index
        %parallel_loop3A_1424 = arith.constant 32 : index
        %parallel_loop3A_1425 = tpu.vector_load %arg14[%parallel_loop3A_1423, %parallel_loop3A_1424] {strides = array<i32>} : memref<400x128xf32, #tpu.memory_space<vmem>>, vector<16xf32>,
        %parallel_loop3A_1426 = arith.addf %parallel_loop3A_1422, %parallel_loop3A_1425 : vector<16xf32>
        %parallel_loop3A_1427 = arith.index_cast %parallel_loop3A_1397 : i32 to index
        %parallel_loop3A_1428 = arith.constant 48 : index
        %parallel_loop3A_1429 = tpu.vector_load %arg12[%parallel_loop3A_1427, %parallel_loop3A_1428] {strides = array<i32>} : memref<128x128xf32, #tpu.memory_space<vmem>>, vector<16xf32>,
        %parallel_loop3A_1430 = arith.index_cast %parallel_loop3A_1405 : i32 to index
        %parallel_loop3A_1431 = arith.constant 48 : index
        %parallel_loop3A_1432 = tpu.vector_load %arg14[%parallel_loop3A_1430, %parallel_loop3A_1431] {strides = array<i32>} : memref<400x128xf32, #tpu.memory_space<vmem>>, vector<16xf32>,
        %parallel_loop3A_1433 = arith.addf %parallel_loop3A_1429, %parallel_loop3A_1432 : vector<16xf32>
        %parallel_loop3A_1434 = arith.index_cast %parallel_loop3A_1397 : i32 to index
        %parallel_loop3A_1435 = arith.constant 64 : index
        %parallel_loop3A_1436 = tpu.vector_load %arg12[%parallel_loop3A_1434, %parallel_loop3A_1435] {strides = array<i32>} : memref<128x128xf32, #tpu.memory_space<vmem>>, vector<16xf32>,
        %parallel_loop3A_1437 = arith.index_cast %parallel_loop3A_1405 : i32 to index
        %parallel_loop3A_1438 = arith.constant 64 : index
        %parallel_loop3A_1439 = tpu.vector_load %arg14[%parallel_loop3A_1437, %parallel_loop3A_1438] {strides = array<i32>} : memref<400x128xf32, #tpu.memory_space<vmem>>, vector<16xf32>,
        %parallel_loop3A_1440 = arith.addf %parallel_loop3A_1436, %parallel_loop3A_1439 : vector<16xf32>
        %parallel_loop3A_1441 = arith.index_cast %parallel_loop3A_1397 : i32 to index
        %parallel_loop3A_1442 = arith.constant 80 : index
        %parallel_loop3A_1443 = tpu.vector_load %arg12[%parallel_loop3A_1441, %parallel_loop3A_1442] {strides = array<i32>} : memref<128x128xf32, #tpu.memory_space<vmem>>, vector<16xf32>,
        %parallel_loop3A_1444 = arith.index_cast %parallel_loop3A_1405 : i32 to index
        %parallel_loop3A_1445 = arith.constant 80 : index
        %parallel_loop3A_1446 = tpu.vector_load %arg14[%parallel_loop3A_1444, %parallel_loop3A_1445] {strides = array<i32>} : memref<400x128xf32, #tpu.memory_space<vmem>>, vector<16xf32>,
        %parallel_loop3A_1447 = arith.addf %parallel_loop3A_1443, %parallel_loop3A_1446 : vector<16xf32>
        %parallel_loop3A_1448 = arith.index_cast %parallel_loop3A_1397 : i32 to index
        %parallel_loop3A_1449 = arith.constant 96 : index
        %parallel_loop3A_1450 = tpu.vector_load %arg12[%parallel_loop3A_1448, %parallel_loop3A_1449] {strides = array<i32>} : memref<128x128xf32, #tpu.memory_space<vmem>>, vector<16xf32>,
        %parallel_loop3A_1451 = arith.index_cast %parallel_loop3A_1405 : i32 to index
        %parallel_loop3A_1452 = arith.constant 96 : index
        %parallel_loop3A_1453 = tpu.vector_load %arg14[%parallel_loop3A_1451, %parallel_loop3A_1452] {strides = array<i32>} : memref<400x128xf32, #tpu.memory_space<vmem>>, vector<16xf32>,
        %parallel_loop3A_1454 = arith.addf %parallel_loop3A_1450, %parallel_loop3A_1453 : vector<16xf32>
        %parallel_loop3A_1455 = arith.index_cast %parallel_loop3A_1397 : i32 to index
        %parallel_loop3A_1456 = arith.constant 112 : index
        %parallel_loop3A_1457 = tpu.vector_load %arg12[%parallel_loop3A_1455, %parallel_loop3A_1456] {strides = array<i32>} : memref<128x128xf32, #tpu.memory_space<vmem>>, vector<16xf32>,
        %parallel_loop3A_1458 = arith.index_cast %parallel_loop3A_1405 : i32 to index
        %parallel_loop3A_1459 = arith.constant 112 : index
        %parallel_loop3A_1460 = tpu.vector_load %arg14[%parallel_loop3A_1458, %parallel_loop3A_1459] {strides = array<i32>} : memref<400x128xf32, #tpu.memory_space<vmem>>, vector<16xf32>,
        %parallel_loop3A_1461 = arith.addf %parallel_loop3A_1457, %parallel_loop3A_1460 : vector<16xf32>
        %parallel_loop3A_1462 = arith.addf %parallel_loop3A_1412, %parallel_loop3A_1419 : vector<16xf32>
        %parallel_loop3A_1463 = arith.addf %parallel_loop3A_1462, %parallel_loop3A_1426 : vector<16xf32>
        %parallel_loop3A_1464 = arith.addf %parallel_loop3A_1463, %parallel_loop3A_1433 : vector<16xf32>
        %parallel_loop3A_1465 = arith.addf %parallel_loop3A_1464, %parallel_loop3A_1440 : vector<16xf32>
        %parallel_loop3A_1466 = arith.addf %parallel_loop3A_1465, %parallel_loop3A_1447 : vector<16xf32>
        %parallel_loop3A_1467 = arith.addf %parallel_loop3A_1466, %parallel_loop3A_1454 : vector<16xf32>
        %parallel_loop3A_1468 = arith.addf %parallel_loop3A_1467, %parallel_loop3A_1461 : vector<16xf32>
        %parallel_loop3A_1469 = arith.mulf %parallel_loop3A_1412, %parallel_loop3A_1412 : vector<16xf32>
        %parallel_loop3A_1470 = arith.mulf %parallel_loop3A_1419, %parallel_loop3A_1419 : vector<16xf32>
        %parallel_loop3A_1471 = arith.mulf %parallel_loop3A_1426, %parallel_loop3A_1426 : vector<16xf32>
        %parallel_loop3A_1472 = arith.mulf %parallel_loop3A_1433, %parallel_loop3A_1433 : vector<16xf32>
        %parallel_loop3A_1473 = arith.mulf %parallel_loop3A_1440, %parallel_loop3A_1440 : vector<16xf32>
        %parallel_loop3A_1474 = arith.mulf %parallel_loop3A_1447, %parallel_loop3A_1447 : vector<16xf32>
        %parallel_loop3A_1475 = arith.mulf %parallel_loop3A_1454, %parallel_loop3A_1454 : vector<16xf32>
        %parallel_loop3A_1476 = arith.mulf %parallel_loop3A_1461, %parallel_loop3A_1461 : vector<16xf32>
        %parallel_loop3A_1477 = arith.addf %parallel_loop3A_1469, %parallel_loop3A_1470 : vector<16xf32>
        %parallel_loop3A_1478 = arith.addf %parallel_loop3A_1477, %parallel_loop3A_1471 : vector<16xf32>
        %parallel_loop3A_1479 = arith.addf %parallel_loop3A_1478, %parallel_loop3A_1472 : vector<16xf32>
        %parallel_loop3A_1480 = arith.addf %parallel_loop3A_1479, %parallel_loop3A_1473 : vector<16xf32>
        %parallel_loop3A_1481 = arith.addf %parallel_loop3A_1480, %parallel_loop3A_1474 : vector<16xf32>
        %parallel_loop3A_1482 = arith.addf %parallel_loop3A_1481, %parallel_loop3A_1475 : vector<16xf32>
        %parallel_loop3A_1483 = arith.addf %parallel_loop3A_1482, %parallel_loop3A_1476 : vector<16xf32>
        %parallel_loop3A_1484 = arith.constant true
        %parallel_loop3A_1485 = vector.broadcast %parallel_loop3A_1484 : i1 to vector<16xi1>
        %parallel_loop3A_1486 = tpu.scan <sum>, %parallel_loop3A_1468 masked %parallel_loop3A_1485 : vector<16xf32>, vector<16xi1> -> vector<16xf32>
        %parallel_loop3A_1487 = vector.extract %parallel_loop3A_1486[15] : f32 from vector<16xf32>
        %parallel_loop3A_1488 = arith.constant true
        %parallel_loop3A_1489 = vector.broadcast %parallel_loop3A_1488 : i1 to vector<16xi1>
        %parallel_loop3A_1490 = tpu.scan <sum>, %parallel_loop3A_1483 masked %parallel_loop3A_1489 : vector<16xf32>, vector<16xi1> -> vector<16xf32>
        %parallel_loop3A_1491 = vector.extract %parallel_loop3A_1490[15] : f32 from vector<16xf32>
        %parallel_loop3A_1492 = arith.constant 7.812500e-03 : f32
        %parallel_loop3A_1493 = arith.mulf %parallel_loop3A_1487, %parallel_loop3A_1492 : f32
        %parallel_loop3A_1494 = arith.constant 7.812500e-03 : f32
        %parallel_loop3A_1495 = arith.mulf %parallel_loop3A_1491, %parallel_loop3A_1494 : f32
        %parallel_loop3A_1496 = arith.mulf %parallel_loop3A_1493, %parallel_loop3A_1493 : f32
        %parallel_loop3A_1497 = arith.subf %parallel_loop3A_1495, %parallel_loop3A_1496 : f32
        %parallel_loop3A_1498 = arith.constant 9.99999996E-13 : f32
        %parallel_loop3A_1499 = arith.addf %parallel_loop3A_1497, %parallel_loop3A_1498 : f32
        %parallel_loop3A_1500 = vector.broadcast %parallel_loop3A_1499 : f32 to vector<16xf32>
        %parallel_loop3A_1501 = tpu.bitcast %parallel_loop3A_1500 : vector<16xf32> -> vector<16xi32>
        %parallel_loop3A_1502 = arith.constant 1 : i32
        %parallel_loop3A_1503 = vector.broadcast %parallel_loop3A_1502 : i32 to vector<16xi32>
        %parallel_loop3A_1504 = arith.shrui %parallel_loop3A_1501, %parallel_loop3A_1503 : vector<16xi32>
        %parallel_loop3A_1505 = arith.constant 1597463007 : i32
        %parallel_loop3A_1506 = vector.broadcast %parallel_loop3A_1505 : i32 to vector<16xi32>
        %parallel_loop3A_1507 = arith.subi %parallel_loop3A_1506, %parallel_loop3A_1504 : vector<16xi32>
        %parallel_loop3A_1508 = tpu.bitcast %parallel_loop3A_1507 : vector<16xi32> -> vector<16xf32>
        %parallel_loop3A_1509 = arith.constant 5.000000e-01 : f32
        %parallel_loop3A_1510 = vector.broadcast %parallel_loop3A_1509 : f32 to vector<16xf32>
        %parallel_loop3A_1511 = arith.mulf %parallel_loop3A_1510, %parallel_loop3A_1500 : vector<16xf32>
        %parallel_loop3A_1512 = arith.mulf %parallel_loop3A_1511, %parallel_loop3A_1508 : vector<16xf32>
        %parallel_loop3A_1513 = arith.mulf %parallel_loop3A_1512, %parallel_loop3A_1508 : vector<16xf32>
        %parallel_loop3A_1514 = arith.constant 1.500000e+00 : f32
        %parallel_loop3A_1515 = vector.broadcast %parallel_loop3A_1514 : f32 to vector<16xf32>
        %parallel_loop3A_1516 = arith.subf %parallel_loop3A_1515, %parallel_loop3A_1513 : vector<16xf32>
        %parallel_loop3A_1517 = arith.mulf %parallel_loop3A_1508, %parallel_loop3A_1516 : vector<16xf32>
        %parallel_loop3A_1518 = arith.constant 5.000000e-01 : f32
        %parallel_loop3A_1519 = vector.broadcast %parallel_loop3A_1518 : f32 to vector<16xf32>
        %parallel_loop3A_1520 = arith.mulf %parallel_loop3A_1519, %parallel_loop3A_1500 : vector<16xf32>
        %parallel_loop3A_1521 = arith.mulf %parallel_loop3A_1520, %parallel_loop3A_1517 : vector<16xf32>
        %parallel_loop3A_1522 = arith.mulf %parallel_loop3A_1521, %parallel_loop3A_1517 : vector<16xf32>
        %parallel_loop3A_1523 = arith.constant 1.500000e+00 : f32
        %parallel_loop3A_1524 = vector.broadcast %parallel_loop3A_1523 : f32 to vector<16xf32>
        %parallel_loop3A_1525 = arith.subf %parallel_loop3A_1524, %parallel_loop3A_1522 : vector<16xf32>
        %parallel_loop3A_1526 = arith.mulf %parallel_loop3A_1517, %parallel_loop3A_1525 : vector<16xf32>
        %parallel_loop3A_1527 = vector.broadcast %parallel_loop3A_1493 : f32 to vector<16xf32>
        %parallel_loop3A_1528 = arith.subf %parallel_loop3A_1412, %parallel_loop3A_1527 : vector<16xf32>
        %parallel_loop3A_1529 = arith.mulf %parallel_loop3A_1528, %parallel_loop3A_1526 : vector<16xf32>
        %parallel_loop3A_1530 = arith.mulf %parallel_loop3A_1529, %get3A_7 : vector<16xf32>
        %parallel_loop3A_1531 = arith.addf %parallel_loop3A_1530, %get3A_23 : vector<16xf32>
        %parallel_loop3A_1532 = arith.index_cast %parallel_loop3A_1397 : i32 to index
        %parallel_loop3A_1533 = arith.constant 0 : index
        %parallel_loop3A_1534 = tpu.vector_load %arg13[%parallel_loop3A_1532, %parallel_loop3A_1533] {strides = array<i32>} : memref<128x128xf32, #tpu.memory_space<vmem>>, vector<16xf32>,
        tpu.vector_store %arg13[%parallel_loop3A_1532, %parallel_loop3A_1533], %parallel_loop3A_1531 {strides = array<i32>} : memref<128x128xf32, #tpu.memory_space<vmem>>, vector<16xf32>,
        %parallel_loop3A_1535 = arith.subf %parallel_loop3A_1419, %parallel_loop3A_1527 : vector<16xf32>
        %parallel_loop3A_1536 = arith.mulf %parallel_loop3A_1535, %parallel_loop3A_1526 : vector<16xf32>
        %parallel_loop3A_1537 = arith.mulf %parallel_loop3A_1536, %get3A_9 : vector<16xf32>
        %parallel_loop3A_1538 = arith.addf %parallel_loop3A_1537, %get3A_25 : vector<16xf32>
        %parallel_loop3A_1539 = arith.index_cast %parallel_loop3A_1397 : i32 to index
        %parallel_loop3A_1540 = arith.constant 16 : index
        %parallel_loop3A_1541 = tpu.vector_load %arg13[%parallel_loop3A_1539, %parallel_loop3A_1540] {strides = array<i32>} : memref<128x128xf32, #tpu.memory_space<vmem>>, vector<16xf32>,
        tpu.vector_store %arg13[%parallel_loop3A_1539, %parallel_loop3A_1540], %parallel_loop3A_1538 {strides = array<i32>} : memref<128x128xf32, #tpu.memory_space<vmem>>, vector<16xf32>,
        %parallel_loop3A_1542 = arith.subf %parallel_loop3A_1426, %parallel_loop3A_1527 : vector<16xf32>
        %parallel_loop3A_1543 = arith.mulf %parallel_loop3A_1542, %parallel_loop3A_1526 : vector<16xf32>
        %parallel_loop3A_1544 = arith.mulf %parallel_loop3A_1543, %get3A_11 : vector<16xf32>
        %parallel_loop3A_1545 = arith.addf %parallel_loop3A_1544, %get3A_27 : vector<16xf32>
        %parallel_loop3A_1546 = arith.index_cast %parallel_loop3A_1397 : i32 to index
        %parallel_loop3A_1547 = arith.constant 32 : index
        %parallel_loop3A_1548 = tpu.vector_load %arg13[%parallel_loop3A_1546, %parallel_loop3A_1547] {strides = array<i32>} : memref<128x128xf32, #tpu.memory_space<vmem>>, vector<16xf32>,
        tpu.vector_store %arg13[%parallel_loop3A_1546, %parallel_loop3A_1547], %parallel_loop3A_1545 {strides = array<i32>} : memref<128x128xf32, #tpu.memory_space<vmem>>, vector<16xf32>,
        %parallel_loop3A_1549 = arith.subf %parallel_loop3A_1433, %parallel_loop3A_1527 : vector<16xf32>
        %parallel_loop3A_1550 = arith.mulf %parallel_loop3A_1549, %parallel_loop3A_1526 : vector<16xf32>
        %parallel_loop3A_1551 = arith.mulf %parallel_loop3A_1550, %get3A_13 : vector<16xf32>
        %parallel_loop3A_1552 = arith.addf %parallel_loop3A_1551, %get3A_29 : vector<16xf32>
        %parallel_loop3A_1553 = arith.index_cast %parallel_loop3A_1397 : i32 to index
        %parallel_loop3A_1554 = arith.constant 48 : index
        %parallel_loop3A_1555 = tpu.vector_load %arg13[%parallel_loop3A_1553, %parallel_loop3A_1554] {strides = array<i32>} : memref<128x128xf32, #tpu.memory_space<vmem>>, vector<16xf32>,
        tpu.vector_store %arg13[%parallel_loop3A_1553, %parallel_loop3A_1554], %parallel_loop3A_1552 {strides = array<i32>} : memref<128x128xf32, #tpu.memory_space<vmem>>, vector<16xf32>,
        %parallel_loop3A_1556 = arith.subf %parallel_loop3A_1440, %parallel_loop3A_1527 : vector<16xf32>
        %parallel_loop3A_1557 = arith.mulf %parallel_loop3A_1556, %parallel_loop3A_1526 : vector<16xf32>
        %parallel_loop3A_1558 = arith.mulf %parallel_loop3A_1557, %get3A_15 : vector<16xf32>
        %parallel_loop3A_1559 = arith.addf %parallel_loop3A_1558, %get3A_31 : vector<16xf32>
        %parallel_loop3A_1560 = arith.index_cast %parallel_loop3A_1397 : i32 to index
        %parallel_loop3A_1561 = arith.constant 64 : index
        %parallel_loop3A_1562 = tpu.vector_load %arg13[%parallel_loop3A_1560, %parallel_loop3A_1561] {strides = array<i32>} : memref<128x128xf32, #tpu.memory_space<vmem>>, vector<16xf32>,
        tpu.vector_store %arg13[%parallel_loop3A_1560, %parallel_loop3A_1561], %parallel_loop3A_1559 {strides = array<i32>} : memref<128x128xf32, #tpu.memory_space<vmem>>, vector<16xf32>,
        %parallel_loop3A_1563 = arith.subf %parallel_loop3A_1447, %parallel_loop3A_1527 : vector<16xf32>
        %parallel_loop3A_1564 = arith.mulf %parallel_loop3A_1563, %parallel_loop3A_1526 : vector<16xf32>
        %parallel_loop3A_1565 = arith.mulf %parallel_loop3A_1564, %get3A_17 : vector<16xf32>
        %parallel_loop3A_1566 = arith.addf %parallel_loop3A_1565, %get3A_33 : vector<16xf32>
        %parallel_loop3A_1567 = arith.index_cast %parallel_loop3A_1397 : i32 to index
        %parallel_loop3A_1568 = arith.constant 80 : index
        %parallel_loop3A_1569 = tpu.vector_load %arg13[%parallel_loop3A_1567, %parallel_loop3A_1568] {strides = array<i32>} : memref<128x128xf32, #tpu.memory_space<vmem>>, vector<16xf32>,
        tpu.vector_store %arg13[%parallel_loop3A_1567, %parallel_loop3A_1568], %parallel_loop3A_1566 {strides = array<i32>} : memref<128x128xf32, #tpu.memory_space<vmem>>, vector<16xf32>,
        %parallel_loop3A_1570 = arith.subf %parallel_loop3A_1454, %parallel_loop3A_1527 : vector<16xf32>
        %parallel_loop3A_1571 = arith.mulf %parallel_loop3A_1570, %parallel_loop3A_1526 : vector<16xf32>
        %parallel_loop3A_1572 = arith.mulf %parallel_loop3A_1571, %get3A_19 : vector<16xf32>
        %parallel_loop3A_1573 = arith.addf %parallel_loop3A_1572, %get3A_35 : vector<16xf32>
        %parallel_loop3A_1574 = arith.index_cast %parallel_loop3A_1397 : i32 to index
        %parallel_loop3A_1575 = arith.constant 96 : index
        %parallel_loop3A_1576 = tpu.vector_load %arg13[%parallel_loop3A_1574, %parallel_loop3A_1575] {strides = array<i32>} : memref<128x128xf32, #tpu.memory_space<vmem>>, vector<16xf32>,
        tpu.vector_store %arg13[%parallel_loop3A_1574, %parallel_loop3A_1575], %parallel_loop3A_1573 {strides = array<i32>} : memref<128x128xf32, #tpu.memory_space<vmem>>, vector<16xf32>,
        %parallel_loop3A_1577 = arith.subf %parallel_loop3A_1461, %parallel_loop3A_1527 : vector<16xf32>
        %parallel_loop3A_1578 = arith.mulf %parallel_loop3A_1577, %parallel_loop3A_1526 : vector<16xf32>
        %parallel_loop3A_1579 = arith.mulf %parallel_loop3A_1578, %get3A_21 : vector<16xf32>
        %parallel_loop3A_1580 = arith.addf %parallel_loop3A_1579, %get3A_37 : vector<16xf32>
        %parallel_loop3A_1581 = arith.index_cast %parallel_loop3A_1397 : i32 to index
        %parallel_loop3A_1582 = arith.constant 112 : index
        %parallel_loop3A_1583 = tpu.vector_load %arg13[%parallel_loop3A_1581, %parallel_loop3A_1582] {strides = array<i32>} : memref<128x128xf32, #tpu.memory_space<vmem>>, vector<16xf32>,
        tpu.vector_store %arg13[%parallel_loop3A_1581, %parallel_loop3A_1582], %parallel_loop3A_1580 {strides = array<i32>} : memref<128x128xf32, #tpu.memory_space<vmem>>, vector<16xf32>,
        %parallel_loop3A_1584 = arith.constant 16 : i32
        %parallel_loop3A_1585 = arith.muli %parallel_loop3A_59, %parallel_loop3A_1584 : i32
        %parallel_loop3A_1586 = arith.constant 8 : i32
        %parallel_loop3A_1587 = arith.addi %parallel_loop3A_1585, %parallel_loop3A_1586 : i32
        %parallel_loop3A_1588 = arith.addi %add3A_51, %parallel_loop3A_1587 : i32
        %parallel_loop3A_1589 = arith.constant 200 : i32
        %parallel_loop3A_1590 = arith.remsi %parallel_loop3A_1588, %parallel_loop3A_1589 : i32
        %parallel_loop3A_1591 = arith.constant 2 : i32
        %parallel_loop3A_1592 = arith.muli %parallel_loop3A_1590, %parallel_loop3A_1591 : i32
        %parallel_loop3A_1593 = vector.extract_strided_slice %parallel_loop3A_63 {offsets = [8], sizes = [1], strides = [1]} : vector<16xi32> to vector<1xi32>
        %parallel_loop3A_1594 = vector.extract %parallel_loop3A_1593[0] : i32 from vector<1xi32>
        %parallel_loop3A_1595 = arith.addi %parallel_loop3A_1592, %parallel_loop3A_1594 : i32
        %parallel_loop3A_1596 = arith.index_cast %parallel_loop3A_1587 : i32 to index
        %parallel_loop3A_1597 = arith.constant 0 : index
        %parallel_loop3A_1598 = tpu.vector_load %arg12[%parallel_loop3A_1596, %parallel_loop3A_1597] {strides = array<i32>} : memref<128x128xf32, #tpu.memory_space<vmem>>, vector<16xf32>,
        %parallel_loop3A_1599 = arith.index_cast %parallel_loop3A_1595 : i32 to index
        %parallel_loop3A_1600 = arith.constant 0 : index
        %parallel_loop3A_1601 = tpu.vector_load %arg14[%parallel_loop3A_1599, %parallel_loop3A_1600] {strides = array<i32>} : memref<400x128xf32, #tpu.memory_space<vmem>>, vector<16xf32>,
        %parallel_loop3A_1602 = arith.addf %parallel_loop3A_1598, %parallel_loop3A_1601 : vector<16xf32>
        %parallel_loop3A_1603 = arith.index_cast %parallel_loop3A_1587 : i32 to index
        %parallel_loop3A_1604 = arith.constant 16 : index
        %parallel_loop3A_1605 = tpu.vector_load %arg12[%parallel_loop3A_1603, %parallel_loop3A_1604] {strides = array<i32>} : memref<128x128xf32, #tpu.memory_space<vmem>>, vector<16xf32>,
        %parallel_loop3A_1606 = arith.index_cast %parallel_loop3A_1595 : i32 to index
        %parallel_loop3A_1607 = arith.constant 16 : index
        %parallel_loop3A_1608 = tpu.vector_load %arg14[%parallel_loop3A_1606, %parallel_loop3A_1607] {strides = array<i32>} : memref<400x128xf32, #tpu.memory_space<vmem>>, vector<16xf32>,
        %parallel_loop3A_1609 = arith.addf %parallel_loop3A_1605, %parallel_loop3A_1608 : vector<16xf32>
        %parallel_loop3A_1610 = arith.index_cast %parallel_loop3A_1587 : i32 to index
        %parallel_loop3A_1611 = arith.constant 32 : index
        %parallel_loop3A_1612 = tpu.vector_load %arg12[%parallel_loop3A_1610, %parallel_loop3A_1611] {strides = array<i32>} : memref<128x128xf32, #tpu.memory_space<vmem>>, vector<16xf32>,
        %parallel_loop3A_1613 = arith.index_cast %parallel_loop3A_1595 : i32 to index
        %parallel_loop3A_1614 = arith.constant 32 : index
        %parallel_loop3A_1615 = tpu.vector_load %arg14[%parallel_loop3A_1613, %parallel_loop3A_1614] {strides = array<i32>} : memref<400x128xf32, #tpu.memory_space<vmem>>, vector<16xf32>,
        %parallel_loop3A_1616 = arith.addf %parallel_loop3A_1612, %parallel_loop3A_1615 : vector<16xf32>
        %parallel_loop3A_1617 = arith.index_cast %parallel_loop3A_1587 : i32 to index
        %parallel_loop3A_1618 = arith.constant 48 : index
        %parallel_loop3A_1619 = tpu.vector_load %arg12[%parallel_loop3A_1617, %parallel_loop3A_1618] {strides = array<i32>} : memref<128x128xf32, #tpu.memory_space<vmem>>, vector<16xf32>,
        %parallel_loop3A_1620 = arith.index_cast %parallel_loop3A_1595 : i32 to index
        %parallel_loop3A_1621 = arith.constant 48 : index
        %parallel_loop3A_1622 = tpu.vector_load %arg14[%parallel_loop3A_1620, %parallel_loop3A_1621] {strides = array<i32>} : memref<400x128xf32, #tpu.memory_space<vmem>>, vector<16xf32>,
        %parallel_loop3A_1623 = arith.addf %parallel_loop3A_1619, %parallel_loop3A_1622 : vector<16xf32>
        %parallel_loop3A_1624 = arith.index_cast %parallel_loop3A_1587 : i32 to index
        %parallel_loop3A_1625 = arith.constant 64 : index
        %parallel_loop3A_1626 = tpu.vector_load %arg12[%parallel_loop3A_1624, %parallel_loop3A_1625] {strides = array<i32>} : memref<128x128xf32, #tpu.memory_space<vmem>>, vector<16xf32>,
        %parallel_loop3A_1627 = arith.index_cast %parallel_loop3A_1595 : i32 to index
        %parallel_loop3A_1628 = arith.constant 64 : index
        %parallel_loop3A_1629 = tpu.vector_load %arg14[%parallel_loop3A_1627, %parallel_loop3A_1628] {strides = array<i32>} : memref<400x128xf32, #tpu.memory_space<vmem>>, vector<16xf32>,
        %parallel_loop3A_1630 = arith.addf %parallel_loop3A_1626, %parallel_loop3A_1629 : vector<16xf32>
        %parallel_loop3A_1631 = arith.index_cast %parallel_loop3A_1587 : i32 to index
        %parallel_loop3A_1632 = arith.constant 80 : index
        %parallel_loop3A_1633 = tpu.vector_load %arg12[%parallel_loop3A_1631, %parallel_loop3A_1632] {strides = array<i32>} : memref<128x128xf32, #tpu.memory_space<vmem>>, vector<16xf32>,
        %parallel_loop3A_1634 = arith.index_cast %parallel_loop3A_1595 : i32 to index
        %parallel_loop3A_1635 = arith.constant 80 : index
        %parallel_loop3A_1636 = tpu.vector_load %arg14[%parallel_loop3A_1634, %parallel_loop3A_1635] {strides = array<i32>} : memref<400x128xf32, #tpu.memory_space<vmem>>, vector<16xf32>,
        %parallel_loop3A_1637 = arith.addf %parallel_loop3A_1633, %parallel_loop3A_1636 : vector<16xf32>
        %parallel_loop3A_1638 = arith.index_cast %parallel_loop3A_1587 : i32 to index
        %parallel_loop3A_1639 = arith.constant 96 : index
        %parallel_loop3A_1640 = tpu.vector_load %arg12[%parallel_loop3A_1638, %parallel_loop3A_1639] {strides = array<i32>} : memref<128x128xf32, #tpu.memory_space<vmem>>, vector<16xf32>,
        %parallel_loop3A_1641 = arith.index_cast %parallel_loop3A_1595 : i32 to index
        %parallel_loop3A_1642 = arith.constant 96 : index
        %parallel_loop3A_1643 = tpu.vector_load %arg14[%parallel_loop3A_1641, %parallel_loop3A_1642] {strides = array<i32>} : memref<400x128xf32, #tpu.memory_space<vmem>>, vector<16xf32>,
        %parallel_loop3A_1644 = arith.addf %parallel_loop3A_1640, %parallel_loop3A_1643 : vector<16xf32>
        %parallel_loop3A_1645 = arith.index_cast %parallel_loop3A_1587 : i32 to index
        %parallel_loop3A_1646 = arith.constant 112 : index
        %parallel_loop3A_1647 = tpu.vector_load %arg12[%parallel_loop3A_1645, %parallel_loop3A_1646] {strides = array<i32>} : memref<128x128xf32, #tpu.memory_space<vmem>>, vector<16xf32>,
        %parallel_loop3A_1648 = arith.index_cast %parallel_loop3A_1595 : i32 to index
        %parallel_loop3A_1649 = arith.constant 112 : index
        %parallel_loop3A_1650 = tpu.vector_load %arg14[%parallel_loop3A_1648, %parallel_loop3A_1649] {strides = array<i32>} : memref<400x128xf32, #tpu.memory_space<vmem>>, vector<16xf32>,
        %parallel_loop3A_1651 = arith.addf %parallel_loop3A_1647, %parallel_loop3A_1650 : vector<16xf32>
        %parallel_loop3A_1652 = arith.addf %parallel_loop3A_1602, %parallel_loop3A_1609 : vector<16xf32>
        %parallel_loop3A_1653 = arith.addf %parallel_loop3A_1652, %parallel_loop3A_1616 : vector<16xf32>
        %parallel_loop3A_1654 = arith.addf %parallel_loop3A_1653, %parallel_loop3A_1623 : vector<16xf32>
        %parallel_loop3A_1655 = arith.addf %parallel_loop3A_1654, %parallel_loop3A_1630 : vector<16xf32>
        %parallel_loop3A_1656 = arith.addf %parallel_loop3A_1655, %parallel_loop3A_1637 : vector<16xf32>
        %parallel_loop3A_1657 = arith.addf %parallel_loop3A_1656, %parallel_loop3A_1644 : vector<16xf32>
        %parallel_loop3A_1658 = arith.addf %parallel_loop3A_1657, %parallel_loop3A_1651 : vector<16xf32>
        %parallel_loop3A_1659 = arith.mulf %parallel_loop3A_1602, %parallel_loop3A_1602 : vector<16xf32>
        %parallel_loop3A_1660 = arith.mulf %parallel_loop3A_1609, %parallel_loop3A_1609 : vector<16xf32>
        %parallel_loop3A_1661 = arith.mulf %parallel_loop3A_1616, %parallel_loop3A_1616 : vector<16xf32>
        %parallel_loop3A_1662 = arith.mulf %parallel_loop3A_1623, %parallel_loop3A_1623 : vector<16xf32>
        %parallel_loop3A_1663 = arith.mulf %parallel_loop3A_1630, %parallel_loop3A_1630 : vector<16xf32>
        %parallel_loop3A_1664 = arith.mulf %parallel_loop3A_1637, %parallel_loop3A_1637 : vector<16xf32>
        %parallel_loop3A_1665 = arith.mulf %parallel_loop3A_1644, %parallel_loop3A_1644 : vector<16xf32>
        %parallel_loop3A_1666 = arith.mulf %parallel_loop3A_1651, %parallel_loop3A_1651 : vector<16xf32>
        %parallel_loop3A_1667 = arith.addf %parallel_loop3A_1659, %parallel_loop3A_1660 : vector<16xf32>
        %parallel_loop3A_1668 = arith.addf %parallel_loop3A_1667, %parallel_loop3A_1661 : vector<16xf32>
        %parallel_loop3A_1669 = arith.addf %parallel_loop3A_1668, %parallel_loop3A_1662 : vector<16xf32>
        %parallel_loop3A_1670 = arith.addf %parallel_loop3A_1669, %parallel_loop3A_1663 : vector<16xf32>
        %parallel_loop3A_1671 = arith.addf %parallel_loop3A_1670, %parallel_loop3A_1664 : vector<16xf32>
        %parallel_loop3A_1672 = arith.addf %parallel_loop3A_1671, %parallel_loop3A_1665 : vector<16xf32>
        %parallel_loop3A_1673 = arith.addf %parallel_loop3A_1672, %parallel_loop3A_1666 : vector<16xf32>
        %parallel_loop3A_1674 = arith.constant true
        %parallel_loop3A_1675 = vector.broadcast %parallel_loop3A_1674 : i1 to vector<16xi1>
        %parallel_loop3A_1676 = tpu.scan <sum>, %parallel_loop3A_1658 masked %parallel_loop3A_1675 : vector<16xf32>, vector<16xi1> -> vector<16xf32>
        %parallel_loop3A_1677 = vector.extract %parallel_loop3A_1676[15] : f32 from vector<16xf32>
        %parallel_loop3A_1678 = arith.constant true
        %parallel_loop3A_1679 = vector.broadcast %parallel_loop3A_1678 : i1 to vector<16xi1>
        %parallel_loop3A_1680 = tpu.scan <sum>, %parallel_loop3A_1673 masked %parallel_loop3A_1679 : vector<16xf32>, vector<16xi1> -> vector<16xf32>
        %parallel_loop3A_1681 = vector.extract %parallel_loop3A_1680[15] : f32 from vector<16xf32>
        %parallel_loop3A_1682 = arith.constant 7.812500e-03 : f32
        %parallel_loop3A_1683 = arith.mulf %parallel_loop3A_1677, %parallel_loop3A_1682 : f32
        %parallel_loop3A_1684 = arith.constant 7.812500e-03 : f32
        %parallel_loop3A_1685 = arith.mulf %parallel_loop3A_1681, %parallel_loop3A_1684 : f32
        %parallel_loop3A_1686 = arith.mulf %parallel_loop3A_1683, %parallel_loop3A_1683 : f32
        %parallel_loop3A_1687 = arith.subf %parallel_loop3A_1685, %parallel_loop3A_1686 : f32
        %parallel_loop3A_1688 = arith.constant 9.99999996E-13 : f32
        %parallel_loop3A_1689 = arith.addf %parallel_loop3A_1687, %parallel_loop3A_1688 : f32
        %parallel_loop3A_1690 = vector.broadcast %parallel_loop3A_1689 : f32 to vector<16xf32>
        %parallel_loop3A_1691 = tpu.bitcast %parallel_loop3A_1690 : vector<16xf32> -> vector<16xi32>
        %parallel_loop3A_1692 = arith.constant 1 : i32
        %parallel_loop3A_1693 = vector.broadcast %parallel_loop3A_1692 : i32 to vector<16xi32>
        %parallel_loop3A_1694 = arith.shrui %parallel_loop3A_1691, %parallel_loop3A_1693 : vector<16xi32>
        %parallel_loop3A_1695 = arith.constant 1597463007 : i32
        %parallel_loop3A_1696 = vector.broadcast %parallel_loop3A_1695 : i32 to vector<16xi32>
        %parallel_loop3A_1697 = arith.subi %parallel_loop3A_1696, %parallel_loop3A_1694 : vector<16xi32>
        %parallel_loop3A_1698 = tpu.bitcast %parallel_loop3A_1697 : vector<16xi32> -> vector<16xf32>
        %parallel_loop3A_1699 = arith.constant 5.000000e-01 : f32
        %parallel_loop3A_1700 = vector.broadcast %parallel_loop3A_1699 : f32 to vector<16xf32>
        %parallel_loop3A_1701 = arith.mulf %parallel_loop3A_1700, %parallel_loop3A_1690 : vector<16xf32>
        %parallel_loop3A_1702 = arith.mulf %parallel_loop3A_1701, %parallel_loop3A_1698 : vector<16xf32>
        %parallel_loop3A_1703 = arith.mulf %parallel_loop3A_1702, %parallel_loop3A_1698 : vector<16xf32>
        %parallel_loop3A_1704 = arith.constant 1.500000e+00 : f32
        %parallel_loop3A_1705 = vector.broadcast %parallel_loop3A_1704 : f32 to vector<16xf32>
        %parallel_loop3A_1706 = arith.subf %parallel_loop3A_1705, %parallel_loop3A_1703 : vector<16xf32>
        %parallel_loop3A_1707 = arith.mulf %parallel_loop3A_1698, %parallel_loop3A_1706 : vector<16xf32>
        %parallel_loop3A_1708 = arith.constant 5.000000e-01 : f32
        %parallel_loop3A_1709 = vector.broadcast %parallel_loop3A_1708 : f32 to vector<16xf32>
        %parallel_loop3A_1710 = arith.mulf %parallel_loop3A_1709, %parallel_loop3A_1690 : vector<16xf32>
        %parallel_loop3A_1711 = arith.mulf %parallel_loop3A_1710, %parallel_loop3A_1707 : vector<16xf32>
        %parallel_loop3A_1712 = arith.mulf %parallel_loop3A_1711, %parallel_loop3A_1707 : vector<16xf32>
        %parallel_loop3A_1713 = arith.constant 1.500000e+00 : f32
        %parallel_loop3A_1714 = vector.broadcast %parallel_loop3A_1713 : f32 to vector<16xf32>
        %parallel_loop3A_1715 = arith.subf %parallel_loop3A_1714, %parallel_loop3A_1712 : vector<16xf32>
        %parallel_loop3A_1716 = arith.mulf %parallel_loop3A_1707, %parallel_loop3A_1715 : vector<16xf32>
        %parallel_loop3A_1717 = vector.broadcast %parallel_loop3A_1683 : f32 to vector<16xf32>
        %parallel_loop3A_1718 = arith.subf %parallel_loop3A_1602, %parallel_loop3A_1717 : vector<16xf32>
        %parallel_loop3A_1719 = arith.mulf %parallel_loop3A_1718, %parallel_loop3A_1716 : vector<16xf32>
        %parallel_loop3A_1720 = arith.mulf %parallel_loop3A_1719, %get3A_7 : vector<16xf32>
        %parallel_loop3A_1721 = arith.addf %parallel_loop3A_1720, %get3A_23 : vector<16xf32>
        %parallel_loop3A_1722 = arith.index_cast %parallel_loop3A_1587 : i32 to index
        %parallel_loop3A_1723 = arith.constant 0 : index
        %parallel_loop3A_1724 = tpu.vector_load %arg13[%parallel_loop3A_1722, %parallel_loop3A_1723] {strides = array<i32>} : memref<128x128xf32, #tpu.memory_space<vmem>>, vector<16xf32>,
        tpu.vector_store %arg13[%parallel_loop3A_1722, %parallel_loop3A_1723], %parallel_loop3A_1721 {strides = array<i32>} : memref<128x128xf32, #tpu.memory_space<vmem>>, vector<16xf32>,
        %parallel_loop3A_1725 = arith.subf %parallel_loop3A_1609, %parallel_loop3A_1717 : vector<16xf32>
        %parallel_loop3A_1726 = arith.mulf %parallel_loop3A_1725, %parallel_loop3A_1716 : vector<16xf32>
        %parallel_loop3A_1727 = arith.mulf %parallel_loop3A_1726, %get3A_9 : vector<16xf32>
        %parallel_loop3A_1728 = arith.addf %parallel_loop3A_1727, %get3A_25 : vector<16xf32>
        %parallel_loop3A_1729 = arith.index_cast %parallel_loop3A_1587 : i32 to index
        %parallel_loop3A_1730 = arith.constant 16 : index
        %parallel_loop3A_1731 = tpu.vector_load %arg13[%parallel_loop3A_1729, %parallel_loop3A_1730] {strides = array<i32>} : memref<128x128xf32, #tpu.memory_space<vmem>>, vector<16xf32>,
        tpu.vector_store %arg13[%parallel_loop3A_1729, %parallel_loop3A_1730], %parallel_loop3A_1728 {strides = array<i32>} : memref<128x128xf32, #tpu.memory_space<vmem>>, vector<16xf32>,
        %parallel_loop3A_1732 = arith.subf %parallel_loop3A_1616, %parallel_loop3A_1717 : vector<16xf32>
        %parallel_loop3A_1733 = arith.mulf %parallel_loop3A_1732, %parallel_loop3A_1716 : vector<16xf32>
        %parallel_loop3A_1734 = arith.mulf %parallel_loop3A_1733, %get3A_11 : vector<16xf32>
        %parallel_loop3A_1735 = arith.addf %parallel_loop3A_1734, %get3A_27 : vector<16xf32>
        %parallel_loop3A_1736 = arith.index_cast %parallel_loop3A_1587 : i32 to index
        %parallel_loop3A_1737 = arith.constant 32 : index
        %parallel_loop3A_1738 = tpu.vector_load %arg13[%parallel_loop3A_1736, %parallel_loop3A_1737] {strides = array<i32>} : memref<128x128xf32, #tpu.memory_space<vmem>>, vector<16xf32>,
        tpu.vector_store %arg13[%parallel_loop3A_1736, %parallel_loop3A_1737], %parallel_loop3A_1735 {strides = array<i32>} : memref<128x128xf32, #tpu.memory_space<vmem>>, vector<16xf32>,
        %parallel_loop3A_1739 = arith.subf %parallel_loop3A_1623, %parallel_loop3A_1717 : vector<16xf32>
        %parallel_loop3A_1740 = arith.mulf %parallel_loop3A_1739, %parallel_loop3A_1716 : vector<16xf32>
        %parallel_loop3A_1741 = arith.mulf %parallel_loop3A_1740, %get3A_13 : vector<16xf32>
        %parallel_loop3A_1742 = arith.addf %parallel_loop3A_1741, %get3A_29 : vector<16xf32>
        %parallel_loop3A_1743 = arith.index_cast %parallel_loop3A_1587 : i32 to index
        %parallel_loop3A_1744 = arith.constant 48 : index
        %parallel_loop3A_1745 = tpu.vector_load %arg13[%parallel_loop3A_1743, %parallel_loop3A_1744] {strides = array<i32>} : memref<128x128xf32, #tpu.memory_space<vmem>>, vector<16xf32>,
        tpu.vector_store %arg13[%parallel_loop3A_1743, %parallel_loop3A_1744], %parallel_loop3A_1742 {strides = array<i32>} : memref<128x128xf32, #tpu.memory_space<vmem>>, vector<16xf32>,
        %parallel_loop3A_1746 = arith.subf %parallel_loop3A_1630, %parallel_loop3A_1717 : vector<16xf32>
        %parallel_loop3A_1747 = arith.mulf %parallel_loop3A_1746, %parallel_loop3A_1716 : vector<16xf32>
        %parallel_loop3A_1748 = arith.mulf %parallel_loop3A_1747, %get3A_15 : vector<16xf32>
        %parallel_loop3A_1749 = arith.addf %parallel_loop3A_1748, %get3A_31 : vector<16xf32>
        %parallel_loop3A_1750 = arith.index_cast %parallel_loop3A_1587 : i32 to index
        %parallel_loop3A_1751 = arith.constant 64 : index
        %parallel_loop3A_1752 = tpu.vector_load %arg13[%parallel_loop3A_1750, %parallel_loop3A_1751] {strides = array<i32>} : memref<128x128xf32, #tpu.memory_space<vmem>>, vector<16xf32>,
        tpu.vector_store %arg13[%parallel_loop3A_1750, %parallel_loop3A_1751], %parallel_loop3A_1749 {strides = array<i32>} : memref<128x128xf32, #tpu.memory_space<vmem>>, vector<16xf32>,
        %parallel_loop3A_1753 = arith.subf %parallel_loop3A_1637, %parallel_loop3A_1717 : vector<16xf32>
        %parallel_loop3A_1754 = arith.mulf %parallel_loop3A_1753, %parallel_loop3A_1716 : vector<16xf32>
        %parallel_loop3A_1755 = arith.mulf %parallel_loop3A_1754, %get3A_17 : vector<16xf32>
        %parallel_loop3A_1756 = arith.addf %parallel_loop3A_1755, %get3A_33 : vector<16xf32>
        %parallel_loop3A_1757 = arith.index_cast %parallel_loop3A_1587 : i32 to index
        %parallel_loop3A_1758 = arith.constant 80 : index
        %parallel_loop3A_1759 = tpu.vector_load %arg13[%parallel_loop3A_1757, %parallel_loop3A_1758] {strides = array<i32>} : memref<128x128xf32, #tpu.memory_space<vmem>>, vector<16xf32>,
        tpu.vector_store %arg13[%parallel_loop3A_1757, %parallel_loop3A_1758], %parallel_loop3A_1756 {strides = array<i32>} : memref<128x128xf32, #tpu.memory_space<vmem>>, vector<16xf32>,
        %parallel_loop3A_1760 = arith.subf %parallel_loop3A_1644, %parallel_loop3A_1717 : vector<16xf32>
        %parallel_loop3A_1761 = arith.mulf %parallel_loop3A_1760, %parallel_loop3A_1716 : vector<16xf32>
        %parallel_loop3A_1762 = arith.mulf %parallel_loop3A_1761, %get3A_19 : vector<16xf32>
        %parallel_loop3A_1763 = arith.addf %parallel_loop3A_1762, %get3A_35 : vector<16xf32>
        %parallel_loop3A_1764 = arith.index_cast %parallel_loop3A_1587 : i32 to index
        %parallel_loop3A_1765 = arith.constant 96 : index
        %parallel_loop3A_1766 = tpu.vector_load %arg13[%parallel_loop3A_1764, %parallel_loop3A_1765] {strides = array<i32>} : memref<128x128xf32, #tpu.memory_space<vmem>>, vector<16xf32>,
        tpu.vector_store %arg13[%parallel_loop3A_1764, %parallel_loop3A_1765], %parallel_loop3A_1763 {strides = array<i32>} : memref<128x128xf32, #tpu.memory_space<vmem>>, vector<16xf32>,
        %parallel_loop3A_1767 = arith.subf %parallel_loop3A_1651, %parallel_loop3A_1717 : vector<16xf32>
        %parallel_loop3A_1768 = arith.mulf %parallel_loop3A_1767, %parallel_loop3A_1716 : vector<16xf32>
        %parallel_loop3A_1769 = arith.mulf %parallel_loop3A_1768, %get3A_21 : vector<16xf32>
        %parallel_loop3A_1770 = arith.addf %parallel_loop3A_1769, %get3A_37 : vector<16xf32>
        %parallel_loop3A_1771 = arith.index_cast %parallel_loop3A_1587 : i32 to index
        %parallel_loop3A_1772 = arith.constant 112 : index
        %parallel_loop3A_1773 = tpu.vector_load %arg13[%parallel_loop3A_1771, %parallel_loop3A_1772] {strides = array<i32>} : memref<128x128xf32, #tpu.memory_space<vmem>>, vector<16xf32>,
        tpu.vector_store %arg13[%parallel_loop3A_1771, %parallel_loop3A_1772], %parallel_loop3A_1770 {strides = array<i32>} : memref<128x128xf32, #tpu.memory_space<vmem>>, vector<16xf32>,
        %parallel_loop3A_1774 = arith.constant 16 : i32
        %parallel_loop3A_1775 = arith.muli %parallel_loop3A_59, %parallel_loop3A_1774 : i32
        %parallel_loop3A_1776 = arith.constant 9 : i32
        %parallel_loop3A_1777 = arith.addi %parallel_loop3A_1775, %parallel_loop3A_1776 : i32
        %parallel_loop3A_1778 = arith.addi %add3A_51, %parallel_loop3A_1777 : i32
        %parallel_loop3A_1779 = arith.constant 200 : i32
        %parallel_loop3A_1780 = arith.remsi %parallel_loop3A_1778, %parallel_loop3A_1779 : i32
        %parallel_loop3A_1781 = arith.constant 2 : i32
        %parallel_loop3A_1782 = arith.muli %parallel_loop3A_1780, %parallel_loop3A_1781 : i32
        %parallel_loop3A_1783 = vector.extract_strided_slice %parallel_loop3A_63 {offsets = [9], sizes = [1], strides = [1]} : vector<16xi32> to vector<1xi32>
        %parallel_loop3A_1784 = vector.extract %parallel_loop3A_1783[0] : i32 from vector<1xi32>
        %parallel_loop3A_1785 = arith.addi %parallel_loop3A_1782, %parallel_loop3A_1784 : i32
        %parallel_loop3A_1786 = arith.index_cast %parallel_loop3A_1777 : i32 to index
        %parallel_loop3A_1787 = arith.constant 0 : index
        %parallel_loop3A_1788 = tpu.vector_load %arg12[%parallel_loop3A_1786, %parallel_loop3A_1787] {strides = array<i32>} : memref<128x128xf32, #tpu.memory_space<vmem>>, vector<16xf32>,
        %parallel_loop3A_1789 = arith.index_cast %parallel_loop3A_1785 : i32 to index
        %parallel_loop3A_1790 = arith.constant 0 : index
        %parallel_loop3A_1791 = tpu.vector_load %arg14[%parallel_loop3A_1789, %parallel_loop3A_1790] {strides = array<i32>} : memref<400x128xf32, #tpu.memory_space<vmem>>, vector<16xf32>,
        %parallel_loop3A_1792 = arith.addf %parallel_loop3A_1788, %parallel_loop3A_1791 : vector<16xf32>
        %parallel_loop3A_1793 = arith.index_cast %parallel_loop3A_1777 : i32 to index
        %parallel_loop3A_1794 = arith.constant 16 : index
        %parallel_loop3A_1795 = tpu.vector_load %arg12[%parallel_loop3A_1793, %parallel_loop3A_1794] {strides = array<i32>} : memref<128x128xf32, #tpu.memory_space<vmem>>, vector<16xf32>,
        %parallel_loop3A_1796 = arith.index_cast %parallel_loop3A_1785 : i32 to index
        %parallel_loop3A_1797 = arith.constant 16 : index
        %parallel_loop3A_1798 = tpu.vector_load %arg14[%parallel_loop3A_1796, %parallel_loop3A_1797] {strides = array<i32>} : memref<400x128xf32, #tpu.memory_space<vmem>>, vector<16xf32>,
        %parallel_loop3A_1799 = arith.addf %parallel_loop3A_1795, %parallel_loop3A_1798 : vector<16xf32>
        %parallel_loop3A_1800 = arith.index_cast %parallel_loop3A_1777 : i32 to index
        %parallel_loop3A_1801 = arith.constant 32 : index
        %parallel_loop3A_1802 = tpu.vector_load %arg12[%parallel_loop3A_1800, %parallel_loop3A_1801] {strides = array<i32>} : memref<128x128xf32, #tpu.memory_space<vmem>>, vector<16xf32>,
        %parallel_loop3A_1803 = arith.index_cast %parallel_loop3A_1785 : i32 to index
        %parallel_loop3A_1804 = arith.constant 32 : index
        %parallel_loop3A_1805 = tpu.vector_load %arg14[%parallel_loop3A_1803, %parallel_loop3A_1804] {strides = array<i32>} : memref<400x128xf32, #tpu.memory_space<vmem>>, vector<16xf32>,
        %parallel_loop3A_1806 = arith.addf %parallel_loop3A_1802, %parallel_loop3A_1805 : vector<16xf32>
        %parallel_loop3A_1807 = arith.index_cast %parallel_loop3A_1777 : i32 to index
        %parallel_loop3A_1808 = arith.constant 48 : index
        %parallel_loop3A_1809 = tpu.vector_load %arg12[%parallel_loop3A_1807, %parallel_loop3A_1808] {strides = array<i32>} : memref<128x128xf32, #tpu.memory_space<vmem>>, vector<16xf32>,
        %parallel_loop3A_1810 = arith.index_cast %parallel_loop3A_1785 : i32 to index
        %parallel_loop3A_1811 = arith.constant 48 : index
        %parallel_loop3A_1812 = tpu.vector_load %arg14[%parallel_loop3A_1810, %parallel_loop3A_1811] {strides = array<i32>} : memref<400x128xf32, #tpu.memory_space<vmem>>, vector<16xf32>,
        %parallel_loop3A_1813 = arith.addf %parallel_loop3A_1809, %parallel_loop3A_1812 : vector<16xf32>
        %parallel_loop3A_1814 = arith.index_cast %parallel_loop3A_1777 : i32 to index
        %parallel_loop3A_1815 = arith.constant 64 : index
        %parallel_loop3A_1816 = tpu.vector_load %arg12[%parallel_loop3A_1814, %parallel_loop3A_1815] {strides = array<i32>} : memref<128x128xf32, #tpu.memory_space<vmem>>, vector<16xf32>,
        %parallel_loop3A_1817 = arith.index_cast %parallel_loop3A_1785 : i32 to index
        %parallel_loop3A_1818 = arith.constant 64 : index
        %parallel_loop3A_1819 = tpu.vector_load %arg14[%parallel_loop3A_1817, %parallel_loop3A_1818] {strides = array<i32>} : memref<400x128xf32, #tpu.memory_space<vmem>>, vector<16xf32>,
        %parallel_loop3A_1820 = arith.addf %parallel_loop3A_1816, %parallel_loop3A_1819 : vector<16xf32>
        %parallel_loop3A_1821 = arith.index_cast %parallel_loop3A_1777 : i32 to index
        %parallel_loop3A_1822 = arith.constant 80 : index
        %parallel_loop3A_1823 = tpu.vector_load %arg12[%parallel_loop3A_1821, %parallel_loop3A_1822] {strides = array<i32>} : memref<128x128xf32, #tpu.memory_space<vmem>>, vector<16xf32>,
        %parallel_loop3A_1824 = arith.index_cast %parallel_loop3A_1785 : i32 to index
        %parallel_loop3A_1825 = arith.constant 80 : index
        %parallel_loop3A_1826 = tpu.vector_load %arg14[%parallel_loop3A_1824, %parallel_loop3A_1825] {strides = array<i32>} : memref<400x128xf32, #tpu.memory_space<vmem>>, vector<16xf32>,
        %parallel_loop3A_1827 = arith.addf %parallel_loop3A_1823, %parallel_loop3A_1826 : vector<16xf32>
        %parallel_loop3A_1828 = arith.index_cast %parallel_loop3A_1777 : i32 to index
        %parallel_loop3A_1829 = arith.constant 96 : index
        %parallel_loop3A_1830 = tpu.vector_load %arg12[%parallel_loop3A_1828, %parallel_loop3A_1829] {strides = array<i32>} : memref<128x128xf32, #tpu.memory_space<vmem>>, vector<16xf32>,
        %parallel_loop3A_1831 = arith.index_cast %parallel_loop3A_1785 : i32 to index
        %parallel_loop3A_1832 = arith.constant 96 : index
        %parallel_loop3A_1833 = tpu.vector_load %arg14[%parallel_loop3A_1831, %parallel_loop3A_1832] {strides = array<i32>} : memref<400x128xf32, #tpu.memory_space<vmem>>, vector<16xf32>,
        %parallel_loop3A_1834 = arith.addf %parallel_loop3A_1830, %parallel_loop3A_1833 : vector<16xf32>
        %parallel_loop3A_1835 = arith.index_cast %parallel_loop3A_1777 : i32 to index
        %parallel_loop3A_1836 = arith.constant 112 : index
        %parallel_loop3A_1837 = tpu.vector_load %arg12[%parallel_loop3A_1835, %parallel_loop3A_1836] {strides = array<i32>} : memref<128x128xf32, #tpu.memory_space<vmem>>, vector<16xf32>,
        %parallel_loop3A_1838 = arith.index_cast %parallel_loop3A_1785 : i32 to index
        %parallel_loop3A_1839 = arith.constant 112 : index
        %parallel_loop3A_1840 = tpu.vector_load %arg14[%parallel_loop3A_1838, %parallel_loop3A_1839] {strides = array<i32>} : memref<400x128xf32, #tpu.memory_space<vmem>>, vector<16xf32>,
        %parallel_loop3A_1841 = arith.addf %parallel_loop3A_1837, %parallel_loop3A_1840 : vector<16xf32>
        %parallel_loop3A_1842 = arith.addf %parallel_loop3A_1792, %parallel_loop3A_1799 : vector<16xf32>
        %parallel_loop3A_1843 = arith.addf %parallel_loop3A_1842, %parallel_loop3A_1806 : vector<16xf32>
        %parallel_loop3A_1844 = arith.addf %parallel_loop3A_1843, %parallel_loop3A_1813 : vector<16xf32>
        %parallel_loop3A_1845 = arith.addf %parallel_loop3A_1844, %parallel_loop3A_1820 : vector<16xf32>
        %parallel_loop3A_1846 = arith.addf %parallel_loop3A_1845, %parallel_loop3A_1827 : vector<16xf32>
        %parallel_loop3A_1847 = arith.addf %parallel_loop3A_1846, %parallel_loop3A_1834 : vector<16xf32>
        %parallel_loop3A_1848 = arith.addf %parallel_loop3A_1847, %parallel_loop3A_1841 : vector<16xf32>
        %parallel_loop3A_1849 = arith.mulf %parallel_loop3A_1792, %parallel_loop3A_1792 : vector<16xf32>
        %parallel_loop3A_1850 = arith.mulf %parallel_loop3A_1799, %parallel_loop3A_1799 : vector<16xf32>
        %parallel_loop3A_1851 = arith.mulf %parallel_loop3A_1806, %parallel_loop3A_1806 : vector<16xf32>
        %parallel_loop3A_1852 = arith.mulf %parallel_loop3A_1813, %parallel_loop3A_1813 : vector<16xf32>
        %parallel_loop3A_1853 = arith.mulf %parallel_loop3A_1820, %parallel_loop3A_1820 : vector<16xf32>
        %parallel_loop3A_1854 = arith.mulf %parallel_loop3A_1827, %parallel_loop3A_1827 : vector<16xf32>
        %parallel_loop3A_1855 = arith.mulf %parallel_loop3A_1834, %parallel_loop3A_1834 : vector<16xf32>
        %parallel_loop3A_1856 = arith.mulf %parallel_loop3A_1841, %parallel_loop3A_1841 : vector<16xf32>
        %parallel_loop3A_1857 = arith.addf %parallel_loop3A_1849, %parallel_loop3A_1850 : vector<16xf32>
        %parallel_loop3A_1858 = arith.addf %parallel_loop3A_1857, %parallel_loop3A_1851 : vector<16xf32>
        %parallel_loop3A_1859 = arith.addf %parallel_loop3A_1858, %parallel_loop3A_1852 : vector<16xf32>
        %parallel_loop3A_1860 = arith.addf %parallel_loop3A_1859, %parallel_loop3A_1853 : vector<16xf32>
        %parallel_loop3A_1861 = arith.addf %parallel_loop3A_1860, %parallel_loop3A_1854 : vector<16xf32>
        %parallel_loop3A_1862 = arith.addf %parallel_loop3A_1861, %parallel_loop3A_1855 : vector<16xf32>
        %parallel_loop3A_1863 = arith.addf %parallel_loop3A_1862, %parallel_loop3A_1856 : vector<16xf32>
        %parallel_loop3A_1864 = arith.constant true
        %parallel_loop3A_1865 = vector.broadcast %parallel_loop3A_1864 : i1 to vector<16xi1>
        %parallel_loop3A_1866 = tpu.scan <sum>, %parallel_loop3A_1848 masked %parallel_loop3A_1865 : vector<16xf32>, vector<16xi1> -> vector<16xf32>
        %parallel_loop3A_1867 = vector.extract %parallel_loop3A_1866[15] : f32 from vector<16xf32>
        %parallel_loop3A_1868 = arith.constant true
        %parallel_loop3A_1869 = vector.broadcast %parallel_loop3A_1868 : i1 to vector<16xi1>
        %parallel_loop3A_1870 = tpu.scan <sum>, %parallel_loop3A_1863 masked %parallel_loop3A_1869 : vector<16xf32>, vector<16xi1> -> vector<16xf32>
        %parallel_loop3A_1871 = vector.extract %parallel_loop3A_1870[15] : f32 from vector<16xf32>
        %parallel_loop3A_1872 = arith.constant 7.812500e-03 : f32
        %parallel_loop3A_1873 = arith.mulf %parallel_loop3A_1867, %parallel_loop3A_1872 : f32
        %parallel_loop3A_1874 = arith.constant 7.812500e-03 : f32
        %parallel_loop3A_1875 = arith.mulf %parallel_loop3A_1871, %parallel_loop3A_1874 : f32
        %parallel_loop3A_1876 = arith.mulf %parallel_loop3A_1873, %parallel_loop3A_1873 : f32
        %parallel_loop3A_1877 = arith.subf %parallel_loop3A_1875, %parallel_loop3A_1876 : f32
        %parallel_loop3A_1878 = arith.constant 9.99999996E-13 : f32
        %parallel_loop3A_1879 = arith.addf %parallel_loop3A_1877, %parallel_loop3A_1878 : f32
        %parallel_loop3A_1880 = vector.broadcast %parallel_loop3A_1879 : f32 to vector<16xf32>
        %parallel_loop3A_1881 = tpu.bitcast %parallel_loop3A_1880 : vector<16xf32> -> vector<16xi32>
        %parallel_loop3A_1882 = arith.constant 1 : i32
        %parallel_loop3A_1883 = vector.broadcast %parallel_loop3A_1882 : i32 to vector<16xi32>
        %parallel_loop3A_1884 = arith.shrui %parallel_loop3A_1881, %parallel_loop3A_1883 : vector<16xi32>
        %parallel_loop3A_1885 = arith.constant 1597463007 : i32
        %parallel_loop3A_1886 = vector.broadcast %parallel_loop3A_1885 : i32 to vector<16xi32>
        %parallel_loop3A_1887 = arith.subi %parallel_loop3A_1886, %parallel_loop3A_1884 : vector<16xi32>
        %parallel_loop3A_1888 = tpu.bitcast %parallel_loop3A_1887 : vector<16xi32> -> vector<16xf32>
        %parallel_loop3A_1889 = arith.constant 5.000000e-01 : f32
        %parallel_loop3A_1890 = vector.broadcast %parallel_loop3A_1889 : f32 to vector<16xf32>
        %parallel_loop3A_1891 = arith.mulf %parallel_loop3A_1890, %parallel_loop3A_1880 : vector<16xf32>
        %parallel_loop3A_1892 = arith.mulf %parallel_loop3A_1891, %parallel_loop3A_1888 : vector<16xf32>
        %parallel_loop3A_1893 = arith.mulf %parallel_loop3A_1892, %parallel_loop3A_1888 : vector<16xf32>
        %parallel_loop3A_1894 = arith.constant 1.500000e+00 : f32
        %parallel_loop3A_1895 = vector.broadcast %parallel_loop3A_1894 : f32 to vector<16xf32>
        %parallel_loop3A_1896 = arith.subf %parallel_loop3A_1895, %parallel_loop3A_1893 : vector<16xf32>
        %parallel_loop3A_1897 = arith.mulf %parallel_loop3A_1888, %parallel_loop3A_1896 : vector<16xf32>
        %parallel_loop3A_1898 = arith.constant 5.000000e-01 : f32
        %parallel_loop3A_1899 = vector.broadcast %parallel_loop3A_1898 : f32 to vector<16xf32>
        %parallel_loop3A_1900 = arith.mulf %parallel_loop3A_1899, %parallel_loop3A_1880 : vector<16xf32>
        %parallel_loop3A_1901 = arith.mulf %parallel_loop3A_1900, %parallel_loop3A_1897 : vector<16xf32>
        %parallel_loop3A_1902 = arith.mulf %parallel_loop3A_1901, %parallel_loop3A_1897 : vector<16xf32>
        %parallel_loop3A_1903 = arith.constant 1.500000e+00 : f32
        %parallel_loop3A_1904 = vector.broadcast %parallel_loop3A_1903 : f32 to vector<16xf32>
        %parallel_loop3A_1905 = arith.subf %parallel_loop3A_1904, %parallel_loop3A_1902 : vector<16xf32>
        %parallel_loop3A_1906 = arith.mulf %parallel_loop3A_1897, %parallel_loop3A_1905 : vector<16xf32>
        %parallel_loop3A_1907 = vector.broadcast %parallel_loop3A_1873 : f32 to vector<16xf32>
        %parallel_loop3A_1908 = arith.subf %parallel_loop3A_1792, %parallel_loop3A_1907 : vector<16xf32>
        %parallel_loop3A_1909 = arith.mulf %parallel_loop3A_1908, %parallel_loop3A_1906 : vector<16xf32>
        %parallel_loop3A_1910 = arith.mulf %parallel_loop3A_1909, %get3A_7 : vector<16xf32>
        %parallel_loop3A_1911 = arith.addf %parallel_loop3A_1910, %get3A_23 : vector<16xf32>
        %parallel_loop3A_1912 = arith.index_cast %parallel_loop3A_1777 : i32 to index
        %parallel_loop3A_1913 = arith.constant 0 : index
        %parallel_loop3A_1914 = tpu.vector_load %arg13[%parallel_loop3A_1912, %parallel_loop3A_1913] {strides = array<i32>} : memref<128x128xf32, #tpu.memory_space<vmem>>, vector<16xf32>,
        tpu.vector_store %arg13[%parallel_loop3A_1912, %parallel_loop3A_1913], %parallel_loop3A_1911 {strides = array<i32>} : memref<128x128xf32, #tpu.memory_space<vmem>>, vector<16xf32>,
        %parallel_loop3A_1915 = arith.subf %parallel_loop3A_1799, %parallel_loop3A_1907 : vector<16xf32>
        %parallel_loop3A_1916 = arith.mulf %parallel_loop3A_1915, %parallel_loop3A_1906 : vector<16xf32>
        %parallel_loop3A_1917 = arith.mulf %parallel_loop3A_1916, %get3A_9 : vector<16xf32>
        %parallel_loop3A_1918 = arith.addf %parallel_loop3A_1917, %get3A_25 : vector<16xf32>
        %parallel_loop3A_1919 = arith.index_cast %parallel_loop3A_1777 : i32 to index
        %parallel_loop3A_1920 = arith.constant 16 : index
        %parallel_loop3A_1921 = tpu.vector_load %arg13[%parallel_loop3A_1919, %parallel_loop3A_1920] {strides = array<i32>} : memref<128x128xf32, #tpu.memory_space<vmem>>, vector<16xf32>,
        tpu.vector_store %arg13[%parallel_loop3A_1919, %parallel_loop3A_1920], %parallel_loop3A_1918 {strides = array<i32>} : memref<128x128xf32, #tpu.memory_space<vmem>>, vector<16xf32>,
        %parallel_loop3A_1922 = arith.subf %parallel_loop3A_1806, %parallel_loop3A_1907 : vector<16xf32>
        %parallel_loop3A_1923 = arith.mulf %parallel_loop3A_1922, %parallel_loop3A_1906 : vector<16xf32>
        %parallel_loop3A_1924 = arith.mulf %parallel_loop3A_1923, %get3A_11 : vector<16xf32>
        %parallel_loop3A_1925 = arith.addf %parallel_loop3A_1924, %get3A_27 : vector<16xf32>
        %parallel_loop3A_1926 = arith.index_cast %parallel_loop3A_1777 : i32 to index
        %parallel_loop3A_1927 = arith.constant 32 : index
        %parallel_loop3A_1928 = tpu.vector_load %arg13[%parallel_loop3A_1926, %parallel_loop3A_1927] {strides = array<i32>} : memref<128x128xf32, #tpu.memory_space<vmem>>, vector<16xf32>,
        tpu.vector_store %arg13[%parallel_loop3A_1926, %parallel_loop3A_1927], %parallel_loop3A_1925 {strides = array<i32>} : memref<128x128xf32, #tpu.memory_space<vmem>>, vector<16xf32>,
        %parallel_loop3A_1929 = arith.subf %parallel_loop3A_1813, %parallel_loop3A_1907 : vector<16xf32>
        %parallel_loop3A_1930 = arith.mulf %parallel_loop3A_1929, %parallel_loop3A_1906 : vector<16xf32>
        %parallel_loop3A_1931 = arith.mulf %parallel_loop3A_1930, %get3A_13 : vector<16xf32>
        %parallel_loop3A_1932 = arith.addf %parallel_loop3A_1931, %get3A_29 : vector<16xf32>
        %parallel_loop3A_1933 = arith.index_cast %parallel_loop3A_1777 : i32 to index
        %parallel_loop3A_1934 = arith.constant 48 : index
        %parallel_loop3A_1935 = tpu.vector_load %arg13[%parallel_loop3A_1933, %parallel_loop3A_1934] {strides = array<i32>} : memref<128x128xf32, #tpu.memory_space<vmem>>, vector<16xf32>,
        tpu.vector_store %arg13[%parallel_loop3A_1933, %parallel_loop3A_1934], %parallel_loop3A_1932 {strides = array<i32>} : memref<128x128xf32, #tpu.memory_space<vmem>>, vector<16xf32>,
        %parallel_loop3A_1936 = arith.subf %parallel_loop3A_1820, %parallel_loop3A_1907 : vector<16xf32>
        %parallel_loop3A_1937 = arith.mulf %parallel_loop3A_1936, %parallel_loop3A_1906 : vector<16xf32>
        %parallel_loop3A_1938 = arith.mulf %parallel_loop3A_1937, %get3A_15 : vector<16xf32>
        %parallel_loop3A_1939 = arith.addf %parallel_loop3A_1938, %get3A_31 : vector<16xf32>
        %parallel_loop3A_1940 = arith.index_cast %parallel_loop3A_1777 : i32 to index
        %parallel_loop3A_1941 = arith.constant 64 : index
        %parallel_loop3A_1942 = tpu.vector_load %arg13[%parallel_loop3A_1940, %parallel_loop3A_1941] {strides = array<i32>} : memref<128x128xf32, #tpu.memory_space<vmem>>, vector<16xf32>,
        tpu.vector_store %arg13[%parallel_loop3A_1940, %parallel_loop3A_1941], %parallel_loop3A_1939 {strides = array<i32>} : memref<128x128xf32, #tpu.memory_space<vmem>>, vector<16xf32>,
        %parallel_loop3A_1943 = arith.subf %parallel_loop3A_1827, %parallel_loop3A_1907 : vector<16xf32>
        %parallel_loop3A_1944 = arith.mulf %parallel_loop3A_1943, %parallel_loop3A_1906 : vector<16xf32>
        %parallel_loop3A_1945 = arith.mulf %parallel_loop3A_1944, %get3A_17 : vector<16xf32>
        %parallel_loop3A_1946 = arith.addf %parallel_loop3A_1945, %get3A_33 : vector<16xf32>
        %parallel_loop3A_1947 = arith.index_cast %parallel_loop3A_1777 : i32 to index
        %parallel_loop3A_1948 = arith.constant 80 : index
        %parallel_loop3A_1949 = tpu.vector_load %arg13[%parallel_loop3A_1947, %parallel_loop3A_1948] {strides = array<i32>} : memref<128x128xf32, #tpu.memory_space<vmem>>, vector<16xf32>,
        tpu.vector_store %arg13[%parallel_loop3A_1947, %parallel_loop3A_1948], %parallel_loop3A_1946 {strides = array<i32>} : memref<128x128xf32, #tpu.memory_space<vmem>>, vector<16xf32>,
        %parallel_loop3A_1950 = arith.subf %parallel_loop3A_1834, %parallel_loop3A_1907 : vector<16xf32>
        %parallel_loop3A_1951 = arith.mulf %parallel_loop3A_1950, %parallel_loop3A_1906 : vector<16xf32>
        %parallel_loop3A_1952 = arith.mulf %parallel_loop3A_1951, %get3A_19 : vector<16xf32>
        %parallel_loop3A_1953 = arith.addf %parallel_loop3A_1952, %get3A_35 : vector<16xf32>
        %parallel_loop3A_1954 = arith.index_cast %parallel_loop3A_1777 : i32 to index
        %parallel_loop3A_1955 = arith.constant 96 : index
        %parallel_loop3A_1956 = tpu.vector_load %arg13[%parallel_loop3A_1954, %parallel_loop3A_1955] {strides = array<i32>} : memref<128x128xf32, #tpu.memory_space<vmem>>, vector<16xf32>,
        tpu.vector_store %arg13[%parallel_loop3A_1954, %parallel_loop3A_1955], %parallel_loop3A_1953 {strides = array<i32>} : memref<128x128xf32, #tpu.memory_space<vmem>>, vector<16xf32>,
        %parallel_loop3A_1957 = arith.subf %parallel_loop3A_1841, %parallel_loop3A_1907 : vector<16xf32>
        %parallel_loop3A_1958 = arith.mulf %parallel_loop3A_1957, %parallel_loop3A_1906 : vector<16xf32>
        %parallel_loop3A_1959 = arith.mulf %parallel_loop3A_1958, %get3A_21 : vector<16xf32>
        %parallel_loop3A_1960 = arith.addf %parallel_loop3A_1959, %get3A_37 : vector<16xf32>
        %parallel_loop3A_1961 = arith.index_cast %parallel_loop3A_1777 : i32 to index
        %parallel_loop3A_1962 = arith.constant 112 : index
        %parallel_loop3A_1963 = tpu.vector_load %arg13[%parallel_loop3A_1961, %parallel_loop3A_1962] {strides = array<i32>} : memref<128x128xf32, #tpu.memory_space<vmem>>, vector<16xf32>,
        tpu.vector_store %arg13[%parallel_loop3A_1961, %parallel_loop3A_1962], %parallel_loop3A_1960 {strides = array<i32>} : memref<128x128xf32, #tpu.memory_space<vmem>>, vector<16xf32>,
        %parallel_loop3A_1964 = arith.constant 16 : i32
        %parallel_loop3A_1965 = arith.muli %parallel_loop3A_59, %parallel_loop3A_1964 : i32
        %parallel_loop3A_1966 = arith.constant 10 : i32
        %parallel_loop3A_1967 = arith.addi %parallel_loop3A_1965, %parallel_loop3A_1966 : i32
        %parallel_loop3A_1968 = arith.addi %add3A_51, %parallel_loop3A_1967 : i32
        %parallel_loop3A_1969 = arith.constant 200 : i32
        %parallel_loop3A_1970 = arith.remsi %parallel_loop3A_1968, %parallel_loop3A_1969 : i32
        %parallel_loop3A_1971 = arith.constant 2 : i32
        %parallel_loop3A_1972 = arith.muli %parallel_loop3A_1970, %parallel_loop3A_1971 : i32
        %parallel_loop3A_1973 = vector.extract_strided_slice %parallel_loop3A_63 {offsets = [10], sizes = [1], strides = [1]} : vector<16xi32> to vector<1xi32>
        %parallel_loop3A_1974 = vector.extract %parallel_loop3A_1973[0] : i32 from vector<1xi32>
        %parallel_loop3A_1975 = arith.addi %parallel_loop3A_1972, %parallel_loop3A_1974 : i32
        %parallel_loop3A_1976 = arith.index_cast %parallel_loop3A_1967 : i32 to index
        %parallel_loop3A_1977 = arith.constant 0 : index
        %parallel_loop3A_1978 = tpu.vector_load %arg12[%parallel_loop3A_1976, %parallel_loop3A_1977] {strides = array<i32>} : memref<128x128xf32, #tpu.memory_space<vmem>>, vector<16xf32>,
        %parallel_loop3A_1979 = arith.index_cast %parallel_loop3A_1975 : i32 to index
        %parallel_loop3A_1980 = arith.constant 0 : index
        %parallel_loop3A_1981 = tpu.vector_load %arg14[%parallel_loop3A_1979, %parallel_loop3A_1980] {strides = array<i32>} : memref<400x128xf32, #tpu.memory_space<vmem>>, vector<16xf32>,
        %parallel_loop3A_1982 = arith.addf %parallel_loop3A_1978, %parallel_loop3A_1981 : vector<16xf32>
        %parallel_loop3A_1983 = arith.index_cast %parallel_loop3A_1967 : i32 to index
        %parallel_loop3A_1984 = arith.constant 16 : index
        %parallel_loop3A_1985 = tpu.vector_load %arg12[%parallel_loop3A_1983, %parallel_loop3A_1984] {strides = array<i32>} : memref<128x128xf32, #tpu.memory_space<vmem>>, vector<16xf32>,
        %parallel_loop3A_1986 = arith.index_cast %parallel_loop3A_1975 : i32 to index
        %parallel_loop3A_1987 = arith.constant 16 : index
        %parallel_loop3A_1988 = tpu.vector_load %arg14[%parallel_loop3A_1986, %parallel_loop3A_1987] {strides = array<i32>} : memref<400x128xf32, #tpu.memory_space<vmem>>, vector<16xf32>,
        %parallel_loop3A_1989 = arith.addf %parallel_loop3A_1985, %parallel_loop3A_1988 : vector<16xf32>
        %parallel_loop3A_1990 = arith.index_cast %parallel_loop3A_1967 : i32 to index
        %parallel_loop3A_1991 = arith.constant 32 : index
        %parallel_loop3A_1992 = tpu.vector_load %arg12[%parallel_loop3A_1990, %parallel_loop3A_1991] {strides = array<i32>} : memref<128x128xf32, #tpu.memory_space<vmem>>, vector<16xf32>,
        %parallel_loop3A_1993 = arith.index_cast %parallel_loop3A_1975 : i32 to index
        %parallel_loop3A_1994 = arith.constant 32 : index
        %parallel_loop3A_1995 = tpu.vector_load %arg14[%parallel_loop3A_1993, %parallel_loop3A_1994] {strides = array<i32>} : memref<400x128xf32, #tpu.memory_space<vmem>>, vector<16xf32>,
        %parallel_loop3A_1996 = arith.addf %parallel_loop3A_1992, %parallel_loop3A_1995 : vector<16xf32>
        %parallel_loop3A_1997 = arith.index_cast %parallel_loop3A_1967 : i32 to index
        %parallel_loop3A_1998 = arith.constant 48 : index
        %parallel_loop3A_1999 = tpu.vector_load %arg12[%parallel_loop3A_1997, %parallel_loop3A_1998] {strides = array<i32>} : memref<128x128xf32, #tpu.memory_space<vmem>>, vector<16xf32>,
        %parallel_loop3A_2000 = arith.index_cast %parallel_loop3A_1975 : i32 to index
        %parallel_loop3A_2001 = arith.constant 48 : index
        %parallel_loop3A_2002 = tpu.vector_load %arg14[%parallel_loop3A_2000, %parallel_loop3A_2001] {strides = array<i32>} : memref<400x128xf32, #tpu.memory_space<vmem>>, vector<16xf32>,
        %parallel_loop3A_2003 = arith.addf %parallel_loop3A_1999, %parallel_loop3A_2002 : vector<16xf32>
        %parallel_loop3A_2004 = arith.index_cast %parallel_loop3A_1967 : i32 to index
        %parallel_loop3A_2005 = arith.constant 64 : index
        %parallel_loop3A_2006 = tpu.vector_load %arg12[%parallel_loop3A_2004, %parallel_loop3A_2005] {strides = array<i32>} : memref<128x128xf32, #tpu.memory_space<vmem>>, vector<16xf32>,
        %parallel_loop3A_2007 = arith.index_cast %parallel_loop3A_1975 : i32 to index
        %parallel_loop3A_2008 = arith.constant 64 : index
        %parallel_loop3A_2009 = tpu.vector_load %arg14[%parallel_loop3A_2007, %parallel_loop3A_2008] {strides = array<i32>} : memref<400x128xf32, #tpu.memory_space<vmem>>, vector<16xf32>,
        %parallel_loop3A_2010 = arith.addf %parallel_loop3A_2006, %parallel_loop3A_2009 : vector<16xf32>
        %parallel_loop3A_2011 = arith.index_cast %parallel_loop3A_1967 : i32 to index
        %parallel_loop3A_2012 = arith.constant 80 : index
        %parallel_loop3A_2013 = tpu.vector_load %arg12[%parallel_loop3A_2011, %parallel_loop3A_2012] {strides = array<i32>} : memref<128x128xf32, #tpu.memory_space<vmem>>, vector<16xf32>,
        %parallel_loop3A_2014 = arith.index_cast %parallel_loop3A_1975 : i32 to index
        %parallel_loop3A_2015 = arith.constant 80 : index
        %parallel_loop3A_2016 = tpu.vector_load %arg14[%parallel_loop3A_2014, %parallel_loop3A_2015] {strides = array<i32>} : memref<400x128xf32, #tpu.memory_space<vmem>>, vector<16xf32>,
        %parallel_loop3A_2017 = arith.addf %parallel_loop3A_2013, %parallel_loop3A_2016 : vector<16xf32>
        %parallel_loop3A_2018 = arith.index_cast %parallel_loop3A_1967 : i32 to index
        %parallel_loop3A_2019 = arith.constant 96 : index
        %parallel_loop3A_2020 = tpu.vector_load %arg12[%parallel_loop3A_2018, %parallel_loop3A_2019] {strides = array<i32>} : memref<128x128xf32, #tpu.memory_space<vmem>>, vector<16xf32>,
        %parallel_loop3A_2021 = arith.index_cast %parallel_loop3A_1975 : i32 to index
        %parallel_loop3A_2022 = arith.constant 96 : index
        %parallel_loop3A_2023 = tpu.vector_load %arg14[%parallel_loop3A_2021, %parallel_loop3A_2022] {strides = array<i32>} : memref<400x128xf32, #tpu.memory_space<vmem>>, vector<16xf32>,
        %parallel_loop3A_2024 = arith.addf %parallel_loop3A_2020, %parallel_loop3A_2023 : vector<16xf32>
        %parallel_loop3A_2025 = arith.index_cast %parallel_loop3A_1967 : i32 to index
        %parallel_loop3A_2026 = arith.constant 112 : index
        %parallel_loop3A_2027 = tpu.vector_load %arg12[%parallel_loop3A_2025, %parallel_loop3A_2026] {strides = array<i32>} : memref<128x128xf32, #tpu.memory_space<vmem>>, vector<16xf32>,
        %parallel_loop3A_2028 = arith.index_cast %parallel_loop3A_1975 : i32 to index
        %parallel_loop3A_2029 = arith.constant 112 : index
        %parallel_loop3A_2030 = tpu.vector_load %arg14[%parallel_loop3A_2028, %parallel_loop3A_2029] {strides = array<i32>} : memref<400x128xf32, #tpu.memory_space<vmem>>, vector<16xf32>,
        %parallel_loop3A_2031 = arith.addf %parallel_loop3A_2027, %parallel_loop3A_2030 : vector<16xf32>
        %parallel_loop3A_2032 = arith.addf %parallel_loop3A_1982, %parallel_loop3A_1989 : vector<16xf32>
        %parallel_loop3A_2033 = arith.addf %parallel_loop3A_2032, %parallel_loop3A_1996 : vector<16xf32>
        %parallel_loop3A_2034 = arith.addf %parallel_loop3A_2033, %parallel_loop3A_2003 : vector<16xf32>
        %parallel_loop3A_2035 = arith.addf %parallel_loop3A_2034, %parallel_loop3A_2010 : vector<16xf32>
        %parallel_loop3A_2036 = arith.addf %parallel_loop3A_2035, %parallel_loop3A_2017 : vector<16xf32>
        %parallel_loop3A_2037 = arith.addf %parallel_loop3A_2036, %parallel_loop3A_2024 : vector<16xf32>
        %parallel_loop3A_2038 = arith.addf %parallel_loop3A_2037, %parallel_loop3A_2031 : vector<16xf32>
        %parallel_loop3A_2039 = arith.mulf %parallel_loop3A_1982, %parallel_loop3A_1982 : vector<16xf32>
        %parallel_loop3A_2040 = arith.mulf %parallel_loop3A_1989, %parallel_loop3A_1989 : vector<16xf32>
        %parallel_loop3A_2041 = arith.mulf %parallel_loop3A_1996, %parallel_loop3A_1996 : vector<16xf32>
        %parallel_loop3A_2042 = arith.mulf %parallel_loop3A_2003, %parallel_loop3A_2003 : vector<16xf32>
        %parallel_loop3A_2043 = arith.mulf %parallel_loop3A_2010, %parallel_loop3A_2010 : vector<16xf32>
        %parallel_loop3A_2044 = arith.mulf %parallel_loop3A_2017, %parallel_loop3A_2017 : vector<16xf32>
        %parallel_loop3A_2045 = arith.mulf %parallel_loop3A_2024, %parallel_loop3A_2024 : vector<16xf32>
        %parallel_loop3A_2046 = arith.mulf %parallel_loop3A_2031, %parallel_loop3A_2031 : vector<16xf32>
        %parallel_loop3A_2047 = arith.addf %parallel_loop3A_2039, %parallel_loop3A_2040 : vector<16xf32>
        %parallel_loop3A_2048 = arith.addf %parallel_loop3A_2047, %parallel_loop3A_2041 : vector<16xf32>
        %parallel_loop3A_2049 = arith.addf %parallel_loop3A_2048, %parallel_loop3A_2042 : vector<16xf32>
        %parallel_loop3A_2050 = arith.addf %parallel_loop3A_2049, %parallel_loop3A_2043 : vector<16xf32>
        %parallel_loop3A_2051 = arith.addf %parallel_loop3A_2050, %parallel_loop3A_2044 : vector<16xf32>
        %parallel_loop3A_2052 = arith.addf %parallel_loop3A_2051, %parallel_loop3A_2045 : vector<16xf32>
        %parallel_loop3A_2053 = arith.addf %parallel_loop3A_2052, %parallel_loop3A_2046 : vector<16xf32>
        %parallel_loop3A_2054 = arith.constant true
        %parallel_loop3A_2055 = vector.broadcast %parallel_loop3A_2054 : i1 to vector<16xi1>
        %parallel_loop3A_2056 = tpu.scan <sum>, %parallel_loop3A_2038 masked %parallel_loop3A_2055 : vector<16xf32>, vector<16xi1> -> vector<16xf32>
        %parallel_loop3A_2057 = vector.extract %parallel_loop3A_2056[15] : f32 from vector<16xf32>
        %parallel_loop3A_2058 = arith.constant true
        %parallel_loop3A_2059 = vector.broadcast %parallel_loop3A_2058 : i1 to vector<16xi1>
        %parallel_loop3A_2060 = tpu.scan <sum>, %parallel_loop3A_2053 masked %parallel_loop3A_2059 : vector<16xf32>, vector<16xi1> -> vector<16xf32>
        %parallel_loop3A_2061 = vector.extract %parallel_loop3A_2060[15] : f32 from vector<16xf32>
        %parallel_loop3A_2062 = arith.constant 7.812500e-03 : f32
        %parallel_loop3A_2063 = arith.mulf %parallel_loop3A_2057, %parallel_loop3A_2062 : f32
        %parallel_loop3A_2064 = arith.constant 7.812500e-03 : f32
        %parallel_loop3A_2065 = arith.mulf %parallel_loop3A_2061, %parallel_loop3A_2064 : f32
        %parallel_loop3A_2066 = arith.mulf %parallel_loop3A_2063, %parallel_loop3A_2063 : f32
        %parallel_loop3A_2067 = arith.subf %parallel_loop3A_2065, %parallel_loop3A_2066 : f32
        %parallel_loop3A_2068 = arith.constant 9.99999996E-13 : f32
        %parallel_loop3A_2069 = arith.addf %parallel_loop3A_2067, %parallel_loop3A_2068 : f32
        %parallel_loop3A_2070 = vector.broadcast %parallel_loop3A_2069 : f32 to vector<16xf32>
        %parallel_loop3A_2071 = tpu.bitcast %parallel_loop3A_2070 : vector<16xf32> -> vector<16xi32>
        %parallel_loop3A_2072 = arith.constant 1 : i32
        %parallel_loop3A_2073 = vector.broadcast %parallel_loop3A_2072 : i32 to vector<16xi32>
        %parallel_loop3A_2074 = arith.shrui %parallel_loop3A_2071, %parallel_loop3A_2073 : vector<16xi32>
        %parallel_loop3A_2075 = arith.constant 1597463007 : i32
        %parallel_loop3A_2076 = vector.broadcast %parallel_loop3A_2075 : i32 to vector<16xi32>
        %parallel_loop3A_2077 = arith.subi %parallel_loop3A_2076, %parallel_loop3A_2074 : vector<16xi32>
        %parallel_loop3A_2078 = tpu.bitcast %parallel_loop3A_2077 : vector<16xi32> -> vector<16xf32>
        %parallel_loop3A_2079 = arith.constant 5.000000e-01 : f32
        %parallel_loop3A_2080 = vector.broadcast %parallel_loop3A_2079 : f32 to vector<16xf32>
        %parallel_loop3A_2081 = arith.mulf %parallel_loop3A_2080, %parallel_loop3A_2070 : vector<16xf32>
        %parallel_loop3A_2082 = arith.mulf %parallel_loop3A_2081, %parallel_loop3A_2078 : vector<16xf32>
        %parallel_loop3A_2083 = arith.mulf %parallel_loop3A_2082, %parallel_loop3A_2078 : vector<16xf32>
        %parallel_loop3A_2084 = arith.constant 1.500000e+00 : f32
        %parallel_loop3A_2085 = vector.broadcast %parallel_loop3A_2084 : f32 to vector<16xf32>
        %parallel_loop3A_2086 = arith.subf %parallel_loop3A_2085, %parallel_loop3A_2083 : vector<16xf32>
        %parallel_loop3A_2087 = arith.mulf %parallel_loop3A_2078, %parallel_loop3A_2086 : vector<16xf32>
        %parallel_loop3A_2088 = arith.constant 5.000000e-01 : f32
        %parallel_loop3A_2089 = vector.broadcast %parallel_loop3A_2088 : f32 to vector<16xf32>
        %parallel_loop3A_2090 = arith.mulf %parallel_loop3A_2089, %parallel_loop3A_2070 : vector<16xf32>
        %parallel_loop3A_2091 = arith.mulf %parallel_loop3A_2090, %parallel_loop3A_2087 : vector<16xf32>
        %parallel_loop3A_2092 = arith.mulf %parallel_loop3A_2091, %parallel_loop3A_2087 : vector<16xf32>
        %parallel_loop3A_2093 = arith.constant 1.500000e+00 : f32
        %parallel_loop3A_2094 = vector.broadcast %parallel_loop3A_2093 : f32 to vector<16xf32>
        %parallel_loop3A_2095 = arith.subf %parallel_loop3A_2094, %parallel_loop3A_2092 : vector<16xf32>
        %parallel_loop3A_2096 = arith.mulf %parallel_loop3A_2087, %parallel_loop3A_2095 : vector<16xf32>
        %parallel_loop3A_2097 = vector.broadcast %parallel_loop3A_2063 : f32 to vector<16xf32>
        %parallel_loop3A_2098 = arith.subf %parallel_loop3A_1982, %parallel_loop3A_2097 : vector<16xf32>
        %parallel_loop3A_2099 = arith.mulf %parallel_loop3A_2098, %parallel_loop3A_2096 : vector<16xf32>
        %parallel_loop3A_2100 = arith.mulf %parallel_loop3A_2099, %get3A_7 : vector<16xf32>
        %parallel_loop3A_2101 = arith.addf %parallel_loop3A_2100, %get3A_23 : vector<16xf32>
        %parallel_loop3A_2102 = arith.index_cast %parallel_loop3A_1967 : i32 to index
        %parallel_loop3A_2103 = arith.constant 0 : index
        %parallel_loop3A_2104 = tpu.vector_load %arg13[%parallel_loop3A_2102, %parallel_loop3A_2103] {strides = array<i32>} : memref<128x128xf32, #tpu.memory_space<vmem>>, vector<16xf32>,
        tpu.vector_store %arg13[%parallel_loop3A_2102, %parallel_loop3A_2103], %parallel_loop3A_2101 {strides = array<i32>} : memref<128x128xf32, #tpu.memory_space<vmem>>, vector<16xf32>,
        %parallel_loop3A_2105 = arith.subf %parallel_loop3A_1989, %parallel_loop3A_2097 : vector<16xf32>
        %parallel_loop3A_2106 = arith.mulf %parallel_loop3A_2105, %parallel_loop3A_2096 : vector<16xf32>
        %parallel_loop3A_2107 = arith.mulf %parallel_loop3A_2106, %get3A_9 : vector<16xf32>
        %parallel_loop3A_2108 = arith.addf %parallel_loop3A_2107, %get3A_25 : vector<16xf32>
        %parallel_loop3A_2109 = arith.index_cast %parallel_loop3A_1967 : i32 to index
        %parallel_loop3A_2110 = arith.constant 16 : index
        %parallel_loop3A_2111 = tpu.vector_load %arg13[%parallel_loop3A_2109, %parallel_loop3A_2110] {strides = array<i32>} : memref<128x128xf32, #tpu.memory_space<vmem>>, vector<16xf32>,
        tpu.vector_store %arg13[%parallel_loop3A_2109, %parallel_loop3A_2110], %parallel_loop3A_2108 {strides = array<i32>} : memref<128x128xf32, #tpu.memory_space<vmem>>, vector<16xf32>,
        %parallel_loop3A_2112 = arith.subf %parallel_loop3A_1996, %parallel_loop3A_2097 : vector<16xf32>
        %parallel_loop3A_2113 = arith.mulf %parallel_loop3A_2112, %parallel_loop3A_2096 : vector<16xf32>
        %parallel_loop3A_2114 = arith.mulf %parallel_loop3A_2113, %get3A_11 : vector<16xf32>
        %parallel_loop3A_2115 = arith.addf %parallel_loop3A_2114, %get3A_27 : vector<16xf32>
        %parallel_loop3A_2116 = arith.index_cast %parallel_loop3A_1967 : i32 to index
        %parallel_loop3A_2117 = arith.constant 32 : index
        %parallel_loop3A_2118 = tpu.vector_load %arg13[%parallel_loop3A_2116, %parallel_loop3A_2117] {strides = array<i32>} : memref<128x128xf32, #tpu.memory_space<vmem>>, vector<16xf32>,
        tpu.vector_store %arg13[%parallel_loop3A_2116, %parallel_loop3A_2117], %parallel_loop3A_2115 {strides = array<i32>} : memref<128x128xf32, #tpu.memory_space<vmem>>, vector<16xf32>,
        %parallel_loop3A_2119 = arith.subf %parallel_loop3A_2003, %parallel_loop3A_2097 : vector<16xf32>
        %parallel_loop3A_2120 = arith.mulf %parallel_loop3A_2119, %parallel_loop3A_2096 : vector<16xf32>
        %parallel_loop3A_2121 = arith.mulf %parallel_loop3A_2120, %get3A_13 : vector<16xf32>
        %parallel_loop3A_2122 = arith.addf %parallel_loop3A_2121, %get3A_29 : vector<16xf32>
        %parallel_loop3A_2123 = arith.index_cast %parallel_loop3A_1967 : i32 to index
        %parallel_loop3A_2124 = arith.constant 48 : index
        %parallel_loop3A_2125 = tpu.vector_load %arg13[%parallel_loop3A_2123, %parallel_loop3A_2124] {strides = array<i32>} : memref<128x128xf32, #tpu.memory_space<vmem>>, vector<16xf32>,
        tpu.vector_store %arg13[%parallel_loop3A_2123, %parallel_loop3A_2124], %parallel_loop3A_2122 {strides = array<i32>} : memref<128x128xf32, #tpu.memory_space<vmem>>, vector<16xf32>,
        %parallel_loop3A_2126 = arith.subf %parallel_loop3A_2010, %parallel_loop3A_2097 : vector<16xf32>
        %parallel_loop3A_2127 = arith.mulf %parallel_loop3A_2126, %parallel_loop3A_2096 : vector<16xf32>
        %parallel_loop3A_2128 = arith.mulf %parallel_loop3A_2127, %get3A_15 : vector<16xf32>
        %parallel_loop3A_2129 = arith.addf %parallel_loop3A_2128, %get3A_31 : vector<16xf32>
        %parallel_loop3A_2130 = arith.index_cast %parallel_loop3A_1967 : i32 to index
        %parallel_loop3A_2131 = arith.constant 64 : index
        %parallel_loop3A_2132 = tpu.vector_load %arg13[%parallel_loop3A_2130, %parallel_loop3A_2131] {strides = array<i32>} : memref<128x128xf32, #tpu.memory_space<vmem>>, vector<16xf32>,
        tpu.vector_store %arg13[%parallel_loop3A_2130, %parallel_loop3A_2131], %parallel_loop3A_2129 {strides = array<i32>} : memref<128x128xf32, #tpu.memory_space<vmem>>, vector<16xf32>,
        %parallel_loop3A_2133 = arith.subf %parallel_loop3A_2017, %parallel_loop3A_2097 : vector<16xf32>
        %parallel_loop3A_2134 = arith.mulf %parallel_loop3A_2133, %parallel_loop3A_2096 : vector<16xf32>
        %parallel_loop3A_2135 = arith.mulf %parallel_loop3A_2134, %get3A_17 : vector<16xf32>
        %parallel_loop3A_2136 = arith.addf %parallel_loop3A_2135, %get3A_33 : vector<16xf32>
        %parallel_loop3A_2137 = arith.index_cast %parallel_loop3A_1967 : i32 to index
        %parallel_loop3A_2138 = arith.constant 80 : index
        %parallel_loop3A_2139 = tpu.vector_load %arg13[%parallel_loop3A_2137, %parallel_loop3A_2138] {strides = array<i32>} : memref<128x128xf32, #tpu.memory_space<vmem>>, vector<16xf32>,
        tpu.vector_store %arg13[%parallel_loop3A_2137, %parallel_loop3A_2138], %parallel_loop3A_2136 {strides = array<i32>} : memref<128x128xf32, #tpu.memory_space<vmem>>, vector<16xf32>,
        %parallel_loop3A_2140 = arith.subf %parallel_loop3A_2024, %parallel_loop3A_2097 : vector<16xf32>
        %parallel_loop3A_2141 = arith.mulf %parallel_loop3A_2140, %parallel_loop3A_2096 : vector<16xf32>
        %parallel_loop3A_2142 = arith.mulf %parallel_loop3A_2141, %get3A_19 : vector<16xf32>
        %parallel_loop3A_2143 = arith.addf %parallel_loop3A_2142, %get3A_35 : vector<16xf32>
        %parallel_loop3A_2144 = arith.index_cast %parallel_loop3A_1967 : i32 to index
        %parallel_loop3A_2145 = arith.constant 96 : index
        %parallel_loop3A_2146 = tpu.vector_load %arg13[%parallel_loop3A_2144, %parallel_loop3A_2145] {strides = array<i32>} : memref<128x128xf32, #tpu.memory_space<vmem>>, vector<16xf32>,
        tpu.vector_store %arg13[%parallel_loop3A_2144, %parallel_loop3A_2145], %parallel_loop3A_2143 {strides = array<i32>} : memref<128x128xf32, #tpu.memory_space<vmem>>, vector<16xf32>,
        %parallel_loop3A_2147 = arith.subf %parallel_loop3A_2031, %parallel_loop3A_2097 : vector<16xf32>
        %parallel_loop3A_2148 = arith.mulf %parallel_loop3A_2147, %parallel_loop3A_2096 : vector<16xf32>
        %parallel_loop3A_2149 = arith.mulf %parallel_loop3A_2148, %get3A_21 : vector<16xf32>
        %parallel_loop3A_2150 = arith.addf %parallel_loop3A_2149, %get3A_37 : vector<16xf32>
        %parallel_loop3A_2151 = arith.index_cast %parallel_loop3A_1967 : i32 to index
        %parallel_loop3A_2152 = arith.constant 112 : index
        %parallel_loop3A_2153 = tpu.vector_load %arg13[%parallel_loop3A_2151, %parallel_loop3A_2152] {strides = array<i32>} : memref<128x128xf32, #tpu.memory_space<vmem>>, vector<16xf32>,
        tpu.vector_store %arg13[%parallel_loop3A_2151, %parallel_loop3A_2152], %parallel_loop3A_2150 {strides = array<i32>} : memref<128x128xf32, #tpu.memory_space<vmem>>, vector<16xf32>,
        %parallel_loop3A_2154 = arith.constant 16 : i32
        %parallel_loop3A_2155 = arith.muli %parallel_loop3A_59, %parallel_loop3A_2154 : i32
        %parallel_loop3A_2156 = arith.constant 11 : i32
        %parallel_loop3A_2157 = arith.addi %parallel_loop3A_2155, %parallel_loop3A_2156 : i32
        %parallel_loop3A_2158 = arith.addi %add3A_51, %parallel_loop3A_2157 : i32
        %parallel_loop3A_2159 = arith.constant 200 : i32
        %parallel_loop3A_2160 = arith.remsi %parallel_loop3A_2158, %parallel_loop3A_2159 : i32
        %parallel_loop3A_2161 = arith.constant 2 : i32
        %parallel_loop3A_2162 = arith.muli %parallel_loop3A_2160, %parallel_loop3A_2161 : i32
        %parallel_loop3A_2163 = vector.extract_strided_slice %parallel_loop3A_63 {offsets = [11], sizes = [1], strides = [1]} : vector<16xi32> to vector<1xi32>
        %parallel_loop3A_2164 = vector.extract %parallel_loop3A_2163[0] : i32 from vector<1xi32>
        %parallel_loop3A_2165 = arith.addi %parallel_loop3A_2162, %parallel_loop3A_2164 : i32
        %parallel_loop3A_2166 = arith.index_cast %parallel_loop3A_2157 : i32 to index
        %parallel_loop3A_2167 = arith.constant 0 : index
        %parallel_loop3A_2168 = tpu.vector_load %arg12[%parallel_loop3A_2166, %parallel_loop3A_2167] {strides = array<i32>} : memref<128x128xf32, #tpu.memory_space<vmem>>, vector<16xf32>,
        %parallel_loop3A_2169 = arith.index_cast %parallel_loop3A_2165 : i32 to index
        %parallel_loop3A_2170 = arith.constant 0 : index
        %parallel_loop3A_2171 = tpu.vector_load %arg14[%parallel_loop3A_2169, %parallel_loop3A_2170] {strides = array<i32>} : memref<400x128xf32, #tpu.memory_space<vmem>>, vector<16xf32>,
        %parallel_loop3A_2172 = arith.addf %parallel_loop3A_2168, %parallel_loop3A_2171 : vector<16xf32>
        %parallel_loop3A_2173 = arith.index_cast %parallel_loop3A_2157 : i32 to index
        %parallel_loop3A_2174 = arith.constant 16 : index
        %parallel_loop3A_2175 = tpu.vector_load %arg12[%parallel_loop3A_2173, %parallel_loop3A_2174] {strides = array<i32>} : memref<128x128xf32, #tpu.memory_space<vmem>>, vector<16xf32>,
        %parallel_loop3A_2176 = arith.index_cast %parallel_loop3A_2165 : i32 to index
        %parallel_loop3A_2177 = arith.constant 16 : index
        %parallel_loop3A_2178 = tpu.vector_load %arg14[%parallel_loop3A_2176, %parallel_loop3A_2177] {strides = array<i32>} : memref<400x128xf32, #tpu.memory_space<vmem>>, vector<16xf32>,
        %parallel_loop3A_2179 = arith.addf %parallel_loop3A_2175, %parallel_loop3A_2178 : vector<16xf32>
        %parallel_loop3A_2180 = arith.index_cast %parallel_loop3A_2157 : i32 to index
        %parallel_loop3A_2181 = arith.constant 32 : index
        %parallel_loop3A_2182 = tpu.vector_load %arg12[%parallel_loop3A_2180, %parallel_loop3A_2181] {strides = array<i32>} : memref<128x128xf32, #tpu.memory_space<vmem>>, vector<16xf32>,
        %parallel_loop3A_2183 = arith.index_cast %parallel_loop3A_2165 : i32 to index
        %parallel_loop3A_2184 = arith.constant 32 : index
        %parallel_loop3A_2185 = tpu.vector_load %arg14[%parallel_loop3A_2183, %parallel_loop3A_2184] {strides = array<i32>} : memref<400x128xf32, #tpu.memory_space<vmem>>, vector<16xf32>,
        %parallel_loop3A_2186 = arith.addf %parallel_loop3A_2182, %parallel_loop3A_2185 : vector<16xf32>
        %parallel_loop3A_2187 = arith.index_cast %parallel_loop3A_2157 : i32 to index
        %parallel_loop3A_2188 = arith.constant 48 : index
        %parallel_loop3A_2189 = tpu.vector_load %arg12[%parallel_loop3A_2187, %parallel_loop3A_2188] {strides = array<i32>} : memref<128x128xf32, #tpu.memory_space<vmem>>, vector<16xf32>,
        %parallel_loop3A_2190 = arith.index_cast %parallel_loop3A_2165 : i32 to index
        %parallel_loop3A_2191 = arith.constant 48 : index
        %parallel_loop3A_2192 = tpu.vector_load %arg14[%parallel_loop3A_2190, %parallel_loop3A_2191] {strides = array<i32>} : memref<400x128xf32, #tpu.memory_space<vmem>>, vector<16xf32>,
        %parallel_loop3A_2193 = arith.addf %parallel_loop3A_2189, %parallel_loop3A_2192 : vector<16xf32>
        %parallel_loop3A_2194 = arith.index_cast %parallel_loop3A_2157 : i32 to index
        %parallel_loop3A_2195 = arith.constant 64 : index
        %parallel_loop3A_2196 = tpu.vector_load %arg12[%parallel_loop3A_2194, %parallel_loop3A_2195] {strides = array<i32>} : memref<128x128xf32, #tpu.memory_space<vmem>>, vector<16xf32>,
        %parallel_loop3A_2197 = arith.index_cast %parallel_loop3A_2165 : i32 to index
        %parallel_loop3A_2198 = arith.constant 64 : index
        %parallel_loop3A_2199 = tpu.vector_load %arg14[%parallel_loop3A_2197, %parallel_loop3A_2198] {strides = array<i32>} : memref<400x128xf32, #tpu.memory_space<vmem>>, vector<16xf32>,
        %parallel_loop3A_2200 = arith.addf %parallel_loop3A_2196, %parallel_loop3A_2199 : vector<16xf32>
        %parallel_loop3A_2201 = arith.index_cast %parallel_loop3A_2157 : i32 to index
        %parallel_loop3A_2202 = arith.constant 80 : index
        %parallel_loop3A_2203 = tpu.vector_load %arg12[%parallel_loop3A_2201, %parallel_loop3A_2202] {strides = array<i32>} : memref<128x128xf32, #tpu.memory_space<vmem>>, vector<16xf32>,
        %parallel_loop3A_2204 = arith.index_cast %parallel_loop3A_2165 : i32 to index
        %parallel_loop3A_2205 = arith.constant 80 : index
        %parallel_loop3A_2206 = tpu.vector_load %arg14[%parallel_loop3A_2204, %parallel_loop3A_2205] {strides = array<i32>} : memref<400x128xf32, #tpu.memory_space<vmem>>, vector<16xf32>,
        %parallel_loop3A_2207 = arith.addf %parallel_loop3A_2203, %parallel_loop3A_2206 : vector<16xf32>
        %parallel_loop3A_2208 = arith.index_cast %parallel_loop3A_2157 : i32 to index
        %parallel_loop3A_2209 = arith.constant 96 : index
        %parallel_loop3A_2210 = tpu.vector_load %arg12[%parallel_loop3A_2208, %parallel_loop3A_2209] {strides = array<i32>} : memref<128x128xf32, #tpu.memory_space<vmem>>, vector<16xf32>,
        %parallel_loop3A_2211 = arith.index_cast %parallel_loop3A_2165 : i32 to index
        %parallel_loop3A_2212 = arith.constant 96 : index
        %parallel_loop3A_2213 = tpu.vector_load %arg14[%parallel_loop3A_2211, %parallel_loop3A_2212] {strides = array<i32>} : memref<400x128xf32, #tpu.memory_space<vmem>>, vector<16xf32>,
        %parallel_loop3A_2214 = arith.addf %parallel_loop3A_2210, %parallel_loop3A_2213 : vector<16xf32>
        %parallel_loop3A_2215 = arith.index_cast %parallel_loop3A_2157 : i32 to index
        %parallel_loop3A_2216 = arith.constant 112 : index
        %parallel_loop3A_2217 = tpu.vector_load %arg12[%parallel_loop3A_2215, %parallel_loop3A_2216] {strides = array<i32>} : memref<128x128xf32, #tpu.memory_space<vmem>>, vector<16xf32>,
        %parallel_loop3A_2218 = arith.index_cast %parallel_loop3A_2165 : i32 to index
        %parallel_loop3A_2219 = arith.constant 112 : index
        %parallel_loop3A_2220 = tpu.vector_load %arg14[%parallel_loop3A_2218, %parallel_loop3A_2219] {strides = array<i32>} : memref<400x128xf32, #tpu.memory_space<vmem>>, vector<16xf32>,
        %parallel_loop3A_2221 = arith.addf %parallel_loop3A_2217, %parallel_loop3A_2220 : vector<16xf32>
        %parallel_loop3A_2222 = arith.addf %parallel_loop3A_2172, %parallel_loop3A_2179 : vector<16xf32>
        %parallel_loop3A_2223 = arith.addf %parallel_loop3A_2222, %parallel_loop3A_2186 : vector<16xf32>
        %parallel_loop3A_2224 = arith.addf %parallel_loop3A_2223, %parallel_loop3A_2193 : vector<16xf32>
        %parallel_loop3A_2225 = arith.addf %parallel_loop3A_2224, %parallel_loop3A_2200 : vector<16xf32>
        %parallel_loop3A_2226 = arith.addf %parallel_loop3A_2225, %parallel_loop3A_2207 : vector<16xf32>
        %parallel_loop3A_2227 = arith.addf %parallel_loop3A_2226, %parallel_loop3A_2214 : vector<16xf32>
        %parallel_loop3A_2228 = arith.addf %parallel_loop3A_2227, %parallel_loop3A_2221 : vector<16xf32>
        %parallel_loop3A_2229 = arith.mulf %parallel_loop3A_2172, %parallel_loop3A_2172 : vector<16xf32>
        %parallel_loop3A_2230 = arith.mulf %parallel_loop3A_2179, %parallel_loop3A_2179 : vector<16xf32>
        %parallel_loop3A_2231 = arith.mulf %parallel_loop3A_2186, %parallel_loop3A_2186 : vector<16xf32>
        %parallel_loop3A_2232 = arith.mulf %parallel_loop3A_2193, %parallel_loop3A_2193 : vector<16xf32>
        %parallel_loop3A_2233 = arith.mulf %parallel_loop3A_2200, %parallel_loop3A_2200 : vector<16xf32>
        %parallel_loop3A_2234 = arith.mulf %parallel_loop3A_2207, %parallel_loop3A_2207 : vector<16xf32>
        %parallel_loop3A_2235 = arith.mulf %parallel_loop3A_2214, %parallel_loop3A_2214 : vector<16xf32>
        %parallel_loop3A_2236 = arith.mulf %parallel_loop3A_2221, %parallel_loop3A_2221 : vector<16xf32>
        %parallel_loop3A_2237 = arith.addf %parallel_loop3A_2229, %parallel_loop3A_2230 : vector<16xf32>
        %parallel_loop3A_2238 = arith.addf %parallel_loop3A_2237, %parallel_loop3A_2231 : vector<16xf32>
        %parallel_loop3A_2239 = arith.addf %parallel_loop3A_2238, %parallel_loop3A_2232 : vector<16xf32>
        %parallel_loop3A_2240 = arith.addf %parallel_loop3A_2239, %parallel_loop3A_2233 : vector<16xf32>
        %parallel_loop3A_2241 = arith.addf %parallel_loop3A_2240, %parallel_loop3A_2234 : vector<16xf32>
        %parallel_loop3A_2242 = arith.addf %parallel_loop3A_2241, %parallel_loop3A_2235 : vector<16xf32>
        %parallel_loop3A_2243 = arith.addf %parallel_loop3A_2242, %parallel_loop3A_2236 : vector<16xf32>
        %parallel_loop3A_2244 = arith.constant true
        %parallel_loop3A_2245 = vector.broadcast %parallel_loop3A_2244 : i1 to vector<16xi1>
        %parallel_loop3A_2246 = tpu.scan <sum>, %parallel_loop3A_2228 masked %parallel_loop3A_2245 : vector<16xf32>, vector<16xi1> -> vector<16xf32>
        %parallel_loop3A_2247 = vector.extract %parallel_loop3A_2246[15] : f32 from vector<16xf32>
        %parallel_loop3A_2248 = arith.constant true
        %parallel_loop3A_2249 = vector.broadcast %parallel_loop3A_2248 : i1 to vector<16xi1>
        %parallel_loop3A_2250 = tpu.scan <sum>, %parallel_loop3A_2243 masked %parallel_loop3A_2249 : vector<16xf32>, vector<16xi1> -> vector<16xf32>
        %parallel_loop3A_2251 = vector.extract %parallel_loop3A_2250[15] : f32 from vector<16xf32>
        %parallel_loop3A_2252 = arith.constant 7.812500e-03 : f32
        %parallel_loop3A_2253 = arith.mulf %parallel_loop3A_2247, %parallel_loop3A_2252 : f32
        %parallel_loop3A_2254 = arith.constant 7.812500e-03 : f32
        %parallel_loop3A_2255 = arith.mulf %parallel_loop3A_2251, %parallel_loop3A_2254 : f32
        %parallel_loop3A_2256 = arith.mulf %parallel_loop3A_2253, %parallel_loop3A_2253 : f32
        %parallel_loop3A_2257 = arith.subf %parallel_loop3A_2255, %parallel_loop3A_2256 : f32
        %parallel_loop3A_2258 = arith.constant 9.99999996E-13 : f32
        %parallel_loop3A_2259 = arith.addf %parallel_loop3A_2257, %parallel_loop3A_2258 : f32
        %parallel_loop3A_2260 = vector.broadcast %parallel_loop3A_2259 : f32 to vector<16xf32>
        %parallel_loop3A_2261 = tpu.bitcast %parallel_loop3A_2260 : vector<16xf32> -> vector<16xi32>
        %parallel_loop3A_2262 = arith.constant 1 : i32
        %parallel_loop3A_2263 = vector.broadcast %parallel_loop3A_2262 : i32 to vector<16xi32>
        %parallel_loop3A_2264 = arith.shrui %parallel_loop3A_2261, %parallel_loop3A_2263 : vector<16xi32>
        %parallel_loop3A_2265 = arith.constant 1597463007 : i32
        %parallel_loop3A_2266 = vector.broadcast %parallel_loop3A_2265 : i32 to vector<16xi32>
        %parallel_loop3A_2267 = arith.subi %parallel_loop3A_2266, %parallel_loop3A_2264 : vector<16xi32>
        %parallel_loop3A_2268 = tpu.bitcast %parallel_loop3A_2267 : vector<16xi32> -> vector<16xf32>
        %parallel_loop3A_2269 = arith.constant 5.000000e-01 : f32
        %parallel_loop3A_2270 = vector.broadcast %parallel_loop3A_2269 : f32 to vector<16xf32>
        %parallel_loop3A_2271 = arith.mulf %parallel_loop3A_2270, %parallel_loop3A_2260 : vector<16xf32>
        %parallel_loop3A_2272 = arith.mulf %parallel_loop3A_2271, %parallel_loop3A_2268 : vector<16xf32>
        %parallel_loop3A_2273 = arith.mulf %parallel_loop3A_2272, %parallel_loop3A_2268 : vector<16xf32>
        %parallel_loop3A_2274 = arith.constant 1.500000e+00 : f32
        %parallel_loop3A_2275 = vector.broadcast %parallel_loop3A_2274 : f32 to vector<16xf32>
        %parallel_loop3A_2276 = arith.subf %parallel_loop3A_2275, %parallel_loop3A_2273 : vector<16xf32>
        %parallel_loop3A_2277 = arith.mulf %parallel_loop3A_2268, %parallel_loop3A_2276 : vector<16xf32>
        %parallel_loop3A_2278 = arith.constant 5.000000e-01 : f32
        %parallel_loop3A_2279 = vector.broadcast %parallel_loop3A_2278 : f32 to vector<16xf32>
        %parallel_loop3A_2280 = arith.mulf %parallel_loop3A_2279, %parallel_loop3A_2260 : vector<16xf32>
        %parallel_loop3A_2281 = arith.mulf %parallel_loop3A_2280, %parallel_loop3A_2277 : vector<16xf32>
        %parallel_loop3A_2282 = arith.mulf %parallel_loop3A_2281, %parallel_loop3A_2277 : vector<16xf32>
        %parallel_loop3A_2283 = arith.constant 1.500000e+00 : f32
        %parallel_loop3A_2284 = vector.broadcast %parallel_loop3A_2283 : f32 to vector<16xf32>
        %parallel_loop3A_2285 = arith.subf %parallel_loop3A_2284, %parallel_loop3A_2282 : vector<16xf32>
        %parallel_loop3A_2286 = arith.mulf %parallel_loop3A_2277, %parallel_loop3A_2285 : vector<16xf32>
        %parallel_loop3A_2287 = vector.broadcast %parallel_loop3A_2253 : f32 to vector<16xf32>
        %parallel_loop3A_2288 = arith.subf %parallel_loop3A_2172, %parallel_loop3A_2287 : vector<16xf32>
        %parallel_loop3A_2289 = arith.mulf %parallel_loop3A_2288, %parallel_loop3A_2286 : vector<16xf32>
        %parallel_loop3A_2290 = arith.mulf %parallel_loop3A_2289, %get3A_7 : vector<16xf32>
        %parallel_loop3A_2291 = arith.addf %parallel_loop3A_2290, %get3A_23 : vector<16xf32>
        %parallel_loop3A_2292 = arith.index_cast %parallel_loop3A_2157 : i32 to index
        %parallel_loop3A_2293 = arith.constant 0 : index
        %parallel_loop3A_2294 = tpu.vector_load %arg13[%parallel_loop3A_2292, %parallel_loop3A_2293] {strides = array<i32>} : memref<128x128xf32, #tpu.memory_space<vmem>>, vector<16xf32>,
        tpu.vector_store %arg13[%parallel_loop3A_2292, %parallel_loop3A_2293], %parallel_loop3A_2291 {strides = array<i32>} : memref<128x128xf32, #tpu.memory_space<vmem>>, vector<16xf32>,
        %parallel_loop3A_2295 = arith.subf %parallel_loop3A_2179, %parallel_loop3A_2287 : vector<16xf32>
        %parallel_loop3A_2296 = arith.mulf %parallel_loop3A_2295, %parallel_loop3A_2286 : vector<16xf32>
        %parallel_loop3A_2297 = arith.mulf %parallel_loop3A_2296, %get3A_9 : vector<16xf32>
        %parallel_loop3A_2298 = arith.addf %parallel_loop3A_2297, %get3A_25 : vector<16xf32>
        %parallel_loop3A_2299 = arith.index_cast %parallel_loop3A_2157 : i32 to index
        %parallel_loop3A_2300 = arith.constant 16 : index
        %parallel_loop3A_2301 = tpu.vector_load %arg13[%parallel_loop3A_2299, %parallel_loop3A_2300] {strides = array<i32>} : memref<128x128xf32, #tpu.memory_space<vmem>>, vector<16xf32>,
        tpu.vector_store %arg13[%parallel_loop3A_2299, %parallel_loop3A_2300], %parallel_loop3A_2298 {strides = array<i32>} : memref<128x128xf32, #tpu.memory_space<vmem>>, vector<16xf32>,
        %parallel_loop3A_2302 = arith.subf %parallel_loop3A_2186, %parallel_loop3A_2287 : vector<16xf32>
        %parallel_loop3A_2303 = arith.mulf %parallel_loop3A_2302, %parallel_loop3A_2286 : vector<16xf32>
        %parallel_loop3A_2304 = arith.mulf %parallel_loop3A_2303, %get3A_11 : vector<16xf32>
        %parallel_loop3A_2305 = arith.addf %parallel_loop3A_2304, %get3A_27 : vector<16xf32>
        %parallel_loop3A_2306 = arith.index_cast %parallel_loop3A_2157 : i32 to index
        %parallel_loop3A_2307 = arith.constant 32 : index
        %parallel_loop3A_2308 = tpu.vector_load %arg13[%parallel_loop3A_2306, %parallel_loop3A_2307] {strides = array<i32>} : memref<128x128xf32, #tpu.memory_space<vmem>>, vector<16xf32>,
        tpu.vector_store %arg13[%parallel_loop3A_2306, %parallel_loop3A_2307], %parallel_loop3A_2305 {strides = array<i32>} : memref<128x128xf32, #tpu.memory_space<vmem>>, vector<16xf32>,
        %parallel_loop3A_2309 = arith.subf %parallel_loop3A_2193, %parallel_loop3A_2287 : vector<16xf32>
        %parallel_loop3A_2310 = arith.mulf %parallel_loop3A_2309, %parallel_loop3A_2286 : vector<16xf32>
        %parallel_loop3A_2311 = arith.mulf %parallel_loop3A_2310, %get3A_13 : vector<16xf32>
        %parallel_loop3A_2312 = arith.addf %parallel_loop3A_2311, %get3A_29 : vector<16xf32>
        %parallel_loop3A_2313 = arith.index_cast %parallel_loop3A_2157 : i32 to index
        %parallel_loop3A_2314 = arith.constant 48 : index
        %parallel_loop3A_2315 = tpu.vector_load %arg13[%parallel_loop3A_2313, %parallel_loop3A_2314] {strides = array<i32>} : memref<128x128xf32, #tpu.memory_space<vmem>>, vector<16xf32>,
        tpu.vector_store %arg13[%parallel_loop3A_2313, %parallel_loop3A_2314], %parallel_loop3A_2312 {strides = array<i32>} : memref<128x128xf32, #tpu.memory_space<vmem>>, vector<16xf32>,
        %parallel_loop3A_2316 = arith.subf %parallel_loop3A_2200, %parallel_loop3A_2287 : vector<16xf32>
        %parallel_loop3A_2317 = arith.mulf %parallel_loop3A_2316, %parallel_loop3A_2286 : vector<16xf32>
        %parallel_loop3A_2318 = arith.mulf %parallel_loop3A_2317, %get3A_15 : vector<16xf32>
        %parallel_loop3A_2319 = arith.addf %parallel_loop3A_2318, %get3A_31 : vector<16xf32>
        %parallel_loop3A_2320 = arith.index_cast %parallel_loop3A_2157 : i32 to index
        %parallel_loop3A_2321 = arith.constant 64 : index
        %parallel_loop3A_2322 = tpu.vector_load %arg13[%parallel_loop3A_2320, %parallel_loop3A_2321] {strides = array<i32>} : memref<128x128xf32, #tpu.memory_space<vmem>>, vector<16xf32>,
        tpu.vector_store %arg13[%parallel_loop3A_2320, %parallel_loop3A_2321], %parallel_loop3A_2319 {strides = array<i32>} : memref<128x128xf32, #tpu.memory_space<vmem>>, vector<16xf32>,
        %parallel_loop3A_2323 = arith.subf %parallel_loop3A_2207, %parallel_loop3A_2287 : vector<16xf32>
        %parallel_loop3A_2324 = arith.mulf %parallel_loop3A_2323, %parallel_loop3A_2286 : vector<16xf32>
        %parallel_loop3A_2325 = arith.mulf %parallel_loop3A_2324, %get3A_17 : vector<16xf32>
        %parallel_loop3A_2326 = arith.addf %parallel_loop3A_2325, %get3A_33 : vector<16xf32>
        %parallel_loop3A_2327 = arith.index_cast %parallel_loop3A_2157 : i32 to index
        %parallel_loop3A_2328 = arith.constant 80 : index
        %parallel_loop3A_2329 = tpu.vector_load %arg13[%parallel_loop3A_2327, %parallel_loop3A_2328] {strides = array<i32>} : memref<128x128xf32, #tpu.memory_space<vmem>>, vector<16xf32>,
        tpu.vector_store %arg13[%parallel_loop3A_2327, %parallel_loop3A_2328], %parallel_loop3A_2326 {strides = array<i32>} : memref<128x128xf32, #tpu.memory_space<vmem>>, vector<16xf32>,
        %parallel_loop3A_2330 = arith.subf %parallel_loop3A_2214, %parallel_loop3A_2287 : vector<16xf32>
        %parallel_loop3A_2331 = arith.mulf %parallel_loop3A_2330, %parallel_loop3A_2286 : vector<16xf32>
        %parallel_loop3A_2332 = arith.mulf %parallel_loop3A_2331, %get3A_19 : vector<16xf32>
        %parallel_loop3A_2333 = arith.addf %parallel_loop3A_2332, %get3A_35 : vector<16xf32>
        %parallel_loop3A_2334 = arith.index_cast %parallel_loop3A_2157 : i32 to index
        %parallel_loop3A_2335 = arith.constant 96 : index
        %parallel_loop3A_2336 = tpu.vector_load %arg13[%parallel_loop3A_2334, %parallel_loop3A_2335] {strides = array<i32>} : memref<128x128xf32, #tpu.memory_space<vmem>>, vector<16xf32>,
        tpu.vector_store %arg13[%parallel_loop3A_2334, %parallel_loop3A_2335], %parallel_loop3A_2333 {strides = array<i32>} : memref<128x128xf32, #tpu.memory_space<vmem>>, vector<16xf32>,
        %parallel_loop3A_2337 = arith.subf %parallel_loop3A_2221, %parallel_loop3A_2287 : vector<16xf32>
        %parallel_loop3A_2338 = arith.mulf %parallel_loop3A_2337, %parallel_loop3A_2286 : vector<16xf32>
        %parallel_loop3A_2339 = arith.mulf %parallel_loop3A_2338, %get3A_21 : vector<16xf32>
        %parallel_loop3A_2340 = arith.addf %parallel_loop3A_2339, %get3A_37 : vector<16xf32>
        %parallel_loop3A_2341 = arith.index_cast %parallel_loop3A_2157 : i32 to index
        %parallel_loop3A_2342 = arith.constant 112 : index
        %parallel_loop3A_2343 = tpu.vector_load %arg13[%parallel_loop3A_2341, %parallel_loop3A_2342] {strides = array<i32>} : memref<128x128xf32, #tpu.memory_space<vmem>>, vector<16xf32>,
        tpu.vector_store %arg13[%parallel_loop3A_2341, %parallel_loop3A_2342], %parallel_loop3A_2340 {strides = array<i32>} : memref<128x128xf32, #tpu.memory_space<vmem>>, vector<16xf32>,
        %parallel_loop3A_2344 = arith.constant 16 : i32
        %parallel_loop3A_2345 = arith.muli %parallel_loop3A_59, %parallel_loop3A_2344 : i32
        %parallel_loop3A_2346 = arith.constant 12 : i32
        %parallel_loop3A_2347 = arith.addi %parallel_loop3A_2345, %parallel_loop3A_2346 : i32
        %parallel_loop3A_2348 = arith.addi %add3A_51, %parallel_loop3A_2347 : i32
        %parallel_loop3A_2349 = arith.constant 200 : i32
        %parallel_loop3A_2350 = arith.remsi %parallel_loop3A_2348, %parallel_loop3A_2349 : i32
        %parallel_loop3A_2351 = arith.constant 2 : i32
        %parallel_loop3A_2352 = arith.muli %parallel_loop3A_2350, %parallel_loop3A_2351 : i32
        %parallel_loop3A_2353 = vector.extract_strided_slice %parallel_loop3A_63 {offsets = [12], sizes = [1], strides = [1]} : vector<16xi32> to vector<1xi32>
        %parallel_loop3A_2354 = vector.extract %parallel_loop3A_2353[0] : i32 from vector<1xi32>
        %parallel_loop3A_2355 = arith.addi %parallel_loop3A_2352, %parallel_loop3A_2354 : i32
        %parallel_loop3A_2356 = arith.index_cast %parallel_loop3A_2347 : i32 to index
        %parallel_loop3A_2357 = arith.constant 0 : index
        %parallel_loop3A_2358 = tpu.vector_load %arg12[%parallel_loop3A_2356, %parallel_loop3A_2357] {strides = array<i32>} : memref<128x128xf32, #tpu.memory_space<vmem>>, vector<16xf32>,
        %parallel_loop3A_2359 = arith.index_cast %parallel_loop3A_2355 : i32 to index
        %parallel_loop3A_2360 = arith.constant 0 : index
        %parallel_loop3A_2361 = tpu.vector_load %arg14[%parallel_loop3A_2359, %parallel_loop3A_2360] {strides = array<i32>} : memref<400x128xf32, #tpu.memory_space<vmem>>, vector<16xf32>,
        %parallel_loop3A_2362 = arith.addf %parallel_loop3A_2358, %parallel_loop3A_2361 : vector<16xf32>
        %parallel_loop3A_2363 = arith.index_cast %parallel_loop3A_2347 : i32 to index
        %parallel_loop3A_2364 = arith.constant 16 : index
        %parallel_loop3A_2365 = tpu.vector_load %arg12[%parallel_loop3A_2363, %parallel_loop3A_2364] {strides = array<i32>} : memref<128x128xf32, #tpu.memory_space<vmem>>, vector<16xf32>,
        %parallel_loop3A_2366 = arith.index_cast %parallel_loop3A_2355 : i32 to index
        %parallel_loop3A_2367 = arith.constant 16 : index
        %parallel_loop3A_2368 = tpu.vector_load %arg14[%parallel_loop3A_2366, %parallel_loop3A_2367] {strides = array<i32>} : memref<400x128xf32, #tpu.memory_space<vmem>>, vector<16xf32>,
        %parallel_loop3A_2369 = arith.addf %parallel_loop3A_2365, %parallel_loop3A_2368 : vector<16xf32>
        %parallel_loop3A_2370 = arith.index_cast %parallel_loop3A_2347 : i32 to index
        %parallel_loop3A_2371 = arith.constant 32 : index
        %parallel_loop3A_2372 = tpu.vector_load %arg12[%parallel_loop3A_2370, %parallel_loop3A_2371] {strides = array<i32>} : memref<128x128xf32, #tpu.memory_space<vmem>>, vector<16xf32>,
        %parallel_loop3A_2373 = arith.index_cast %parallel_loop3A_2355 : i32 to index
        %parallel_loop3A_2374 = arith.constant 32 : index
        %parallel_loop3A_2375 = tpu.vector_load %arg14[%parallel_loop3A_2373, %parallel_loop3A_2374] {strides = array<i32>} : memref<400x128xf32, #tpu.memory_space<vmem>>, vector<16xf32>,
        %parallel_loop3A_2376 = arith.addf %parallel_loop3A_2372, %parallel_loop3A_2375 : vector<16xf32>
        %parallel_loop3A_2377 = arith.index_cast %parallel_loop3A_2347 : i32 to index
        %parallel_loop3A_2378 = arith.constant 48 : index
        %parallel_loop3A_2379 = tpu.vector_load %arg12[%parallel_loop3A_2377, %parallel_loop3A_2378] {strides = array<i32>} : memref<128x128xf32, #tpu.memory_space<vmem>>, vector<16xf32>,
        %parallel_loop3A_2380 = arith.index_cast %parallel_loop3A_2355 : i32 to index
        %parallel_loop3A_2381 = arith.constant 48 : index
        %parallel_loop3A_2382 = tpu.vector_load %arg14[%parallel_loop3A_2380, %parallel_loop3A_2381] {strides = array<i32>} : memref<400x128xf32, #tpu.memory_space<vmem>>, vector<16xf32>,
        %parallel_loop3A_2383 = arith.addf %parallel_loop3A_2379, %parallel_loop3A_2382 : vector<16xf32>
        %parallel_loop3A_2384 = arith.index_cast %parallel_loop3A_2347 : i32 to index
        %parallel_loop3A_2385 = arith.constant 64 : index
        %parallel_loop3A_2386 = tpu.vector_load %arg12[%parallel_loop3A_2384, %parallel_loop3A_2385] {strides = array<i32>} : memref<128x128xf32, #tpu.memory_space<vmem>>, vector<16xf32>,
        %parallel_loop3A_2387 = arith.index_cast %parallel_loop3A_2355 : i32 to index
        %parallel_loop3A_2388 = arith.constant 64 : index
        %parallel_loop3A_2389 = tpu.vector_load %arg14[%parallel_loop3A_2387, %parallel_loop3A_2388] {strides = array<i32>} : memref<400x128xf32, #tpu.memory_space<vmem>>, vector<16xf32>,
        %parallel_loop3A_2390 = arith.addf %parallel_loop3A_2386, %parallel_loop3A_2389 : vector<16xf32>
        %parallel_loop3A_2391 = arith.index_cast %parallel_loop3A_2347 : i32 to index
        %parallel_loop3A_2392 = arith.constant 80 : index
        %parallel_loop3A_2393 = tpu.vector_load %arg12[%parallel_loop3A_2391, %parallel_loop3A_2392] {strides = array<i32>} : memref<128x128xf32, #tpu.memory_space<vmem>>, vector<16xf32>,
        %parallel_loop3A_2394 = arith.index_cast %parallel_loop3A_2355 : i32 to index
        %parallel_loop3A_2395 = arith.constant 80 : index
        %parallel_loop3A_2396 = tpu.vector_load %arg14[%parallel_loop3A_2394, %parallel_loop3A_2395] {strides = array<i32>} : memref<400x128xf32, #tpu.memory_space<vmem>>, vector<16xf32>,
        %parallel_loop3A_2397 = arith.addf %parallel_loop3A_2393, %parallel_loop3A_2396 : vector<16xf32>
        %parallel_loop3A_2398 = arith.index_cast %parallel_loop3A_2347 : i32 to index
        %parallel_loop3A_2399 = arith.constant 96 : index
        %parallel_loop3A_2400 = tpu.vector_load %arg12[%parallel_loop3A_2398, %parallel_loop3A_2399] {strides = array<i32>} : memref<128x128xf32, #tpu.memory_space<vmem>>, vector<16xf32>,
        %parallel_loop3A_2401 = arith.index_cast %parallel_loop3A_2355 : i32 to index
        %parallel_loop3A_2402 = arith.constant 96 : index
        %parallel_loop3A_2403 = tpu.vector_load %arg14[%parallel_loop3A_2401, %parallel_loop3A_2402] {strides = array<i32>} : memref<400x128xf32, #tpu.memory_space<vmem>>, vector<16xf32>,
        %parallel_loop3A_2404 = arith.addf %parallel_loop3A_2400, %parallel_loop3A_2403 : vector<16xf32>
        %parallel_loop3A_2405 = arith.index_cast %parallel_loop3A_2347 : i32 to index
        %parallel_loop3A_2406 = arith.constant 112 : index
        %parallel_loop3A_2407 = tpu.vector_load %arg12[%parallel_loop3A_2405, %parallel_loop3A_2406] {strides = array<i32>} : memref<128x128xf32, #tpu.memory_space<vmem>>, vector<16xf32>,
        %parallel_loop3A_2408 = arith.index_cast %parallel_loop3A_2355 : i32 to index
        %parallel_loop3A_2409 = arith.constant 112 : index
        %parallel_loop3A_2410 = tpu.vector_load %arg14[%parallel_loop3A_2408, %parallel_loop3A_2409] {strides = array<i32>} : memref<400x128xf32, #tpu.memory_space<vmem>>, vector<16xf32>,
        %parallel_loop3A_2411 = arith.addf %parallel_loop3A_2407, %parallel_loop3A_2410 : vector<16xf32>
        %parallel_loop3A_2412 = arith.addf %parallel_loop3A_2362, %parallel_loop3A_2369 : vector<16xf32>
        %parallel_loop3A_2413 = arith.addf %parallel_loop3A_2412, %parallel_loop3A_2376 : vector<16xf32>
        %parallel_loop3A_2414 = arith.addf %parallel_loop3A_2413, %parallel_loop3A_2383 : vector<16xf32>
        %parallel_loop3A_2415 = arith.addf %parallel_loop3A_2414, %parallel_loop3A_2390 : vector<16xf32>
        %parallel_loop3A_2416 = arith.addf %parallel_loop3A_2415, %parallel_loop3A_2397 : vector<16xf32>
        %parallel_loop3A_2417 = arith.addf %parallel_loop3A_2416, %parallel_loop3A_2404 : vector<16xf32>
        %parallel_loop3A_2418 = arith.addf %parallel_loop3A_2417, %parallel_loop3A_2411 : vector<16xf32>
        %parallel_loop3A_2419 = arith.mulf %parallel_loop3A_2362, %parallel_loop3A_2362 : vector<16xf32>
        %parallel_loop3A_2420 = arith.mulf %parallel_loop3A_2369, %parallel_loop3A_2369 : vector<16xf32>
        %parallel_loop3A_2421 = arith.mulf %parallel_loop3A_2376, %parallel_loop3A_2376 : vector<16xf32>
        %parallel_loop3A_2422 = arith.mulf %parallel_loop3A_2383, %parallel_loop3A_2383 : vector<16xf32>
        %parallel_loop3A_2423 = arith.mulf %parallel_loop3A_2390, %parallel_loop3A_2390 : vector<16xf32>
        %parallel_loop3A_2424 = arith.mulf %parallel_loop3A_2397, %parallel_loop3A_2397 : vector<16xf32>
        %parallel_loop3A_2425 = arith.mulf %parallel_loop3A_2404, %parallel_loop3A_2404 : vector<16xf32>
        %parallel_loop3A_2426 = arith.mulf %parallel_loop3A_2411, %parallel_loop3A_2411 : vector<16xf32>
        %parallel_loop3A_2427 = arith.addf %parallel_loop3A_2419, %parallel_loop3A_2420 : vector<16xf32>
        %parallel_loop3A_2428 = arith.addf %parallel_loop3A_2427, %parallel_loop3A_2421 : vector<16xf32>
        %parallel_loop3A_2429 = arith.addf %parallel_loop3A_2428, %parallel_loop3A_2422 : vector<16xf32>
        %parallel_loop3A_2430 = arith.addf %parallel_loop3A_2429, %parallel_loop3A_2423 : vector<16xf32>
        %parallel_loop3A_2431 = arith.addf %parallel_loop3A_2430, %parallel_loop3A_2424 : vector<16xf32>
        %parallel_loop3A_2432 = arith.addf %parallel_loop3A_2431, %parallel_loop3A_2425 : vector<16xf32>
        %parallel_loop3A_2433 = arith.addf %parallel_loop3A_2432, %parallel_loop3A_2426 : vector<16xf32>
        %parallel_loop3A_2434 = arith.constant true
        %parallel_loop3A_2435 = vector.broadcast %parallel_loop3A_2434 : i1 to vector<16xi1>
        %parallel_loop3A_2436 = tpu.scan <sum>, %parallel_loop3A_2418 masked %parallel_loop3A_2435 : vector<16xf32>, vector<16xi1> -> vector<16xf32>
        %parallel_loop3A_2437 = vector.extract %parallel_loop3A_2436[15] : f32 from vector<16xf32>
        %parallel_loop3A_2438 = arith.constant true
        %parallel_loop3A_2439 = vector.broadcast %parallel_loop3A_2438 : i1 to vector<16xi1>
        %parallel_loop3A_2440 = tpu.scan <sum>, %parallel_loop3A_2433 masked %parallel_loop3A_2439 : vector<16xf32>, vector<16xi1> -> vector<16xf32>
        %parallel_loop3A_2441 = vector.extract %parallel_loop3A_2440[15] : f32 from vector<16xf32>
        %parallel_loop3A_2442 = arith.constant 7.812500e-03 : f32
        %parallel_loop3A_2443 = arith.mulf %parallel_loop3A_2437, %parallel_loop3A_2442 : f32
        %parallel_loop3A_2444 = arith.constant 7.812500e-03 : f32
        %parallel_loop3A_2445 = arith.mulf %parallel_loop3A_2441, %parallel_loop3A_2444 : f32
        %parallel_loop3A_2446 = arith.mulf %parallel_loop3A_2443, %parallel_loop3A_2443 : f32
        %parallel_loop3A_2447 = arith.subf %parallel_loop3A_2445, %parallel_loop3A_2446 : f32
        %parallel_loop3A_2448 = arith.constant 9.99999996E-13 : f32
        %parallel_loop3A_2449 = arith.addf %parallel_loop3A_2447, %parallel_loop3A_2448 : f32
        %parallel_loop3A_2450 = vector.broadcast %parallel_loop3A_2449 : f32 to vector<16xf32>
        %parallel_loop3A_2451 = tpu.bitcast %parallel_loop3A_2450 : vector<16xf32> -> vector<16xi32>
        %parallel_loop3A_2452 = arith.constant 1 : i32
        %parallel_loop3A_2453 = vector.broadcast %parallel_loop3A_2452 : i32 to vector<16xi32>
        %parallel_loop3A_2454 = arith.shrui %parallel_loop3A_2451, %parallel_loop3A_2453 : vector<16xi32>
        %parallel_loop3A_2455 = arith.constant 1597463007 : i32
        %parallel_loop3A_2456 = vector.broadcast %parallel_loop3A_2455 : i32 to vector<16xi32>
        %parallel_loop3A_2457 = arith.subi %parallel_loop3A_2456, %parallel_loop3A_2454 : vector<16xi32>
        %parallel_loop3A_2458 = tpu.bitcast %parallel_loop3A_2457 : vector<16xi32> -> vector<16xf32>
        %parallel_loop3A_2459 = arith.constant 5.000000e-01 : f32
        %parallel_loop3A_2460 = vector.broadcast %parallel_loop3A_2459 : f32 to vector<16xf32>
        %parallel_loop3A_2461 = arith.mulf %parallel_loop3A_2460, %parallel_loop3A_2450 : vector<16xf32>
        %parallel_loop3A_2462 = arith.mulf %parallel_loop3A_2461, %parallel_loop3A_2458 : vector<16xf32>
        %parallel_loop3A_2463 = arith.mulf %parallel_loop3A_2462, %parallel_loop3A_2458 : vector<16xf32>
        %parallel_loop3A_2464 = arith.constant 1.500000e+00 : f32
        %parallel_loop3A_2465 = vector.broadcast %parallel_loop3A_2464 : f32 to vector<16xf32>
        %parallel_loop3A_2466 = arith.subf %parallel_loop3A_2465, %parallel_loop3A_2463 : vector<16xf32>
        %parallel_loop3A_2467 = arith.mulf %parallel_loop3A_2458, %parallel_loop3A_2466 : vector<16xf32>
        %parallel_loop3A_2468 = arith.constant 5.000000e-01 : f32
        %parallel_loop3A_2469 = vector.broadcast %parallel_loop3A_2468 : f32 to vector<16xf32>
        %parallel_loop3A_2470 = arith.mulf %parallel_loop3A_2469, %parallel_loop3A_2450 : vector<16xf32>
        %parallel_loop3A_2471 = arith.mulf %parallel_loop3A_2470, %parallel_loop3A_2467 : vector<16xf32>
        %parallel_loop3A_2472 = arith.mulf %parallel_loop3A_2471, %parallel_loop3A_2467 : vector<16xf32>
        %parallel_loop3A_2473 = arith.constant 1.500000e+00 : f32
        %parallel_loop3A_2474 = vector.broadcast %parallel_loop3A_2473 : f32 to vector<16xf32>
        %parallel_loop3A_2475 = arith.subf %parallel_loop3A_2474, %parallel_loop3A_2472 : vector<16xf32>
        %parallel_loop3A_2476 = arith.mulf %parallel_loop3A_2467, %parallel_loop3A_2475 : vector<16xf32>
        %parallel_loop3A_2477 = vector.broadcast %parallel_loop3A_2443 : f32 to vector<16xf32>
        %parallel_loop3A_2478 = arith.subf %parallel_loop3A_2362, %parallel_loop3A_2477 : vector<16xf32>
        %parallel_loop3A_2479 = arith.mulf %parallel_loop3A_2478, %parallel_loop3A_2476 : vector<16xf32>
        %parallel_loop3A_2480 = arith.mulf %parallel_loop3A_2479, %get3A_7 : vector<16xf32>
        %parallel_loop3A_2481 = arith.addf %parallel_loop3A_2480, %get3A_23 : vector<16xf32>
        %parallel_loop3A_2482 = arith.index_cast %parallel_loop3A_2347 : i32 to index
        %parallel_loop3A_2483 = arith.constant 0 : index
        %parallel_loop3A_2484 = tpu.vector_load %arg13[%parallel_loop3A_2482, %parallel_loop3A_2483] {strides = array<i32>} : memref<128x128xf32, #tpu.memory_space<vmem>>, vector<16xf32>,
        tpu.vector_store %arg13[%parallel_loop3A_2482, %parallel_loop3A_2483], %parallel_loop3A_2481 {strides = array<i32>} : memref<128x128xf32, #tpu.memory_space<vmem>>, vector<16xf32>,
        %parallel_loop3A_2485 = arith.subf %parallel_loop3A_2369, %parallel_loop3A_2477 : vector<16xf32>
        %parallel_loop3A_2486 = arith.mulf %parallel_loop3A_2485, %parallel_loop3A_2476 : vector<16xf32>
        %parallel_loop3A_2487 = arith.mulf %parallel_loop3A_2486, %get3A_9 : vector<16xf32>
        %parallel_loop3A_2488 = arith.addf %parallel_loop3A_2487, %get3A_25 : vector<16xf32>
        %parallel_loop3A_2489 = arith.index_cast %parallel_loop3A_2347 : i32 to index
        %parallel_loop3A_2490 = arith.constant 16 : index
        %parallel_loop3A_2491 = tpu.vector_load %arg13[%parallel_loop3A_2489, %parallel_loop3A_2490] {strides = array<i32>} : memref<128x128xf32, #tpu.memory_space<vmem>>, vector<16xf32>,
        tpu.vector_store %arg13[%parallel_loop3A_2489, %parallel_loop3A_2490], %parallel_loop3A_2488 {strides = array<i32>} : memref<128x128xf32, #tpu.memory_space<vmem>>, vector<16xf32>,
        %parallel_loop3A_2492 = arith.subf %parallel_loop3A_2376, %parallel_loop3A_2477 : vector<16xf32>
        %parallel_loop3A_2493 = arith.mulf %parallel_loop3A_2492, %parallel_loop3A_2476 : vector<16xf32>
        %parallel_loop3A_2494 = arith.mulf %parallel_loop3A_2493, %get3A_11 : vector<16xf32>
        %parallel_loop3A_2495 = arith.addf %parallel_loop3A_2494, %get3A_27 : vector<16xf32>
        %parallel_loop3A_2496 = arith.index_cast %parallel_loop3A_2347 : i32 to index
        %parallel_loop3A_2497 = arith.constant 32 : index
        %parallel_loop3A_2498 = tpu.vector_load %arg13[%parallel_loop3A_2496, %parallel_loop3A_2497] {strides = array<i32>} : memref<128x128xf32, #tpu.memory_space<vmem>>, vector<16xf32>,
        tpu.vector_store %arg13[%parallel_loop3A_2496, %parallel_loop3A_2497], %parallel_loop3A_2495 {strides = array<i32>} : memref<128x128xf32, #tpu.memory_space<vmem>>, vector<16xf32>,
        %parallel_loop3A_2499 = arith.subf %parallel_loop3A_2383, %parallel_loop3A_2477 : vector<16xf32>
        %parallel_loop3A_2500 = arith.mulf %parallel_loop3A_2499, %parallel_loop3A_2476 : vector<16xf32>
        %parallel_loop3A_2501 = arith.mulf %parallel_loop3A_2500, %get3A_13 : vector<16xf32>
        %parallel_loop3A_2502 = arith.addf %parallel_loop3A_2501, %get3A_29 : vector<16xf32>
        %parallel_loop3A_2503 = arith.index_cast %parallel_loop3A_2347 : i32 to index
        %parallel_loop3A_2504 = arith.constant 48 : index
        %parallel_loop3A_2505 = tpu.vector_load %arg13[%parallel_loop3A_2503, %parallel_loop3A_2504] {strides = array<i32>} : memref<128x128xf32, #tpu.memory_space<vmem>>, vector<16xf32>,
        tpu.vector_store %arg13[%parallel_loop3A_2503, %parallel_loop3A_2504], %parallel_loop3A_2502 {strides = array<i32>} : memref<128x128xf32, #tpu.memory_space<vmem>>, vector<16xf32>,
        %parallel_loop3A_2506 = arith.subf %parallel_loop3A_2390, %parallel_loop3A_2477 : vector<16xf32>
        %parallel_loop3A_2507 = arith.mulf %parallel_loop3A_2506, %parallel_loop3A_2476 : vector<16xf32>
        %parallel_loop3A_2508 = arith.mulf %parallel_loop3A_2507, %get3A_15 : vector<16xf32>
        %parallel_loop3A_2509 = arith.addf %parallel_loop3A_2508, %get3A_31 : vector<16xf32>
        %parallel_loop3A_2510 = arith.index_cast %parallel_loop3A_2347 : i32 to index
        %parallel_loop3A_2511 = arith.constant 64 : index
        %parallel_loop3A_2512 = tpu.vector_load %arg13[%parallel_loop3A_2510, %parallel_loop3A_2511] {strides = array<i32>} : memref<128x128xf32, #tpu.memory_space<vmem>>, vector<16xf32>,
        tpu.vector_store %arg13[%parallel_loop3A_2510, %parallel_loop3A_2511], %parallel_loop3A_2509 {strides = array<i32>} : memref<128x128xf32, #tpu.memory_space<vmem>>, vector<16xf32>,
        %parallel_loop3A_2513 = arith.subf %parallel_loop3A_2397, %parallel_loop3A_2477 : vector<16xf32>
        %parallel_loop3A_2514 = arith.mulf %parallel_loop3A_2513, %parallel_loop3A_2476 : vector<16xf32>
        %parallel_loop3A_2515 = arith.mulf %parallel_loop3A_2514, %get3A_17 : vector<16xf32>
        %parallel_loop3A_2516 = arith.addf %parallel_loop3A_2515, %get3A_33 : vector<16xf32>
        %parallel_loop3A_2517 = arith.index_cast %parallel_loop3A_2347 : i32 to index
        %parallel_loop3A_2518 = arith.constant 80 : index
        %parallel_loop3A_2519 = tpu.vector_load %arg13[%parallel_loop3A_2517, %parallel_loop3A_2518] {strides = array<i32>} : memref<128x128xf32, #tpu.memory_space<vmem>>, vector<16xf32>,
        tpu.vector_store %arg13[%parallel_loop3A_2517, %parallel_loop3A_2518], %parallel_loop3A_2516 {strides = array<i32>} : memref<128x128xf32, #tpu.memory_space<vmem>>, vector<16xf32>,
        %parallel_loop3A_2520 = arith.subf %parallel_loop3A_2404, %parallel_loop3A_2477 : vector<16xf32>
        %parallel_loop3A_2521 = arith.mulf %parallel_loop3A_2520, %parallel_loop3A_2476 : vector<16xf32>
        %parallel_loop3A_2522 = arith.mulf %parallel_loop3A_2521, %get3A_19 : vector<16xf32>
        %parallel_loop3A_2523 = arith.addf %parallel_loop3A_2522, %get3A_35 : vector<16xf32>
        %parallel_loop3A_2524 = arith.index_cast %parallel_loop3A_2347 : i32 to index
        %parallel_loop3A_2525 = arith.constant 96 : index
        %parallel_loop3A_2526 = tpu.vector_load %arg13[%parallel_loop3A_2524, %parallel_loop3A_2525] {strides = array<i32>} : memref<128x128xf32, #tpu.memory_space<vmem>>, vector<16xf32>,
        tpu.vector_store %arg13[%parallel_loop3A_2524, %parallel_loop3A_2525], %parallel_loop3A_2523 {strides = array<i32>} : memref<128x128xf32, #tpu.memory_space<vmem>>, vector<16xf32>,
        %parallel_loop3A_2527 = arith.subf %parallel_loop3A_2411, %parallel_loop3A_2477 : vector<16xf32>
        %parallel_loop3A_2528 = arith.mulf %parallel_loop3A_2527, %parallel_loop3A_2476 : vector<16xf32>
        %parallel_loop3A_2529 = arith.mulf %parallel_loop3A_2528, %get3A_21 : vector<16xf32>
        %parallel_loop3A_2530 = arith.addf %parallel_loop3A_2529, %get3A_37 : vector<16xf32>
        %parallel_loop3A_2531 = arith.index_cast %parallel_loop3A_2347 : i32 to index
        %parallel_loop3A_2532 = arith.constant 112 : index
        %parallel_loop3A_2533 = tpu.vector_load %arg13[%parallel_loop3A_2531, %parallel_loop3A_2532] {strides = array<i32>} : memref<128x128xf32, #tpu.memory_space<vmem>>, vector<16xf32>,
        tpu.vector_store %arg13[%parallel_loop3A_2531, %parallel_loop3A_2532], %parallel_loop3A_2530 {strides = array<i32>} : memref<128x128xf32, #tpu.memory_space<vmem>>, vector<16xf32>,
        %parallel_loop3A_2534 = arith.constant 16 : i32
        %parallel_loop3A_2535 = arith.muli %parallel_loop3A_59, %parallel_loop3A_2534 : i32
        %parallel_loop3A_2536 = arith.constant 13 : i32
        %parallel_loop3A_2537 = arith.addi %parallel_loop3A_2535, %parallel_loop3A_2536 : i32
        %parallel_loop3A_2538 = arith.addi %add3A_51, %parallel_loop3A_2537 : i32
        %parallel_loop3A_2539 = arith.constant 200 : i32
        %parallel_loop3A_2540 = arith.remsi %parallel_loop3A_2538, %parallel_loop3A_2539 : i32
        %parallel_loop3A_2541 = arith.constant 2 : i32
        %parallel_loop3A_2542 = arith.muli %parallel_loop3A_2540, %parallel_loop3A_2541 : i32
        %parallel_loop3A_2543 = vector.extract_strided_slice %parallel_loop3A_63 {offsets = [13], sizes = [1], strides = [1]} : vector<16xi32> to vector<1xi32>
        %parallel_loop3A_2544 = vector.extract %parallel_loop3A_2543[0] : i32 from vector<1xi32>
        %parallel_loop3A_2545 = arith.addi %parallel_loop3A_2542, %parallel_loop3A_2544 : i32
        %parallel_loop3A_2546 = arith.index_cast %parallel_loop3A_2537 : i32 to index
        %parallel_loop3A_2547 = arith.constant 0 : index
        %parallel_loop3A_2548 = tpu.vector_load %arg12[%parallel_loop3A_2546, %parallel_loop3A_2547] {strides = array<i32>} : memref<128x128xf32, #tpu.memory_space<vmem>>, vector<16xf32>,
        %parallel_loop3A_2549 = arith.index_cast %parallel_loop3A_2545 : i32 to index
        %parallel_loop3A_2550 = arith.constant 0 : index
        %parallel_loop3A_2551 = tpu.vector_load %arg14[%parallel_loop3A_2549, %parallel_loop3A_2550] {strides = array<i32>} : memref<400x128xf32, #tpu.memory_space<vmem>>, vector<16xf32>,
        %parallel_loop3A_2552 = arith.addf %parallel_loop3A_2548, %parallel_loop3A_2551 : vector<16xf32>
        %parallel_loop3A_2553 = arith.index_cast %parallel_loop3A_2537 : i32 to index
        %parallel_loop3A_2554 = arith.constant 16 : index
        %parallel_loop3A_2555 = tpu.vector_load %arg12[%parallel_loop3A_2553, %parallel_loop3A_2554] {strides = array<i32>} : memref<128x128xf32, #tpu.memory_space<vmem>>, vector<16xf32>,
        %parallel_loop3A_2556 = arith.index_cast %parallel_loop3A_2545 : i32 to index
        %parallel_loop3A_2557 = arith.constant 16 : index
        %parallel_loop3A_2558 = tpu.vector_load %arg14[%parallel_loop3A_2556, %parallel_loop3A_2557] {strides = array<i32>} : memref<400x128xf32, #tpu.memory_space<vmem>>, vector<16xf32>,
        %parallel_loop3A_2559 = arith.addf %parallel_loop3A_2555, %parallel_loop3A_2558 : vector<16xf32>
        %parallel_loop3A_2560 = arith.index_cast %parallel_loop3A_2537 : i32 to index
        %parallel_loop3A_2561 = arith.constant 32 : index
        %parallel_loop3A_2562 = tpu.vector_load %arg12[%parallel_loop3A_2560, %parallel_loop3A_2561] {strides = array<i32>} : memref<128x128xf32, #tpu.memory_space<vmem>>, vector<16xf32>,
        %parallel_loop3A_2563 = arith.index_cast %parallel_loop3A_2545 : i32 to index
        %parallel_loop3A_2564 = arith.constant 32 : index
        %parallel_loop3A_2565 = tpu.vector_load %arg14[%parallel_loop3A_2563, %parallel_loop3A_2564] {strides = array<i32>} : memref<400x128xf32, #tpu.memory_space<vmem>>, vector<16xf32>,
        %parallel_loop3A_2566 = arith.addf %parallel_loop3A_2562, %parallel_loop3A_2565 : vector<16xf32>
        %parallel_loop3A_2567 = arith.index_cast %parallel_loop3A_2537 : i32 to index
        %parallel_loop3A_2568 = arith.constant 48 : index
        %parallel_loop3A_2569 = tpu.vector_load %arg12[%parallel_loop3A_2567, %parallel_loop3A_2568] {strides = array<i32>} : memref<128x128xf32, #tpu.memory_space<vmem>>, vector<16xf32>,
        %parallel_loop3A_2570 = arith.index_cast %parallel_loop3A_2545 : i32 to index
        %parallel_loop3A_2571 = arith.constant 48 : index
        %parallel_loop3A_2572 = tpu.vector_load %arg14[%parallel_loop3A_2570, %parallel_loop3A_2571] {strides = array<i32>} : memref<400x128xf32, #tpu.memory_space<vmem>>, vector<16xf32>,
        %parallel_loop3A_2573 = arith.addf %parallel_loop3A_2569, %parallel_loop3A_2572 : vector<16xf32>
        %parallel_loop3A_2574 = arith.index_cast %parallel_loop3A_2537 : i32 to index
        %parallel_loop3A_2575 = arith.constant 64 : index
        %parallel_loop3A_2576 = tpu.vector_load %arg12[%parallel_loop3A_2574, %parallel_loop3A_2575] {strides = array<i32>} : memref<128x128xf32, #tpu.memory_space<vmem>>, vector<16xf32>,
        %parallel_loop3A_2577 = arith.index_cast %parallel_loop3A_2545 : i32 to index
        %parallel_loop3A_2578 = arith.constant 64 : index
        %parallel_loop3A_2579 = tpu.vector_load %arg14[%parallel_loop3A_2577, %parallel_loop3A_2578] {strides = array<i32>} : memref<400x128xf32, #tpu.memory_space<vmem>>, vector<16xf32>,
        %parallel_loop3A_2580 = arith.addf %parallel_loop3A_2576, %parallel_loop3A_2579 : vector<16xf32>
        %parallel_loop3A_2581 = arith.index_cast %parallel_loop3A_2537 : i32 to index
        %parallel_loop3A_2582 = arith.constant 80 : index
        %parallel_loop3A_2583 = tpu.vector_load %arg12[%parallel_loop3A_2581, %parallel_loop3A_2582] {strides = array<i32>} : memref<128x128xf32, #tpu.memory_space<vmem>>, vector<16xf32>,
        %parallel_loop3A_2584 = arith.index_cast %parallel_loop3A_2545 : i32 to index
        %parallel_loop3A_2585 = arith.constant 80 : index
        %parallel_loop3A_2586 = tpu.vector_load %arg14[%parallel_loop3A_2584, %parallel_loop3A_2585] {strides = array<i32>} : memref<400x128xf32, #tpu.memory_space<vmem>>, vector<16xf32>,
        %parallel_loop3A_2587 = arith.addf %parallel_loop3A_2583, %parallel_loop3A_2586 : vector<16xf32>
        %parallel_loop3A_2588 = arith.index_cast %parallel_loop3A_2537 : i32 to index
        %parallel_loop3A_2589 = arith.constant 96 : index
        %parallel_loop3A_2590 = tpu.vector_load %arg12[%parallel_loop3A_2588, %parallel_loop3A_2589] {strides = array<i32>} : memref<128x128xf32, #tpu.memory_space<vmem>>, vector<16xf32>,
        %parallel_loop3A_2591 = arith.index_cast %parallel_loop3A_2545 : i32 to index
        %parallel_loop3A_2592 = arith.constant 96 : index
        %parallel_loop3A_2593 = tpu.vector_load %arg14[%parallel_loop3A_2591, %parallel_loop3A_2592] {strides = array<i32>} : memref<400x128xf32, #tpu.memory_space<vmem>>, vector<16xf32>,
        %parallel_loop3A_2594 = arith.addf %parallel_loop3A_2590, %parallel_loop3A_2593 : vector<16xf32>
        %parallel_loop3A_2595 = arith.index_cast %parallel_loop3A_2537 : i32 to index
        %parallel_loop3A_2596 = arith.constant 112 : index
        %parallel_loop3A_2597 = tpu.vector_load %arg12[%parallel_loop3A_2595, %parallel_loop3A_2596] {strides = array<i32>} : memref<128x128xf32, #tpu.memory_space<vmem>>, vector<16xf32>,
        %parallel_loop3A_2598 = arith.index_cast %parallel_loop3A_2545 : i32 to index
        %parallel_loop3A_2599 = arith.constant 112 : index
        %parallel_loop3A_2600 = tpu.vector_load %arg14[%parallel_loop3A_2598, %parallel_loop3A_2599] {strides = array<i32>} : memref<400x128xf32, #tpu.memory_space<vmem>>, vector<16xf32>,
        %parallel_loop3A_2601 = arith.addf %parallel_loop3A_2597, %parallel_loop3A_2600 : vector<16xf32>
        %parallel_loop3A_2602 = arith.addf %parallel_loop3A_2552, %parallel_loop3A_2559 : vector<16xf32>
        %parallel_loop3A_2603 = arith.addf %parallel_loop3A_2602, %parallel_loop3A_2566 : vector<16xf32>
        %parallel_loop3A_2604 = arith.addf %parallel_loop3A_2603, %parallel_loop3A_2573 : vector<16xf32>
        %parallel_loop3A_2605 = arith.addf %parallel_loop3A_2604, %parallel_loop3A_2580 : vector<16xf32>
        %parallel_loop3A_2606 = arith.addf %parallel_loop3A_2605, %parallel_loop3A_2587 : vector<16xf32>
        %parallel_loop3A_2607 = arith.addf %parallel_loop3A_2606, %parallel_loop3A_2594 : vector<16xf32>
        %parallel_loop3A_2608 = arith.addf %parallel_loop3A_2607, %parallel_loop3A_2601 : vector<16xf32>
        %parallel_loop3A_2609 = arith.mulf %parallel_loop3A_2552, %parallel_loop3A_2552 : vector<16xf32>
        %parallel_loop3A_2610 = arith.mulf %parallel_loop3A_2559, %parallel_loop3A_2559 : vector<16xf32>
        %parallel_loop3A_2611 = arith.mulf %parallel_loop3A_2566, %parallel_loop3A_2566 : vector<16xf32>
        %parallel_loop3A_2612 = arith.mulf %parallel_loop3A_2573, %parallel_loop3A_2573 : vector<16xf32>
        %parallel_loop3A_2613 = arith.mulf %parallel_loop3A_2580, %parallel_loop3A_2580 : vector<16xf32>
        %parallel_loop3A_2614 = arith.mulf %parallel_loop3A_2587, %parallel_loop3A_2587 : vector<16xf32>
        %parallel_loop3A_2615 = arith.mulf %parallel_loop3A_2594, %parallel_loop3A_2594 : vector<16xf32>
        %parallel_loop3A_2616 = arith.mulf %parallel_loop3A_2601, %parallel_loop3A_2601 : vector<16xf32>
        %parallel_loop3A_2617 = arith.addf %parallel_loop3A_2609, %parallel_loop3A_2610 : vector<16xf32>
        %parallel_loop3A_2618 = arith.addf %parallel_loop3A_2617, %parallel_loop3A_2611 : vector<16xf32>
        %parallel_loop3A_2619 = arith.addf %parallel_loop3A_2618, %parallel_loop3A_2612 : vector<16xf32>
        %parallel_loop3A_2620 = arith.addf %parallel_loop3A_2619, %parallel_loop3A_2613 : vector<16xf32>
        %parallel_loop3A_2621 = arith.addf %parallel_loop3A_2620, %parallel_loop3A_2614 : vector<16xf32>
        %parallel_loop3A_2622 = arith.addf %parallel_loop3A_2621, %parallel_loop3A_2615 : vector<16xf32>
        %parallel_loop3A_2623 = arith.addf %parallel_loop3A_2622, %parallel_loop3A_2616 : vector<16xf32>
        %parallel_loop3A_2624 = arith.constant true
        %parallel_loop3A_2625 = vector.broadcast %parallel_loop3A_2624 : i1 to vector<16xi1>
        %parallel_loop3A_2626 = tpu.scan <sum>, %parallel_loop3A_2608 masked %parallel_loop3A_2625 : vector<16xf32>, vector<16xi1> -> vector<16xf32>
        %parallel_loop3A_2627 = vector.extract %parallel_loop3A_2626[15] : f32 from vector<16xf32>
        %parallel_loop3A_2628 = arith.constant true
        %parallel_loop3A_2629 = vector.broadcast %parallel_loop3A_2628 : i1 to vector<16xi1>
        %parallel_loop3A_2630 = tpu.scan <sum>, %parallel_loop3A_2623 masked %parallel_loop3A_2629 : vector<16xf32>, vector<16xi1> -> vector<16xf32>
        %parallel_loop3A_2631 = vector.extract %parallel_loop3A_2630[15] : f32 from vector<16xf32>
        %parallel_loop3A_2632 = arith.constant 7.812500e-03 : f32
        %parallel_loop3A_2633 = arith.mulf %parallel_loop3A_2627, %parallel_loop3A_2632 : f32
        %parallel_loop3A_2634 = arith.constant 7.812500e-03 : f32
        %parallel_loop3A_2635 = arith.mulf %parallel_loop3A_2631, %parallel_loop3A_2634 : f32
        %parallel_loop3A_2636 = arith.mulf %parallel_loop3A_2633, %parallel_loop3A_2633 : f32
        %parallel_loop3A_2637 = arith.subf %parallel_loop3A_2635, %parallel_loop3A_2636 : f32
        %parallel_loop3A_2638 = arith.constant 9.99999996E-13 : f32
        %parallel_loop3A_2639 = arith.addf %parallel_loop3A_2637, %parallel_loop3A_2638 : f32
        %parallel_loop3A_2640 = vector.broadcast %parallel_loop3A_2639 : f32 to vector<16xf32>
        %parallel_loop3A_2641 = tpu.bitcast %parallel_loop3A_2640 : vector<16xf32> -> vector<16xi32>
        %parallel_loop3A_2642 = arith.constant 1 : i32
        %parallel_loop3A_2643 = vector.broadcast %parallel_loop3A_2642 : i32 to vector<16xi32>
        %parallel_loop3A_2644 = arith.shrui %parallel_loop3A_2641, %parallel_loop3A_2643 : vector<16xi32>
        %parallel_loop3A_2645 = arith.constant 1597463007 : i32
        %parallel_loop3A_2646 = vector.broadcast %parallel_loop3A_2645 : i32 to vector<16xi32>
        %parallel_loop3A_2647 = arith.subi %parallel_loop3A_2646, %parallel_loop3A_2644 : vector<16xi32>
        %parallel_loop3A_2648 = tpu.bitcast %parallel_loop3A_2647 : vector<16xi32> -> vector<16xf32>
        %parallel_loop3A_2649 = arith.constant 5.000000e-01 : f32
        %parallel_loop3A_2650 = vector.broadcast %parallel_loop3A_2649 : f32 to vector<16xf32>
        %parallel_loop3A_2651 = arith.mulf %parallel_loop3A_2650, %parallel_loop3A_2640 : vector<16xf32>
        %parallel_loop3A_2652 = arith.mulf %parallel_loop3A_2651, %parallel_loop3A_2648 : vector<16xf32>
        %parallel_loop3A_2653 = arith.mulf %parallel_loop3A_2652, %parallel_loop3A_2648 : vector<16xf32>
        %parallel_loop3A_2654 = arith.constant 1.500000e+00 : f32
        %parallel_loop3A_2655 = vector.broadcast %parallel_loop3A_2654 : f32 to vector<16xf32>
        %parallel_loop3A_2656 = arith.subf %parallel_loop3A_2655, %parallel_loop3A_2653 : vector<16xf32>
        %parallel_loop3A_2657 = arith.mulf %parallel_loop3A_2648, %parallel_loop3A_2656 : vector<16xf32>
        %parallel_loop3A_2658 = arith.constant 5.000000e-01 : f32
        %parallel_loop3A_2659 = vector.broadcast %parallel_loop3A_2658 : f32 to vector<16xf32>
        %parallel_loop3A_2660 = arith.mulf %parallel_loop3A_2659, %parallel_loop3A_2640 : vector<16xf32>
        %parallel_loop3A_2661 = arith.mulf %parallel_loop3A_2660, %parallel_loop3A_2657 : vector<16xf32>
        %parallel_loop3A_2662 = arith.mulf %parallel_loop3A_2661, %parallel_loop3A_2657 : vector<16xf32>
        %parallel_loop3A_2663 = arith.constant 1.500000e+00 : f32
        %parallel_loop3A_2664 = vector.broadcast %parallel_loop3A_2663 : f32 to vector<16xf32>
        %parallel_loop3A_2665 = arith.subf %parallel_loop3A_2664, %parallel_loop3A_2662 : vector<16xf32>
        %parallel_loop3A_2666 = arith.mulf %parallel_loop3A_2657, %parallel_loop3A_2665 : vector<16xf32>
        %parallel_loop3A_2667 = vector.broadcast %parallel_loop3A_2633 : f32 to vector<16xf32>
        %parallel_loop3A_2668 = arith.subf %parallel_loop3A_2552, %parallel_loop3A_2667 : vector<16xf32>
        %parallel_loop3A_2669 = arith.mulf %parallel_loop3A_2668, %parallel_loop3A_2666 : vector<16xf32>
        %parallel_loop3A_2670 = arith.mulf %parallel_loop3A_2669, %get3A_7 : vector<16xf32>
        %parallel_loop3A_2671 = arith.addf %parallel_loop3A_2670, %get3A_23 : vector<16xf32>
        %parallel_loop3A_2672 = arith.index_cast %parallel_loop3A_2537 : i32 to index
        %parallel_loop3A_2673 = arith.constant 0 : index
        %parallel_loop3A_2674 = tpu.vector_load %arg13[%parallel_loop3A_2672, %parallel_loop3A_2673] {strides = array<i32>} : memref<128x128xf32, #tpu.memory_space<vmem>>, vector<16xf32>,
        tpu.vector_store %arg13[%parallel_loop3A_2672, %parallel_loop3A_2673], %parallel_loop3A_2671 {strides = array<i32>} : memref<128x128xf32, #tpu.memory_space<vmem>>, vector<16xf32>,
        %parallel_loop3A_2675 = arith.subf %parallel_loop3A_2559, %parallel_loop3A_2667 : vector<16xf32>
        %parallel_loop3A_2676 = arith.mulf %parallel_loop3A_2675, %parallel_loop3A_2666 : vector<16xf32>
        %parallel_loop3A_2677 = arith.mulf %parallel_loop3A_2676, %get3A_9 : vector<16xf32>
        %parallel_loop3A_2678 = arith.addf %parallel_loop3A_2677, %get3A_25 : vector<16xf32>
        %parallel_loop3A_2679 = arith.index_cast %parallel_loop3A_2537 : i32 to index
        %parallel_loop3A_2680 = arith.constant 16 : index
        %parallel_loop3A_2681 = tpu.vector_load %arg13[%parallel_loop3A_2679, %parallel_loop3A_2680] {strides = array<i32>} : memref<128x128xf32, #tpu.memory_space<vmem>>, vector<16xf32>,
        tpu.vector_store %arg13[%parallel_loop3A_2679, %parallel_loop3A_2680], %parallel_loop3A_2678 {strides = array<i32>} : memref<128x128xf32, #tpu.memory_space<vmem>>, vector<16xf32>,
        %parallel_loop3A_2682 = arith.subf %parallel_loop3A_2566, %parallel_loop3A_2667 : vector<16xf32>
        %parallel_loop3A_2683 = arith.mulf %parallel_loop3A_2682, %parallel_loop3A_2666 : vector<16xf32>
        %parallel_loop3A_2684 = arith.mulf %parallel_loop3A_2683, %get3A_11 : vector<16xf32>
        %parallel_loop3A_2685 = arith.addf %parallel_loop3A_2684, %get3A_27 : vector<16xf32>
        %parallel_loop3A_2686 = arith.index_cast %parallel_loop3A_2537 : i32 to index
        %parallel_loop3A_2687 = arith.constant 32 : index
        %parallel_loop3A_2688 = tpu.vector_load %arg13[%parallel_loop3A_2686, %parallel_loop3A_2687] {strides = array<i32>} : memref<128x128xf32, #tpu.memory_space<vmem>>, vector<16xf32>,
        tpu.vector_store %arg13[%parallel_loop3A_2686, %parallel_loop3A_2687], %parallel_loop3A_2685 {strides = array<i32>} : memref<128x128xf32, #tpu.memory_space<vmem>>, vector<16xf32>,
        %parallel_loop3A_2689 = arith.subf %parallel_loop3A_2573, %parallel_loop3A_2667 : vector<16xf32>
        %parallel_loop3A_2690 = arith.mulf %parallel_loop3A_2689, %parallel_loop3A_2666 : vector<16xf32>
        %parallel_loop3A_2691 = arith.mulf %parallel_loop3A_2690, %get3A_13 : vector<16xf32>
        %parallel_loop3A_2692 = arith.addf %parallel_loop3A_2691, %get3A_29 : vector<16xf32>
        %parallel_loop3A_2693 = arith.index_cast %parallel_loop3A_2537 : i32 to index
        %parallel_loop3A_2694 = arith.constant 48 : index
        %parallel_loop3A_2695 = tpu.vector_load %arg13[%parallel_loop3A_2693, %parallel_loop3A_2694] {strides = array<i32>} : memref<128x128xf32, #tpu.memory_space<vmem>>, vector<16xf32>,
        tpu.vector_store %arg13[%parallel_loop3A_2693, %parallel_loop3A_2694], %parallel_loop3A_2692 {strides = array<i32>} : memref<128x128xf32, #tpu.memory_space<vmem>>, vector<16xf32>,
        %parallel_loop3A_2696 = arith.subf %parallel_loop3A_2580, %parallel_loop3A_2667 : vector<16xf32>
        %parallel_loop3A_2697 = arith.mulf %parallel_loop3A_2696, %parallel_loop3A_2666 : vector<16xf32>
        %parallel_loop3A_2698 = arith.mulf %parallel_loop3A_2697, %get3A_15 : vector<16xf32>
        %parallel_loop3A_2699 = arith.addf %parallel_loop3A_2698, %get3A_31 : vector<16xf32>
        %parallel_loop3A_2700 = arith.index_cast %parallel_loop3A_2537 : i32 to index
        %parallel_loop3A_2701 = arith.constant 64 : index
        %parallel_loop3A_2702 = tpu.vector_load %arg13[%parallel_loop3A_2700, %parallel_loop3A_2701] {strides = array<i32>} : memref<128x128xf32, #tpu.memory_space<vmem>>, vector<16xf32>,
        tpu.vector_store %arg13[%parallel_loop3A_2700, %parallel_loop3A_2701], %parallel_loop3A_2699 {strides = array<i32>} : memref<128x128xf32, #tpu.memory_space<vmem>>, vector<16xf32>,
        %parallel_loop3A_2703 = arith.subf %parallel_loop3A_2587, %parallel_loop3A_2667 : vector<16xf32>
        %parallel_loop3A_2704 = arith.mulf %parallel_loop3A_2703, %parallel_loop3A_2666 : vector<16xf32>
        %parallel_loop3A_2705 = arith.mulf %parallel_loop3A_2704, %get3A_17 : vector<16xf32>
        %parallel_loop3A_2706 = arith.addf %parallel_loop3A_2705, %get3A_33 : vector<16xf32>
        %parallel_loop3A_2707 = arith.index_cast %parallel_loop3A_2537 : i32 to index
        %parallel_loop3A_2708 = arith.constant 80 : index
        %parallel_loop3A_2709 = tpu.vector_load %arg13[%parallel_loop3A_2707, %parallel_loop3A_2708] {strides = array<i32>} : memref<128x128xf32, #tpu.memory_space<vmem>>, vector<16xf32>,
        tpu.vector_store %arg13[%parallel_loop3A_2707, %parallel_loop3A_2708], %parallel_loop3A_2706 {strides = array<i32>} : memref<128x128xf32, #tpu.memory_space<vmem>>, vector<16xf32>,
        %parallel_loop3A_2710 = arith.subf %parallel_loop3A_2594, %parallel_loop3A_2667 : vector<16xf32>
        %parallel_loop3A_2711 = arith.mulf %parallel_loop3A_2710, %parallel_loop3A_2666 : vector<16xf32>
        %parallel_loop3A_2712 = arith.mulf %parallel_loop3A_2711, %get3A_19 : vector<16xf32>
        %parallel_loop3A_2713 = arith.addf %parallel_loop3A_2712, %get3A_35 : vector<16xf32>
        %parallel_loop3A_2714 = arith.index_cast %parallel_loop3A_2537 : i32 to index
        %parallel_loop3A_2715 = arith.constant 96 : index
        %parallel_loop3A_2716 = tpu.vector_load %arg13[%parallel_loop3A_2714, %parallel_loop3A_2715] {strides = array<i32>} : memref<128x128xf32, #tpu.memory_space<vmem>>, vector<16xf32>,
        tpu.vector_store %arg13[%parallel_loop3A_2714, %parallel_loop3A_2715], %parallel_loop3A_2713 {strides = array<i32>} : memref<128x128xf32, #tpu.memory_space<vmem>>, vector<16xf32>,
        %parallel_loop3A_2717 = arith.subf %parallel_loop3A_2601, %parallel_loop3A_2667 : vector<16xf32>
        %parallel_loop3A_2718 = arith.mulf %parallel_loop3A_2717, %parallel_loop3A_2666 : vector<16xf32>
        %parallel_loop3A_2719 = arith.mulf %parallel_loop3A_2718, %get3A_21 : vector<16xf32>
        %parallel_loop3A_2720 = arith.addf %parallel_loop3A_2719, %get3A_37 : vector<16xf32>
        %parallel_loop3A_2721 = arith.index_cast %parallel_loop3A_2537 : i32 to index
        %parallel_loop3A_2722 = arith.constant 112 : index
        %parallel_loop3A_2723 = tpu.vector_load %arg13[%parallel_loop3A_2721, %parallel_loop3A_2722] {strides = array<i32>} : memref<128x128xf32, #tpu.memory_space<vmem>>, vector<16xf32>,
        tpu.vector_store %arg13[%parallel_loop3A_2721, %parallel_loop3A_2722], %parallel_loop3A_2720 {strides = array<i32>} : memref<128x128xf32, #tpu.memory_space<vmem>>, vector<16xf32>,
        %parallel_loop3A_2724 = arith.constant 16 : i32
        %parallel_loop3A_2725 = arith.muli %parallel_loop3A_59, %parallel_loop3A_2724 : i32
        %parallel_loop3A_2726 = arith.constant 14 : i32
        %parallel_loop3A_2727 = arith.addi %parallel_loop3A_2725, %parallel_loop3A_2726 : i32
        %parallel_loop3A_2728 = arith.addi %add3A_51, %parallel_loop3A_2727 : i32
        %parallel_loop3A_2729 = arith.constant 200 : i32
        %parallel_loop3A_2730 = arith.remsi %parallel_loop3A_2728, %parallel_loop3A_2729 : i32
        %parallel_loop3A_2731 = arith.constant 2 : i32
        %parallel_loop3A_2732 = arith.muli %parallel_loop3A_2730, %parallel_loop3A_2731 : i32
        %parallel_loop3A_2733 = vector.extract_strided_slice %parallel_loop3A_63 {offsets = [14], sizes = [1], strides = [1]} : vector<16xi32> to vector<1xi32>
        %parallel_loop3A_2734 = vector.extract %parallel_loop3A_2733[0] : i32 from vector<1xi32>
        %parallel_loop3A_2735 = arith.addi %parallel_loop3A_2732, %parallel_loop3A_2734 : i32
        %parallel_loop3A_2736 = arith.index_cast %parallel_loop3A_2727 : i32 to index
        %parallel_loop3A_2737 = arith.constant 0 : index
        %parallel_loop3A_2738 = tpu.vector_load %arg12[%parallel_loop3A_2736, %parallel_loop3A_2737] {strides = array<i32>} : memref<128x128xf32, #tpu.memory_space<vmem>>, vector<16xf32>,
        %parallel_loop3A_2739 = arith.index_cast %parallel_loop3A_2735 : i32 to index
        %parallel_loop3A_2740 = arith.constant 0 : index
        %parallel_loop3A_2741 = tpu.vector_load %arg14[%parallel_loop3A_2739, %parallel_loop3A_2740] {strides = array<i32>} : memref<400x128xf32, #tpu.memory_space<vmem>>, vector<16xf32>,
        %parallel_loop3A_2742 = arith.addf %parallel_loop3A_2738, %parallel_loop3A_2741 : vector<16xf32>
        %parallel_loop3A_2743 = arith.index_cast %parallel_loop3A_2727 : i32 to index
        %parallel_loop3A_2744 = arith.constant 16 : index
        %parallel_loop3A_2745 = tpu.vector_load %arg12[%parallel_loop3A_2743, %parallel_loop3A_2744] {strides = array<i32>} : memref<128x128xf32, #tpu.memory_space<vmem>>, vector<16xf32>,
        %parallel_loop3A_2746 = arith.index_cast %parallel_loop3A_2735 : i32 to index
        %parallel_loop3A_2747 = arith.constant 16 : index
        %parallel_loop3A_2748 = tpu.vector_load %arg14[%parallel_loop3A_2746, %parallel_loop3A_2747] {strides = array<i32>} : memref<400x128xf32, #tpu.memory_space<vmem>>, vector<16xf32>,
        %parallel_loop3A_2749 = arith.addf %parallel_loop3A_2745, %parallel_loop3A_2748 : vector<16xf32>
        %parallel_loop3A_2750 = arith.index_cast %parallel_loop3A_2727 : i32 to index
        %parallel_loop3A_2751 = arith.constant 32 : index
        %parallel_loop3A_2752 = tpu.vector_load %arg12[%parallel_loop3A_2750, %parallel_loop3A_2751] {strides = array<i32>} : memref<128x128xf32, #tpu.memory_space<vmem>>, vector<16xf32>,
        %parallel_loop3A_2753 = arith.index_cast %parallel_loop3A_2735 : i32 to index
        %parallel_loop3A_2754 = arith.constant 32 : index
        %parallel_loop3A_2755 = tpu.vector_load %arg14[%parallel_loop3A_2753, %parallel_loop3A_2754] {strides = array<i32>} : memref<400x128xf32, #tpu.memory_space<vmem>>, vector<16xf32>,
        %parallel_loop3A_2756 = arith.addf %parallel_loop3A_2752, %parallel_loop3A_2755 : vector<16xf32>
        %parallel_loop3A_2757 = arith.index_cast %parallel_loop3A_2727 : i32 to index
        %parallel_loop3A_2758 = arith.constant 48 : index
        %parallel_loop3A_2759 = tpu.vector_load %arg12[%parallel_loop3A_2757, %parallel_loop3A_2758] {strides = array<i32>} : memref<128x128xf32, #tpu.memory_space<vmem>>, vector<16xf32>,
        %parallel_loop3A_2760 = arith.index_cast %parallel_loop3A_2735 : i32 to index
        %parallel_loop3A_2761 = arith.constant 48 : index
        %parallel_loop3A_2762 = tpu.vector_load %arg14[%parallel_loop3A_2760, %parallel_loop3A_2761] {strides = array<i32>} : memref<400x128xf32, #tpu.memory_space<vmem>>, vector<16xf32>,
        %parallel_loop3A_2763 = arith.addf %parallel_loop3A_2759, %parallel_loop3A_2762 : vector<16xf32>
        %parallel_loop3A_2764 = arith.index_cast %parallel_loop3A_2727 : i32 to index
        %parallel_loop3A_2765 = arith.constant 64 : index
        %parallel_loop3A_2766 = tpu.vector_load %arg12[%parallel_loop3A_2764, %parallel_loop3A_2765] {strides = array<i32>} : memref<128x128xf32, #tpu.memory_space<vmem>>, vector<16xf32>,
        %parallel_loop3A_2767 = arith.index_cast %parallel_loop3A_2735 : i32 to index
        %parallel_loop3A_2768 = arith.constant 64 : index
        %parallel_loop3A_2769 = tpu.vector_load %arg14[%parallel_loop3A_2767, %parallel_loop3A_2768] {strides = array<i32>} : memref<400x128xf32, #tpu.memory_space<vmem>>, vector<16xf32>,
        %parallel_loop3A_2770 = arith.addf %parallel_loop3A_2766, %parallel_loop3A_2769 : vector<16xf32>
        %parallel_loop3A_2771 = arith.index_cast %parallel_loop3A_2727 : i32 to index
        %parallel_loop3A_2772 = arith.constant 80 : index
        %parallel_loop3A_2773 = tpu.vector_load %arg12[%parallel_loop3A_2771, %parallel_loop3A_2772] {strides = array<i32>} : memref<128x128xf32, #tpu.memory_space<vmem>>, vector<16xf32>,
        %parallel_loop3A_2774 = arith.index_cast %parallel_loop3A_2735 : i32 to index
        %parallel_loop3A_2775 = arith.constant 80 : index
        %parallel_loop3A_2776 = tpu.vector_load %arg14[%parallel_loop3A_2774, %parallel_loop3A_2775] {strides = array<i32>} : memref<400x128xf32, #tpu.memory_space<vmem>>, vector<16xf32>,
        %parallel_loop3A_2777 = arith.addf %parallel_loop3A_2773, %parallel_loop3A_2776 : vector<16xf32>
        %parallel_loop3A_2778 = arith.index_cast %parallel_loop3A_2727 : i32 to index
        %parallel_loop3A_2779 = arith.constant 96 : index
        %parallel_loop3A_2780 = tpu.vector_load %arg12[%parallel_loop3A_2778, %parallel_loop3A_2779] {strides = array<i32>} : memref<128x128xf32, #tpu.memory_space<vmem>>, vector<16xf32>,
        %parallel_loop3A_2781 = arith.index_cast %parallel_loop3A_2735 : i32 to index
        %parallel_loop3A_2782 = arith.constant 96 : index
        %parallel_loop3A_2783 = tpu.vector_load %arg14[%parallel_loop3A_2781, %parallel_loop3A_2782] {strides = array<i32>} : memref<400x128xf32, #tpu.memory_space<vmem>>, vector<16xf32>,
        %parallel_loop3A_2784 = arith.addf %parallel_loop3A_2780, %parallel_loop3A_2783 : vector<16xf32>
        %parallel_loop3A_2785 = arith.index_cast %parallel_loop3A_2727 : i32 to index
        %parallel_loop3A_2786 = arith.constant 112 : index
        %parallel_loop3A_2787 = tpu.vector_load %arg12[%parallel_loop3A_2785, %parallel_loop3A_2786] {strides = array<i32>} : memref<128x128xf32, #tpu.memory_space<vmem>>, vector<16xf32>,
        %parallel_loop3A_2788 = arith.index_cast %parallel_loop3A_2735 : i32 to index
        %parallel_loop3A_2789 = arith.constant 112 : index
        %parallel_loop3A_2790 = tpu.vector_load %arg14[%parallel_loop3A_2788, %parallel_loop3A_2789] {strides = array<i32>} : memref<400x128xf32, #tpu.memory_space<vmem>>, vector<16xf32>,
        %parallel_loop3A_2791 = arith.addf %parallel_loop3A_2787, %parallel_loop3A_2790 : vector<16xf32>
        %parallel_loop3A_2792 = arith.addf %parallel_loop3A_2742, %parallel_loop3A_2749 : vector<16xf32>
        %parallel_loop3A_2793 = arith.addf %parallel_loop3A_2792, %parallel_loop3A_2756 : vector<16xf32>
        %parallel_loop3A_2794 = arith.addf %parallel_loop3A_2793, %parallel_loop3A_2763 : vector<16xf32>
        %parallel_loop3A_2795 = arith.addf %parallel_loop3A_2794, %parallel_loop3A_2770 : vector<16xf32>
        %parallel_loop3A_2796 = arith.addf %parallel_loop3A_2795, %parallel_loop3A_2777 : vector<16xf32>
        %parallel_loop3A_2797 = arith.addf %parallel_loop3A_2796, %parallel_loop3A_2784 : vector<16xf32>
        %parallel_loop3A_2798 = arith.addf %parallel_loop3A_2797, %parallel_loop3A_2791 : vector<16xf32>
        %parallel_loop3A_2799 = arith.mulf %parallel_loop3A_2742, %parallel_loop3A_2742 : vector<16xf32>
        %parallel_loop3A_2800 = arith.mulf %parallel_loop3A_2749, %parallel_loop3A_2749 : vector<16xf32>
        %parallel_loop3A_2801 = arith.mulf %parallel_loop3A_2756, %parallel_loop3A_2756 : vector<16xf32>
        %parallel_loop3A_2802 = arith.mulf %parallel_loop3A_2763, %parallel_loop3A_2763 : vector<16xf32>
        %parallel_loop3A_2803 = arith.mulf %parallel_loop3A_2770, %parallel_loop3A_2770 : vector<16xf32>
        %parallel_loop3A_2804 = arith.mulf %parallel_loop3A_2777, %parallel_loop3A_2777 : vector<16xf32>
        %parallel_loop3A_2805 = arith.mulf %parallel_loop3A_2784, %parallel_loop3A_2784 : vector<16xf32>
        %parallel_loop3A_2806 = arith.mulf %parallel_loop3A_2791, %parallel_loop3A_2791 : vector<16xf32>
        %parallel_loop3A_2807 = arith.addf %parallel_loop3A_2799, %parallel_loop3A_2800 : vector<16xf32>
        %parallel_loop3A_2808 = arith.addf %parallel_loop3A_2807, %parallel_loop3A_2801 : vector<16xf32>
        %parallel_loop3A_2809 = arith.addf %parallel_loop3A_2808, %parallel_loop3A_2802 : vector<16xf32>
        %parallel_loop3A_2810 = arith.addf %parallel_loop3A_2809, %parallel_loop3A_2803 : vector<16xf32>
        %parallel_loop3A_2811 = arith.addf %parallel_loop3A_2810, %parallel_loop3A_2804 : vector<16xf32>
        %parallel_loop3A_2812 = arith.addf %parallel_loop3A_2811, %parallel_loop3A_2805 : vector<16xf32>
        %parallel_loop3A_2813 = arith.addf %parallel_loop3A_2812, %parallel_loop3A_2806 : vector<16xf32>
        %parallel_loop3A_2814 = arith.constant true
        %parallel_loop3A_2815 = vector.broadcast %parallel_loop3A_2814 : i1 to vector<16xi1>
        %parallel_loop3A_2816 = tpu.scan <sum>, %parallel_loop3A_2798 masked %parallel_loop3A_2815 : vector<16xf32>, vector<16xi1> -> vector<16xf32>
        %parallel_loop3A_2817 = vector.extract %parallel_loop3A_2816[15] : f32 from vector<16xf32>
        %parallel_loop3A_2818 = arith.constant true
        %parallel_loop3A_2819 = vector.broadcast %parallel_loop3A_2818 : i1 to vector<16xi1>
        %parallel_loop3A_2820 = tpu.scan <sum>, %parallel_loop3A_2813 masked %parallel_loop3A_2819 : vector<16xf32>, vector<16xi1> -> vector<16xf32>
        %parallel_loop3A_2821 = vector.extract %parallel_loop3A_2820[15] : f32 from vector<16xf32>
        %parallel_loop3A_2822 = arith.constant 7.812500e-03 : f32
        %parallel_loop3A_2823 = arith.mulf %parallel_loop3A_2817, %parallel_loop3A_2822 : f32
        %parallel_loop3A_2824 = arith.constant 7.812500e-03 : f32
        %parallel_loop3A_2825 = arith.mulf %parallel_loop3A_2821, %parallel_loop3A_2824 : f32
        %parallel_loop3A_2826 = arith.mulf %parallel_loop3A_2823, %parallel_loop3A_2823 : f32
        %parallel_loop3A_2827 = arith.subf %parallel_loop3A_2825, %parallel_loop3A_2826 : f32
        %parallel_loop3A_2828 = arith.constant 9.99999996E-13 : f32
        %parallel_loop3A_2829 = arith.addf %parallel_loop3A_2827, %parallel_loop3A_2828 : f32
        %parallel_loop3A_2830 = vector.broadcast %parallel_loop3A_2829 : f32 to vector<16xf32>
        %parallel_loop3A_2831 = tpu.bitcast %parallel_loop3A_2830 : vector<16xf32> -> vector<16xi32>
        %parallel_loop3A_2832 = arith.constant 1 : i32
        %parallel_loop3A_2833 = vector.broadcast %parallel_loop3A_2832 : i32 to vector<16xi32>
        %parallel_loop3A_2834 = arith.shrui %parallel_loop3A_2831, %parallel_loop3A_2833 : vector<16xi32>
        %parallel_loop3A_2835 = arith.constant 1597463007 : i32
        %parallel_loop3A_2836 = vector.broadcast %parallel_loop3A_2835 : i32 to vector<16xi32>
        %parallel_loop3A_2837 = arith.subi %parallel_loop3A_2836, %parallel_loop3A_2834 : vector<16xi32>
        %parallel_loop3A_2838 = tpu.bitcast %parallel_loop3A_2837 : vector<16xi32> -> vector<16xf32>
        %parallel_loop3A_2839 = arith.constant 5.000000e-01 : f32
        %parallel_loop3A_2840 = vector.broadcast %parallel_loop3A_2839 : f32 to vector<16xf32>
        %parallel_loop3A_2841 = arith.mulf %parallel_loop3A_2840, %parallel_loop3A_2830 : vector<16xf32>
        %parallel_loop3A_2842 = arith.mulf %parallel_loop3A_2841, %parallel_loop3A_2838 : vector<16xf32>
        %parallel_loop3A_2843 = arith.mulf %parallel_loop3A_2842, %parallel_loop3A_2838 : vector<16xf32>
        %parallel_loop3A_2844 = arith.constant 1.500000e+00 : f32
        %parallel_loop3A_2845 = vector.broadcast %parallel_loop3A_2844 : f32 to vector<16xf32>
        %parallel_loop3A_2846 = arith.subf %parallel_loop3A_2845, %parallel_loop3A_2843 : vector<16xf32>
        %parallel_loop3A_2847 = arith.mulf %parallel_loop3A_2838, %parallel_loop3A_2846 : vector<16xf32>
        %parallel_loop3A_2848 = arith.constant 5.000000e-01 : f32
        %parallel_loop3A_2849 = vector.broadcast %parallel_loop3A_2848 : f32 to vector<16xf32>
        %parallel_loop3A_2850 = arith.mulf %parallel_loop3A_2849, %parallel_loop3A_2830 : vector<16xf32>
        %parallel_loop3A_2851 = arith.mulf %parallel_loop3A_2850, %parallel_loop3A_2847 : vector<16xf32>
        %parallel_loop3A_2852 = arith.mulf %parallel_loop3A_2851, %parallel_loop3A_2847 : vector<16xf32>
        %parallel_loop3A_2853 = arith.constant 1.500000e+00 : f32
        %parallel_loop3A_2854 = vector.broadcast %parallel_loop3A_2853 : f32 to vector<16xf32>
        %parallel_loop3A_2855 = arith.subf %parallel_loop3A_2854, %parallel_loop3A_2852 : vector<16xf32>
        %parallel_loop3A_2856 = arith.mulf %parallel_loop3A_2847, %parallel_loop3A_2855 : vector<16xf32>
        %parallel_loop3A_2857 = vector.broadcast %parallel_loop3A_2823 : f32 to vector<16xf32>
        %parallel_loop3A_2858 = arith.subf %parallel_loop3A_2742, %parallel_loop3A_2857 : vector<16xf32>
        %parallel_loop3A_2859 = arith.mulf %parallel_loop3A_2858, %parallel_loop3A_2856 : vector<16xf32>
        %parallel_loop3A_2860 = arith.mulf %parallel_loop3A_2859, %get3A_7 : vector<16xf32>
        %parallel_loop3A_2861 = arith.addf %parallel_loop3A_2860, %get3A_23 : vector<16xf32>
        %parallel_loop3A_2862 = arith.index_cast %parallel_loop3A_2727 : i32 to index
        %parallel_loop3A_2863 = arith.constant 0 : index
        %parallel_loop3A_2864 = tpu.vector_load %arg13[%parallel_loop3A_2862, %parallel_loop3A_2863] {strides = array<i32>} : memref<128x128xf32, #tpu.memory_space<vmem>>, vector<16xf32>,
        tpu.vector_store %arg13[%parallel_loop3A_2862, %parallel_loop3A_2863], %parallel_loop3A_2861 {strides = array<i32>} : memref<128x128xf32, #tpu.memory_space<vmem>>, vector<16xf32>,
        %parallel_loop3A_2865 = arith.subf %parallel_loop3A_2749, %parallel_loop3A_2857 : vector<16xf32>
        %parallel_loop3A_2866 = arith.mulf %parallel_loop3A_2865, %parallel_loop3A_2856 : vector<16xf32>
        %parallel_loop3A_2867 = arith.mulf %parallel_loop3A_2866, %get3A_9 : vector<16xf32>
        %parallel_loop3A_2868 = arith.addf %parallel_loop3A_2867, %get3A_25 : vector<16xf32>
        %parallel_loop3A_2869 = arith.index_cast %parallel_loop3A_2727 : i32 to index
        %parallel_loop3A_2870 = arith.constant 16 : index
        %parallel_loop3A_2871 = tpu.vector_load %arg13[%parallel_loop3A_2869, %parallel_loop3A_2870] {strides = array<i32>} : memref<128x128xf32, #tpu.memory_space<vmem>>, vector<16xf32>,
        tpu.vector_store %arg13[%parallel_loop3A_2869, %parallel_loop3A_2870], %parallel_loop3A_2868 {strides = array<i32>} : memref<128x128xf32, #tpu.memory_space<vmem>>, vector<16xf32>,
        %parallel_loop3A_2872 = arith.subf %parallel_loop3A_2756, %parallel_loop3A_2857 : vector<16xf32>
        %parallel_loop3A_2873 = arith.mulf %parallel_loop3A_2872, %parallel_loop3A_2856 : vector<16xf32>
        %parallel_loop3A_2874 = arith.mulf %parallel_loop3A_2873, %get3A_11 : vector<16xf32>
        %parallel_loop3A_2875 = arith.addf %parallel_loop3A_2874, %get3A_27 : vector<16xf32>
        %parallel_loop3A_2876 = arith.index_cast %parallel_loop3A_2727 : i32 to index
        %parallel_loop3A_2877 = arith.constant 32 : index
        %parallel_loop3A_2878 = tpu.vector_load %arg13[%parallel_loop3A_2876, %parallel_loop3A_2877] {strides = array<i32>} : memref<128x128xf32, #tpu.memory_space<vmem>>, vector<16xf32>,
        tpu.vector_store %arg13[%parallel_loop3A_2876, %parallel_loop3A_2877], %parallel_loop3A_2875 {strides = array<i32>} : memref<128x128xf32, #tpu.memory_space<vmem>>, vector<16xf32>,
        %parallel_loop3A_2879 = arith.subf %parallel_loop3A_2763, %parallel_loop3A_2857 : vector<16xf32>
        %parallel_loop3A_2880 = arith.mulf %parallel_loop3A_2879, %parallel_loop3A_2856 : vector<16xf32>
        %parallel_loop3A_2881 = arith.mulf %parallel_loop3A_2880, %get3A_13 : vector<16xf32>
        %parallel_loop3A_2882 = arith.addf %parallel_loop3A_2881, %get3A_29 : vector<16xf32>
        %parallel_loop3A_2883 = arith.index_cast %parallel_loop3A_2727 : i32 to index
        %parallel_loop3A_2884 = arith.constant 48 : index
        %parallel_loop3A_2885 = tpu.vector_load %arg13[%parallel_loop3A_2883, %parallel_loop3A_2884] {strides = array<i32>} : memref<128x128xf32, #tpu.memory_space<vmem>>, vector<16xf32>,
        tpu.vector_store %arg13[%parallel_loop3A_2883, %parallel_loop3A_2884], %parallel_loop3A_2882 {strides = array<i32>} : memref<128x128xf32, #tpu.memory_space<vmem>>, vector<16xf32>,
        %parallel_loop3A_2886 = arith.subf %parallel_loop3A_2770, %parallel_loop3A_2857 : vector<16xf32>
        %parallel_loop3A_2887 = arith.mulf %parallel_loop3A_2886, %parallel_loop3A_2856 : vector<16xf32>
        %parallel_loop3A_2888 = arith.mulf %parallel_loop3A_2887, %get3A_15 : vector<16xf32>
        %parallel_loop3A_2889 = arith.addf %parallel_loop3A_2888, %get3A_31 : vector<16xf32>
        %parallel_loop3A_2890 = arith.index_cast %parallel_loop3A_2727 : i32 to index
        %parallel_loop3A_2891 = arith.constant 64 : index
        %parallel_loop3A_2892 = tpu.vector_load %arg13[%parallel_loop3A_2890, %parallel_loop3A_2891] {strides = array<i32>} : memref<128x128xf32, #tpu.memory_space<vmem>>, vector<16xf32>,
        tpu.vector_store %arg13[%parallel_loop3A_2890, %parallel_loop3A_2891], %parallel_loop3A_2889 {strides = array<i32>} : memref<128x128xf32, #tpu.memory_space<vmem>>, vector<16xf32>,
        %parallel_loop3A_2893 = arith.subf %parallel_loop3A_2777, %parallel_loop3A_2857 : vector<16xf32>
        %parallel_loop3A_2894 = arith.mulf %parallel_loop3A_2893, %parallel_loop3A_2856 : vector<16xf32>
        %parallel_loop3A_2895 = arith.mulf %parallel_loop3A_2894, %get3A_17 : vector<16xf32>
        %parallel_loop3A_2896 = arith.addf %parallel_loop3A_2895, %get3A_33 : vector<16xf32>
        %parallel_loop3A_2897 = arith.index_cast %parallel_loop3A_2727 : i32 to index
        %parallel_loop3A_2898 = arith.constant 80 : index
        %parallel_loop3A_2899 = tpu.vector_load %arg13[%parallel_loop3A_2897, %parallel_loop3A_2898] {strides = array<i32>} : memref<128x128xf32, #tpu.memory_space<vmem>>, vector<16xf32>,
        tpu.vector_store %arg13[%parallel_loop3A_2897, %parallel_loop3A_2898], %parallel_loop3A_2896 {strides = array<i32>} : memref<128x128xf32, #tpu.memory_space<vmem>>, vector<16xf32>,
        %parallel_loop3A_2900 = arith.subf %parallel_loop3A_2784, %parallel_loop3A_2857 : vector<16xf32>
        %parallel_loop3A_2901 = arith.mulf %parallel_loop3A_2900, %parallel_loop3A_2856 : vector<16xf32>
        %parallel_loop3A_2902 = arith.mulf %parallel_loop3A_2901, %get3A_19 : vector<16xf32>
        %parallel_loop3A_2903 = arith.addf %parallel_loop3A_2902, %get3A_35 : vector<16xf32>
        %parallel_loop3A_2904 = arith.index_cast %parallel_loop3A_2727 : i32 to index
        %parallel_loop3A_2905 = arith.constant 96 : index
        %parallel_loop3A_2906 = tpu.vector_load %arg13[%parallel_loop3A_2904, %parallel_loop3A_2905] {strides = array<i32>} : memref<128x128xf32, #tpu.memory_space<vmem>>, vector<16xf32>,
        tpu.vector_store %arg13[%parallel_loop3A_2904, %parallel_loop3A_2905], %parallel_loop3A_2903 {strides = array<i32>} : memref<128x128xf32, #tpu.memory_space<vmem>>, vector<16xf32>,
        %parallel_loop3A_2907 = arith.subf %parallel_loop3A_2791, %parallel_loop3A_2857 : vector<16xf32>
        %parallel_loop3A_2908 = arith.mulf %parallel_loop3A_2907, %parallel_loop3A_2856 : vector<16xf32>
        %parallel_loop3A_2909 = arith.mulf %parallel_loop3A_2908, %get3A_21 : vector<16xf32>
        %parallel_loop3A_2910 = arith.addf %parallel_loop3A_2909, %get3A_37 : vector<16xf32>
        %parallel_loop3A_2911 = arith.index_cast %parallel_loop3A_2727 : i32 to index
        %parallel_loop3A_2912 = arith.constant 112 : index
        %parallel_loop3A_2913 = tpu.vector_load %arg13[%parallel_loop3A_2911, %parallel_loop3A_2912] {strides = array<i32>} : memref<128x128xf32, #tpu.memory_space<vmem>>, vector<16xf32>,
        tpu.vector_store %arg13[%parallel_loop3A_2911, %parallel_loop3A_2912], %parallel_loop3A_2910 {strides = array<i32>} : memref<128x128xf32, #tpu.memory_space<vmem>>, vector<16xf32>,
        %parallel_loop3A_2914 = arith.constant 16 : i32
        %parallel_loop3A_2915 = arith.muli %parallel_loop3A_59, %parallel_loop3A_2914 : i32
        %parallel_loop3A_2916 = arith.constant 15 : i32
        %parallel_loop3A_2917 = arith.addi %parallel_loop3A_2915, %parallel_loop3A_2916 : i32
        %parallel_loop3A_2918 = arith.addi %add3A_51, %parallel_loop3A_2917 : i32
        %parallel_loop3A_2919 = arith.constant 200 : i32
        %parallel_loop3A_2920 = arith.remsi %parallel_loop3A_2918, %parallel_loop3A_2919 : i32
        %parallel_loop3A_2921 = arith.constant 2 : i32
        %parallel_loop3A_2922 = arith.muli %parallel_loop3A_2920, %parallel_loop3A_2921 : i32
        %parallel_loop3A_2923 = vector.extract_strided_slice %parallel_loop3A_63 {offsets = [15], sizes = [1], strides = [1]} : vector<16xi32> to vector<1xi32>
        %parallel_loop3A_2924 = vector.extract %parallel_loop3A_2923[0] : i32 from vector<1xi32>
        %parallel_loop3A_2925 = arith.addi %parallel_loop3A_2922, %parallel_loop3A_2924 : i32
        %parallel_loop3A_2926 = arith.index_cast %parallel_loop3A_2917 : i32 to index
        %parallel_loop3A_2927 = arith.constant 0 : index
        %parallel_loop3A_2928 = tpu.vector_load %arg12[%parallel_loop3A_2926, %parallel_loop3A_2927] {strides = array<i32>} : memref<128x128xf32, #tpu.memory_space<vmem>>, vector<16xf32>,
        %parallel_loop3A_2929 = arith.index_cast %parallel_loop3A_2925 : i32 to index
        %parallel_loop3A_2930 = arith.constant 0 : index
        %parallel_loop3A_2931 = tpu.vector_load %arg14[%parallel_loop3A_2929, %parallel_loop3A_2930] {strides = array<i32>} : memref<400x128xf32, #tpu.memory_space<vmem>>, vector<16xf32>,
        %parallel_loop3A_2932 = arith.addf %parallel_loop3A_2928, %parallel_loop3A_2931 : vector<16xf32>
        %parallel_loop3A_2933 = arith.index_cast %parallel_loop3A_2917 : i32 to index
        %parallel_loop3A_2934 = arith.constant 16 : index
        %parallel_loop3A_2935 = tpu.vector_load %arg12[%parallel_loop3A_2933, %parallel_loop3A_2934] {strides = array<i32>} : memref<128x128xf32, #tpu.memory_space<vmem>>, vector<16xf32>,
        %parallel_loop3A_2936 = arith.index_cast %parallel_loop3A_2925 : i32 to index
        %parallel_loop3A_2937 = arith.constant 16 : index
        %parallel_loop3A_2938 = tpu.vector_load %arg14[%parallel_loop3A_2936, %parallel_loop3A_2937] {strides = array<i32>} : memref<400x128xf32, #tpu.memory_space<vmem>>, vector<16xf32>,
        %parallel_loop3A_2939 = arith.addf %parallel_loop3A_2935, %parallel_loop3A_2938 : vector<16xf32>
        %parallel_loop3A_2940 = arith.index_cast %parallel_loop3A_2917 : i32 to index
        %parallel_loop3A_2941 = arith.constant 32 : index
        %parallel_loop3A_2942 = tpu.vector_load %arg12[%parallel_loop3A_2940, %parallel_loop3A_2941] {strides = array<i32>} : memref<128x128xf32, #tpu.memory_space<vmem>>, vector<16xf32>,
        %parallel_loop3A_2943 = arith.index_cast %parallel_loop3A_2925 : i32 to index
        %parallel_loop3A_2944 = arith.constant 32 : index
        %parallel_loop3A_2945 = tpu.vector_load %arg14[%parallel_loop3A_2943, %parallel_loop3A_2944] {strides = array<i32>} : memref<400x128xf32, #tpu.memory_space<vmem>>, vector<16xf32>,
        %parallel_loop3A_2946 = arith.addf %parallel_loop3A_2942, %parallel_loop3A_2945 : vector<16xf32>
        %parallel_loop3A_2947 = arith.index_cast %parallel_loop3A_2917 : i32 to index
        %parallel_loop3A_2948 = arith.constant 48 : index
        %parallel_loop3A_2949 = tpu.vector_load %arg12[%parallel_loop3A_2947, %parallel_loop3A_2948] {strides = array<i32>} : memref<128x128xf32, #tpu.memory_space<vmem>>, vector<16xf32>,
        %parallel_loop3A_2950 = arith.index_cast %parallel_loop3A_2925 : i32 to index
        %parallel_loop3A_2951 = arith.constant 48 : index
        %parallel_loop3A_2952 = tpu.vector_load %arg14[%parallel_loop3A_2950, %parallel_loop3A_2951] {strides = array<i32>} : memref<400x128xf32, #tpu.memory_space<vmem>>, vector<16xf32>,
        %parallel_loop3A_2953 = arith.addf %parallel_loop3A_2949, %parallel_loop3A_2952 : vector<16xf32>
        %parallel_loop3A_2954 = arith.index_cast %parallel_loop3A_2917 : i32 to index
        %parallel_loop3A_2955 = arith.constant 64 : index
        %parallel_loop3A_2956 = tpu.vector_load %arg12[%parallel_loop3A_2954, %parallel_loop3A_2955] {strides = array<i32>} : memref<128x128xf32, #tpu.memory_space<vmem>>, vector<16xf32>,
        %parallel_loop3A_2957 = arith.index_cast %parallel_loop3A_2925 : i32 to index
        %parallel_loop3A_2958 = arith.constant 64 : index
        %parallel_loop3A_2959 = tpu.vector_load %arg14[%parallel_loop3A_2957, %parallel_loop3A_2958] {strides = array<i32>} : memref<400x128xf32, #tpu.memory_space<vmem>>, vector<16xf32>,
        %parallel_loop3A_2960 = arith.addf %parallel_loop3A_2956, %parallel_loop3A_2959 : vector<16xf32>
        %parallel_loop3A_2961 = arith.index_cast %parallel_loop3A_2917 : i32 to index
        %parallel_loop3A_2962 = arith.constant 80 : index
        %parallel_loop3A_2963 = tpu.vector_load %arg12[%parallel_loop3A_2961, %parallel_loop3A_2962] {strides = array<i32>} : memref<128x128xf32, #tpu.memory_space<vmem>>, vector<16xf32>,
        %parallel_loop3A_2964 = arith.index_cast %parallel_loop3A_2925 : i32 to index
        %parallel_loop3A_2965 = arith.constant 80 : index
        %parallel_loop3A_2966 = tpu.vector_load %arg14[%parallel_loop3A_2964, %parallel_loop3A_2965] {strides = array<i32>} : memref<400x128xf32, #tpu.memory_space<vmem>>, vector<16xf32>,
        %parallel_loop3A_2967 = arith.addf %parallel_loop3A_2963, %parallel_loop3A_2966 : vector<16xf32>
        %parallel_loop3A_2968 = arith.index_cast %parallel_loop3A_2917 : i32 to index
        %parallel_loop3A_2969 = arith.constant 96 : index
        %parallel_loop3A_2970 = tpu.vector_load %arg12[%parallel_loop3A_2968, %parallel_loop3A_2969] {strides = array<i32>} : memref<128x128xf32, #tpu.memory_space<vmem>>, vector<16xf32>,
        %parallel_loop3A_2971 = arith.index_cast %parallel_loop3A_2925 : i32 to index
        %parallel_loop3A_2972 = arith.constant 96 : index
        %parallel_loop3A_2973 = tpu.vector_load %arg14[%parallel_loop3A_2971, %parallel_loop3A_2972] {strides = array<i32>} : memref<400x128xf32, #tpu.memory_space<vmem>>, vector<16xf32>,
        %parallel_loop3A_2974 = arith.addf %parallel_loop3A_2970, %parallel_loop3A_2973 : vector<16xf32>
        %parallel_loop3A_2975 = arith.index_cast %parallel_loop3A_2917 : i32 to index
        %parallel_loop3A_2976 = arith.constant 112 : index
        %parallel_loop3A_2977 = tpu.vector_load %arg12[%parallel_loop3A_2975, %parallel_loop3A_2976] {strides = array<i32>} : memref<128x128xf32, #tpu.memory_space<vmem>>, vector<16xf32>,
        %parallel_loop3A_2978 = arith.index_cast %parallel_loop3A_2925 : i32 to index
        %parallel_loop3A_2979 = arith.constant 112 : index
        %parallel_loop3A_2980 = tpu.vector_load %arg14[%parallel_loop3A_2978, %parallel_loop3A_2979] {strides = array<i32>} : memref<400x128xf32, #tpu.memory_space<vmem>>, vector<16xf32>,
        %parallel_loop3A_2981 = arith.addf %parallel_loop3A_2977, %parallel_loop3A_2980 : vector<16xf32>
        %parallel_loop3A_2982 = arith.addf %parallel_loop3A_2932, %parallel_loop3A_2939 : vector<16xf32>
        %parallel_loop3A_2983 = arith.addf %parallel_loop3A_2982, %parallel_loop3A_2946 : vector<16xf32>
        %parallel_loop3A_2984 = arith.addf %parallel_loop3A_2983, %parallel_loop3A_2953 : vector<16xf32>
        %parallel_loop3A_2985 = arith.addf %parallel_loop3A_2984, %parallel_loop3A_2960 : vector<16xf32>
        %parallel_loop3A_2986 = arith.addf %parallel_loop3A_2985, %parallel_loop3A_2967 : vector<16xf32>
        %parallel_loop3A_2987 = arith.addf %parallel_loop3A_2986, %parallel_loop3A_2974 : vector<16xf32>
        %parallel_loop3A_2988 = arith.addf %parallel_loop3A_2987, %parallel_loop3A_2981 : vector<16xf32>
        %parallel_loop3A_2989 = arith.mulf %parallel_loop3A_2932, %parallel_loop3A_2932 : vector<16xf32>
        %parallel_loop3A_2990 = arith.mulf %parallel_loop3A_2939, %parallel_loop3A_2939 : vector<16xf32>
        %parallel_loop3A_2991 = arith.mulf %parallel_loop3A_2946, %parallel_loop3A_2946 : vector<16xf32>
        %parallel_loop3A_2992 = arith.mulf %parallel_loop3A_2953, %parallel_loop3A_2953 : vector<16xf32>
        %parallel_loop3A_2993 = arith.mulf %parallel_loop3A_2960, %parallel_loop3A_2960 : vector<16xf32>
        %parallel_loop3A_2994 = arith.mulf %parallel_loop3A_2967, %parallel_loop3A_2967 : vector<16xf32>
        %parallel_loop3A_2995 = arith.mulf %parallel_loop3A_2974, %parallel_loop3A_2974 : vector<16xf32>
        %parallel_loop3A_2996 = arith.mulf %parallel_loop3A_2981, %parallel_loop3A_2981 : vector<16xf32>
        %parallel_loop3A_2997 = arith.addf %parallel_loop3A_2989, %parallel_loop3A_2990 : vector<16xf32>
        %parallel_loop3A_2998 = arith.addf %parallel_loop3A_2997, %parallel_loop3A_2991 : vector<16xf32>
        %parallel_loop3A_2999 = arith.addf %parallel_loop3A_2998, %parallel_loop3A_2992 : vector<16xf32>
        %parallel_loop3A_3000 = arith.addf %parallel_loop3A_2999, %parallel_loop3A_2993 : vector<16xf32>
        %parallel_loop3A_3001 = arith.addf %parallel_loop3A_3000, %parallel_loop3A_2994 : vector<16xf32>
        %parallel_loop3A_3002 = arith.addf %parallel_loop3A_3001, %parallel_loop3A_2995 : vector<16xf32>
        %parallel_loop3A_3003 = arith.addf %parallel_loop3A_3002, %parallel_loop3A_2996 : vector<16xf32>
        %parallel_loop3A_3004 = arith.constant true
        %parallel_loop3A_3005 = vector.broadcast %parallel_loop3A_3004 : i1 to vector<16xi1>
        %parallel_loop3A_3006 = tpu.scan <sum>, %parallel_loop3A_2988 masked %parallel_loop3A_3005 : vector<16xf32>, vector<16xi1> -> vector<16xf32>
        %parallel_loop3A_3007 = vector.extract %parallel_loop3A_3006[15] : f32 from vector<16xf32>
        %parallel_loop3A_3008 = arith.constant true
        %parallel_loop3A_3009 = vector.broadcast %parallel_loop3A_3008 : i1 to vector<16xi1>
        %parallel_loop3A_3010 = tpu.scan <sum>, %parallel_loop3A_3003 masked %parallel_loop3A_3009 : vector<16xf32>, vector<16xi1> -> vector<16xf32>
        %parallel_loop3A_3011 = vector.extract %parallel_loop3A_3010[15] : f32 from vector<16xf32>
        %parallel_loop3A_3012 = arith.constant 7.812500e-03 : f32
        %parallel_loop3A_3013 = arith.mulf %parallel_loop3A_3007, %parallel_loop3A_3012 : f32
        %parallel_loop3A_3014 = arith.constant 7.812500e-03 : f32
        %parallel_loop3A_3015 = arith.mulf %parallel_loop3A_3011, %parallel_loop3A_3014 : f32
        %parallel_loop3A_3016 = arith.mulf %parallel_loop3A_3013, %parallel_loop3A_3013 : f32
        %parallel_loop3A_3017 = arith.subf %parallel_loop3A_3015, %parallel_loop3A_3016 : f32
        %parallel_loop3A_3018 = arith.constant 9.99999996E-13 : f32
        %parallel_loop3A_3019 = arith.addf %parallel_loop3A_3017, %parallel_loop3A_3018 : f32
        %parallel_loop3A_3020 = vector.broadcast %parallel_loop3A_3019 : f32 to vector<16xf32>
        %parallel_loop3A_3021 = tpu.bitcast %parallel_loop3A_3020 : vector<16xf32> -> vector<16xi32>
        %parallel_loop3A_3022 = arith.constant 1 : i32
        %parallel_loop3A_3023 = vector.broadcast %parallel_loop3A_3022 : i32 to vector<16xi32>
        %parallel_loop3A_3024 = arith.shrui %parallel_loop3A_3021, %parallel_loop3A_3023 : vector<16xi32>
        %parallel_loop3A_3025 = arith.constant 1597463007 : i32
        %parallel_loop3A_3026 = vector.broadcast %parallel_loop3A_3025 : i32 to vector<16xi32>
        %parallel_loop3A_3027 = arith.subi %parallel_loop3A_3026, %parallel_loop3A_3024 : vector<16xi32>
        %parallel_loop3A_3028 = tpu.bitcast %parallel_loop3A_3027 : vector<16xi32> -> vector<16xf32>
        %parallel_loop3A_3029 = arith.constant 5.000000e-01 : f32
        %parallel_loop3A_3030 = vector.broadcast %parallel_loop3A_3029 : f32 to vector<16xf32>
        %parallel_loop3A_3031 = arith.mulf %parallel_loop3A_3030, %parallel_loop3A_3020 : vector<16xf32>
        %parallel_loop3A_3032 = arith.mulf %parallel_loop3A_3031, %parallel_loop3A_3028 : vector<16xf32>
        %parallel_loop3A_3033 = arith.mulf %parallel_loop3A_3032, %parallel_loop3A_3028 : vector<16xf32>
        %parallel_loop3A_3034 = arith.constant 1.500000e+00 : f32
        %parallel_loop3A_3035 = vector.broadcast %parallel_loop3A_3034 : f32 to vector<16xf32>
        %parallel_loop3A_3036 = arith.subf %parallel_loop3A_3035, %parallel_loop3A_3033 : vector<16xf32>
        %parallel_loop3A_3037 = arith.mulf %parallel_loop3A_3028, %parallel_loop3A_3036 : vector<16xf32>
        %parallel_loop3A_3038 = arith.constant 5.000000e-01 : f32
        %parallel_loop3A_3039 = vector.broadcast %parallel_loop3A_3038 : f32 to vector<16xf32>
        %parallel_loop3A_3040 = arith.mulf %parallel_loop3A_3039, %parallel_loop3A_3020 : vector<16xf32>
        %parallel_loop3A_3041 = arith.mulf %parallel_loop3A_3040, %parallel_loop3A_3037 : vector<16xf32>
        %parallel_loop3A_3042 = arith.mulf %parallel_loop3A_3041, %parallel_loop3A_3037 : vector<16xf32>
        %parallel_loop3A_3043 = arith.constant 1.500000e+00 : f32
        %parallel_loop3A_3044 = vector.broadcast %parallel_loop3A_3043 : f32 to vector<16xf32>
        %parallel_loop3A_3045 = arith.subf %parallel_loop3A_3044, %parallel_loop3A_3042 : vector<16xf32>
        %parallel_loop3A_3046 = arith.mulf %parallel_loop3A_3037, %parallel_loop3A_3045 : vector<16xf32>
        %parallel_loop3A_3047 = vector.broadcast %parallel_loop3A_3013 : f32 to vector<16xf32>
        %parallel_loop3A_3048 = arith.subf %parallel_loop3A_2932, %parallel_loop3A_3047 : vector<16xf32>
        %parallel_loop3A_3049 = arith.mulf %parallel_loop3A_3048, %parallel_loop3A_3046 : vector<16xf32>
        %parallel_loop3A_3050 = arith.mulf %parallel_loop3A_3049, %get3A_7 : vector<16xf32>
        %parallel_loop3A_3051 = arith.addf %parallel_loop3A_3050, %get3A_23 : vector<16xf32>
        %parallel_loop3A_3052 = arith.index_cast %parallel_loop3A_2917 : i32 to index
        %parallel_loop3A_3053 = arith.constant 0 : index
        %parallel_loop3A_3054 = tpu.vector_load %arg13[%parallel_loop3A_3052, %parallel_loop3A_3053] {strides = array<i32>} : memref<128x128xf32, #tpu.memory_space<vmem>>, vector<16xf32>,
        tpu.vector_store %arg13[%parallel_loop3A_3052, %parallel_loop3A_3053], %parallel_loop3A_3051 {strides = array<i32>} : memref<128x128xf32, #tpu.memory_space<vmem>>, vector<16xf32>,
        %parallel_loop3A_3055 = arith.subf %parallel_loop3A_2939, %parallel_loop3A_3047 : vector<16xf32>
        %parallel_loop3A_3056 = arith.mulf %parallel_loop3A_3055, %parallel_loop3A_3046 : vector<16xf32>
        %parallel_loop3A_3057 = arith.mulf %parallel_loop3A_3056, %get3A_9 : vector<16xf32>
        %parallel_loop3A_3058 = arith.addf %parallel_loop3A_3057, %get3A_25 : vector<16xf32>
        %parallel_loop3A_3059 = arith.index_cast %parallel_loop3A_2917 : i32 to index
        %parallel_loop3A_3060 = arith.constant 16 : index
        %parallel_loop3A_3061 = tpu.vector_load %arg13[%parallel_loop3A_3059, %parallel_loop3A_3060] {strides = array<i32>} : memref<128x128xf32, #tpu.memory_space<vmem>>, vector<16xf32>,
        tpu.vector_store %arg13[%parallel_loop3A_3059, %parallel_loop3A_3060], %parallel_loop3A_3058 {strides = array<i32>} : memref<128x128xf32, #tpu.memory_space<vmem>>, vector<16xf32>,
        %parallel_loop3A_3062 = arith.subf %parallel_loop3A_2946, %parallel_loop3A_3047 : vector<16xf32>
        %parallel_loop3A_3063 = arith.mulf %parallel_loop3A_3062, %parallel_loop3A_3046 : vector<16xf32>
        %parallel_loop3A_3064 = arith.mulf %parallel_loop3A_3063, %get3A_11 : vector<16xf32>
        %parallel_loop3A_3065 = arith.addf %parallel_loop3A_3064, %get3A_27 : vector<16xf32>
        %parallel_loop3A_3066 = arith.index_cast %parallel_loop3A_2917 : i32 to index
        %parallel_loop3A_3067 = arith.constant 32 : index
        %parallel_loop3A_3068 = tpu.vector_load %arg13[%parallel_loop3A_3066, %parallel_loop3A_3067] {strides = array<i32>} : memref<128x128xf32, #tpu.memory_space<vmem>>, vector<16xf32>,
        tpu.vector_store %arg13[%parallel_loop3A_3066, %parallel_loop3A_3067], %parallel_loop3A_3065 {strides = array<i32>} : memref<128x128xf32, #tpu.memory_space<vmem>>, vector<16xf32>,
        %parallel_loop3A_3069 = arith.subf %parallel_loop3A_2953, %parallel_loop3A_3047 : vector<16xf32>
        %parallel_loop3A_3070 = arith.mulf %parallel_loop3A_3069, %parallel_loop3A_3046 : vector<16xf32>
        %parallel_loop3A_3071 = arith.mulf %parallel_loop3A_3070, %get3A_13 : vector<16xf32>
        %parallel_loop3A_3072 = arith.addf %parallel_loop3A_3071, %get3A_29 : vector<16xf32>
        %parallel_loop3A_3073 = arith.index_cast %parallel_loop3A_2917 : i32 to index
        %parallel_loop3A_3074 = arith.constant 48 : index
        %parallel_loop3A_3075 = tpu.vector_load %arg13[%parallel_loop3A_3073, %parallel_loop3A_3074] {strides = array<i32>} : memref<128x128xf32, #tpu.memory_space<vmem>>, vector<16xf32>,
        tpu.vector_store %arg13[%parallel_loop3A_3073, %parallel_loop3A_3074], %parallel_loop3A_3072 {strides = array<i32>} : memref<128x128xf32, #tpu.memory_space<vmem>>, vector<16xf32>,
        %parallel_loop3A_3076 = arith.subf %parallel_loop3A_2960, %parallel_loop3A_3047 : vector<16xf32>
        %parallel_loop3A_3077 = arith.mulf %parallel_loop3A_3076, %parallel_loop3A_3046 : vector<16xf32>
        %parallel_loop3A_3078 = arith.mulf %parallel_loop3A_3077, %get3A_15 : vector<16xf32>
        %parallel_loop3A_3079 = arith.addf %parallel_loop3A_3078, %get3A_31 : vector<16xf32>
        %parallel_loop3A_3080 = arith.index_cast %parallel_loop3A_2917 : i32 to index
        %parallel_loop3A_3081 = arith.constant 64 : index
        %parallel_loop3A_3082 = tpu.vector_load %arg13[%parallel_loop3A_3080, %parallel_loop3A_3081] {strides = array<i32>} : memref<128x128xf32, #tpu.memory_space<vmem>>, vector<16xf32>,
        tpu.vector_store %arg13[%parallel_loop3A_3080, %parallel_loop3A_3081], %parallel_loop3A_3079 {strides = array<i32>} : memref<128x128xf32, #tpu.memory_space<vmem>>, vector<16xf32>,
        %parallel_loop3A_3083 = arith.subf %parallel_loop3A_2967, %parallel_loop3A_3047 : vector<16xf32>
        %parallel_loop3A_3084 = arith.mulf %parallel_loop3A_3083, %parallel_loop3A_3046 : vector<16xf32>
        %parallel_loop3A_3085 = arith.mulf %parallel_loop3A_3084, %get3A_17 : vector<16xf32>
        %parallel_loop3A_3086 = arith.addf %parallel_loop3A_3085, %get3A_33 : vector<16xf32>
        %parallel_loop3A_3087 = arith.index_cast %parallel_loop3A_2917 : i32 to index
        %parallel_loop3A_3088 = arith.constant 80 : index
        %parallel_loop3A_3089 = tpu.vector_load %arg13[%parallel_loop3A_3087, %parallel_loop3A_3088] {strides = array<i32>} : memref<128x128xf32, #tpu.memory_space<vmem>>, vector<16xf32>,
        tpu.vector_store %arg13[%parallel_loop3A_3087, %parallel_loop3A_3088], %parallel_loop3A_3086 {strides = array<i32>} : memref<128x128xf32, #tpu.memory_space<vmem>>, vector<16xf32>,
        %parallel_loop3A_3090 = arith.subf %parallel_loop3A_2974, %parallel_loop3A_3047 : vector<16xf32>
        %parallel_loop3A_3091 = arith.mulf %parallel_loop3A_3090, %parallel_loop3A_3046 : vector<16xf32>
        %parallel_loop3A_3092 = arith.mulf %parallel_loop3A_3091, %get3A_19 : vector<16xf32>
        %parallel_loop3A_3093 = arith.addf %parallel_loop3A_3092, %get3A_35 : vector<16xf32>
        %parallel_loop3A_3094 = arith.index_cast %parallel_loop3A_2917 : i32 to index
        %parallel_loop3A_3095 = arith.constant 96 : index
        %parallel_loop3A_3096 = tpu.vector_load %arg13[%parallel_loop3A_3094, %parallel_loop3A_3095] {strides = array<i32>} : memref<128x128xf32, #tpu.memory_space<vmem>>, vector<16xf32>,
        tpu.vector_store %arg13[%parallel_loop3A_3094, %parallel_loop3A_3095], %parallel_loop3A_3093 {strides = array<i32>} : memref<128x128xf32, #tpu.memory_space<vmem>>, vector<16xf32>,
        %parallel_loop3A_3097 = arith.subf %parallel_loop3A_2981, %parallel_loop3A_3047 : vector<16xf32>
        %parallel_loop3A_3098 = arith.mulf %parallel_loop3A_3097, %parallel_loop3A_3046 : vector<16xf32>
        %parallel_loop3A_3099 = arith.mulf %parallel_loop3A_3098, %get3A_21 : vector<16xf32>
        %parallel_loop3A_3100 = arith.addf %parallel_loop3A_3099, %get3A_37 : vector<16xf32>
        %parallel_loop3A_3101 = arith.index_cast %parallel_loop3A_2917 : i32 to index
        %parallel_loop3A_3102 = arith.constant 112 : index
        %parallel_loop3A_3103 = tpu.vector_load %arg13[%parallel_loop3A_3101, %parallel_loop3A_3102] {strides = array<i32>} : memref<128x128xf32, #tpu.memory_space<vmem>>, vector<16xf32>,
        tpu.vector_store %arg13[%parallel_loop3A_3101, %parallel_loop3A_3102], %parallel_loop3A_3100 {strides = array<i32>} : memref<128x128xf32, #tpu.memory_space<vmem>>, vector<16xf32>,
      } {sc.loop_unroll_factor = 1 : i64, sc.parallel_access}
      "tpu.region"() ({
        %run_scoped3A = tpu.sem_alloc : memref<!tpu.dma_semaphore, #tpu.memory_space<semaphore_mem>>
        %dma_start3A_59 = arith.constant 0 : i32
        %dma_start3A_60 = tpu.memref_slice %arg9[%add3A_51, %dma_start3A_59] : memref<204800x128xf32, #tpu.memory_space<hbm>> -> memref<128x128xf32, #tpu.memory_space<hbm>>
        %dma_start3A_61 = arith.constant 0 : i32
        %dma_start3A_62 = tpu.memref_slice %arg9[%add3A_51, %dma_start3A_61] : memref<204800x128xf32, #tpu.memory_space<hbm>> -> memref<128x128xf32, #tpu.memory_space<hbm>>
        tpu.enqueue_dma source(%arg13 : memref<128x128xf32, #tpu.memory_space<vmem>>) target(%dma_start3A_62 : memref<128x128xf32, #tpu.memory_space<hbm>>) target_semaphore(%run_scoped3A : memref<!tpu.dma_semaphore, #tpu.memory_space<semaphore_mem>>)
        %dma_wait3A_63 = arith.constant 0 : i32
        %dma_wait3A_64 = tpu.memref_slice %arg9[%add3A_51, %dma_wait3A_63] : memref<204800x128xf32, #tpu.memory_space<hbm>> -> memref<128x128xf32, #tpu.memory_space<hbm>>
        %dma_wait3A_65 = arith.constant 0 : i32
        %dma_wait3A_66 = tpu.memref_slice %arg9[%add3A_51, %dma_wait3A_65] : memref<204800x128xf32, #tpu.memory_space<hbm>> -> memref<128x128xf32, #tpu.memory_space<hbm>>
        tpu.wait_dma2 semaphore(%run_scoped3A : memref<!tpu.dma_semaphore, #tpu.memory_space<semaphore_mem>>) src(%arg13 : memref<128x128xf32, #tpu.memory_space<vmem>>) dst(%dma_wait3A_66 : memref<128x128xf32, #tpu.memory_space<hbm>>)
        tpu.yield
      }) : () -> ()
      %scan3A_58 = arith.constant 0 : i32
      scf.yield %scan3A_58 : i32
    }
    %scan3A_44 = arith.constant 50 : i32
    return
  }
}

</mosaic_0001>

<sc_bundles>
// kernel: kernel.3.cloned.1.call-start
scs
__scs_entry_jumppad:
0x0: {  	(pc) =	sbr.rel $0x88, $3  }
0x1: {  	(tag) =	ssettag $0x0;
	lr =	simm.s32 $0x1  }
0x2: {  	[smem:$0x3F9A] =	sst lr;
	_ =	strace $0xD0000000  }
0x3: {  	_ = 	snop  }
0x4: {  	_ = 	snop  }
0x5: {  	_ = 	snop  }
0x6: {  	_ = 	snop  }
0x7: {  	_ = 	snop  }
__scs_overlays_trampoline_lowered:
0x8: {  	[smem:$0x3FA9] =	sst s0  }
0x9: {  	[smem:$0x3FAA] =	sst s1  }
0xa: {  	[smem:$0x3FAB] =	sst s2  }
0xb: {  	[smem:$0x3FAC] =	sst s3  }
0xc: {  	[smem:$0x3FAD] =	sst s4  }
0xd: {  	[smem:$0x3FAE] =	sst s5  }
0xe: {  	[smem:$0x3FAF] =	sst s6  }
0xf: {  	[smem:$0x3FB0] =	sst s7  }
0x10: {  	[smem:$0x3FB1] =	sst s8  }
0x11: {  	[smem:$0x3FB2] =	sst s9;
	s0 =	simm.s32 @!p0 $0x0  }
0x12: {  	s1 =	sld [smem:$0x3F98];
	s0 =	simm.s32 @p0 $0x1  }
0x13: {  	[smem:$0x3FB3] =	sst s0;
	s0 =	simm.s32 @!p1 $0x0  }
0x14: {  	s2 =	sld [smem:$0x3F97];
	s0 =	simm.s32 @p1 $0x1  }
0x15: {  	[smem:$0x3FB4] =	sst s0;
	s0 =	simm.s32 @!p2 $0x0  }
0x16: {  	s3 =	sld [smem:$0x3FDB];
	s0 =	simm.s32 @p2 $0x1  }
0x17: {  	s4 =	simm.s32 $0x1BF5;
	[smem:$0x3FB6] =	sst s0  }
0x18: {  	s0 =	sld [smem:$0x3F99];
	_ =	swait.ge [sflag:s4], $0x0  }
0x19: {  	s7 =	sld [smem:$0x3F9A]  }
0x1a: {  	s8 =	sadd.s32 $0xFFFFE003, lr  }
0x1b: {  	s9 =	sadd.s32 $0xFFFFFEF7, lr;
	s5 =	simm.s32 $0xFFFFFFFF;
	p2 =	slt.u32 s8, $0xFFFFF086  }
0x1c: {  	p1 =	slt.u32 s9, $0xF7A;
	s5 =	simm.s32 @!p2 $0x0  }
0x1d: {  	s5 =	simm.s32 @p1 $0x1;
	p0 =	seq.s32 s7, s2  }
0x1e: {  	s7 =	smul.u32 @!p0 $0xF7A, s2;
	p2 =	seq.s32 @!p0 s5, $0x0  }
0x1f: {  	s9 =	smul.u32 $0xF7A, s1;
	s8 =	simm.s32 @!p0 $0x1BF5;
	p2 =	por !p2, p0  }
0x20: {  	[sflag:s8] =	ssyncset.s32 @!p0 $0xFFFFF086;
	s6 =	sadd.s32 @!p0 s3, s7;
	s7 =	simm.s32 @!p0 $0x108  }
0x21: {  	s3 =	sadd.s32 s3, s9;
	s6 =	sadd.s32 @!p0 $0x88, s6;
	s7 =	simm.s32 @p2 $0x1082  }
0x22: {  	[simem:s7], [sflag:s8] =	dma.local @!p0 [hbm:s6], $0xF7A  }
0x23: {  	s9 =	sor.u32 $0xD0000000, s2;
	s6 =	simm.s32 $0x108;
	_ =	swait.ge @!p0 [sflag:s8], $0x0  }
0x24: {  	s3 =	sadd.s32 $0x88, s3;
	s6 =	simm.s32 @!p1 $0x1082;
	[sflag:s4] =	ssyncset.s32 $0xFFFFF086  }
0x25: {  	[simem:s6], [sflag:s4] =	dma.local [hbm:s3], $0xF7A  }
0x26: {  	[smem:$0x3F9A] =	sst s1;
	(tag) =	ssettag s2;
	_ =	strace s9  }
0x27: {  	s1 =	sld [smem:$0x3FAA]  }
0x28: {  	s2 =	sld [smem:$0x3FAB]  }
0x29: {  	s4 =	sld [smem:$0x3FAD]  }
0x2a: {  	p0 =	seq.s32 s5, $0x0;
	s5 =	sld [smem:$0x3FAE]  }
0x2b: {  	s6 =	sld [smem:$0x3FAF]  }
0x2c: {  	s7 =	sld [smem:$0x3FB0]  }
0x2d: {  	s3 =	simm.s32 $0x108;
	s8 =	sld [smem:$0x3FB1]  }
0x2e: {  	s3 =	simm.s32 @!p0 $0x1082;
	s9 =	sld [smem:$0x3FB2]  }
0x2f: {  	lr =	sadd.s32 s0, s3;
	s0 =	sld [smem:$0x3FA9]  }
0x30: {  	s3 =	sld [smem:$0x3FAC]  }
0x31: {  	[smem:$0x3FB5] =	sst s10  }
0x32: {  	s10 =	sld [smem:$0x3FB3];
	_ =	sdelay $0x3  }
0x33: {  	p0 =	seq.s32 s10, $0x1;
	s10 =	sld [smem:$0x3FB5];
	_ =	sdelay $0x3  }
0x34: {  	[smem:$0x3FB5] =	sst s10  }
0x35: {  	s10 =	sld [smem:$0x3FB4];
	_ =	sdelay $0x3  }
0x36: {  	p1 =	seq.s32 s10, $0x1;
	s10 =	sld [smem:$0x3FB5];
	_ =	sdelay $0x3  }
0x37: {  	[smem:$0x3FB5] =	sst s10  }
0x38: {  	s10 =	sld [smem:$0x3FB6]  }
0x39: {  	_ = 	snop;
	(pc) =	sbr.ind lr, $3  }
0x3a: {  	_ = 	snop  }
0x3b: {  	_ = 	snop  }
0x3c: {  	p2 =	seq.s32 s10, $0x1;
	s10 =	sld [smem:$0x3FB5]  }
0x3d: {  	_ =	shalt  }
0x3e: {  	_ =	shalt  }
0x3f: {  	_ =	shalt  }
0x40: {  	_ =	shalt  }
0x41: {  	_ =	shalt  }
0x42: {  	_ =	shalt  }
0x43: {  	_ =	shalt  }
0x44: {  	_ =	shalt  }
0x45: {  	_ =	shalt  }
0x46: {  	_ =	shalt  }
0x47: {  	_ =	shalt  }
0x48: {  	_ =	shalt  }
0x49: {  	_ =	shalt  }
0x4a: {  	_ =	shalt  }
0x4b: {  	_ =	shalt  }
0x4c: {  	_ =	shalt  }
0x4d: {  	_ =	shalt  }
0x4e: {  	_ =	shalt  }
0x4f: {  	_ =	shalt  }
0x50: {  	_ =	shalt  }
0x51: {  	_ =	shalt  }
0x52: {  	_ =	shalt  }
0x53: {  	_ =	shalt  }
0x54: {  	_ =	shalt  }
0x55: {  	_ =	shalt  }
0x56: {  	_ =	shalt  }
0x57: {  	_ =	shalt  }
0x58: {  	_ =	shalt  }
0x59: {  	_ =	shalt  }
0x5a: {  	_ =	shalt  }
0x5b: {  	_ =	shalt  }
0x5c: {  	_ =	shalt  }
0x5d: {  	_ =	shalt  }
0x5e: {  	_ =	shalt  }
0x5f: {  	_ =	shalt  }
0x60: {  	_ =	shalt  }
0x61: {  	_ =	shalt  }
0x62: {  	_ =	shalt  }
0x63: {  	_ =	shalt  }
0x64: {  	_ =	shalt  }
0x65: {  	_ =	shalt  }
0x66: {  	_ =	shalt  }
0x67: {  	_ =	shalt  }
0x68: {  	_ =	shalt  }
0x69: {  	_ =	shalt  }
0x6a: {  	_ =	shalt  }
0x6b: {  	_ =	shalt  }
0x6c: {  	_ =	shalt  }
0x6d: {  	_ =	shalt  }
0x6e: {  	_ =	shalt  }
0x6f: {  	_ =	shalt  }
0x70: {  	_ =	shalt  }
0x71: {  	_ =	shalt  }
0x72: {  	_ =	shalt  }
0x73: {  	_ =	shalt  }
0x74: {  	_ =	shalt  }
0x75: {  	_ =	shalt  }
0x76: {  	_ =	shalt  }
0x77: {  	_ =	shalt  }
0x78: {  	_ =	shalt  }
0x79: {  	_ =	shalt  }
0x7a: {  	_ =	shalt  }
0x7b: {  	_ =	shalt  }
0x7c: {  	_ =	shalt  }
0x7d: {  	_ =	shalt  }
0x7e: {  	_ =	shalt  }
0x7f: {  	_ =	shalt  }
0x80: {  	_ =	shalt  }
0x81: {  	_ =	shalt  }
0x82: {  	_ =	shalt  }
0x83: {  	_ =	shalt  }
0x84: {  	_ =	shalt  }
0x85: {  	_ =	shalt  }
0x86: {  	_ =	shalt  }
0x87: {  	_ =	shalt  }
.Lfunc_end0:
.L_simem_size_0:
called_computation_lowered:
.L_overlay_start_0:
0x88: {  	s2 =	sld [smem:$0x3FD9]  }
0x89: {  	s3 =	sld [smem:$0x3FFE];
	_ =	sdelay $0x1  }
0x8a: {  	s1 =	srdreg.scid  }
0x8b: {  	s0 =	sand.u32 $0x1, s1  }
0x8c: {  	s17 =	sshll.u32 s0, $0xA;
	s2 =	sadd.s32 s3, s2  }
0x8d: {  	s2 =	sadd.s32 s2, s17  }
0x8e: {  	[smem:$0x3FC1] =	sst s2  }
0x8f: {  	_ = 	snop  }
0x90: {  	s2 =	sld [smem:$0x3FC7]  }
0x91: {  	s18 =	sld [smem:$0x3FC6]  }
0x92: {  	s4 =	sld [smem:$0x3FC5]  }
0x93: {  	s5 =	sld [smem:$0x3FC4]  }
0x94: {  	s6 =	sld [smem:$0x3FC3]  }
0x95: {  	s7 =	sld [smem:$0x3FD0];
	(tm) =	ssettm $0x1  }
0x96: {  	s8 =	sld [smem:$0x3FFB];
	_ =	sdelay $0x3  }
0x97: {  	_ =	strace s8  }
0x98: {  	s8 =	sld [smem:$0x3FFC];
	_ =	sdelay $0x3  }
0x99: {  	_ =	strace s8  }
0x9a: {  	s8 =	sld [smem:$0x3FFD];
	_ =	sdelay $0x3  }
0x9b: {  	_ =	strace s8  }
0x9c: {  	_ =	strace $0x8FFFFFFF  }
0x9d: {  	s19 =	sld [smem:$0x3FDB];
	_ =	sdelay $0x1  }
0x9e: {  	s9 =	simm.s32 $_scs_section_size  }
0x9f: {  	s10 =	simm.s32 $_size__tile_overlayer_lowered;
	s11 =	simm.s32 $_tile_overlayer_lowered  }
0xa0: {  	s22 =	simm.s32 $0x1BFF;
	s21 =	sshll.u32 s11, $0x1;
	s8 =	sadd.s32 s9, s19  }
0xa1: {  	s12 =	simm.s32 $0x0;
	s20 =	sshll.u32 s10, $0x1;
	s10 =	sadd.s32 s21, s8  }
0xa2: {  	[timem:s12], [sflag:s22] =	dma.local [hbm:s10], s20  }
0xa3: {  	_ =	swait.ge [sflag:s22], s20  }
0xa4: {  	s9 =	ssub.s32 $0x0, s20;
	[sflag:s22] =	ssyncset.done $0x0  }
0xa5: {  	[sflag:s22] =	ssyncadd.s32 s9;
	_ =	sdelay $0x1  }
0xa6: {  	s23 =	simm.s32 $0x1B8B  }
0xa7: {  	_ =	swait.ge [sflag:s23], $0x1  }
0xa8: {  	[sflag:s23] =	ssyncset.done $0x0  }
0xa9: {  	s25 =	simm.s32 $0x1B8E;
	s24 =	sld [smem:$0x3FFE];
	[sflag:s23] =	ssyncadd.s32 $0xFFFFFFFF  }
0xaa: {  	s26 =	simm.s32 $execute0_lowered;
	[smem:$0x3FD2] =	sst s25  }
0xab: {  	s10 =	sshll.u32 s26, $0x1;
	_ =	strace $0x80000046;
	[dreg:$0x1] =	wrdreg $0xFFFFFFFF  }
0xac: {  	s28 =	simm.s32 $_size_execute0_lowered;
	s8 =	sadd.s32 s8, s10;
	[dreg:$0x0] =	wrdreg $0x0  }
0xad: {  	s10 =	sshll.u32 s28, $0x1;
	[dreg:$0x2] =	wrdreg s8  }
0xae: {  	[dreg:$0x3] =	wrdreg s10  }
0xaf: {  	[dreg:$0x4] =	wrdreg $0xC0  }
0xb0: {  	_ =	task [dreg:s12], $0x5FFFF  }
0xb1: {  	[dreg:$0x1] =	wrdreg $0xFFFFFFFF  }
0xb2: {  	[dreg:$0x0] =	wrdreg $0x60  }
0xb3: {  	[dreg:$0x2] =	wrdreg s24  }
0xb4: {  	[dreg:$0x3] =	wrdreg s2  }
0xb5: {  	[dreg:$0x4] =	wrdreg s18  }
0xb6: {  	[dreg:$0x5] =	wrdreg s4  }
0xb7: {  	[dreg:$0x6] =	wrdreg s5  }
0xb8: {  	[dreg:$0x7] =	wrdreg s6  }
0xb9: {  	[dreg:$0x8] =	wrdreg s7  }
0xba: {  	[dreg:$0x9] =	wrdreg $0x9  }
0xbb: {  	_ =	task.clear_ibuf [dreg:s12], $0xAFFFF;
	_ =	strace $0x90000046  }
0xbc: {  	s29 =	simm.s32 $0x9;
	_ =	strace $0x80000048  }
0xbd: {  	_ =	swait.ge [sflag:s29], $0x1  }
0xbe: {  	[sflag:s29] =	ssyncadd.s32 $0xFFFFFFFF  }
0xbf: {  	_ =	strace $0x90000048  }
0xc0: {  	_ =	sfence  }
0xc1: {  	s30 =	sld [smem:$0x0];
	_ =	sdelay $0x2  }
0xc2: {  	s31 =	sshll.u32 s1, $0xD;
	s1 =	sshrl.u32 s1, $0x2  }
0xc3: {  	s3 =	sand.u32 $0x4000, s31;
	s1 =	sadd.s32 s1, s30  }
0xc4: {  	s0 =	sor.u32 s3, s0;
	s1 =	sshll.u32 s1, $0x11  }
0xc5: {  	s0 =	sor.u32 s1, s0  }
0xc6: {  	s0 =	sadd.s32 $0x8F2B, s0  }
0xc7: {  	[sflag:s0] =	ssyncadd.remote.s32 $0x1  }
0xc8: {  	_ =	sfence.sel $0xFFFF  }
0xc9: {  	[dreg:$0x0] =	wrdreg $0xFFFFFFFF;
	(pc) =	sbr.abs _section_cstart, $3  }
0xca: {  	[dreg:$0x1] =	wrdreg $0xFFFFFFFF  }
0xcb: {  	_ =	task.clear_ibuf [dreg:s12], $0x2FFFF;
	_ =	strace $0x9FFFFFFF  }
0xcc: {  	(tm) =	ssettm $0x7FFFFFFF  }
0xcd: {  	_ =	shalt  }
tec
execute0_lowered:
.L_overlay_start_1:
0x0: {  	(tag) =	ssettag $0x1  }
0x1: {  	s10 =	rddreg [dreg:$0x0]  }
0x2: {  	s1 =	rddreg [dreg:$0x1]  }
0x3: {  	s2 =	rddreg [dreg:$0x2]  }
0x4: {  	s3 =	rddreg [dreg:$0x3]  }
0x5: {  	s4 =	rddreg [dreg:$0x4]  }
0x6: {  	s5 =	rddreg [dreg:$0x5]  }
0x7: {  	s6 =	rddreg [dreg:$0x6];
	s8 =	simm.s32 $0x0;
	s9 =	srdreg.scid  }
0x8: {  	s0 =	stileid.u32;
	s15 =	simm.s32 $0x1AD00;
	s16 =	simm.s32 $0x1AE00  }
0x9: {  	s17 =	simm.s32 $0x1AE80;
	s18 =	simm.s32 $0x8100;
	s19 =	simm.s32 $0x80  }
0xa: {  	s20 =	simm.s32 $0x100;
	s21 =	simm.s32 $0x1;
	s22 =	simm.s32 $0x4100  }
0xb: {  	s23 =	simm.s32 $0x0;
	[smem:$0x7FF] =	sst s8;
	s11 =	sand.u32 $0x1, s9  }
0xc: {  	s13 =	sshll.u32 s0, $0x1;
	s9 =	sadd.s32 $0x400, s10;
	s12 =	ssub.s32 $0x2, s11  }
0xd: {  	v0 =	vlaneseq.u32;
	s10 =	sadd.s32 $0x6800, s10;
	_ =	strace $0x80000047;
	s14 =	sshrl.u32 s12, $0x1  }
0xe: {  	v1 =	vand.u32 $0x1, v0;
	s11 =	sor.u32 s11, s13;
	s13 =	simm.s32 $0x14900;
	s12 =	ssub.s32 s12, s14  }
0xf: {  	v1 =	vmul.u32 $0x80, v1;
	s11 =	smul.u32 $0x1900, s11;
	s14 =	simm.s32 $0x2;
	s12 =	smax.u32 s12, $0x1  }
.LBB2_1:
0x10: {  	[tilespmem:s13], [sflag:$0x2] =	stream.linear.gather [hbm4b:s2+s8], $0x6400, $0x38;
	[tilespmem:$0x1AF00] =	vst v63  }
0x11: {  	_ =	swait.ge [sflag:s14], $0x6400  }
0x12: {  	[sflag:s14] =	ssyncset.done $0x0  }
0x13: {  	[sflag:s14] =	ssyncadd.s32 $0xFFFF9C00  }
0x14: {  	[tilespmem:s15], [sflag:$0x2] =	stream.linear.gather [hbm4b:s3+s8], $0x100, $0x38;
	[tilespmem:$0x1AF00] =	vst v63  }
0x15: {  	_ =	swait.ge [sflag:s14], $0x100  }
0x16: {  	[sflag:s14] =	ssyncset.done $0x0  }
0x17: {  	[sflag:s14] =	ssyncadd.s32 $0xFFFFFF00  }
0x18: {  	[tilespmem:s16], [sflag:$0x2] =	stream.linear.gather [hbm4b:s4+s8], $0x80, $0x38;
	[tilespmem:$0x1AF00] =	vst v63  }
0x19: {  	_ =	swait.ge [sflag:s14], $0x80  }
0x1a: {  	[sflag:s14] =	ssyncset.done $0x0  }
0x1b: {  	[sflag:s14] =	ssyncadd.s32 $0xFFFFFF80  }
0x1c: {  	[tilespmem:s17], [sflag:$0x2] =	stream.linear.gather [hbm4b:s5+s8], $0x80, $0x38;
	[tilespmem:$0x1AF00] =	vst v63  }
0x1d: {  	_ =	swait.ge [sflag:s14], $0x80  }
0x1e: {  	[sflag:s14] =	ssyncset.done $0x0  }
0x1f: {  	s24 =	simm.s32 $0x0;
	[sflag:s14] =	ssyncadd.s32 $0xFFFFFF80  }
.LBB2_2:
0x20: {  	s25 =	sshll.u32 s24, $0x4;
	s30 =	simm.s32 $0x0  }
0x21: {  	s26 =	simm.s32 $0x2;
	s31 =	simm.s32 $0x1;
	s7 =	simm.s32 $0x4;
	v2 =	vor.u32 s25, v0;
	v4 =	vmov s30  }
0x22: {  	s0 =	simm.s32 $0x3;
	s28 =	simm.s32 $0x7;
	s29 =	simm.s32 $0x6;
	v5 =	vmov s26;
	v6 =	vmov s31;
	v7 =	vmov s7  }
0x23: {  	v8 =	vmov s0;
	v9 =	vmov s29;
	v10 =	vmov s28  }
0x24: {  	v3 =	vshll.u32 v2, $0x6;
	v2 =	vshll.u32 v2, $0x7;
	v4 =	vand.u32 $0x78, v4  }
0x25: {  	s28 =	simm.s32 $0x5;
	v5 =	vand.u32 $0x7A, v5;
	v6 =	vand.u32 $0x79, v6;
	v8 =	vand.u32 $0x7B, v8  }
0x26: {  	v7 =	vand.u32 $0x7C, v7;
	v11 =	vmov s28;
	v6 =	vbroadcast v6, $0x0  }
0x27: {  	s31 =	simm.s32 $0xA;
	v9 =	vand.u32 $0x7E, v9;
	v10 =	vand.u32 $0x7F, v10;
	v3 =	vand.u32 $0x7F80, v3  }
0x28: {  	v30 =	vmov s31;
	v8 =	vbroadcast v8, $0x0;
	v12 =	vor.u32 v3, v6  }
0x29: {  	s0 =	simm.s32 $0xC;
	s7 =	simm.s32 $0xB;
	v5 =	vbroadcast v5, $0x0;
	v13 =	vbroadcast v4, $0x0;
	v4 =	vor.u32 v1, v6  }
0x2a: {  	v31 =	vmov s0;
	v32 =	vmov s7;
	v14 =	vor.u32 v3, v8  }
0x2b: {  	v9 =	vbroadcast v9, $0x0;
	v11 =	vand.u32 $0x7D, v11;
	v16 =	vor.u32 v3, v5  }
0x2c: {  	v7 =	vbroadcast v7, $0x0;
	v10 =	vbroadcast v10, $0x0;
	v15 =	vor.u32 v1, v8  }
0x2d: {  	v30 =	vand.u32 $0x7A, v30;
	v11 =	vbroadcast v11, $0x0;
	v18 =	vor.u32 v1, v9;
	v12 =	vld.idx.msk [tilespmem:v12+s13+$0x0], $0xffff  }
0x2e: {  	s31 =	simm.s32 $0xD;
	v31 =	vand.u32 $0x7C, v31;
	v63 =	vbroadcast v30, $0x0;
	v20 =	vor.u32 v3, v13;
	v21 =	vld.idx.msk [tilespmem:v4+s15+$0x0], $0xffff  }
0x2f: {  	v30 =	vmov s31;
	v19 =	vor.u32 v2, v13;
	v22 =	vor.u32 v3, v11;
	v14 =	vld.idx.msk [tilespmem:v14+s13+$0x0], $0xffff  }
0x30: {  	v23 =	vor.u32 v1, v11;
	v4 =	vor.u32 v2, v11;
	v11 =	vor.u32 v1, v13;
	v13 =	vld.idx.msk [tilespmem:v16+s13+$0x0], $0xffff  }
0x31: {  	v17 =	vor.u32 v3, v9;
	v24 =	vor.u32 v1, v7;
	v27 =	vor.u32 v1, v5;
	v15 =	vld.idx.msk [tilespmem:v15+s15+$0x0], $0xffff  }
0x32: {  	s30 =	simm.s32 $0x9;
	v6 =	vor.u32 v2, v6;
	v25 =	vor.u32 v3, v10;
	v16 =	vor.u32 v3, v7;
	v29 =	vld.idx.msk [tilespmem:v18+s15+$0x0], $0xffff  }
0x33: {  	s29 =	simm.s32 $0x8;
	v26 =	vor.u32 v2, v10;
	v28 =	vor.u32 v2, v5;
	v18 =	vld.idx.msk [tilespmem:v20+s13+$0x0], $0xffff;
	v20 =	vmov s30  }
0x34: {  	v10 =	vor.u32 v1, v10;
	v5 =	vmov s29;
	v20 =	vand.u32 $0x79, v20  }
0x35: {  	v8 =	vor.u32 v2, v8;
	v30 =	vand.u32 $0x7D, v30;
	v34 =	vbroadcast v20, $0x0  }
0x36: {  	s29 =	simm.s32 $0xF;
	s30 =	simm.s32 $0xE;
	v20 =	vld.idx.msk [tilespmem:v27+s15+$0x0], $0xffff;
	v27 =	vand.u32 $0x7B, v32;
	v12 =	vadd.f32 v21, v12;
	v21 =	vand.u32 $0x78, v5  }
0x37: {  	v5 =	vor.u32 v2, v7;
	v33 =	vld.idx.msk [tilespmem:v16+s13+$0x0], $0xffff;
	v7 =	vmov s30;
	v16 =	vmov s29  }
0x38: {  	v11 =	vld.idx.msk [tilespmem:v11+s15+$0x0], $0xffff;
	v15 =	vadd.f32 v15, v14;
	v14 =	vbroadcast v27, $0x0;
	v7 =	vand.u32 $0x7E, v7  }
0x39: {  	v24 =	vld.idx.msk [tilespmem:v24+s15+$0x0], $0xffff;
	v35 =	vbroadcast v21, $0x0;
	v21 =	vor.u32 v3, v34;
	v37 =	vand.u32 $0x7F, v16;
	[tilespmem:v6+s18+$0x0] =	vst.idx.msk $0xffff, v12  }
0x3a: {  	v16 =	vbroadcast v31, $0x0;
	v12 =	vld.idx.msk [tilespmem:v25+s13+$0x0], $0xffff;
	v25 =	vor.u32 v1, v34;
	v7 =	vbroadcast v7, $0x0;
	[tilespmem:v8+s18+$0x0] =	vst.idx.msk $0xffff, v15  }
0x3b: {  	v8 =	vld.idx.msk [tilespmem:v17+s13+$0x0], $0xffff;
	v15 =	vor.u32 v3, v14;
	v27 =	vor.u32 v1, v14;
	v17 =	vor.u32 v2, v9  }
0x3c: {  	v10 =	vld.idx.msk [tilespmem:v10+s15+$0x0], $0xffff;
	v13 =	vadd.f32 v20, v13;
	v37 =	vbroadcast v37, $0x0;
	v6 =	vor.u32 v2, v35  }
0x3d: {  	v31 =	vor.u32 v1, v35;
	v11 =	vadd.f32 v11, v18;
	v18 =	vld.idx.msk [tilespmem:v23+s15+$0x0], $0xffff;
	v23 =	vor.u32 v3, v63  }
0x3e: {  	v22 =	vld.idx.msk [tilespmem:v22+s13+$0x0], $0xffff;
	v9 =	vor.u32 v3, v7;
	v36 =	vor.u32 v1, v7;
	[tilespmem:v28+s18+$0x0] =	vst.idx.msk $0xffff, v13  }
0x3f: {  	v28 =	vor.u32 v3, v35;
	v32 =	vor.u32 v1, v37;
	v24 =	vadd.f32 v24, v33;
	v21 =	vld.idx.msk [tilespmem:v21+s13+$0x0], $0xffff  }
0x40: {  	v33 =	vor.u32 v1, v16;
	[tilespmem:v19+s18+$0x0] =	vst.idx.msk $0xffff, v11;
	v11 =	vbroadcast v30, $0x0;
	v25 =	vld.idx.msk [tilespmem:v25+s15+$0x0], $0xffff  }
0x41: {  	v12 =	vadd.f32 v10, v12;
	v30 =	vadd.f32 v29, v8;
	v19 =	vld.idx.msk [tilespmem:v15+s13+$0x0], $0xffff;
	v29 =	vor.u32 v3, v16  }
0x42: {  	v10 =	vor.u32 v3, v11;
	v13 =	vor.u32 v1, v11;
	v20 =	vor.u32 v2, v11;
	v11 =	vld.idx.msk [tilespmem:v23+s13+$0x0], $0xffff  }
0x43: {  	v8 =	vor.u32 v2, v37;
	v15 =	vor.u32 v2, v63;
	v23 =	vld.idx.msk [tilespmem:v27+s15+$0x0], $0xffff;
	v27 =	vor.u32 v2, v34  }
0x44: {  	s25 =	simm.s32 $0x10;
	[tilespmem:v26+s18+$0x0] =	vst.idx.msk $0xffff, v12;
	v26 =	vor.u32 v3, v37;
	v12 =	vld.idx.msk [tilespmem:v36+s15+$0x0], $0xffff;
	v34 =	vor.u32 v1, v63  }
.LBB2_3:
0x45: {  	v35 =	vmov s25;
	s26 =	sadd.s32 $0x1, s25;
	s28 =	sadd.s32 $0x2, s25;
	s29 =	sadd.s32 $0x7, s25;
	v28 =	vld.idx.msk [tilespmem:v28+s13+$0x0], $0xffff;
	v36 =	vor.u32 v2, v14;
	v14 =	vadd.f32 v18, v22;
	[tilespmem:v17+s18+$0x0] =	vst.idx.msk $0xffff, v30  }
0x46: {  	s30 =	sadd.s32 $0x6, s25;
	v21 =	vadd.f32 v25, v21;
	v17 =	vmov s26;
	v18 =	vmov s28;
	s26 =	sadd.s32 $0x3, s25;
	s28 =	sadd.s32 $0x4, s25;
	v30 =	vld.idx.msk [tilespmem:v33+s15+$0x0], $0xffff;
	[tilespmem:v5+s18+$0x0] =	vst.idx.msk $0xffff, v24  }
0x47: {  	p0 =	slt.u32 s25, $0x78;
	v22 =	vand.u32 $0x78, v35;
	v18 =	vand.u32 $0x7A, v18;
	v24 =	vmov s28;
	s28 =	sadd.s32 $0x5, s25;
	s25 =	sadd.s32 $0x8, s25;
	v25 =	vld.idx.msk [tilespmem:v31+s15+$0x0], $0xffff;
	[tilespmem:v4+s18+$0x0] =	vst.idx.msk $0xffff, v14;
	v4 =	vmovc v20  }
0x48: {  	v5 =	vor.u32 v2, v16;
	v14 =	vand.u32 $0x79, v17;
	v17 =	vmov s26;
	[tilespmem:v27+s18+$0x0] =	vst.idx.msk $0xffff, v21;
	v20 =	vld.idx.msk [tilespmem:v29+s13+$0x0], $0xffff  }
0x49: {  	v16 =	vmov s29;
	v27 =	vbroadcast v14, $0x0;
	v14 =	vmov s30;
	v21 =	vld.idx.msk [tilespmem:v34+s15+$0x0], $0xffff  }
0x4a: {  	v19 =	vadd.f32 v23, v19;
	v17 =	vand.u32 $0x7B, v17;
	v24 =	vand.u32 $0x7C, v24;
	v23 =	vld.idx.msk [tilespmem:v32+s15+$0x0], $0xffff  }
0x4b: {  	v29 =	vmov s28;
	v32 =	vbroadcast v18, $0x0;
	v18 =	vand.u32 $0x7E, v14;
	v26 =	vld.idx.msk [tilespmem:v26+s13+$0x0], $0xffff  }
0x4c: {  	v31 =	vbroadcast v22, $0x0;
	v33 =	vor.u32 v3, v27;
	v14 =	vbroadcast v17, $0x0;
	v34 =	vld.idx.msk [tilespmem:v9+s13+$0x0], $0xffff  }
0x4d: {  	v35 =	vor.u32 v1, v27;
	v37 =	vbroadcast v18, $0x0;
	v9 =	vadd.f32 v25, v28;
	[tilespmem:v36+s18+$0x0] =	vst.idx.msk $0xffff, v19  }
0x4e: {  	v17 =	vor.u32 v2, v7;
	v19 =	vor.u32 v3, v14;
	v36 =	vor.u32 v1, v14;
	v18 =	vld.idx.msk [tilespmem:v13+s15+$0x0], $0xffff  }
0x4f: {  	v7 =	vand.u32 $0x7D, v29;
	v38 =	vor.u32 v3, v32;
	v11 =	vadd.f32 v21, v11;
	[tilespmem:v6+s18+$0x0] =	vst.idx.msk $0xffff, v9  }
0x50: {  	v39 =	vor.u32 v1, v37;
	v6 =	vor.u32 v2, v31;
	v9 =	vor.u32 v3, v37;
	v22 =	vld.idx.msk [tilespmem:v10+s13+$0x0], $0xffff  }
0x51: {  	v40 =	vand.u32 $0x7F, v16;
	v29 =	vbroadcast v7, $0x0;
	v21 =	vld.idx.msk [tilespmem:v33+s13+$0x0], $0xffff;
	[tilespmem:v15+s18+$0x0] =	vst.idx.msk $0xffff, v11;
	v15 =	vadd.f32 v23, v26  }
0x52: {  	v16 =	vbroadcast v24, $0x0;
	v28 =	vor.u32 v3, v31;
	v24 =	vadd.f32 v30, v20;
	v7 =	vmovc v37;
	v25 =	vld.idx.msk [tilespmem:v35+s15+$0x0], $0xffff  }
.Ltmp0:
0x53: {  	v13 =	vor.u32 v1, v29;
	v10 =	vor.u32 v3, v29;
	v30 =	vadd.f32 v12, v34;
	v19 =	vld.idx.msk [tilespmem:v19+s13+$0x0], $0xffff;
	(pc) =	sbr.rel @p0 .LBB2_3-.Ltmp0, $4  }
0x54: {  	v20 =	vor.u32 v2, v29;
	v33 =	vor.u32 v1, v16;
	v35 =	vbroadcast v40, $0x0;
	v11 =	vld.idx.msk [tilespmem:v38+s13+$0x0], $0xffff  }
0x55: {  	v31 =	vor.u32 v1, v31;
	v29 =	vor.u32 v3, v16;
	v23 =	vld.idx.msk [tilespmem:v36+s15+$0x0], $0xffff;
	[tilespmem:v8+s18+$0x0] =	vst.idx.msk $0xffff, v15  }
0x56: {  	v27 =	vor.u32 v2, v27;
	v26 =	vor.u32 v3, v35;
	v8 =	vor.u32 v2, v35  }
0x57: {  	v34 =	vor.u32 v1, v32;
	v15 =	vor.u32 v2, v32;
	v32 =	vor.u32 v1, v35;
	v12 =	vld.idx.msk [tilespmem:v39+s15+$0x0], $0xffff  }
0x58: {  	_ =	sdelay $0x3  }
0x59: {  	v3 =	vld.idx.msk [tilespmem:v28+s13+$0x0], $0xffff  }
0x5a: {  	v55 =	vld.idx.msk [tilespmem:v33+s15+$0x0], $0xffff  }
0x5b: {  	v31 =	vld.idx.msk [tilespmem:v31+s15+$0x0], $0xffff  }
0x5c: {  	v29 =	vld.idx.msk [tilespmem:v29+s13+$0x0], $0xffff  }
0x5d: {  	v56 =	vld.idx.msk [tilespmem:v34+s15+$0x0], $0xffff  }
0x5e: {  	v14 =	vor.u32 v2, v14;
	v32 =	vld.idx.msk [tilespmem:v32+s15+$0x0], $0xffff  }
0x5f: {  	v18 =	vadd.f32 v18, v22;
	[tilespmem:v17+s18+$0x0] =	vst.idx.msk $0xffff, v30;
	v58 =	vld.idx.msk [tilespmem:v9+s13+$0x0], $0xffff  }
0x60: {  	v57 =	vld.idx.msk [tilespmem:v26+s13+$0x0], $0xffff;
	v21 =	vadd.f32 v25, v21;
	[tilespmem:v5+s18+$0x0] =	vst.idx.msk $0xffff, v24  }
0x61: {  	v60 =	vld.idx.msk [tilespmem:v13+s15+$0x0], $0xffff;
	v7 =	vor.u32 v2, v7;
	[tilespmem:v4+s18+$0x0] =	vst.idx.msk $0xffff, v18;
	v59 =	vadd.f32 v23, v19  }
0x62: {  	v10 =	vld.idx.msk [tilespmem:v10+s13+$0x0], $0xffff;
	[tilespmem:v27+s18+$0x0] =	vst.idx.msk $0xffff, v21;
	v3 =	vadd.f32 v31, v3  }
0x63: {  	v2 =	vor.u32 v2, v16;
	s24 =	sadd.s32 $0x1, s24;
	[tilespmem:v14+s18+$0x0] =	vst.idx.msk $0xffff, v59;
	v61 =	vadd.f32 v56, v11  }
0x64: {  	p0 =	sne.s32 s24, $0x19;
	v62 =	vadd.f32 v12, v58;
	[tilespmem:v6+s18+$0x0] =	vst.idx.msk $0xffff, v3  }
.Ltmp1:
0x65: {  	v3 =	vadd.f32 v32, v57;
	[tilespmem:v15+s18+$0x0] =	vst.idx.msk $0xffff, v61;
	(pc) =	sbr.rel @p0 .LBB2_2-.Ltmp1, $4  }
0x66: {  	v63 =	vadd.f32 v55, v29;
	[tilespmem:v7+s18+$0x0] =	vst.idx.msk $0xffff, v62  }
0x67: {  	[tilespmem:v8+s18+$0x0] =	vst.idx.msk $0xffff, v3;
	v3 =	vadd.f32 v60, v10  }
0x68: {  	[tilespmem:v2+s18+$0x0] =	vst.idx.msk $0xffff, v63  }
0x69: {  	[tilespmem:v20+s18+$0x0] =	vst.idx.msk $0xffff, v3  }
0x6a: {  	v2 =	vld [tilespmem:$0x1AE00]  }
0x6b: {  	v3 =	vld [tilespmem:$0x1AE10]  }
0x6c: {  	v4 =	vld [tilespmem:$0x1AE20]  }
0x6d: {  	v5 =	vld [tilespmem:$0x1AE30]  }
0x6e: {  	v6 =	vld [tilespmem:$0x1AE40]  }
0x6f: {  	v7 =	vld [tilespmem:$0x1AE50]  }
0x70: {  	v8 =	vld [tilespmem:$0x1AE60]  }
0x71: {  	v9 =	vld [tilespmem:$0x1AE70]  }
0x72: {  	v10 =	vld [tilespmem:$0x1AE80]  }
0x73: {  	v11 =	vld [tilespmem:$0x1AE90]  }
0x74: {  	v12 =	vld [tilespmem:$0x1AEA0]  }
0x75: {  	v13 =	vld [tilespmem:$0x1AEB0]  }
0x76: {  	v14 =	vld [tilespmem:$0x1AEC0]  }
0x77: {  	v15 =	vld [tilespmem:$0x1AED0]  }
0x78: {  	v16 =	vld [tilespmem:$0x1AEE0]  }
0x79: {  	s24 =	simm.s32 $0x0;
	v17 =	vld [tilespmem:$0x1AEF0];
	s25 =	simm.s32 $0x0  }
.LBB2_6:
0x7a: {  	s26 =	sshll.u32 s25, $0x7  }
0x7b: {  	s26 =	sadd.s32 s11, s26  }
0x7c: {  	s28 =	sshrl.u32 s26, $0x3  }
0x7d: {  	s29 =	sadd.s32 s9, s28  }
0x7e: {  	[tilespmem:s24], [sflag:$0x2] =	stream.linear.gather [hbm4b:s29+s24], $0x80, $0x38;
	[tilespmem:$0x1AF00] =	vst v63  }
0x7f: {  	_ =	swait.ge [sflag:s14], $0x80  }
0x80: {  	[sflag:s14] =	ssyncset.done $0x0  }
0x81: {  	s28 =	sadd.s32 s10, s28;
	[sflag:s14] =	ssyncadd.s32 $0xFFFFFF80  }
0x82: {  	[tilespmem:s19], [sflag:$0x2] =	stream.linear.gather [hbm4b:s28+s24], $0x80, $0x38;
	[tilespmem:$0x1AF00] =	vst v63  }
0x83: {  	_ =	swait.ge [sflag:s14], $0x80  }
0x84: {  	[sflag:s14] =	ssyncset.done $0x0  }
0x85: {  	[sflag:s14] =	ssyncadd.s32 $0xFFFFFF80  }
0x86: {  	[tilespmem:s20], [sflag:$0x1] =	stream.indirect.gather [hbm4b:s1+s19], $0x80, s24, s19, $0xb8;
	[tilespmem:$0x1AF00] =	vst v63  }
0x87: {  	_ =	swait.ge [sflag:s21], $0x4000  }
0x88: {  	[sflag:s21] =	ssyncset.done $0x0  }
0x89: {  	s28 =	simm.s32 $0x0;
	[sflag:s21] =	ssyncadd.s32 $0xFFFFC000  }
.LBB2_7:
0x8a: {  	s29 =	sshll.u32 s28, $0x4  }
0x8b: {  	v18 =	vld [tilespmem:s29+$0x80];
	_ =	sdelay $0x4  }
0x8c: {  	v18 =	vshll.u32 v18, $0x9  }
0x8d: {  	v18 =	vshra.s32 v18, $0x2  }
0x8e: {  	(v2sf) =	vpush v18, $0x0;
	_ =	sdelay $0x7  }
0x8f: {  	s30 =	sor.u32 s26, s29  }
0x90: {  	s31 =	smulhi.u32 $0x51EB851F, s30;
	_ =	sdelay $0x1  }
0x91: {  	s31 =	sshrl.u32 s31, $0x6  }
0x92: {  	s31 =	smul.u32 $0xC8, s31;
	_ =	sdelay $0x1  }
0x93: {  	s31 =	ssub.s32 s30, s31;
	s30 =	sshll.u32 s28, $0xB  }
0x94: {  	s31 =	sshll.u32 s31, $0x8;
	v19 =	vld [tilespmem:s30+$0x100];
	s0 =	spop (v2sf)  }
0x95: {  	v21 =	vld [tilespmem:s30+$0x110];
	s0 =	sadd.s32 s0, s31  }
0x96: {  	v20 =	vld [tilespmem:s0+$0x8100]  }
0x97: {  	v22 =	vld [tilespmem:s0+$0x8110]  }
0x98: {  	v23 =	vld [tilespmem:s30+$0x120]  }
0x99: {  	v24 =	vld [tilespmem:s0+$0x8120]  }
0x9a: {  	v25 =	vld [tilespmem:s30+$0x130]  }
0x9b: {  	v26 =	vld [tilespmem:s0+$0x8130]  }
0x9c: {  	v43 =	vld [tilespmem:s30+$0x140];
	v19 =	vadd.f32 v20, v19;
	v42 =	vadd.f32 v22, v21  }
0x9d: {  	v44 =	vld [tilespmem:s0+$0x8140]  }
0x9e: {  	v45 =	vld [tilespmem:s30+$0x150];
	v23 =	vadd.f32 v24, v23;
	v27 =	vmul.f32 v19, v19;
	v28 =	vmul.f32 v42, v42  }
0x9f: {  	v29 =	vld [tilespmem:s0+$0x8150];
	v30 =	vadd.f32 v42, v19  }
0xa0: {  	v46 =	vld [tilespmem:s30+$0x160];
	v25 =	vadd.f32 v26, v25;
	v31 =	vmul.f32 v23, v23;
	v27 =	vadd.f32 v28, v27  }
0xa1: {  	v47 =	vld [tilespmem:s0+$0x8160];
	v30 =	vadd.f32 v23, v30  }
0xa2: {  	v48 =	vld [tilespmem:s30+$0x170];
	v21 =	vadd.f32 v44, v43;
	v32 =	vmul.f32 v25, v25;
	v27 =	vadd.f32 v31, v27  }
0xa3: {  	v49 =	vld [tilespmem:s0+$0x8170];
	v30 =	vadd.f32 v25, v30  }
0xa4: {  	v24 =	vadd.f32 v29, v45;
	v50 =	vmul.f32 v21, v21;
	v27 =	vadd.f32 v32, v27  }
0xa5: {  	v30 =	vadd.f32 v21, v30  }
0xa6: {  	v26 =	vadd.f32 v47, v46;
	v51 =	vmul.f32 v24, v24;
	v27 =	vadd.f32 v50, v27  }
0xa7: {  	v52 =	vadd.f32 v24, v30  }
0xa8: {  	v22 =	vadd.f32 v49, v48;
	v53 =	vmul.f32 v26, v26;
	v27 =	vadd.f32 v51, v27  }
0xa9: {  	v54 =	vadd.f32 v26, v52  }
0xaa: {  	v55 =	vmul.f32 v22, v22;
	v27 =	vadd.f32 v53, v27  }
0xab: {  	v28 =	vadd.f32 v22, v54  }
0xac: {  	v27 =	vadd.f32 v55, v27  }
0xad: {  	(xrf2) =	vadd.scan.msk.f32 $0xffff, v28  }
0xae: {  	(xrf2) =	vadd.scan.msk.f32 $0xffff, v27;
	_ =	sdelay $0x8  }
0xaf: {  	v56, _, _ =	vpop (xrf2)  }
0xb0: {  	(v2sf) =	vpush v56, $0xF;
	v57, _, _ =	vpop (xrf2)  }
0xb1: {  	(v2sf) =	vpush v57, $0xF;
	_ =	sdelay $0xd  }
0xb2: {  	s0 =	spop (v2sf)  }
0xb3: {  	s0 =	smul.f32 $7.812500000e-03, s0;
	s7 =	spop (v2sf)  }
0xb4: {  	s31 =	smul.f32 $7.812500000e-03, s7  }
0xb5: {  	s7 =	smul.f32 s0, s0;
	_ =	sdelay $0x1  }
0xb6: {  	s7 =	ssub.f32 s31, s7;
	_ =	sdelay $0x1  }
0xb7: {  	s7 =	sadd.f32 $9.999999960e-13, s7;
	_ =	sdelay $0x1  }
0xb8: {  	v58 =	vmov s7  }
0xb9: {  	v59 =	vshrl.u32 v58, $0x1;
	v27 =	vmul.f32 $5.000000000e-01, v58  }
0xba: {  	v28 =	vsub.s32 $0x5F3759DF, v59  }
0xbb: {  	v60 =	vmul.f32 v28, v27;
	_ =	sdelay $0x1  }
0xbc: {  	v29 =	vmul.f32 v28, v60;
	_ =	sdelay $0x1  }
0xbd: {  	v29 =	vsub.f32 $1.500000000e+00, v29;
	_ =	sdelay $0x1  }
0xbe: {  	v28 =	vmul.f32 v28, v29;
	_ =	sdelay $0x1  }
0xbf: {  	v27 =	vmul.f32 v28, v27;
	_ =	sdelay $0x1  }
0xc0: {  	v27 =	vmul.f32 v27, v28;
	_ =	sdelay $0x1  }
0xc1: {  	v27 =	vsub.f32 $1.500000000e+00, v27  }
0xc2: {  	v61 =	vmov s0  }
0xc3: {  	(v2sf) =	vpush v18, $0x1;
	v19 =	vsub.f32 v19, v61;
	v27 =	vmul.f32 v27, v28  }
0xc4: {  	v20 =	vsub.f32 v42, v61  }
0xc5: {  	v23 =	vsub.f32 v23, v61;
	v25 =	vsub.f32 v25, v61;
	v19 =	vmul.f32 v27, v19  }
0xc6: {  	v21 =	vsub.f32 v21, v61;
	v24 =	vsub.f32 v24, v61;
	v20 =	vmul.f32 v27, v20  }
0xc7: {  	v26 =	vsub.f32 v26, v61;
	v25 =	vmul.f32 v27, v25;
	v19 =	vmul.f32 v19, v2  }
0xc8: {  	v22 =	vsub.f32 v22, v61;
	v23 =	vmul.f32 v27, v23;
	v20 =	vmul.f32 v20, v3  }
0xc9: {  	v24 =	vmul.f32 v27, v24;
	v25 =	vmul.f32 v25, v5;
	v19 =	vadd.f32 v19, v10  }
0xca: {  	s0 =	sor.u32 $0x1, s29;
	v21 =	vmul.f32 v27, v21;
	v23 =	vmul.f32 v23, v4;
	v20 =	vadd.f32 v20, v11  }
0xcb: {  	s7 =	sor.u32 s26, s0;
	v22 =	vmul.f32 v27, v22;
	v24 =	vmul.f32 v24, v7;
	v63 =	vadd.f32 v25, v13;
	[tilespmem:s30+$0x4100] =	vst v19  }
0xcc: {  	s31 =	smulhi.u32 $0x51EB851F, s7;
	v62 =	vmul.f32 v27, v26;
	v21 =	vmul.f32 v21, v6;
	v19 =	vadd.f32 v23, v12;
	[tilespmem:s30+$0x4110] =	vst v20  }
0xcd: {  	v22 =	vmul.f32 v22, v9;
	v28 =	vadd.f32 v24, v15;
	[tilespmem:s30+$0x4130] =	vst v63  }
0xce: {  	s31 =	sshrl.u32 s31, $0x6;
	v27 =	vmul.f32 v62, v8;
	[tilespmem:s30+$0x4120] =	vst v19;
	v19 =	vadd.f32 v21, v14  }
0xcf: {  	s31 =	smul.u32 $0xC8, s31;
	v29 =	vadd.f32 v22, v17;
	[tilespmem:s30+$0x4150] =	vst v28  }
0xd0: {  	[tilespmem:s30+$0x4140] =	vst v19;
	v19 =	vadd.f32 v27, v16  }
0xd1: {  	s7 =	ssub.s32 s7, s31;
	[tilespmem:s30+$0x4170] =	vst v29  }
0xd2: {  	s7 =	sshll.u32 s7, $0x8;
	s31 =	spop (v2sf);
	[tilespmem:s30+$0x4160] =	vst v19;
	s30 =	sshll.u32 s0, $0x7  }
0xd3: {  	s0 =	sadd.s32 s31, s7;
	v19 =	vld [tilespmem:s30+$0x100]  }
0xd4: {  	v20 =	vld [tilespmem:s0+$0x8100]  }
0xd5: {  	v30 =	vld [tilespmem:s30+$0x110]  }
0xd6: {  	v31 =	vld [tilespmem:s0+$0x8110]  }
0xd7: {  	v32 =	vld [tilespmem:s30+$0x120]  }
0xd8: {  	v33 =	vld [tilespmem:s0+$0x8120]  }
0xd9: {  	v34 =	vld [tilespmem:s30+$0x130]  }
0xda: {  	v35 =	vld [tilespmem:s0+$0x8130]  }
0xdb: {  	v37 =	vld [tilespmem:s30+$0x140];
	v19 =	vadd.f32 v20, v19;
	v36 =	vadd.f32 v31, v30  }
0xdc: {  	v38 =	vld [tilespmem:s0+$0x8140]  }
0xdd: {  	v39 =	vld [tilespmem:s30+$0x150];
	v23 =	vadd.f32 v33, v32;
	v40 =	vmul.f32 v19, v19;
	v41 =	vmul.f32 v36, v36  }
0xde: {  	v42 =	vld [tilespmem:s0+$0x8150];
	v43 =	vadd.f32 v36, v19  }
0xdf: {  	v44 =	vld [tilespmem:s30+$0x160];
	v25 =	vadd.f32 v35, v34;
	v45 =	vmul.f32 v23, v23;
	v27 =	vadd.f32 v41, v40  }
0xe0: {  	v46 =	vld [tilespmem:s0+$0x8160];
	v30 =	vadd.f32 v23, v43  }
0xe1: {  	v47 =	vld [tilespmem:s30+$0x170];
	v21 =	vadd.f32 v38, v37;
	v48 =	vmul.f32 v25, v25;
	v27 =	vadd.f32 v45, v27  }
0xe2: {  	v49 =	vld [tilespmem:s0+$0x8170];
	v30 =	vadd.f32 v25, v30  }
0xe3: {  	v24 =	vadd.f32 v42, v39;
	v50 =	vmul.f32 v21, v21;
	v27 =	vadd.f32 v48, v27  }
0xe4: {  	v30 =	vadd.f32 v21, v30  }
0xe5: {  	v26 =	vadd.f32 v46, v44;
	v51 =	vmul.f32 v24, v24;
	v27 =	vadd.f32 v50, v27  }
0xe6: {  	v52 =	vadd.f32 v24, v30  }
0xe7: {  	v22 =	vadd.f32 v49, v47;
	v53 =	vmul.f32 v26, v26;
	v27 =	vadd.f32 v51, v27  }
0xe8: {  	v54 =	vadd.f32 v26, v52  }
0xe9: {  	v55 =	vmul.f32 v22, v22;
	v27 =	vadd.f32 v53, v27  }
0xea: {  	v28 =	vadd.f32 v22, v54  }
0xeb: {  	v27 =	vadd.f32 v55, v27  }
0xec: {  	(xrf2) =	vadd.scan.msk.f32 $0xffff, v28  }
0xed: {  	(xrf2) =	vadd.scan.msk.f32 $0xffff, v27;
	_ =	sdelay $0x8  }
0xee: {  	v56, _, _ =	vpop (xrf2)  }
0xef: {  	(v2sf) =	vpush v56, $0xF;
	v57, _, _ =	vpop (xrf2)  }
0xf0: {  	(v2sf) =	vpush v57, $0xF;
	_ =	sdelay $0xd  }
0xf1: {  	s7 =	spop (v2sf)  }
0xf2: {  	s0 =	smul.f32 $7.812500000e-03, s7;
	s31 =	spop (v2sf)  }
0xf3: {  	s7 =	smul.f32 $7.812500000e-03, s31  }
0xf4: {  	s31 =	smul.f32 s0, s0;
	_ =	sdelay $0x1  }
0xf5: {  	s7 =	ssub.f32 s7, s31;
	_ =	sdelay $0x1  }
0xf6: {  	s7 =	sadd.f32 $9.999999960e-13, s7;
	_ =	sdelay $0x1  }
0xf7: {  	v58 =	vmov s7  }
0xf8: {  	v59 =	vshrl.u32 v58, $0x1;
	v27 =	vmul.f32 $5.000000000e-01, v58  }
0xf9: {  	v28 =	vsub.s32 $0x5F3759DF, v59  }
0xfa: {  	v60 =	vmul.f32 v28, v27;
	_ =	sdelay $0x1  }
0xfb: {  	v29 =	vmul.f32 v28, v60;
	_ =	sdelay $0x1  }
0xfc: {  	v29 =	vsub.f32 $1.500000000e+00, v29;
	_ =	sdelay $0x1  }
0xfd: {  	v28 =	vmul.f32 v28, v29;
	_ =	sdelay $0x1  }
0xfe: {  	v27 =	vmul.f32 v28, v27;
	_ =	sdelay $0x1  }
0xff: {  	v27 =	vmul.f32 v27, v28;
	_ =	sdelay $0x1  }
0x100: {  	v27 =	vsub.f32 $1.500000000e+00, v27  }
0x101: {  	v61 =	vmov s0  }
0x102: {  	(v2sf) =	vpush v18, $0x2;
	v19 =	vsub.f32 v19, v61;
	v27 =	vmul.f32 v27, v28  }
0x103: {  	v20 =	vsub.f32 v36, v61  }
0x104: {  	v23 =	vsub.f32 v23, v61;
	v25 =	vsub.f32 v25, v61;
	v19 =	vmul.f32 v27, v19  }
0x105: {  	v21 =	vsub.f32 v21, v61;
	v24 =	vsub.f32 v24, v61;
	v20 =	vmul.f32 v27, v20  }
0x106: {  	v26 =	vsub.f32 v26, v61;
	v25 =	vmul.f32 v27, v25;
	v19 =	vmul.f32 v19, v2  }
0x107: {  	v22 =	vsub.f32 v22, v61;
	v23 =	vmul.f32 v27, v23;
	v20 =	vmul.f32 v20, v3  }
0x108: {  	v24 =	vmul.f32 v27, v24;
	v25 =	vmul.f32 v25, v5;
	v19 =	vadd.f32 v19, v10  }
0x109: {  	s0 =	sor.u32 $0x2, s29;
	v21 =	vmul.f32 v27, v21;
	v23 =	vmul.f32 v23, v4;
	v20 =	vadd.f32 v20, v11  }
0x10a: {  	s7 =	sor.u32 s26, s0;
	v22 =	vmul.f32 v27, v22;
	v24 =	vmul.f32 v24, v7;
	v63 =	vadd.f32 v25, v13;
	[tilespmem:s30+$0x4100] =	vst v19  }
0x10b: {  	s31 =	smulhi.u32 $0x51EB851F, s7;
	v62 =	vmul.f32 v27, v26;
	v21 =	vmul.f32 v21, v6;
	v19 =	vadd.f32 v23, v12;
	[tilespmem:s30+$0x4110] =	vst v20  }
0x10c: {  	v22 =	vmul.f32 v22, v9;
	v28 =	vadd.f32 v24, v15;
	[tilespmem:s30+$0x4130] =	vst v63  }
0x10d: {  	s31 =	sshrl.u32 s31, $0x6;
	v27 =	vmul.f32 v62, v8;
	[tilespmem:s30+$0x4120] =	vst v19;
	v19 =	vadd.f32 v21, v14  }
0x10e: {  	s31 =	smul.u32 $0xC8, s31;
	v29 =	vadd.f32 v22, v17;
	[tilespmem:s30+$0x4150] =	vst v28  }
0x10f: {  	[tilespmem:s30+$0x4140] =	vst v19;
	v19 =	vadd.f32 v27, v16  }
0x110: {  	s7 =	ssub.s32 s7, s31;
	[tilespmem:s30+$0x4170] =	vst v29  }
0x111: {  	s7 =	sshll.u32 s7, $0x8;
	s31 =	spop (v2sf);
	[tilespmem:s30+$0x4160] =	vst v19;
	s30 =	sshll.u32 s0, $0x7  }
0x112: {  	s0 =	sadd.s32 s31, s7;
	v19 =	vld [tilespmem:s30+$0x100]  }
0x113: {  	v20 =	vld [tilespmem:s0+$0x8100]  }
0x114: {  	v30 =	vld [tilespmem:s30+$0x110]  }
0x115: {  	v31 =	vld [tilespmem:s0+$0x8110]  }
0x116: {  	v32 =	vld [tilespmem:s30+$0x120]  }
0x117: {  	v33 =	vld [tilespmem:s0+$0x8120]  }
0x118: {  	v34 =	vld [tilespmem:s30+$0x130]  }
0x119: {  	v35 =	vld [tilespmem:s0+$0x8130]  }
0x11a: {  	v37 =	vld [tilespmem:s30+$0x140];
	v19 =	vadd.f32 v20, v19;
	v36 =	vadd.f32 v31, v30  }
0x11b: {  	v38 =	vld [tilespmem:s0+$0x8140]  }
0x11c: {  	v39 =	vld [tilespmem:s30+$0x150];
	v23 =	vadd.f32 v33, v32;
	v40 =	vmul.f32 v19, v19;
	v41 =	vmul.f32 v36, v36  }
0x11d: {  	v42 =	vld [tilespmem:s0+$0x8150];
	v43 =	vadd.f32 v36, v19  }
0x11e: {  	v44 =	vld [tilespmem:s30+$0x160];
	v25 =	vadd.f32 v35, v34;
	v45 =	vmul.f32 v23, v23;
	v27 =	vadd.f32 v41, v40  }
0x11f: {  	v46 =	vld [tilespmem:s0+$0x8160];
	v30 =	vadd.f32 v23, v43  }
0x120: {  	v47 =	vld [tilespmem:s30+$0x170];
	v21 =	vadd.f32 v38, v37;
	v48 =	vmul.f32 v25, v25;
	v27 =	vadd.f32 v45, v27  }
0x121: {  	v49 =	vld [tilespmem:s0+$0x8170];
	v30 =	vadd.f32 v25, v30  }
0x122: {  	v24 =	vadd.f32 v42, v39;
	v50 =	vmul.f32 v21, v21;
	v27 =	vadd.f32 v48, v27  }
0x123: {  	v30 =	vadd.f32 v21, v30  }
0x124: {  	v26 =	vadd.f32 v46, v44;
	v51 =	vmul.f32 v24, v24;
	v27 =	vadd.f32 v50, v27  }
0x125: {  	v52 =	vadd.f32 v24, v30  }
0x126: {  	v22 =	vadd.f32 v49, v47;
	v53 =	vmul.f32 v26, v26;
	v27 =	vadd.f32 v51, v27  }
0x127: {  	v54 =	vadd.f32 v26, v52  }
0x128: {  	v55 =	vmul.f32 v22, v22;
	v27 =	vadd.f32 v53, v27  }
0x129: {  	v28 =	vadd.f32 v22, v54  }
0x12a: {  	v27 =	vadd.f32 v55, v27  }
0x12b: {  	(xrf2) =	vadd.scan.msk.f32 $0xffff, v28  }
0x12c: {  	(xrf2) =	vadd.scan.msk.f32 $0xffff, v27;
	_ =	sdelay $0x8  }
0x12d: {  	v56, _, _ =	vpop (xrf2)  }
0x12e: {  	(v2sf) =	vpush v56, $0xF;
	v57, _, _ =	vpop (xrf2)  }
0x12f: {  	(v2sf) =	vpush v57, $0xF;
	_ =	sdelay $0xd  }
0x130: {  	s7 =	spop (v2sf)  }
0x131: {  	s0 =	smul.f32 $7.812500000e-03, s7;
	s31 =	spop (v2sf)  }
0x132: {  	s7 =	smul.f32 $7.812500000e-03, s31  }
0x133: {  	s31 =	smul.f32 s0, s0;
	_ =	sdelay $0x1  }
0x134: {  	s7 =	ssub.f32 s7, s31;
	_ =	sdelay $0x1  }
0x135: {  	s7 =	sadd.f32 $9.999999960e-13, s7;
	_ =	sdelay $0x1  }
0x136: {  	v58 =	vmov s7  }
0x137: {  	v59 =	vshrl.u32 v58, $0x1;
	v27 =	vmul.f32 $5.000000000e-01, v58  }
0x138: {  	v28 =	vsub.s32 $0x5F3759DF, v59  }
0x139: {  	v60 =	vmul.f32 v28, v27;
	_ =	sdelay $0x1  }
0x13a: {  	v29 =	vmul.f32 v28, v60;
	_ =	sdelay $0x1  }
0x13b: {  	v29 =	vsub.f32 $1.500000000e+00, v29;
	_ =	sdelay $0x1  }
0x13c: {  	v28 =	vmul.f32 v28, v29;
	_ =	sdelay $0x1  }
0x13d: {  	v27 =	vmul.f32 v28, v27;
	_ =	sdelay $0x1  }
0x13e: {  	v27 =	vmul.f32 v27, v28;
	_ =	sdelay $0x1  }
0x13f: {  	v27 =	vsub.f32 $1.500000000e+00, v27  }
0x140: {  	v61 =	vmov s0  }
0x141: {  	(v2sf) =	vpush v18, $0x3;
	v19 =	vsub.f32 v19, v61;
	v27 =	vmul.f32 v27, v28  }
0x142: {  	v20 =	vsub.f32 v36, v61  }
0x143: {  	v23 =	vsub.f32 v23, v61;
	v25 =	vsub.f32 v25, v61;
	v19 =	vmul.f32 v27, v19  }
0x144: {  	v21 =	vsub.f32 v21, v61;
	v24 =	vsub.f32 v24, v61;
	v20 =	vmul.f32 v27, v20  }
0x145: {  	v26 =	vsub.f32 v26, v61;
	v25 =	vmul.f32 v27, v25;
	v19 =	vmul.f32 v19, v2  }
0x146: {  	v22 =	vsub.f32 v22, v61;
	v23 =	vmul.f32 v27, v23;
	v20 =	vmul.f32 v20, v3  }
0x147: {  	v24 =	vmul.f32 v27, v24;
	v25 =	vmul.f32 v25, v5;
	v19 =	vadd.f32 v19, v10  }
0x148: {  	s0 =	sor.u32 $0x3, s29;
	v21 =	vmul.f32 v27, v21;
	v23 =	vmul.f32 v23, v4;
	v20 =	vadd.f32 v20, v11  }
0x149: {  	s7 =	sor.u32 s26, s0;
	v22 =	vmul.f32 v27, v22;
	v24 =	vmul.f32 v24, v7;
	v63 =	vadd.f32 v25, v13;
	[tilespmem:s30+$0x4100] =	vst v19  }
0x14a: {  	s31 =	smulhi.u32 $0x51EB851F, s7;
	v62 =	vmul.f32 v27, v26;
	v21 =	vmul.f32 v21, v6;
	v19 =	vadd.f32 v23, v12;
	[tilespmem:s30+$0x4110] =	vst v20  }
0x14b: {  	v22 =	vmul.f32 v22, v9;
	v28 =	vadd.f32 v24, v15;
	[tilespmem:s30+$0x4130] =	vst v63  }
0x14c: {  	s31 =	sshrl.u32 s31, $0x6;
	v27 =	vmul.f32 v62, v8;
	[tilespmem:s30+$0x4120] =	vst v19;
	v19 =	vadd.f32 v21, v14  }
0x14d: {  	s31 =	smul.u32 $0xC8, s31;
	v29 =	vadd.f32 v22, v17;
	[tilespmem:s30+$0x4150] =	vst v28  }
0x14e: {  	[tilespmem:s30+$0x4140] =	vst v19;
	v19 =	vadd.f32 v27, v16  }
0x14f: {  	s7 =	ssub.s32 s7, s31;
	[tilespmem:s30+$0x4170] =	vst v29  }
0x150: {  	s7 =	sshll.u32 s7, $0x8;
	s31 =	spop (v2sf);
	[tilespmem:s30+$0x4160] =	vst v19;
	s30 =	sshll.u32 s0, $0x7  }
0x151: {  	s0 =	sadd.s32 s31, s7;
	v19 =	vld [tilespmem:s30+$0x100]  }
0x152: {  	v20 =	vld [tilespmem:s0+$0x8100]  }
0x153: {  	v30 =	vld [tilespmem:s30+$0x110]  }
0x154: {  	v31 =	vld [tilespmem:s0+$0x8110]  }
0x155: {  	v32 =	vld [tilespmem:s30+$0x120]  }
0x156: {  	v33 =	vld [tilespmem:s0+$0x8120]  }
0x157: {  	v34 =	vld [tilespmem:s30+$0x130]  }
0x158: {  	v35 =	vld [tilespmem:s0+$0x8130]  }
0x159: {  	v37 =	vld [tilespmem:s30+$0x140];
	v19 =	vadd.f32 v20, v19;
	v36 =	vadd.f32 v31, v30  }
0x15a: {  	v38 =	vld [tilespmem:s0+$0x8140]  }
0x15b: {  	v39 =	vld [tilespmem:s30+$0x150];
	v23 =	vadd.f32 v33, v32;
	v40 =	vmul.f32 v19, v19;
	v41 =	vmul.f32 v36, v36  }
0x15c: {  	v42 =	vld [tilespmem:s0+$0x8150];
	v43 =	vadd.f32 v36, v19  }
0x15d: {  	v44 =	vld [tilespmem:s30+$0x160];
	v25 =	vadd.f32 v35, v34;
	v45 =	vmul.f32 v23, v23;
	v27 =	vadd.f32 v41, v40  }
0x15e: {  	v46 =	vld [tilespmem:s0+$0x8160];
	v30 =	vadd.f32 v23, v43  }
0x15f: {  	v47 =	vld [tilespmem:s30+$0x170];
	v21 =	vadd.f32 v38, v37;
	v48 =	vmul.f32 v25, v25;
	v27 =	vadd.f32 v45, v27  }
0x160: {  	v49 =	vld [tilespmem:s0+$0x8170];
	v30 =	vadd.f32 v25, v30  }
0x161: {  	v24 =	vadd.f32 v42, v39;
	v50 =	vmul.f32 v21, v21;
	v27 =	vadd.f32 v48, v27  }
0x162: {  	v30 =	vadd.f32 v21, v30  }
0x163: {  	v26 =	vadd.f32 v46, v44;
	v51 =	vmul.f32 v24, v24;
	v27 =	vadd.f32 v50, v27  }
0x164: {  	v52 =	vadd.f32 v24, v30  }
0x165: {  	v22 =	vadd.f32 v49, v47;
	v53 =	vmul.f32 v26, v26;
	v27 =	vadd.f32 v51, v27  }
0x166: {  	v54 =	vadd.f32 v26, v52  }
0x167: {  	v55 =	vmul.f32 v22, v22;
	v27 =	vadd.f32 v53, v27  }
0x168: {  	v28 =	vadd.f32 v22, v54  }
0x169: {  	v27 =	vadd.f32 v55, v27  }
0x16a: {  	(xrf2) =	vadd.scan.msk.f32 $0xffff, v28  }
0x16b: {  	(xrf2) =	vadd.scan.msk.f32 $0xffff, v27;
	_ =	sdelay $0x8  }
0x16c: {  	v56, _, _ =	vpop (xrf2)  }
0x16d: {  	(v2sf) =	vpush v56, $0xF;
	v57, _, _ =	vpop (xrf2)  }
0x16e: {  	(v2sf) =	vpush v57, $0xF;
	_ =	sdelay $0xd  }
0x16f: {  	s7 =	spop (v2sf)  }
0x170: {  	s0 =	smul.f32 $7.812500000e-03, s7;
	s31 =	spop (v2sf)  }
0x171: {  	s7 =	smul.f32 $7.812500000e-03, s31  }
0x172: {  	s31 =	smul.f32 s0, s0;
	_ =	sdelay $0x1  }
0x173: {  	s7 =	ssub.f32 s7, s31;
	_ =	sdelay $0x1  }
0x174: {  	s7 =	sadd.f32 $9.999999960e-13, s7;
	_ =	sdelay $0x1  }
0x175: {  	v58 =	vmov s7  }
0x176: {  	v59 =	vshrl.u32 v58, $0x1;
	v27 =	vmul.f32 $5.000000000e-01, v58  }
0x177: {  	v28 =	vsub.s32 $0x5F3759DF, v59  }
0x178: {  	v60 =	vmul.f32 v28, v27;
	_ =	sdelay $0x1  }
0x179: {  	v29 =	vmul.f32 v28, v60;
	_ =	sdelay $0x1  }
0x17a: {  	v29 =	vsub.f32 $1.500000000e+00, v29;
	_ =	sdelay $0x1  }
0x17b: {  	v28 =	vmul.f32 v28, v29;
	_ =	sdelay $0x1  }
0x17c: {  	v27 =	vmul.f32 v28, v27;
	_ =	sdelay $0x1  }
0x17d: {  	v27 =	vmul.f32 v27, v28;
	_ =	sdelay $0x1  }
0x17e: {  	v27 =	vsub.f32 $1.500000000e+00, v27  }
0x17f: {  	v61 =	vmov s0  }
0x180: {  	(v2sf) =	vpush v18, $0x4;
	v19 =	vsub.f32 v19, v61;
	v27 =	vmul.f32 v27, v28  }
0x181: {  	v20 =	vsub.f32 v36, v61  }
0x182: {  	v23 =	vsub.f32 v23, v61;
	v25 =	vsub.f32 v25, v61;
	v19 =	vmul.f32 v27, v19  }
0x183: {  	v21 =	vsub.f32 v21, v61;
	v24 =	vsub.f32 v24, v61;
	v20 =	vmul.f32 v27, v20  }
0x184: {  	v26 =	vsub.f32 v26, v61;
	v25 =	vmul.f32 v27, v25;
	v19 =	vmul.f32 v19, v2  }
0x185: {  	v22 =	vsub.f32 v22, v61;
	v23 =	vmul.f32 v27, v23;
	v20 =	vmul.f32 v20, v3  }
0x186: {  	v24 =	vmul.f32 v27, v24;
	v25 =	vmul.f32 v25, v5;
	v19 =	vadd.f32 v19, v10  }
0x187: {  	s0 =	sor.u32 $0x4, s29;
	v21 =	vmul.f32 v27, v21;
	v23 =	vmul.f32 v23, v4;
	v20 =	vadd.f32 v20, v11  }
0x188: {  	s7 =	sor.u32 s26, s0;
	v22 =	vmul.f32 v27, v22;
	v24 =	vmul.f32 v24, v7;
	v63 =	vadd.f32 v25, v13;
	[tilespmem:s30+$0x4100] =	vst v19  }
0x189: {  	s31 =	smulhi.u32 $0x51EB851F, s7;
	v62 =	vmul.f32 v27, v26;
	v21 =	vmul.f32 v21, v6;
	v19 =	vadd.f32 v23, v12;
	[tilespmem:s30+$0x4110] =	vst v20  }
0x18a: {  	v22 =	vmul.f32 v22, v9;
	v28 =	vadd.f32 v24, v15;
	[tilespmem:s30+$0x4130] =	vst v63  }
0x18b: {  	s31 =	sshrl.u32 s31, $0x6;
	v27 =	vmul.f32 v62, v8;
	[tilespmem:s30+$0x4120] =	vst v19;
	v19 =	vadd.f32 v21, v14  }
0x18c: {  	s31 =	smul.u32 $0xC8, s31;
	v29 =	vadd.f32 v22, v17;
	[tilespmem:s30+$0x4150] =	vst v28  }
0x18d: {  	[tilespmem:s30+$0x4140] =	vst v19;
	v19 =	vadd.f32 v27, v16  }
0x18e: {  	s7 =	ssub.s32 s7, s31;
	[tilespmem:s30+$0x4170] =	vst v29  }
0x18f: {  	s7 =	sshll.u32 s7, $0x8;
	s31 =	spop (v2sf);
	[tilespmem:s30+$0x4160] =	vst v19;
	s30 =	sshll.u32 s0, $0x7  }
0x190: {  	s0 =	sadd.s32 s31, s7;
	v19 =	vld [tilespmem:s30+$0x100]  }
0x191: {  	v20 =	vld [tilespmem:s0+$0x8100]  }
0x192: {  	v30 =	vld [tilespmem:s30+$0x110]  }
0x193: {  	v31 =	vld [tilespmem:s0+$0x8110]  }
0x194: {  	v32 =	vld [tilespmem:s30+$0x120]  }
0x195: {  	v33 =	vld [tilespmem:s0+$0x8120]  }
0x196: {  	v34 =	vld [tilespmem:s30+$0x130]  }
0x197: {  	v35 =	vld [tilespmem:s0+$0x8130]  }
0x198: {  	v37 =	vld [tilespmem:s30+$0x140];
	v19 =	vadd.f32 v20, v19;
	v36 =	vadd.f32 v31, v30  }
0x199: {  	v38 =	vld [tilespmem:s0+$0x8140]  }
0x19a: {  	v39 =	vld [tilespmem:s30+$0x150];
	v23 =	vadd.f32 v33, v32;
	v40 =	vmul.f32 v19, v19;
	v41 =	vmul.f32 v36, v36  }
0x19b: {  	v42 =	vld [tilespmem:s0+$0x8150];
	v43 =	vadd.f32 v36, v19  }
0x19c: {  	v44 =	vld [tilespmem:s30+$0x160];
	v25 =	vadd.f32 v35, v34;
	v45 =	vmul.f32 v23, v23;
	v27 =	vadd.f32 v41, v40  }
0x19d: {  	v46 =	vld [tilespmem:s0+$0x8160];
	v30 =	vadd.f32 v23, v43  }
0x19e: {  	v47 =	vld [tilespmem:s30+$0x170];
	v21 =	vadd.f32 v38, v37;
	v48 =	vmul.f32 v25, v25;
	v27 =	vadd.f32 v45, v27  }
0x19f: {  	v49 =	vld [tilespmem:s0+$0x8170];
	v30 =	vadd.f32 v25, v30  }
0x1a0: {  	v24 =	vadd.f32 v42, v39;
	v50 =	vmul.f32 v21, v21;
	v27 =	vadd.f32 v48, v27  }
0x1a1: {  	v30 =	vadd.f32 v21, v30  }
0x1a2: {  	v26 =	vadd.f32 v46, v44;
	v51 =	vmul.f32 v24, v24;
	v27 =	vadd.f32 v50, v27  }
0x1a3: {  	v52 =	vadd.f32 v24, v30  }
0x1a4: {  	v22 =	vadd.f32 v49, v47;
	v53 =	vmul.f32 v26, v26;
	v27 =	vadd.f32 v51, v27  }
0x1a5: {  	v54 =	vadd.f32 v26, v52  }
0x1a6: {  	v55 =	vmul.f32 v22, v22;
	v27 =	vadd.f32 v53, v27  }
0x1a7: {  	v28 =	vadd.f32 v22, v54  }
0x1a8: {  	v27 =	vadd.f32 v55, v27  }
0x1a9: {  	(xrf2) =	vadd.scan.msk.f32 $0xffff, v28  }
0x1aa: {  	(xrf2) =	vadd.scan.msk.f32 $0xffff, v27;
	_ =	sdelay $0x8  }
0x1ab: {  	v56, _, _ =	vpop (xrf2)  }
0x1ac: {  	(v2sf) =	vpush v56, $0xF;
	v57, _, _ =	vpop (xrf2)  }
0x1ad: {  	(v2sf) =	vpush v57, $0xF;
	_ =	sdelay $0xd  }
0x1ae: {  	s7 =	spop (v2sf)  }
0x1af: {  	s0 =	smul.f32 $7.812500000e-03, s7;
	s31 =	spop (v2sf)  }
0x1b0: {  	s7 =	smul.f32 $7.812500000e-03, s31  }
0x1b1: {  	s31 =	smul.f32 s0, s0;
	_ =	sdelay $0x1  }
0x1b2: {  	s7 =	ssub.f32 s7, s31;
	_ =	sdelay $0x1  }
0x1b3: {  	s7 =	sadd.f32 $9.999999960e-13, s7;
	_ =	sdelay $0x1  }
0x1b4: {  	v58 =	vmov s7  }
0x1b5: {  	v59 =	vshrl.u32 v58, $0x1;
	v27 =	vmul.f32 $5.000000000e-01, v58  }
0x1b6: {  	v28 =	vsub.s32 $0x5F3759DF, v59  }
0x1b7: {  	v60 =	vmul.f32 v28, v27;
	_ =	sdelay $0x1  }
0x1b8: {  	v29 =	vmul.f32 v28, v60;
	_ =	sdelay $0x1  }
0x1b9: {  	v29 =	vsub.f32 $1.500000000e+00, v29;
	_ =	sdelay $0x1  }
0x1ba: {  	v28 =	vmul.f32 v28, v29;
	_ =	sdelay $0x1  }
0x1bb: {  	v27 =	vmul.f32 v28, v27;
	_ =	sdelay $0x1  }
0x1bc: {  	v27 =	vmul.f32 v27, v28;
	_ =	sdelay $0x1  }
0x1bd: {  	v27 =	vsub.f32 $1.500000000e+00, v27  }
0x1be: {  	v61 =	vmov s0  }
0x1bf: {  	(v2sf) =	vpush v18, $0x5;
	v19 =	vsub.f32 v19, v61;
	v27 =	vmul.f32 v27, v28  }
0x1c0: {  	v20 =	vsub.f32 v36, v61  }
0x1c1: {  	v23 =	vsub.f32 v23, v61;
	v25 =	vsub.f32 v25, v61;
	v19 =	vmul.f32 v27, v19  }
0x1c2: {  	v21 =	vsub.f32 v21, v61;
	v24 =	vsub.f32 v24, v61;
	v20 =	vmul.f32 v27, v20  }
0x1c3: {  	v26 =	vsub.f32 v26, v61;
	v25 =	vmul.f32 v27, v25;
	v19 =	vmul.f32 v19, v2  }
0x1c4: {  	v22 =	vsub.f32 v22, v61;
	v23 =	vmul.f32 v27, v23;
	v20 =	vmul.f32 v20, v3  }
0x1c5: {  	v24 =	vmul.f32 v27, v24;
	v25 =	vmul.f32 v25, v5;
	v19 =	vadd.f32 v19, v10  }
0x1c6: {  	s0 =	sor.u32 $0x5, s29;
	v21 =	vmul.f32 v27, v21;
	v23 =	vmul.f32 v23, v4;
	v20 =	vadd.f32 v20, v11  }
0x1c7: {  	s7 =	sor.u32 s26, s0;
	v22 =	vmul.f32 v27, v22;
	v24 =	vmul.f32 v24, v7;
	v63 =	vadd.f32 v25, v13;
	[tilespmem:s30+$0x4100] =	vst v19  }
0x1c8: {  	s31 =	smulhi.u32 $0x51EB851F, s7;
	v62 =	vmul.f32 v27, v26;
	v21 =	vmul.f32 v21, v6;
	v19 =	vadd.f32 v23, v12;
	[tilespmem:s30+$0x4110] =	vst v20  }
0x1c9: {  	v22 =	vmul.f32 v22, v9;
	v28 =	vadd.f32 v24, v15;
	[tilespmem:s30+$0x4130] =	vst v63  }
0x1ca: {  	s31 =	sshrl.u32 s31, $0x6;
	v27 =	vmul.f32 v62, v8;
	[tilespmem:s30+$0x4120] =	vst v19;
	v19 =	vadd.f32 v21, v14  }
0x1cb: {  	s31 =	smul.u32 $0xC8, s31;
	v29 =	vadd.f32 v22, v17;
	[tilespmem:s30+$0x4150] =	vst v28  }
0x1cc: {  	[tilespmem:s30+$0x4140] =	vst v19;
	v19 =	vadd.f32 v27, v16  }
0x1cd: {  	s7 =	ssub.s32 s7, s31;
	[tilespmem:s30+$0x4170] =	vst v29  }
0x1ce: {  	s7 =	sshll.u32 s7, $0x8;
	s31 =	spop (v2sf);
	[tilespmem:s30+$0x4160] =	vst v19;
	s30 =	sshll.u32 s0, $0x7  }
0x1cf: {  	s0 =	sadd.s32 s31, s7;
	v19 =	vld [tilespmem:s30+$0x100]  }
0x1d0: {  	v20 =	vld [tilespmem:s0+$0x8100]  }
0x1d1: {  	v30 =	vld [tilespmem:s30+$0x110]  }
0x1d2: {  	v31 =	vld [tilespmem:s0+$0x8110]  }
0x1d3: {  	v32 =	vld [tilespmem:s30+$0x120]  }
0x1d4: {  	v33 =	vld [tilespmem:s0+$0x8120]  }
0x1d5: {  	v34 =	vld [tilespmem:s30+$0x130]  }
0x1d6: {  	v35 =	vld [tilespmem:s0+$0x8130]  }
0x1d7: {  	v37 =	vld [tilespmem:s30+$0x140];
	v19 =	vadd.f32 v20, v19;
	v36 =	vadd.f32 v31, v30  }
0x1d8: {  	v38 =	vld [tilespmem:s0+$0x8140]  }
0x1d9: {  	v39 =	vld [tilespmem:s30+$0x150];
	v23 =	vadd.f32 v33, v32;
	v40 =	vmul.f32 v19, v19;
	v41 =	vmul.f32 v36, v36  }
0x1da: {  	v42 =	vld [tilespmem:s0+$0x8150];
	v43 =	vadd.f32 v36, v19  }
0x1db: {  	v44 =	vld [tilespmem:s30+$0x160];
	v25 =	vadd.f32 v35, v34;
	v45 =	vmul.f32 v23, v23;
	v27 =	vadd.f32 v41, v40  }
0x1dc: {  	v46 =	vld [tilespmem:s0+$0x8160];
	v30 =	vadd.f32 v23, v43  }
0x1dd: {  	v47 =	vld [tilespmem:s30+$0x170];
	v21 =	vadd.f32 v38, v37;
	v48 =	vmul.f32 v25, v25;
	v27 =	vadd.f32 v45, v27  }
0x1de: {  	v49 =	vld [tilespmem:s0+$0x8170];
	v30 =	vadd.f32 v25, v30  }
0x1df: {  	v24 =	vadd.f32 v42, v39;
	v50 =	vmul.f32 v21, v21;
	v27 =	vadd.f32 v48, v27  }
0x1e0: {  	v30 =	vadd.f32 v21, v30  }
0x1e1: {  	v26 =	vadd.f32 v46, v44;
	v51 =	vmul.f32 v24, v24;
	v27 =	vadd.f32 v50, v27  }
0x1e2: {  	v52 =	vadd.f32 v24, v30  }
0x1e3: {  	v22 =	vadd.f32 v49, v47;
	v53 =	vmul.f32 v26, v26;
	v27 =	vadd.f32 v51, v27  }
0x1e4: {  	v54 =	vadd.f32 v26, v52  }
0x1e5: {  	v55 =	vmul.f32 v22, v22;
	v27 =	vadd.f32 v53, v27  }
0x1e6: {  	v28 =	vadd.f32 v22, v54  }
0x1e7: {  	v27 =	vadd.f32 v55, v27  }
0x1e8: {  	(xrf2) =	vadd.scan.msk.f32 $0xffff, v28  }
0x1e9: {  	(xrf2) =	vadd.scan.msk.f32 $0xffff, v27;
	_ =	sdelay $0x8  }
0x1ea: {  	v56, _, _ =	vpop (xrf2)  }
0x1eb: {  	(v2sf) =	vpush v56, $0xF;
	v57, _, _ =	vpop (xrf2)  }
0x1ec: {  	(v2sf) =	vpush v57, $0xF;
	_ =	sdelay $0xd  }
0x1ed: {  	s7 =	spop (v2sf)  }
0x1ee: {  	s0 =	smul.f32 $7.812500000e-03, s7;
	s31 =	spop (v2sf)  }
0x1ef: {  	s7 =	smul.f32 $7.812500000e-03, s31  }
0x1f0: {  	s31 =	smul.f32 s0, s0;
	_ =	sdelay $0x1  }
0x1f1: {  	s7 =	ssub.f32 s7, s31;
	_ =	sdelay $0x1  }
0x1f2: {  	s7 =	sadd.f32 $9.999999960e-13, s7;
	_ =	sdelay $0x1  }
0x1f3: {  	v58 =	vmov s7  }
0x1f4: {  	v59 =	vshrl.u32 v58, $0x1;
	v27 =	vmul.f32 $5.000000000e-01, v58  }
0x1f5: {  	v28 =	vsub.s32 $0x5F3759DF, v59  }
0x1f6: {  	v60 =	vmul.f32 v28, v27;
	_ =	sdelay $0x1  }
0x1f7: {  	v29 =	vmul.f32 v28, v60;
	_ =	sdelay $0x1  }
0x1f8: {  	v29 =	vsub.f32 $1.500000000e+00, v29;
	_ =	sdelay $0x1  }
0x1f9: {  	v28 =	vmul.f32 v28, v29;
	_ =	sdelay $0x1  }
0x1fa: {  	v27 =	vmul.f32 v28, v27;
	_ =	sdelay $0x1  }
0x1fb: {  	v27 =	vmul.f32 v27, v28;
	_ =	sdelay $0x1  }
0x1fc: {  	v27 =	vsub.f32 $1.500000000e+00, v27  }
0x1fd: {  	v61 =	vmov s0  }
0x1fe: {  	(v2sf) =	vpush v18, $0x6;
	v19 =	vsub.f32 v19, v61;
	v27 =	vmul.f32 v27, v28  }
0x1ff: {  	v20 =	vsub.f32 v36, v61  }
0x200: {  	v23 =	vsub.f32 v23, v61;
	v25 =	vsub.f32 v25, v61;
	v19 =	vmul.f32 v27, v19  }
0x201: {  	v21 =	vsub.f32 v21, v61;
	v24 =	vsub.f32 v24, v61;
	v20 =	vmul.f32 v27, v20  }
0x202: {  	v26 =	vsub.f32 v26, v61;
	v25 =	vmul.f32 v27, v25;
	v19 =	vmul.f32 v19, v2  }
0x203: {  	v22 =	vsub.f32 v22, v61;
	v23 =	vmul.f32 v27, v23;
	v20 =	vmul.f32 v20, v3  }
0x204: {  	v24 =	vmul.f32 v27, v24;
	v25 =	vmul.f32 v25, v5;
	v19 =	vadd.f32 v19, v10  }
0x205: {  	s0 =	sor.u32 $0x6, s29;
	v21 =	vmul.f32 v27, v21;
	v23 =	vmul.f32 v23, v4;
	v20 =	vadd.f32 v20, v11  }
0x206: {  	s7 =	sor.u32 s26, s0;
	v22 =	vmul.f32 v27, v22;
	v24 =	vmul.f32 v24, v7;
	v63 =	vadd.f32 v25, v13;
	[tilespmem:s30+$0x4100] =	vst v19  }
0x207: {  	s31 =	smulhi.u32 $0x51EB851F, s7;
	v62 =	vmul.f32 v27, v26;
	v21 =	vmul.f32 v21, v6;
	v19 =	vadd.f32 v23, v12;
	[tilespmem:s30+$0x4110] =	vst v20  }
0x208: {  	v22 =	vmul.f32 v22, v9;
	v28 =	vadd.f32 v24, v15;
	[tilespmem:s30+$0x4130] =	vst v63  }
0x209: {  	s31 =	sshrl.u32 s31, $0x6;
	v27 =	vmul.f32 v62, v8;
	[tilespmem:s30+$0x4120] =	vst v19;
	v19 =	vadd.f32 v21, v14  }
0x20a: {  	s31 =	smul.u32 $0xC8, s31;
	v29 =	vadd.f32 v22, v17;
	[tilespmem:s30+$0x4150] =	vst v28  }
0x20b: {  	[tilespmem:s30+$0x4140] =	vst v19;
	v19 =	vadd.f32 v27, v16  }
0x20c: {  	s7 =	ssub.s32 s7, s31;
	[tilespmem:s30+$0x4170] =	vst v29  }
0x20d: {  	s7 =	sshll.u32 s7, $0x8;
	s31 =	spop (v2sf);
	[tilespmem:s30+$0x4160] =	vst v19;
	s30 =	sshll.u32 s0, $0x7  }
0x20e: {  	s0 =	sadd.s32 s31, s7;
	v19 =	vld [tilespmem:s30+$0x100]  }
0x20f: {  	v20 =	vld [tilespmem:s0+$0x8100]  }
0x210: {  	v30 =	vld [tilespmem:s30+$0x110]  }
0x211: {  	v31 =	vld [tilespmem:s0+$0x8110]  }
0x212: {  	v32 =	vld [tilespmem:s30+$0x120]  }
0x213: {  	v33 =	vld [tilespmem:s0+$0x8120]  }
0x214: {  	v34 =	vld [tilespmem:s30+$0x130]  }
0x215: {  	v35 =	vld [tilespmem:s0+$0x8130]  }
0x216: {  	v37 =	vld [tilespmem:s30+$0x140];
	v19 =	vadd.f32 v20, v19;
	v36 =	vadd.f32 v31, v30  }
0x217: {  	v38 =	vld [tilespmem:s0+$0x8140]  }
0x218: {  	v39 =	vld [tilespmem:s30+$0x150];
	v23 =	vadd.f32 v33, v32;
	v40 =	vmul.f32 v19, v19;
	v41 =	vmul.f32 v36, v36  }
0x219: {  	v42 =	vld [tilespmem:s0+$0x8150];
	v43 =	vadd.f32 v36, v19  }
0x21a: {  	v44 =	vld [tilespmem:s30+$0x160];
	v25 =	vadd.f32 v35, v34;
	v45 =	vmul.f32 v23, v23;
	v27 =	vadd.f32 v41, v40  }
0x21b: {  	v46 =	vld [tilespmem:s0+$0x8160];
	v30 =	vadd.f32 v23, v43  }
0x21c: {  	v47 =	vld [tilespmem:s30+$0x170];
	v21 =	vadd.f32 v38, v37;
	v48 =	vmul.f32 v25, v25;
	v27 =	vadd.f32 v45, v27  }
0x21d: {  	v49 =	vld [tilespmem:s0+$0x8170];
	v30 =	vadd.f32 v25, v30  }
0x21e: {  	v24 =	vadd.f32 v42, v39;
	v50 =	vmul.f32 v21, v21;
	v27 =	vadd.f32 v48, v27  }
0x21f: {  	v30 =	vadd.f32 v21, v30  }
0x220: {  	v26 =	vadd.f32 v46, v44;
	v51 =	vmul.f32 v24, v24;
	v27 =	vadd.f32 v50, v27  }
0x221: {  	v52 =	vadd.f32 v24, v30  }
0x222: {  	v22 =	vadd.f32 v49, v47;
	v53 =	vmul.f32 v26, v26;
	v27 =	vadd.f32 v51, v27  }
0x223: {  	v54 =	vadd.f32 v26, v52  }
0x224: {  	v55 =	vmul.f32 v22, v22;
	v27 =	vadd.f32 v53, v27  }
0x225: {  	v28 =	vadd.f32 v22, v54  }
0x226: {  	v27 =	vadd.f32 v55, v27  }
0x227: {  	(xrf2) =	vadd.scan.msk.f32 $0xffff, v28  }
0x228: {  	(xrf2) =	vadd.scan.msk.f32 $0xffff, v27;
	_ =	sdelay $0x8  }
0x229: {  	v56, _, _ =	vpop (xrf2)  }
0x22a: {  	(v2sf) =	vpush v56, $0xF;
	v57, _, _ =	vpop (xrf2)  }
0x22b: {  	(v2sf) =	vpush v57, $0xF;
	_ =	sdelay $0xd  }
0x22c: {  	s7 =	spop (v2sf)  }
0x22d: {  	s0 =	smul.f32 $7.812500000e-03, s7;
	s31 =	spop (v2sf)  }
0x22e: {  	s7 =	smul.f32 $7.812500000e-03, s31  }
0x22f: {  	s31 =	smul.f32 s0, s0;
	_ =	sdelay $0x1  }
0x230: {  	s7 =	ssub.f32 s7, s31;
	_ =	sdelay $0x1  }
0x231: {  	s7 =	sadd.f32 $9.999999960e-13, s7;
	_ =	sdelay $0x1  }
0x232: {  	v58 =	vmov s7  }
0x233: {  	v59 =	vshrl.u32 v58, $0x1;
	v27 =	vmul.f32 $5.000000000e-01, v58  }
0x234: {  	v28 =	vsub.s32 $0x5F3759DF, v59  }
0x235: {  	v60 =	vmul.f32 v28, v27;
	_ =	sdelay $0x1  }
0x236: {  	v29 =	vmul.f32 v28, v60;
	_ =	sdelay $0x1  }
0x237: {  	v29 =	vsub.f32 $1.500000000e+00, v29;
	_ =	sdelay $0x1  }
0x238: {  	v28 =	vmul.f32 v28, v29;
	_ =	sdelay $0x1  }
0x239: {  	v27 =	vmul.f32 v28, v27;
	_ =	sdelay $0x1  }
0x23a: {  	v27 =	vmul.f32 v27, v28;
	_ =	sdelay $0x1  }
0x23b: {  	v27 =	vsub.f32 $1.500000000e+00, v27  }
0x23c: {  	v61 =	vmov s0  }
0x23d: {  	(v2sf) =	vpush v18, $0x7;
	v19 =	vsub.f32 v19, v61;
	v27 =	vmul.f32 v27, v28  }
0x23e: {  	v20 =	vsub.f32 v36, v61  }
0x23f: {  	v23 =	vsub.f32 v23, v61;
	v25 =	vsub.f32 v25, v61;
	v19 =	vmul.f32 v27, v19  }
0x240: {  	v21 =	vsub.f32 v21, v61;
	v24 =	vsub.f32 v24, v61;
	v20 =	vmul.f32 v27, v20  }
0x241: {  	v26 =	vsub.f32 v26, v61;
	v25 =	vmul.f32 v27, v25;
	v19 =	vmul.f32 v19, v2  }
0x242: {  	v22 =	vsub.f32 v22, v61;
	v23 =	vmul.f32 v27, v23;
	v20 =	vmul.f32 v20, v3  }
0x243: {  	v24 =	vmul.f32 v27, v24;
	v25 =	vmul.f32 v25, v5;
	v19 =	vadd.f32 v19, v10  }
0x244: {  	s0 =	sor.u32 $0x7, s29;
	v21 =	vmul.f32 v27, v21;
	v23 =	vmul.f32 v23, v4;
	v20 =	vadd.f32 v20, v11  }
0x245: {  	s7 =	sor.u32 s26, s0;
	v22 =	vmul.f32 v27, v22;
	v24 =	vmul.f32 v24, v7;
	v63 =	vadd.f32 v25, v13;
	[tilespmem:s30+$0x4100] =	vst v19  }
0x246: {  	s31 =	smulhi.u32 $0x51EB851F, s7;
	v62 =	vmul.f32 v27, v26;
	v21 =	vmul.f32 v21, v6;
	v19 =	vadd.f32 v23, v12;
	[tilespmem:s30+$0x4110] =	vst v20  }
0x247: {  	v22 =	vmul.f32 v22, v9;
	v28 =	vadd.f32 v24, v15;
	[tilespmem:s30+$0x4130] =	vst v63  }
0x248: {  	s31 =	sshrl.u32 s31, $0x6;
	v27 =	vmul.f32 v62, v8;
	[tilespmem:s30+$0x4120] =	vst v19;
	v19 =	vadd.f32 v21, v14  }
0x249: {  	s31 =	smul.u32 $0xC8, s31;
	v29 =	vadd.f32 v22, v17;
	[tilespmem:s30+$0x4150] =	vst v28  }
0x24a: {  	[tilespmem:s30+$0x4140] =	vst v19;
	v19 =	vadd.f32 v27, v16  }
0x24b: {  	s7 =	ssub.s32 s7, s31;
	[tilespmem:s30+$0x4170] =	vst v29  }
0x24c: {  	s7 =	sshll.u32 s7, $0x8;
	s31 =	spop (v2sf);
	[tilespmem:s30+$0x4160] =	vst v19;
	s30 =	sshll.u32 s0, $0x7  }
0x24d: {  	s0 =	sadd.s32 s31, s7;
	v19 =	vld [tilespmem:s30+$0x100]  }
0x24e: {  	v20 =	vld [tilespmem:s0+$0x8100]  }
0x24f: {  	v30 =	vld [tilespmem:s30+$0x110]  }
0x250: {  	v31 =	vld [tilespmem:s0+$0x8110]  }
0x251: {  	v32 =	vld [tilespmem:s30+$0x120]  }
0x252: {  	v33 =	vld [tilespmem:s0+$0x8120]  }
0x253: {  	v34 =	vld [tilespmem:s30+$0x130]  }
0x254: {  	v35 =	vld [tilespmem:s0+$0x8130]  }
0x255: {  	v37 =	vld [tilespmem:s30+$0x140];
	v19 =	vadd.f32 v20, v19;
	v36 =	vadd.f32 v31, v30  }
0x256: {  	v38 =	vld [tilespmem:s0+$0x8140]  }
0x257: {  	v39 =	vld [tilespmem:s30+$0x150];
	v23 =	vadd.f32 v33, v32;
	v40 =	vmul.f32 v19, v19;
	v41 =	vmul.f32 v36, v36  }
0x258: {  	v42 =	vld [tilespmem:s0+$0x8150];
	v43 =	vadd.f32 v36, v19  }
0x259: {  	v44 =	vld [tilespmem:s30+$0x160];
	v25 =	vadd.f32 v35, v34;
	v45 =	vmul.f32 v23, v23;
	v27 =	vadd.f32 v41, v40  }
0x25a: {  	v46 =	vld [tilespmem:s0+$0x8160];
	v30 =	vadd.f32 v23, v43  }
0x25b: {  	v47 =	vld [tilespmem:s30+$0x170];
	v21 =	vadd.f32 v38, v37;
	v48 =	vmul.f32 v25, v25;
	v27 =	vadd.f32 v45, v27  }
0x25c: {  	v49 =	vld [tilespmem:s0+$0x8170];
	v30 =	vadd.f32 v25, v30  }
0x25d: {  	v24 =	vadd.f32 v42, v39;
	v50 =	vmul.f32 v21, v21;
	v27 =	vadd.f32 v48, v27  }
0x25e: {  	v30 =	vadd.f32 v21, v30  }
0x25f: {  	v26 =	vadd.f32 v46, v44;
	v51 =	vmul.f32 v24, v24;
	v27 =	vadd.f32 v50, v27  }
0x260: {  	v52 =	vadd.f32 v24, v30  }
0x261: {  	v22 =	vadd.f32 v49, v47;
	v53 =	vmul.f32 v26, v26;
	v27 =	vadd.f32 v51, v27  }
0x262: {  	v54 =	vadd.f32 v26, v52  }
0x263: {  	v55 =	vmul.f32 v22, v22;
	v27 =	vadd.f32 v53, v27  }
0x264: {  	v28 =	vadd.f32 v22, v54  }
0x265: {  	v27 =	vadd.f32 v55, v27  }
0x266: {  	(xrf2) =	vadd.scan.msk.f32 $0xffff, v28  }
0x267: {  	(xrf2) =	vadd.scan.msk.f32 $0xffff, v27;
	_ =	sdelay $0x8  }
0x268: {  	v56, _, _ =	vpop (xrf2)  }
0x269: {  	(v2sf) =	vpush v56, $0xF;
	v57, _, _ =	vpop (xrf2)  }
0x26a: {  	(v2sf) =	vpush v57, $0xF;
	_ =	sdelay $0xd  }
0x26b: {  	s7 =	spop (v2sf)  }
0x26c: {  	s0 =	smul.f32 $7.812500000e-03, s7;
	s31 =	spop (v2sf)  }
0x26d: {  	s7 =	smul.f32 $7.812500000e-03, s31  }
0x26e: {  	s31 =	smul.f32 s0, s0;
	_ =	sdelay $0x1  }
0x26f: {  	s7 =	ssub.f32 s7, s31;
	_ =	sdelay $0x1  }
0x270: {  	s7 =	sadd.f32 $9.999999960e-13, s7;
	_ =	sdelay $0x1  }
0x271: {  	v58 =	vmov s7  }
0x272: {  	v59 =	vshrl.u32 v58, $0x1;
	v27 =	vmul.f32 $5.000000000e-01, v58  }
0x273: {  	v28 =	vsub.s32 $0x5F3759DF, v59  }
0x274: {  	v60 =	vmul.f32 v28, v27;
	_ =	sdelay $0x1  }
0x275: {  	v29 =	vmul.f32 v28, v60;
	_ =	sdelay $0x1  }
0x276: {  	v29 =	vsub.f32 $1.500000000e+00, v29;
	_ =	sdelay $0x1  }
0x277: {  	v28 =	vmul.f32 v28, v29;
	_ =	sdelay $0x1  }
0x278: {  	v27 =	vmul.f32 v28, v27;
	_ =	sdelay $0x1  }
0x279: {  	v27 =	vmul.f32 v27, v28;
	_ =	sdelay $0x1  }
0x27a: {  	v27 =	vsub.f32 $1.500000000e+00, v27  }
0x27b: {  	v61 =	vmov s0  }
0x27c: {  	(v2sf) =	vpush v18, $0x8;
	v19 =	vsub.f32 v19, v61;
	v27 =	vmul.f32 v27, v28  }
0x27d: {  	v20 =	vsub.f32 v36, v61  }
0x27e: {  	v23 =	vsub.f32 v23, v61;
	v25 =	vsub.f32 v25, v61;
	v19 =	vmul.f32 v27, v19  }
0x27f: {  	v21 =	vsub.f32 v21, v61;
	v24 =	vsub.f32 v24, v61;
	v20 =	vmul.f32 v27, v20  }
0x280: {  	v26 =	vsub.f32 v26, v61;
	v25 =	vmul.f32 v27, v25;
	v19 =	vmul.f32 v19, v2  }
0x281: {  	v22 =	vsub.f32 v22, v61;
	v23 =	vmul.f32 v27, v23;
	v20 =	vmul.f32 v20, v3  }
0x282: {  	v24 =	vmul.f32 v27, v24;
	v25 =	vmul.f32 v25, v5;
	v19 =	vadd.f32 v19, v10  }
0x283: {  	s0 =	sor.u32 $0x8, s29;
	v21 =	vmul.f32 v27, v21;
	v23 =	vmul.f32 v23, v4;
	v20 =	vadd.f32 v20, v11  }
0x284: {  	s7 =	sor.u32 s26, s0;
	v22 =	vmul.f32 v27, v22;
	v24 =	vmul.f32 v24, v7;
	v63 =	vadd.f32 v25, v13;
	[tilespmem:s30+$0x4100] =	vst v19  }
0x285: {  	s31 =	smulhi.u32 $0x51EB851F, s7;
	v62 =	vmul.f32 v27, v26;
	v21 =	vmul.f32 v21, v6;
	v19 =	vadd.f32 v23, v12;
	[tilespmem:s30+$0x4110] =	vst v20  }
0x286: {  	v22 =	vmul.f32 v22, v9;
	v29 =	vadd.f32 v24, v15;
	[tilespmem:s30+$0x4130] =	vst v63  }
0x287: {  	s31 =	sshrl.u32 s31, $0x6;
	v28 =	vmul.f32 v62, v8;
	[tilespmem:s30+$0x4120] =	vst v19;
	v19 =	vadd.f32 v21, v14  }
0x288: {  	s31 =	smul.u32 $0xC8, s31;
	v30 =	vadd.f32 v22, v17;
	[tilespmem:s30+$0x4150] =	vst v29  }
0x289: {  	[tilespmem:s30+$0x4140] =	vst v19;
	v19 =	vadd.f32 v28, v16  }
0x28a: {  	s7 =	ssub.s32 s7, s31;
	[tilespmem:s30+$0x4170] =	vst v30  }
0x28b: {  	s7 =	sshll.u32 s7, $0x8;
	s31 =	spop (v2sf);
	[tilespmem:s30+$0x4160] =	vst v19;
	s30 =	sshll.u32 s0, $0x7  }
0x28c: {  	s0 =	sadd.s32 s31, s7;
	v19 =	vld [tilespmem:s30+$0x100]  }
0x28d: {  	v20 =	vld [tilespmem:s0+$0x8100]  }
0x28e: {  	v31 =	vld [tilespmem:s30+$0x110]  }
0x28f: {  	v32 =	vld [tilespmem:s0+$0x8110]  }
0x290: {  	v33 =	vld [tilespmem:s30+$0x120]  }
0x291: {  	v34 =	vld [tilespmem:s0+$0x8120]  }
0x292: {  	v35 =	vld [tilespmem:s30+$0x130]  }
0x293: {  	v36 =	vld [tilespmem:s0+$0x8130]  }
0x294: {  	v38 =	vld [tilespmem:s30+$0x140];
	v19 =	vadd.f32 v20, v19;
	v37 =	vadd.f32 v32, v31  }
0x295: {  	v39 =	vld [tilespmem:s0+$0x8140]  }
0x296: {  	v40 =	vld [tilespmem:s30+$0x150];
	v23 =	vadd.f32 v34, v33;
	v41 =	vmul.f32 v19, v19;
	v42 =	vmul.f32 v37, v37  }
0x297: {  	v43 =	vld [tilespmem:s0+$0x8150];
	v44 =	vadd.f32 v37, v19  }
0x298: {  	v45 =	vld [tilespmem:s30+$0x160];
	v25 =	vadd.f32 v36, v35;
	v46 =	vmul.f32 v23, v23;
	v27 =	vadd.f32 v42, v41  }
0x299: {  	v47 =	vld [tilespmem:s0+$0x8160];
	v30 =	vadd.f32 v23, v44  }
0x29a: {  	v48 =	vld [tilespmem:s30+$0x170];
	v21 =	vadd.f32 v39, v38;
	v49 =	vmul.f32 v25, v25;
	v27 =	vadd.f32 v46, v27  }
0x29b: {  	v50 =	vld [tilespmem:s0+$0x8170];
	v30 =	vadd.f32 v25, v30  }
0x29c: {  	v24 =	vadd.f32 v43, v40;
	v51 =	vmul.f32 v21, v21;
	v27 =	vadd.f32 v49, v27  }
0x29d: {  	v30 =	vadd.f32 v21, v30  }
0x29e: {  	v26 =	vadd.f32 v47, v45;
	v52 =	vmul.f32 v24, v24;
	v27 =	vadd.f32 v51, v27  }
0x29f: {  	v53 =	vadd.f32 v24, v30  }
0x2a0: {  	v22 =	vadd.f32 v50, v48;
	v54 =	vmul.f32 v26, v26;
	v27 =	vadd.f32 v52, v27  }
0x2a1: {  	v55 =	vadd.f32 v26, v53  }
0x2a2: {  	v56 =	vmul.f32 v22, v22;
	v27 =	vadd.f32 v54, v27  }
0x2a3: {  	v28 =	vadd.f32 v22, v55  }
0x2a4: {  	v27 =	vadd.f32 v56, v27  }
0x2a5: {  	(xrf2) =	vadd.scan.msk.f32 $0xffff, v28  }
0x2a6: {  	(xrf2) =	vadd.scan.msk.f32 $0xffff, v27;
	_ =	sdelay $0x8  }
0x2a7: {  	v57, _, _ =	vpop (xrf2)  }
0x2a8: {  	(v2sf) =	vpush v57, $0xF;
	v58, _, _ =	vpop (xrf2)  }
0x2a9: {  	(v2sf) =	vpush v58, $0xF;
	_ =	sdelay $0xd  }
0x2aa: {  	s7 =	spop (v2sf)  }
0x2ab: {  	s0 =	smul.f32 $7.812500000e-03, s7;
	s31 =	spop (v2sf)  }
0x2ac: {  	s7 =	smul.f32 $7.812500000e-03, s31  }
0x2ad: {  	s31 =	smul.f32 s0, s0;
	_ =	sdelay $0x1  }
0x2ae: {  	s7 =	ssub.f32 s7, s31;
	_ =	sdelay $0x1  }
0x2af: {  	s7 =	sadd.f32 $9.999999960e-13, s7;
	_ =	sdelay $0x1  }
0x2b0: {  	v59 =	vmov s7  }
0x2b1: {  	v60 =	vshrl.u32 v59, $0x1;
	v27 =	vmul.f32 $5.000000000e-01, v59  }
0x2b2: {  	v28 =	vsub.s32 $0x5F3759DF, v60  }
0x2b3: {  	v61 =	vmul.f32 v28, v27;
	_ =	sdelay $0x1  }
0x2b4: {  	v29 =	vmul.f32 v28, v61;
	_ =	sdelay $0x1  }
0x2b5: {  	v29 =	vsub.f32 $1.500000000e+00, v29;
	_ =	sdelay $0x1  }
0x2b6: {  	v28 =	vmul.f32 v28, v29;
	_ =	sdelay $0x1  }
0x2b7: {  	v27 =	vmul.f32 v28, v27;
	_ =	sdelay $0x1  }
0x2b8: {  	v27 =	vmul.f32 v27, v28;
	_ =	sdelay $0x1  }
0x2b9: {  	v27 =	vsub.f32 $1.500000000e+00, v27  }
0x2ba: {  	v62 =	vmov s0  }
0x2bb: {  	(v2sf) =	vpush v18, $0x9;
	v19 =	vsub.f32 v19, v62;
	v27 =	vmul.f32 v27, v28  }
0x2bc: {  	v20 =	vsub.f32 v37, v62  }
0x2bd: {  	v23 =	vsub.f32 v23, v62;
	v25 =	vsub.f32 v25, v62;
	v19 =	vmul.f32 v27, v19  }
0x2be: {  	v21 =	vsub.f32 v21, v62;
	v24 =	vsub.f32 v24, v62;
	v20 =	vmul.f32 v27, v20  }
0x2bf: {  	v26 =	vsub.f32 v26, v62;
	v25 =	vmul.f32 v27, v25;
	v19 =	vmul.f32 v19, v2  }
0x2c0: {  	v22 =	vsub.f32 v22, v62;
	v23 =	vmul.f32 v27, v23;
	v20 =	vmul.f32 v20, v3  }
0x2c1: {  	v24 =	vmul.f32 v27, v24;
	v25 =	vmul.f32 v25, v5;
	v19 =	vadd.f32 v19, v10  }
0x2c2: {  	s0 =	sor.u32 $0x9, s29;
	v21 =	vmul.f32 v27, v21;
	v23 =	vmul.f32 v23, v4;
	v20 =	vadd.f32 v20, v11  }
0x2c3: {  	s7 =	sor.u32 s26, s0;
	v22 =	vmul.f32 v27, v22;
	v24 =	vmul.f32 v24, v7;
	v28 =	vadd.f32 v25, v13;
	[tilespmem:s30+$0x4100] =	vst v19  }
0x2c4: {  	s31 =	smulhi.u32 $0x51EB851F, s7;
	v63 =	vmul.f32 v27, v26;
	v21 =	vmul.f32 v21, v6;
	v19 =	vadd.f32 v23, v12;
	[tilespmem:s30+$0x4110] =	vst v20  }
0x2c5: {  	v22 =	vmul.f32 v22, v9;
	v30 =	vadd.f32 v24, v15;
	[tilespmem:s30+$0x4130] =	vst v28  }
0x2c6: {  	s31 =	sshrl.u32 s31, $0x6;
	v29 =	vmul.f32 v63, v8;
	[tilespmem:s30+$0x4120] =	vst v19;
	v19 =	vadd.f32 v21, v14  }
0x2c7: {  	s31 =	smul.u32 $0xC8, s31;
	v31 =	vadd.f32 v22, v17;
	[tilespmem:s30+$0x4150] =	vst v30  }
0x2c8: {  	[tilespmem:s30+$0x4140] =	vst v19;
	v19 =	vadd.f32 v29, v16  }
0x2c9: {  	s7 =	ssub.s32 s7, s31;
	[tilespmem:s30+$0x4170] =	vst v31  }
0x2ca: {  	s7 =	sshll.u32 s7, $0x8;
	s31 =	spop (v2sf);
	[tilespmem:s30+$0x4160] =	vst v19;
	s30 =	sshll.u32 s0, $0x7  }
0x2cb: {  	s0 =	sadd.s32 s31, s7;
	v19 =	vld [tilespmem:s30+$0x100]  }
0x2cc: {  	v20 =	vld [tilespmem:s0+$0x8100]  }
0x2cd: {  	v32 =	vld [tilespmem:s30+$0x110]  }
0x2ce: {  	v33 =	vld [tilespmem:s0+$0x8110]  }
0x2cf: {  	v34 =	vld [tilespmem:s30+$0x120]  }
0x2d0: {  	v35 =	vld [tilespmem:s0+$0x8120]  }
0x2d1: {  	v36 =	vld [tilespmem:s30+$0x130]  }
0x2d2: {  	v37 =	vld [tilespmem:s0+$0x8130]  }
0x2d3: {  	v39 =	vld [tilespmem:s30+$0x140];
	v19 =	vadd.f32 v20, v19;
	v38 =	vadd.f32 v33, v32  }
0x2d4: {  	v40 =	vld [tilespmem:s0+$0x8140]  }
0x2d5: {  	v41 =	vld [tilespmem:s30+$0x150];
	v23 =	vadd.f32 v35, v34;
	v42 =	vmul.f32 v19, v19;
	v43 =	vmul.f32 v38, v38  }
0x2d6: {  	v44 =	vld [tilespmem:s0+$0x8150];
	v45 =	vadd.f32 v38, v19  }
0x2d7: {  	v46 =	vld [tilespmem:s30+$0x160];
	v25 =	vadd.f32 v37, v36;
	v47 =	vmul.f32 v23, v23;
	v27 =	vadd.f32 v43, v42  }
0x2d8: {  	v48 =	vld [tilespmem:s0+$0x8160];
	v30 =	vadd.f32 v23, v45  }
0x2d9: {  	v49 =	vld [tilespmem:s30+$0x170];
	v21 =	vadd.f32 v40, v39;
	v50 =	vmul.f32 v25, v25;
	v27 =	vadd.f32 v47, v27  }
0x2da: {  	v51 =	vld [tilespmem:s0+$0x8170];
	v30 =	vadd.f32 v25, v30  }
0x2db: {  	v24 =	vadd.f32 v44, v41;
	v52 =	vmul.f32 v21, v21;
	v27 =	vadd.f32 v50, v27  }
0x2dc: {  	v30 =	vadd.f32 v21, v30  }
0x2dd: {  	v26 =	vadd.f32 v48, v46;
	v53 =	vmul.f32 v24, v24;
	v27 =	vadd.f32 v52, v27  }
0x2de: {  	v54 =	vadd.f32 v24, v30  }
0x2df: {  	v22 =	vadd.f32 v51, v49;
	v55 =	vmul.f32 v26, v26;
	v27 =	vadd.f32 v53, v27  }
0x2e0: {  	v56 =	vadd.f32 v26, v54  }
0x2e1: {  	v57 =	vmul.f32 v22, v22;
	v27 =	vadd.f32 v55, v27  }
0x2e2: {  	v28 =	vadd.f32 v22, v56  }
0x2e3: {  	v27 =	vadd.f32 v57, v27  }
0x2e4: {  	(xrf2) =	vadd.scan.msk.f32 $0xffff, v28  }
0x2e5: {  	(xrf2) =	vadd.scan.msk.f32 $0xffff, v27;
	_ =	sdelay $0x8  }
0x2e6: {  	v58, _, _ =	vpop (xrf2)  }
0x2e7: {  	(v2sf) =	vpush v58, $0xF;
	v59, _, _ =	vpop (xrf2)  }
0x2e8: {  	(v2sf) =	vpush v59, $0xF;
	_ =	sdelay $0xd  }
0x2e9: {  	s7 =	spop (v2sf)  }
0x2ea: {  	s0 =	smul.f32 $7.812500000e-03, s7;
	s31 =	spop (v2sf)  }
0x2eb: {  	s7 =	smul.f32 $7.812500000e-03, s31  }
0x2ec: {  	s31 =	smul.f32 s0, s0;
	_ =	sdelay $0x1  }
0x2ed: {  	s7 =	ssub.f32 s7, s31;
	_ =	sdelay $0x1  }
0x2ee: {  	s7 =	sadd.f32 $9.999999960e-13, s7;
	_ =	sdelay $0x1  }
0x2ef: {  	v60 =	vmov s7  }
0x2f0: {  	v61 =	vshrl.u32 v60, $0x1;
	v27 =	vmul.f32 $5.000000000e-01, v60  }
0x2f1: {  	v28 =	vsub.s32 $0x5F3759DF, v61  }
0x2f2: {  	v62 =	vmul.f32 v28, v27;
	_ =	sdelay $0x1  }
0x2f3: {  	v29 =	vmul.f32 v28, v62;
	_ =	sdelay $0x1  }
0x2f4: {  	v29 =	vsub.f32 $1.500000000e+00, v29;
	_ =	sdelay $0x1  }
0x2f5: {  	v28 =	vmul.f32 v28, v29;
	_ =	sdelay $0x1  }
0x2f6: {  	v27 =	vmul.f32 v28, v27;
	_ =	sdelay $0x1  }
0x2f7: {  	v27 =	vmul.f32 v27, v28;
	_ =	sdelay $0x1  }
0x2f8: {  	v27 =	vsub.f32 $1.500000000e+00, v27  }
0x2f9: {  	v63 =	vmov s0  }
0x2fa: {  	(v2sf) =	vpush v18, $0xA;
	v19 =	vsub.f32 v19, v63;
	v27 =	vmul.f32 v27, v28  }
0x2fb: {  	v20 =	vsub.f32 v38, v63  }
0x2fc: {  	v23 =	vsub.f32 v23, v63;
	v25 =	vsub.f32 v25, v63;
	v19 =	vmul.f32 v27, v19  }
0x2fd: {  	v21 =	vsub.f32 v21, v63;
	v24 =	vsub.f32 v24, v63;
	v20 =	vmul.f32 v27, v20  }
0x2fe: {  	v26 =	vsub.f32 v26, v63;
	v25 =	vmul.f32 v27, v25;
	v19 =	vmul.f32 v19, v2  }
0x2ff: {  	v22 =	vsub.f32 v22, v63;
	v23 =	vmul.f32 v27, v23;
	v20 =	vmul.f32 v20, v3  }
0x300: {  	v24 =	vmul.f32 v27, v24;
	v25 =	vmul.f32 v25, v5;
	v19 =	vadd.f32 v19, v10  }
0x301: {  	s0 =	sor.u32 $0xA, s29;
	v21 =	vmul.f32 v27, v21;
	v23 =	vmul.f32 v23, v4;
	v20 =	vadd.f32 v20, v11  }
0x302: {  	s7 =	sor.u32 s26, s0;
	v22 =	vmul.f32 v27, v22;
	v24 =	vmul.f32 v24, v7;
	v29 =	vadd.f32 v25, v13;
	[tilespmem:s30+$0x4100] =	vst v19  }
0x303: {  	s31 =	smulhi.u32 $0x51EB851F, s7;
	v28 =	vmul.f32 v27, v26;
	v21 =	vmul.f32 v21, v6;
	v19 =	vadd.f32 v23, v12;
	[tilespmem:s30+$0x4110] =	vst v20  }
0x304: {  	v22 =	vmul.f32 v22, v9;
	v31 =	vadd.f32 v24, v15;
	[tilespmem:s30+$0x4130] =	vst v29  }
0x305: {  	s31 =	sshrl.u32 s31, $0x6;
	v30 =	vmul.f32 v28, v8;
	[tilespmem:s30+$0x4120] =	vst v19;
	v19 =	vadd.f32 v21, v14  }
0x306: {  	s31 =	smul.u32 $0xC8, s31;
	v32 =	vadd.f32 v22, v17;
	[tilespmem:s30+$0x4150] =	vst v31  }
0x307: {  	[tilespmem:s30+$0x4140] =	vst v19;
	v19 =	vadd.f32 v30, v16  }
0x308: {  	s7 =	ssub.s32 s7, s31;
	[tilespmem:s30+$0x4170] =	vst v32  }
0x309: {  	s7 =	sshll.u32 s7, $0x8;
	s31 =	spop (v2sf);
	[tilespmem:s30+$0x4160] =	vst v19;
	s30 =	sshll.u32 s0, $0x7  }
0x30a: {  	s0 =	sadd.s32 s31, s7;
	v19 =	vld [tilespmem:s30+$0x100]  }
0x30b: {  	v20 =	vld [tilespmem:s0+$0x8100]  }
0x30c: {  	v33 =	vld [tilespmem:s30+$0x110]  }
0x30d: {  	v34 =	vld [tilespmem:s0+$0x8110]  }
0x30e: {  	v35 =	vld [tilespmem:s30+$0x120]  }
0x30f: {  	v36 =	vld [tilespmem:s0+$0x8120]  }
0x310: {  	v37 =	vld [tilespmem:s30+$0x130]  }
0x311: {  	v38 =	vld [tilespmem:s0+$0x8130]  }
0x312: {  	v40 =	vld [tilespmem:s30+$0x140];
	v19 =	vadd.f32 v20, v19;
	v39 =	vadd.f32 v34, v33  }
0x313: {  	v41 =	vld [tilespmem:s0+$0x8140]  }
0x314: {  	v42 =	vld [tilespmem:s30+$0x150];
	v23 =	vadd.f32 v36, v35;
	v43 =	vmul.f32 v19, v19;
	v44 =	vmul.f32 v39, v39  }
0x315: {  	v45 =	vld [tilespmem:s0+$0x8150];
	v46 =	vadd.f32 v39, v19  }
0x316: {  	v47 =	vld [tilespmem:s30+$0x160];
	v25 =	vadd.f32 v38, v37;
	v48 =	vmul.f32 v23, v23;
	v27 =	vadd.f32 v44, v43  }
0x317: {  	v49 =	vld [tilespmem:s0+$0x8160];
	v30 =	vadd.f32 v23, v46  }
0x318: {  	v50 =	vld [tilespmem:s30+$0x170];
	v21 =	vadd.f32 v41, v40;
	v51 =	vmul.f32 v25, v25;
	v27 =	vadd.f32 v48, v27  }
0x319: {  	v52 =	vld [tilespmem:s0+$0x8170];
	v30 =	vadd.f32 v25, v30  }
0x31a: {  	v24 =	vadd.f32 v45, v42;
	v53 =	vmul.f32 v21, v21;
	v27 =	vadd.f32 v51, v27  }
0x31b: {  	v30 =	vadd.f32 v21, v30  }
0x31c: {  	v26 =	vadd.f32 v49, v47;
	v54 =	vmul.f32 v24, v24;
	v27 =	vadd.f32 v53, v27  }
0x31d: {  	v55 =	vadd.f32 v24, v30  }
0x31e: {  	v22 =	vadd.f32 v52, v50;
	v56 =	vmul.f32 v26, v26;
	v27 =	vadd.f32 v54, v27  }
0x31f: {  	v57 =	vadd.f32 v26, v55  }
0x320: {  	v58 =	vmul.f32 v22, v22;
	v27 =	vadd.f32 v56, v27  }
0x321: {  	v28 =	vadd.f32 v22, v57  }
0x322: {  	v27 =	vadd.f32 v58, v27  }
0x323: {  	(xrf2) =	vadd.scan.msk.f32 $0xffff, v28  }
0x324: {  	(xrf2) =	vadd.scan.msk.f32 $0xffff, v27;
	_ =	sdelay $0x8  }
0x325: {  	v59, _, _ =	vpop (xrf2)  }
0x326: {  	(v2sf) =	vpush v59, $0xF;
	v60, _, _ =	vpop (xrf2)  }
0x327: {  	(v2sf) =	vpush v60, $0xF;
	_ =	sdelay $0xd  }
0x328: {  	s7 =	spop (v2sf)  }
0x329: {  	s0 =	smul.f32 $7.812500000e-03, s7;
	s31 =	spop (v2sf)  }
0x32a: {  	s7 =	smul.f32 $7.812500000e-03, s31  }
0x32b: {  	s31 =	smul.f32 s0, s0;
	_ =	sdelay $0x1  }
0x32c: {  	s7 =	ssub.f32 s7, s31;
	_ =	sdelay $0x1  }
0x32d: {  	s7 =	sadd.f32 $9.999999960e-13, s7;
	_ =	sdelay $0x1  }
0x32e: {  	v61 =	vmov s7  }
0x32f: {  	v62 =	vshrl.u32 v61, $0x1;
	v27 =	vmul.f32 $5.000000000e-01, v61  }
0x330: {  	v28 =	vsub.s32 $0x5F3759DF, v62  }
0x331: {  	v63 =	vmul.f32 v28, v27;
	_ =	sdelay $0x1  }
0x332: {  	v29 =	vmul.f32 v28, v63;
	_ =	sdelay $0x1  }
0x333: {  	v29 =	vsub.f32 $1.500000000e+00, v29;
	_ =	sdelay $0x1  }
0x334: {  	v28 =	vmul.f32 v28, v29;
	_ =	sdelay $0x1  }
0x335: {  	v27 =	vmul.f32 v28, v27;
	_ =	sdelay $0x1  }
0x336: {  	v27 =	vmul.f32 v27, v28;
	_ =	sdelay $0x1  }
0x337: {  	v27 =	vsub.f32 $1.500000000e+00, v27  }
0x338: {  	v32 =	vmov s0  }
0x339: {  	(v2sf) =	vpush v18, $0xB;
	v19 =	vsub.f32 v19, v32;
	v27 =	vmul.f32 v27, v28  }
0x33a: {  	v20 =	vsub.f32 v39, v32  }
0x33b: {  	v23 =	vsub.f32 v23, v32;
	v25 =	vsub.f32 v25, v32;
	v19 =	vmul.f32 v27, v19  }
0x33c: {  	v21 =	vsub.f32 v21, v32;
	v24 =	vsub.f32 v24, v32;
	v20 =	vmul.f32 v27, v20  }
0x33d: {  	v26 =	vsub.f32 v26, v32;
	v25 =	vmul.f32 v27, v25;
	v19 =	vmul.f32 v19, v2  }
0x33e: {  	v22 =	vsub.f32 v22, v32;
	v23 =	vmul.f32 v27, v23;
	v20 =	vmul.f32 v20, v3  }
0x33f: {  	v24 =	vmul.f32 v27, v24;
	v25 =	vmul.f32 v25, v5;
	v19 =	vadd.f32 v19, v10  }
0x340: {  	s0 =	sor.u32 $0xB, s29;
	v21 =	vmul.f32 v27, v21;
	v23 =	vmul.f32 v23, v4;
	v20 =	vadd.f32 v20, v11  }
0x341: {  	s7 =	sor.u32 s26, s0;
	v22 =	vmul.f32 v27, v22;
	v24 =	vmul.f32 v24, v7;
	v34 =	vadd.f32 v25, v13;
	[tilespmem:s30+$0x4100] =	vst v19  }
0x342: {  	s31 =	smulhi.u32 $0x51EB851F, s7;
	v33 =	vmul.f32 v27, v26;
	v21 =	vmul.f32 v21, v6;
	v19 =	vadd.f32 v23, v12;
	[tilespmem:s30+$0x4110] =	vst v20  }
0x343: {  	v22 =	vmul.f32 v22, v9;
	v36 =	vadd.f32 v24, v15;
	[tilespmem:s30+$0x4130] =	vst v34  }
0x344: {  	s31 =	sshrl.u32 s31, $0x6;
	v35 =	vmul.f32 v33, v8;
	[tilespmem:s30+$0x4120] =	vst v19;
	v19 =	vadd.f32 v21, v14  }
0x345: {  	s31 =	smul.u32 $0xC8, s31;
	v37 =	vadd.f32 v22, v17;
	[tilespmem:s30+$0x4150] =	vst v36  }
0x346: {  	[tilespmem:s30+$0x4140] =	vst v19;
	v19 =	vadd.f32 v35, v16  }
0x347: {  	s7 =	ssub.s32 s7, s31;
	[tilespmem:s30+$0x4170] =	vst v37  }
0x348: {  	s7 =	sshll.u32 s7, $0x8;
	s31 =	spop (v2sf);
	[tilespmem:s30+$0x4160] =	vst v19;
	s30 =	sshll.u32 s0, $0x7  }
0x349: {  	s0 =	sadd.s32 s31, s7;
	v19 =	vld [tilespmem:s30+$0x100]  }
0x34a: {  	v20 =	vld [tilespmem:s0+$0x8100]  }
0x34b: {  	v38 =	vld [tilespmem:s30+$0x110]  }
0x34c: {  	v39 =	vld [tilespmem:s0+$0x8110]  }
0x34d: {  	v40 =	vld [tilespmem:s30+$0x120]  }
0x34e: {  	v41 =	vld [tilespmem:s0+$0x8120]  }
0x34f: {  	v42 =	vld [tilespmem:s30+$0x130]  }
0x350: {  	v43 =	vld [tilespmem:s0+$0x8130]  }
0x351: {  	v45 =	vld [tilespmem:s30+$0x140];
	v19 =	vadd.f32 v20, v19;
	v44 =	vadd.f32 v39, v38  }
0x352: {  	v46 =	vld [tilespmem:s0+$0x8140]  }
0x353: {  	v47 =	vld [tilespmem:s30+$0x150];
	v23 =	vadd.f32 v41, v40;
	v48 =	vmul.f32 v19, v19;
	v49 =	vmul.f32 v44, v44  }
0x354: {  	v50 =	vld [tilespmem:s0+$0x8150];
	v51 =	vadd.f32 v44, v19  }
0x355: {  	v52 =	vld [tilespmem:s30+$0x160];
	v25 =	vadd.f32 v43, v42;
	v53 =	vmul.f32 v23, v23;
	v27 =	vadd.f32 v49, v48  }
0x356: {  	v54 =	vld [tilespmem:s0+$0x8160];
	v30 =	vadd.f32 v23, v51  }
0x357: {  	v55 =	vld [tilespmem:s30+$0x170];
	v21 =	vadd.f32 v46, v45;
	v56 =	vmul.f32 v25, v25;
	v27 =	vadd.f32 v53, v27  }
0x358: {  	v57 =	vld [tilespmem:s0+$0x8170];
	v30 =	vadd.f32 v25, v30  }
0x359: {  	v24 =	vadd.f32 v50, v47;
	v58 =	vmul.f32 v21, v21;
	v27 =	vadd.f32 v56, v27  }
0x35a: {  	v30 =	vadd.f32 v21, v30  }
0x35b: {  	v26 =	vadd.f32 v54, v52;
	v59 =	vmul.f32 v24, v24;
	v27 =	vadd.f32 v58, v27  }
0x35c: {  	v60 =	vadd.f32 v24, v30  }
0x35d: {  	v22 =	vadd.f32 v57, v55;
	v61 =	vmul.f32 v26, v26;
	v27 =	vadd.f32 v59, v27  }
0x35e: {  	v62 =	vadd.f32 v26, v60  }
0x35f: {  	v63 =	vmul.f32 v22, v22;
	v27 =	vadd.f32 v61, v27  }
0x360: {  	v28 =	vadd.f32 v22, v62  }
0x361: {  	v27 =	vadd.f32 v63, v27  }
0x362: {  	(xrf2) =	vadd.scan.msk.f32 $0xffff, v28  }
0x363: {  	(xrf2) =	vadd.scan.msk.f32 $0xffff, v27;
	_ =	sdelay $0x8  }
0x364: {  	v31, _, _ =	vpop (xrf2)  }
0x365: {  	(v2sf) =	vpush v31, $0xF;
	v32, _, _ =	vpop (xrf2)  }
0x366: {  	(v2sf) =	vpush v32, $0xF;
	_ =	sdelay $0xd  }
0x367: {  	s7 =	spop (v2sf)  }
0x368: {  	s0 =	smul.f32 $7.812500000e-03, s7;
	s31 =	spop (v2sf)  }
0x369: {  	s7 =	smul.f32 $7.812500000e-03, s31  }
0x36a: {  	s31 =	smul.f32 s0, s0;
	_ =	sdelay $0x1  }
0x36b: {  	s7 =	ssub.f32 s7, s31;
	_ =	sdelay $0x1  }
0x36c: {  	s7 =	sadd.f32 $9.999999960e-13, s7;
	_ =	sdelay $0x1  }
0x36d: {  	v33 =	vmov s7  }
0x36e: {  	v34 =	vshrl.u32 v33, $0x1;
	v27 =	vmul.f32 $5.000000000e-01, v33  }
0x36f: {  	v28 =	vsub.s32 $0x5F3759DF, v34  }
0x370: {  	v35 =	vmul.f32 v28, v27;
	_ =	sdelay $0x1  }
0x371: {  	v29 =	vmul.f32 v28, v35;
	_ =	sdelay $0x1  }
0x372: {  	v29 =	vsub.f32 $1.500000000e+00, v29;
	_ =	sdelay $0x1  }
0x373: {  	v28 =	vmul.f32 v28, v29;
	_ =	sdelay $0x1  }
0x374: {  	v27 =	vmul.f32 v28, v27;
	_ =	sdelay $0x1  }
0x375: {  	v27 =	vmul.f32 v27, v28;
	_ =	sdelay $0x1  }
0x376: {  	v27 =	vsub.f32 $1.500000000e+00, v27  }
0x377: {  	v36 =	vmov s0  }
0x378: {  	(v2sf) =	vpush v18, $0xC;
	v19 =	vsub.f32 v19, v36;
	v27 =	vmul.f32 v27, v28  }
0x379: {  	v20 =	vsub.f32 v44, v36  }
0x37a: {  	v23 =	vsub.f32 v23, v36;
	v25 =	vsub.f32 v25, v36;
	v19 =	vmul.f32 v27, v19  }
0x37b: {  	v21 =	vsub.f32 v21, v36;
	v24 =	vsub.f32 v24, v36;
	v20 =	vmul.f32 v27, v20  }
0x37c: {  	v26 =	vsub.f32 v26, v36;
	v25 =	vmul.f32 v27, v25;
	v19 =	vmul.f32 v19, v2  }
0x37d: {  	v22 =	vsub.f32 v22, v36;
	v23 =	vmul.f32 v27, v23;
	v20 =	vmul.f32 v20, v3  }
0x37e: {  	v24 =	vmul.f32 v27, v24;
	v25 =	vmul.f32 v25, v5;
	v19 =	vadd.f32 v19, v10  }
0x37f: {  	s0 =	sor.u32 $0xC, s29;
	v21 =	vmul.f32 v27, v21;
	v23 =	vmul.f32 v23, v4;
	v20 =	vadd.f32 v20, v11  }
0x380: {  	s7 =	sor.u32 s26, s0;
	v22 =	vmul.f32 v27, v22;
	v24 =	vmul.f32 v24, v7;
	v38 =	vadd.f32 v25, v13;
	[tilespmem:s30+$0x4100] =	vst v19  }
0x381: {  	s31 =	smulhi.u32 $0x51EB851F, s7;
	v37 =	vmul.f32 v27, v26;
	v21 =	vmul.f32 v21, v6;
	v19 =	vadd.f32 v23, v12;
	[tilespmem:s30+$0x4110] =	vst v20  }
0x382: {  	v22 =	vmul.f32 v22, v9;
	v40 =	vadd.f32 v24, v15;
	[tilespmem:s30+$0x4130] =	vst v38  }
0x383: {  	s31 =	sshrl.u32 s31, $0x6;
	v39 =	vmul.f32 v37, v8;
	[tilespmem:s30+$0x4120] =	vst v19;
	v19 =	vadd.f32 v21, v14  }
0x384: {  	s31 =	smul.u32 $0xC8, s31;
	v41 =	vadd.f32 v22, v17;
	[tilespmem:s30+$0x4150] =	vst v40  }
0x385: {  	[tilespmem:s30+$0x4140] =	vst v19;
	v19 =	vadd.f32 v39, v16  }
0x386: {  	s7 =	ssub.s32 s7, s31;
	[tilespmem:s30+$0x4170] =	vst v41  }
0x387: {  	s7 =	sshll.u32 s7, $0x8;
	s31 =	spop (v2sf);
	[tilespmem:s30+$0x4160] =	vst v19;
	s30 =	sshll.u32 s0, $0x7  }
0x388: {  	s0 =	sadd.s32 s31, s7;
	v19 =	vld [tilespmem:s30+$0x100]  }
0x389: {  	v20 =	vld [tilespmem:s0+$0x8100]  }
0x38a: {  	v42 =	vld [tilespmem:s30+$0x110]  }
0x38b: {  	v43 =	vld [tilespmem:s0+$0x8110]  }
0x38c: {  	v44 =	vld [tilespmem:s30+$0x120]  }
0x38d: {  	v45 =	vld [tilespmem:s0+$0x8120]  }
0x38e: {  	v46 =	vld [tilespmem:s30+$0x130]  }
0x38f: {  	v47 =	vld [tilespmem:s0+$0x8130]  }
0x390: {  	v49 =	vld [tilespmem:s30+$0x140];
	v19 =	vadd.f32 v20, v19;
	v48 =	vadd.f32 v43, v42  }
0x391: {  	v50 =	vld [tilespmem:s0+$0x8140]  }
0x392: {  	v51 =	vld [tilespmem:s30+$0x150];
	v23 =	vadd.f32 v45, v44;
	v52 =	vmul.f32 v19, v19;
	v53 =	vmul.f32 v48, v48  }
0x393: {  	v54 =	vld [tilespmem:s0+$0x8150];
	v55 =	vadd.f32 v48, v19  }
0x394: {  	v56 =	vld [tilespmem:s30+$0x160];
	v25 =	vadd.f32 v47, v46;
	v57 =	vmul.f32 v23, v23;
	v27 =	vadd.f32 v53, v52  }
0x395: {  	v58 =	vld [tilespmem:s0+$0x8160];
	v30 =	vadd.f32 v23, v55  }
0x396: {  	v59 =	vld [tilespmem:s30+$0x170];
	v21 =	vadd.f32 v50, v49;
	v60 =	vmul.f32 v25, v25;
	v27 =	vadd.f32 v57, v27  }
0x397: {  	v61 =	vld [tilespmem:s0+$0x8170];
	v30 =	vadd.f32 v25, v30  }
0x398: {  	v24 =	vadd.f32 v54, v51;
	v62 =	vmul.f32 v21, v21;
	v27 =	vadd.f32 v60, v27  }
0x399: {  	v30 =	vadd.f32 v21, v30  }
0x39a: {  	v26 =	vadd.f32 v58, v56;
	v63 =	vmul.f32 v24, v24;
	v27 =	vadd.f32 v62, v27  }
0x39b: {  	v33 =	vadd.f32 v24, v30  }
0x39c: {  	v22 =	vadd.f32 v61, v59;
	v34 =	vmul.f32 v26, v26;
	v27 =	vadd.f32 v63, v27  }
0x39d: {  	v35 =	vadd.f32 v26, v33  }
0x39e: {  	v36 =	vmul.f32 v22, v22;
	v27 =	vadd.f32 v34, v27  }
0x39f: {  	v28 =	vadd.f32 v22, v35  }
0x3a0: {  	v27 =	vadd.f32 v36, v27  }
0x3a1: {  	(xrf2) =	vadd.scan.msk.f32 $0xffff, v28  }
0x3a2: {  	(xrf2) =	vadd.scan.msk.f32 $0xffff, v27;
	_ =	sdelay $0x8  }
0x3a3: {  	v37, _, _ =	vpop (xrf2)  }
0x3a4: {  	(v2sf) =	vpush v37, $0xF;
	v38, _, _ =	vpop (xrf2)  }
0x3a5: {  	(v2sf) =	vpush v38, $0xF;
	_ =	sdelay $0xd  }
0x3a6: {  	s7 =	spop (v2sf)  }
0x3a7: {  	s0 =	smul.f32 $7.812500000e-03, s7;
	s31 =	spop (v2sf)  }
0x3a8: {  	s7 =	smul.f32 $7.812500000e-03, s31  }
0x3a9: {  	s31 =	smul.f32 s0, s0;
	_ =	sdelay $0x1  }
0x3aa: {  	s7 =	ssub.f32 s7, s31;
	_ =	sdelay $0x1  }
0x3ab: {  	s7 =	sadd.f32 $9.999999960e-13, s7;
	_ =	sdelay $0x1  }
0x3ac: {  	v39 =	vmov s7  }
0x3ad: {  	v40 =	vshrl.u32 v39, $0x1;
	v27 =	vmul.f32 $5.000000000e-01, v39  }
0x3ae: {  	v28 =	vsub.s32 $0x5F3759DF, v40  }
0x3af: {  	v41 =	vmul.f32 v28, v27;
	_ =	sdelay $0x1  }
0x3b0: {  	v29 =	vmul.f32 v28, v41;
	_ =	sdelay $0x1  }
0x3b1: {  	v29 =	vsub.f32 $1.500000000e+00, v29;
	_ =	sdelay $0x1  }
0x3b2: {  	v28 =	vmul.f32 v28, v29;
	_ =	sdelay $0x1  }
0x3b3: {  	v27 =	vmul.f32 v28, v27;
	_ =	sdelay $0x1  }
0x3b4: {  	v27 =	vmul.f32 v27, v28;
	_ =	sdelay $0x1  }
0x3b5: {  	v27 =	vsub.f32 $1.500000000e+00, v27  }
0x3b6: {  	v42 =	vmov s0  }
0x3b7: {  	(v2sf) =	vpush v18, $0xD;
	v19 =	vsub.f32 v19, v42;
	v27 =	vmul.f32 v27, v28  }
0x3b8: {  	v20 =	vsub.f32 v48, v42  }
0x3b9: {  	v23 =	vsub.f32 v23, v42;
	v25 =	vsub.f32 v25, v42;
	v19 =	vmul.f32 v27, v19  }
0x3ba: {  	v21 =	vsub.f32 v21, v42;
	v24 =	vsub.f32 v24, v42;
	v20 =	vmul.f32 v27, v20  }
0x3bb: {  	v26 =	vsub.f32 v26, v42;
	v25 =	vmul.f32 v27, v25;
	v19 =	vmul.f32 v19, v2  }
0x3bc: {  	v22 =	vsub.f32 v22, v42;
	v23 =	vmul.f32 v27, v23;
	v20 =	vmul.f32 v20, v3  }
0x3bd: {  	v24 =	vmul.f32 v27, v24;
	v25 =	vmul.f32 v25, v5;
	v19 =	vadd.f32 v19, v10  }
0x3be: {  	s0 =	sor.u32 $0xD, s29;
	v21 =	vmul.f32 v27, v21;
	v23 =	vmul.f32 v23, v4;
	v20 =	vadd.f32 v20, v11  }
0x3bf: {  	s7 =	sor.u32 s26, s0;
	v22 =	vmul.f32 v27, v22;
	v24 =	vmul.f32 v24, v7;
	v44 =	vadd.f32 v25, v13;
	[tilespmem:s30+$0x4100] =	vst v19  }
0x3c0: {  	s31 =	smulhi.u32 $0x51EB851F, s7;
	v43 =	vmul.f32 v27, v26;
	v21 =	vmul.f32 v21, v6;
	v19 =	vadd.f32 v23, v12;
	[tilespmem:s30+$0x4110] =	vst v20  }
0x3c1: {  	v22 =	vmul.f32 v22, v9;
	v46 =	vadd.f32 v24, v15;
	[tilespmem:s30+$0x4130] =	vst v44  }
0x3c2: {  	s31 =	sshrl.u32 s31, $0x6;
	v45 =	vmul.f32 v43, v8;
	[tilespmem:s30+$0x4120] =	vst v19;
	v19 =	vadd.f32 v21, v14  }
0x3c3: {  	s31 =	smul.u32 $0xC8, s31;
	v47 =	vadd.f32 v22, v17;
	[tilespmem:s30+$0x4150] =	vst v46  }
0x3c4: {  	[tilespmem:s30+$0x4140] =	vst v19;
	v19 =	vadd.f32 v45, v16  }
0x3c5: {  	s7 =	ssub.s32 s7, s31;
	[tilespmem:s30+$0x4170] =	vst v47  }
0x3c6: {  	s7 =	sshll.u32 s7, $0x8;
	s31 =	spop (v2sf);
	[tilespmem:s30+$0x4160] =	vst v19;
	s30 =	sshll.u32 s0, $0x7  }
0x3c7: {  	s0 =	sadd.s32 s31, s7;
	v19 =	vld [tilespmem:s30+$0x100]  }
0x3c8: {  	v20 =	vld [tilespmem:s0+$0x8100]  }
0x3c9: {  	v48 =	vld [tilespmem:s30+$0x110]  }
0x3ca: {  	v49 =	vld [tilespmem:s0+$0x8110]  }
0x3cb: {  	v50 =	vld [tilespmem:s30+$0x120]  }
0x3cc: {  	v51 =	vld [tilespmem:s0+$0x8120]  }
0x3cd: {  	v52 =	vld [tilespmem:s30+$0x130]  }
0x3ce: {  	v53 =	vld [tilespmem:s0+$0x8130]  }
0x3cf: {  	v55 =	vld [tilespmem:s30+$0x140];
	v19 =	vadd.f32 v20, v19;
	v54 =	vadd.f32 v49, v48  }
0x3d0: {  	v56 =	vld [tilespmem:s0+$0x8140]  }
0x3d1: {  	v57 =	vld [tilespmem:s30+$0x150];
	v23 =	vadd.f32 v51, v50;
	v58 =	vmul.f32 v19, v19;
	v59 =	vmul.f32 v54, v54  }
0x3d2: {  	v60 =	vld [tilespmem:s0+$0x8150];
	v61 =	vadd.f32 v54, v19  }
0x3d3: {  	v62 =	vld [tilespmem:s30+$0x160];
	v25 =	vadd.f32 v53, v52;
	v63 =	vmul.f32 v23, v23;
	v27 =	vadd.f32 v59, v58  }
0x3d4: {  	v36 =	vld [tilespmem:s0+$0x8160];
	v30 =	vadd.f32 v23, v61  }
0x3d5: {  	v37 =	vld [tilespmem:s30+$0x170];
	v21 =	vadd.f32 v56, v55;
	v38 =	vmul.f32 v25, v25;
	v27 =	vadd.f32 v63, v27  }
0x3d6: {  	v39 =	vld [tilespmem:s0+$0x8170];
	v30 =	vadd.f32 v25, v30  }
0x3d7: {  	v24 =	vadd.f32 v60, v57;
	v40 =	vmul.f32 v21, v21;
	v27 =	vadd.f32 v38, v27  }
0x3d8: {  	v30 =	vadd.f32 v21, v30  }
0x3d9: {  	v26 =	vadd.f32 v36, v62;
	v41 =	vmul.f32 v24, v24;
	v27 =	vadd.f32 v40, v27  }
0x3da: {  	v42 =	vadd.f32 v24, v30  }
0x3db: {  	v22 =	vadd.f32 v39, v37;
	v43 =	vmul.f32 v26, v26;
	v27 =	vadd.f32 v41, v27  }
0x3dc: {  	v44 =	vadd.f32 v26, v42  }
0x3dd: {  	v45 =	vmul.f32 v22, v22;
	v27 =	vadd.f32 v43, v27  }
0x3de: {  	v28 =	vadd.f32 v22, v44  }
0x3df: {  	v27 =	vadd.f32 v45, v27  }
0x3e0: {  	(xrf2) =	vadd.scan.msk.f32 $0xffff, v28  }
0x3e1: {  	(xrf2) =	vadd.scan.msk.f32 $0xffff, v27;
	_ =	sdelay $0x8  }
0x3e2: {  	v46, _, _ =	vpop (xrf2)  }
0x3e3: {  	(v2sf) =	vpush v46, $0xF;
	v47, _, _ =	vpop (xrf2)  }
0x3e4: {  	(v2sf) =	vpush v47, $0xF;
	_ =	sdelay $0xd  }
0x3e5: {  	s7 =	spop (v2sf)  }
0x3e6: {  	s0 =	smul.f32 $7.812500000e-03, s7;
	s31 =	spop (v2sf)  }
0x3e7: {  	s7 =	smul.f32 $7.812500000e-03, s31  }
0x3e8: {  	s31 =	smul.f32 s0, s0;
	_ =	sdelay $0x1  }
0x3e9: {  	s7 =	ssub.f32 s7, s31;
	_ =	sdelay $0x1  }
0x3ea: {  	s7 =	sadd.f32 $9.999999960e-13, s7;
	_ =	sdelay $0x1  }
0x3eb: {  	v48 =	vmov s7  }
0x3ec: {  	v49 =	vshrl.u32 v48, $0x1;
	v27 =	vmul.f32 $5.000000000e-01, v48  }
0x3ed: {  	v28 =	vsub.s32 $0x5F3759DF, v49  }
0x3ee: {  	v50 =	vmul.f32 v28, v27;
	_ =	sdelay $0x1  }
0x3ef: {  	v29 =	vmul.f32 v28, v50;
	_ =	sdelay $0x1  }
0x3f0: {  	v29 =	vsub.f32 $1.500000000e+00, v29;
	_ =	sdelay $0x1  }
0x3f1: {  	v28 =	vmul.f32 v28, v29;
	_ =	sdelay $0x1  }
0x3f2: {  	v27 =	vmul.f32 v28, v27;
	_ =	sdelay $0x1  }
0x3f3: {  	v27 =	vmul.f32 v27, v28;
	_ =	sdelay $0x1  }
0x3f4: {  	v27 =	vsub.f32 $1.500000000e+00, v27  }
0x3f5: {  	v51 =	vmov s0  }
0x3f6: {  	v19 =	vsub.f32 v19, v51;
	v27 =	vmul.f32 v27, v28  }
0x3f7: {  	(v2sf) =	vpush v18, $0xE;
	v20 =	vsub.f32 v54, v51  }
0x3f8: {  	v23 =	vsub.f32 v23, v51;
	v25 =	vsub.f32 v25, v51;
	v19 =	vmul.f32 v27, v19  }
0x3f9: {  	v21 =	vsub.f32 v21, v51;
	v24 =	vsub.f32 v24, v51;
	v20 =	vmul.f32 v27, v20  }
0x3fa: {  	v26 =	vsub.f32 v26, v51;
	v25 =	vmul.f32 v27, v25;
	v19 =	vmul.f32 v19, v2  }
0x3fb: {  	v22 =	vsub.f32 v22, v51;
	v23 =	vmul.f32 v27, v23;
	v20 =	vmul.f32 v20, v3  }
0x3fc: {  	v24 =	vmul.f32 v27, v24;
	v25 =	vmul.f32 v25, v5;
	v19 =	vadd.f32 v19, v10  }
0x3fd: {  	v21 =	vmul.f32 v27, v21;
	v23 =	vmul.f32 v23, v4;
	v20 =	vadd.f32 v20, v11  }
0x3fe: {  	s0 =	sor.u32 $0xE, s29;
	v22 =	vmul.f32 v27, v22;
	v24 =	vmul.f32 v24, v7;
	v53 =	vadd.f32 v25, v13;
	[tilespmem:s30+$0x4100] =	vst v19  }
0x3ff: {  	s7 =	sor.u32 s26, s0;
	v52 =	vmul.f32 v27, v26;
	v21 =	vmul.f32 v21, v6;
	v19 =	vadd.f32 v23, v12;
	[tilespmem:s30+$0x4110] =	vst v20  }
0x400: {  	s31 =	smulhi.u32 $0x51EB851F, s7;
	v22 =	vmul.f32 v22, v9;
	v55 =	vadd.f32 v24, v15;
	[tilespmem:s30+$0x4130] =	vst v53  }
0x401: {  	v54 =	vmul.f32 v52, v8;
	[tilespmem:s30+$0x4120] =	vst v19;
	v19 =	vadd.f32 v21, v14  }
0x402: {  	s29 =	sshrl.u32 s31, $0x6;
	v56 =	vadd.f32 v22, v17;
	[tilespmem:s30+$0x4150] =	vst v55  }
0x403: {  	s29 =	smul.u32 $0xC8, s29;
	[tilespmem:s30+$0x4140] =	vst v19;
	v19 =	vadd.f32 v54, v16  }
0x404: {  	[tilespmem:s30+$0x4170] =	vst v56  }
0x405: {  	s7 =	ssub.s32 s7, s29;
	s29 =	sshll.u32 s0, $0x7;
	[tilespmem:s30+$0x4160] =	vst v19  }
0x406: {  	s31 =	spop (v2sf);
	s30 =	sshll.u32 s7, $0x8;
	v19 =	vld [tilespmem:s29+$0x100]  }
0x407: {  	s0 =	sadd.s32 s31, s30;
	v57 =	vld [tilespmem:s29+$0x110]  }
0x408: {  	v20 =	vld [tilespmem:s0+$0x8100]  }
0x409: {  	v58 =	vld [tilespmem:s0+$0x8110]  }
0x40a: {  	v59 =	vld [tilespmem:s29+$0x120]  }
0x40b: {  	v60 =	vld [tilespmem:s0+$0x8120]  }
0x40c: {  	v61 =	vld [tilespmem:s29+$0x130]  }
0x40d: {  	v62 =	vld [tilespmem:s0+$0x8130]  }
0x40e: {  	v35 =	vld [tilespmem:s29+$0x140];
	v19 =	vadd.f32 v20, v19;
	v63 =	vadd.f32 v58, v57  }
0x40f: {  	v36 =	vld [tilespmem:s0+$0x8140]  }
0x410: {  	v37 =	vld [tilespmem:s29+$0x150];
	v23 =	vadd.f32 v60, v59;
	v38 =	vmul.f32 v19, v19;
	v39 =	vmul.f32 v63, v63  }
0x411: {  	v40 =	vld [tilespmem:s0+$0x8150];
	v41 =	vadd.f32 v63, v19  }
0x412: {  	v42 =	vld [tilespmem:s29+$0x160];
	v25 =	vadd.f32 v62, v61;
	v43 =	vmul.f32 v23, v23;
	v27 =	vadd.f32 v39, v38  }
0x413: {  	v44 =	vld [tilespmem:s0+$0x8160];
	v30 =	vadd.f32 v23, v41  }
0x414: {  	v45 =	vld [tilespmem:s29+$0x170];
	v21 =	vadd.f32 v36, v35;
	v46 =	vmul.f32 v25, v25;
	v27 =	vadd.f32 v43, v27  }
0x415: {  	v47 =	vld [tilespmem:s0+$0x8170];
	v30 =	vadd.f32 v25, v30  }
0x416: {  	v24 =	vadd.f32 v40, v37;
	v48 =	vmul.f32 v21, v21;
	v27 =	vadd.f32 v46, v27  }
0x417: {  	v30 =	vadd.f32 v21, v30  }
0x418: {  	v26 =	vadd.f32 v44, v42;
	v49 =	vmul.f32 v24, v24;
	v27 =	vadd.f32 v48, v27  }
0x419: {  	v50 =	vadd.f32 v24, v30  }
0x41a: {  	v22 =	vadd.f32 v47, v45;
	v51 =	vmul.f32 v26, v26;
	v27 =	vadd.f32 v49, v27  }
0x41b: {  	v52 =	vadd.f32 v26, v50  }
0x41c: {  	v53 =	vmul.f32 v22, v22;
	v27 =	vadd.f32 v51, v27  }
0x41d: {  	v28 =	vadd.f32 v22, v52  }
0x41e: {  	v27 =	vadd.f32 v53, v27  }
0x41f: {  	(xrf2) =	vadd.scan.msk.f32 $0xffff, v28  }
0x420: {  	(xrf2) =	vadd.scan.msk.f32 $0xffff, v27;
	_ =	sdelay $0x8  }
0x421: {  	v54, _, _ =	vpop (xrf2)  }
0x422: {  	(v2sf) =	vpush v54, $0xF;
	v55, _, _ =	vpop (xrf2)  }
0x423: {  	(v2sf) =	vpush v55, $0xF;
	_ =	sdelay $0xd  }
0x424: {  	s7 =	spop (v2sf)  }
0x425: {  	s0 =	smul.f32 $7.812500000e-03, s7;
	s30 =	spop (v2sf)  }
0x426: {  	s7 =	smul.f32 $7.812500000e-03, s30  }
0x427: {  	s31 =	smul.f32 s0, s0;
	_ =	sdelay $0x1  }
0x428: {  	s7 =	ssub.f32 s7, s31;
	_ =	sdelay $0x1  }
0x429: {  	s7 =	sadd.f32 $9.999999960e-13, s7;
	_ =	sdelay $0x1  }
0x42a: {  	v56 =	vmov s7  }
0x42b: {  	v57 =	vshrl.u32 v56, $0x1;
	v27 =	vmul.f32 $5.000000000e-01, v56  }
0x42c: {  	v28 =	vsub.s32 $0x5F3759DF, v57  }
0x42d: {  	v58 =	vmul.f32 v28, v27;
	_ =	sdelay $0x1  }
0x42e: {  	v29 =	vmul.f32 v28, v58;
	_ =	sdelay $0x1  }
0x42f: {  	v29 =	vsub.f32 $1.500000000e+00, v29;
	_ =	sdelay $0x1  }
0x430: {  	v28 =	vmul.f32 v28, v29;
	_ =	sdelay $0x1  }
0x431: {  	v27 =	vmul.f32 v28, v27;
	_ =	sdelay $0x1  }
0x432: {  	v27 =	vmul.f32 v27, v28;
	_ =	sdelay $0x1  }
0x433: {  	v27 =	vsub.f32 $1.500000000e+00, v27  }
0x434: {  	v59 =	vmov s0  }
0x435: {  	(v2sf) =	vpush v18, $0xF;
	v19 =	vsub.f32 v19, v59;
	v27 =	vmul.f32 v27, v28  }
0x436: {  	v20 =	vsub.f32 v63, v59  }
0x437: {  	v60 =	vsub.f32 v23, v59;
	v61 =	vsub.f32 v25, v59;
	v19 =	vmul.f32 v27, v19  }
0x438: {  	v21 =	vsub.f32 v21, v59;
	v24 =	vsub.f32 v24, v59;
	v18 =	vmul.f32 v27, v20  }
0x439: {  	v62 =	vsub.f32 v26, v59;
	v20 =	vmul.f32 v27, v60;
	v19 =	vmul.f32 v19, v2  }
0x43a: {  	v22 =	vsub.f32 v22, v59;
	v23 =	vmul.f32 v27, v61;
	v18 =	vmul.f32 v18, v3  }
0x43b: {  	v21 =	vmul.f32 v27, v21;
	v20 =	vmul.f32 v20, v4;
	v19 =	vadd.f32 v19, v10  }
0x43c: {  	s0 =	sshllo.u32 s28, $0x4;
	v24 =	vmul.f32 v27, v24;
	v23 =	vmul.f32 v23, v5;
	v18 =	vadd.f32 v18, v11  }
0x43d: {  	s7 =	sor.u32 s26, s0;
	v26 =	vmul.f32 v27, v62;
	v63 =	vmul.f32 v21, v6;
	[tilespmem:s29+$0x4100] =	vst v19;
	v19 =	vadd.f32 v20, v12  }
0x43e: {  	s31 =	smulhi.u32 $0x51EB851F, s7;
	v22 =	vmul.f32 v27, v22;
	v28 =	vmul.f32 v24, v7;
	[tilespmem:s29+$0x4110] =	vst v18;
	v18 =	vadd.f32 v23, v13  }
0x43f: {  	v29 =	vmul.f32 v26, v8;
	[tilespmem:s29+$0x4120] =	vst v19;
	v19 =	vadd.f32 v63, v14  }
0x440: {  	s30 =	sshrl.u32 s31, $0x6;
	v30 =	vmul.f32 v22, v9;
	[tilespmem:s29+$0x4130] =	vst v18;
	v18 =	vadd.f32 v28, v15  }
0x441: {  	s30 =	smul.u32 $0xC8, s30;
	[tilespmem:s29+$0x4140] =	vst v19;
	v19 =	vadd.f32 v29, v16  }
0x442: {  	[tilespmem:s29+$0x4150] =	vst v18;
	v18 =	vadd.f32 v30, v17  }
0x443: {  	s7 =	ssub.s32 s7, s30;
	[tilespmem:s29+$0x4160] =	vst v19  }
0x444: {  	s30 =	sshll.u32 s7, $0x8;
	s31 =	spop (v2sf);
	[tilespmem:s29+$0x4170] =	vst v18;
	s29 =	sshll.u32 s0, $0x7  }
0x445: {  	s0 =	sadd.s32 s31, s30;
	v18 =	vld [tilespmem:s29+$0x100]  }
0x446: {  	v19 =	vld [tilespmem:s0+$0x8100]  }
0x447: {  	v31 =	vld [tilespmem:s29+$0x110]  }
0x448: {  	v32 =	vld [tilespmem:s0+$0x8110]  }
0x449: {  	v33 =	vld [tilespmem:s29+$0x120]  }
0x44a: {  	v34 =	vld [tilespmem:s0+$0x8120]  }
0x44b: {  	v35 =	vld [tilespmem:s29+$0x130]  }
0x44c: {  	v36 =	vld [tilespmem:s0+$0x8130]  }
0x44d: {  	v37 =	vld [tilespmem:s29+$0x140];
	v18 =	vadd.f32 v19, v18;
	v19 =	vadd.f32 v32, v31  }
0x44e: {  	v38 =	vld [tilespmem:s0+$0x8140]  }
0x44f: {  	v39 =	vld [tilespmem:s29+$0x150];
	v22 =	vadd.f32 v34, v33;
	v40 =	vmul.f32 v18, v18;
	v41 =	vmul.f32 v19, v19  }
0x450: {  	v42 =	vld [tilespmem:s0+$0x8150];
	v43 =	vadd.f32 v19, v18  }
0x451: {  	v44 =	vld [tilespmem:s29+$0x160];
	v24 =	vadd.f32 v36, v35;
	v45 =	vmul.f32 v22, v22;
	v26 =	vadd.f32 v41, v40  }
0x452: {  	v46 =	vld [tilespmem:s0+$0x8160];
	v29 =	vadd.f32 v22, v43  }
0x453: {  	v47 =	vld [tilespmem:s29+$0x170];
	v20 =	vadd.f32 v38, v37;
	v48 =	vmul.f32 v24, v24;
	v26 =	vadd.f32 v45, v26  }
0x454: {  	v49 =	vld [tilespmem:s0+$0x8170];
	v29 =	vadd.f32 v24, v29  }
0x455: {  	v23 =	vadd.f32 v42, v39;
	v50 =	vmul.f32 v20, v20;
	v26 =	vadd.f32 v48, v26  }
0x456: {  	v29 =	vadd.f32 v20, v29  }
0x457: {  	v25 =	vadd.f32 v46, v44;
	v51 =	vmul.f32 v23, v23;
	v26 =	vadd.f32 v50, v26  }
0x458: {  	v52 =	vadd.f32 v23, v29  }
0x459: {  	v21 =	vadd.f32 v49, v47;
	v53 =	vmul.f32 v25, v25;
	v26 =	vadd.f32 v51, v26  }
0x45a: {  	v54 =	vadd.f32 v25, v52  }
0x45b: {  	v55 =	vmul.f32 v21, v21;
	v26 =	vadd.f32 v53, v26  }
0x45c: {  	v27 =	vadd.f32 v21, v54  }
0x45d: {  	v26 =	vadd.f32 v55, v26  }
0x45e: {  	(xrf2) =	vadd.scan.msk.f32 $0xffff, v27  }
0x45f: {  	(xrf2) =	vadd.scan.msk.f32 $0xffff, v26;
	_ =	sdelay $0x8  }
0x460: {  	v56, _, _ =	vpop (xrf2)  }
0x461: {  	(v2sf) =	vpush v56, $0xF;
	v57, _, _ =	vpop (xrf2)  }
0x462: {  	(v2sf) =	vpush v57, $0xF;
	_ =	sdelay $0xd  }
0x463: {  	s7 =	spop (v2sf)  }
0x464: {  	s0 =	smul.f32 $7.812500000e-03, s7;
	s30 =	spop (v2sf)  }
0x465: {  	s7 =	smul.f32 $7.812500000e-03, s30  }
0x466: {  	s31 =	smul.f32 s0, s0;
	_ =	sdelay $0x1  }
0x467: {  	s7 =	ssub.f32 s7, s31;
	_ =	sdelay $0x1  }
0x468: {  	s7 =	sadd.f32 $9.999999960e-13, s7;
	_ =	sdelay $0x1  }
0x469: {  	v58 =	vmov s7  }
0x46a: {  	v59 =	vshrl.u32 v58, $0x1;
	v26 =	vmul.f32 $5.000000000e-01, v58  }
0x46b: {  	v27 =	vsub.s32 $0x5F3759DF, v59  }
0x46c: {  	v60 =	vmul.f32 v27, v26;
	_ =	sdelay $0x1  }
0x46d: {  	v28 =	vmul.f32 v27, v60;
	_ =	sdelay $0x1  }
0x46e: {  	v28 =	vsub.f32 $1.500000000e+00, v28;
	_ =	sdelay $0x1  }
0x46f: {  	v27 =	vmul.f32 v27, v28;
	_ =	sdelay $0x1  }
0x470: {  	v26 =	vmul.f32 v27, v26;
	_ =	sdelay $0x1  }
0x471: {  	v26 =	vmul.f32 v26, v27;
	_ =	sdelay $0x1  }
0x472: {  	v26 =	vsub.f32 $1.500000000e+00, v26  }
0x473: {  	v61 =	vmov s0  }
0x474: {  	v18 =	vsub.f32 v18, v61;
	v26 =	vmul.f32 v26, v27  }
0x475: {  	v19 =	vsub.f32 v19, v61  }
0x476: {  	v22 =	vsub.f32 v22, v61;
	v24 =	vsub.f32 v24, v61;
	v18 =	vmul.f32 v26, v18  }
0x477: {  	v20 =	vsub.f32 v20, v61;
	v23 =	vsub.f32 v23, v61;
	v19 =	vmul.f32 v26, v19  }
0x478: {  	v25 =	vsub.f32 v25, v61;
	v22 =	vmul.f32 v26, v22;
	v18 =	vmul.f32 v18, v2  }
0x479: {  	v21 =	vsub.f32 v21, v61;
	v24 =	vmul.f32 v26, v24;
	v19 =	vmul.f32 v19, v3  }
0x47a: {  	v20 =	vmul.f32 v26, v20;
	v22 =	vmul.f32 v22, v4;
	v18 =	vadd.f32 v18, v10  }
0x47b: {  	v23 =	vmul.f32 v26, v23;
	v24 =	vmul.f32 v24, v5;
	v19 =	vadd.f32 v19, v11  }
0x47c: {  	v62 =	vmul.f32 v26, v25;
	v20 =	vmul.f32 v20, v6;
	[tilespmem:s29+$0x4100] =	vst v18;
	v18 =	vadd.f32 v22, v12  }
0x47d: {  	v21 =	vmul.f32 v26, v21;
	v23 =	vmul.f32 v23, v7;
	[tilespmem:s29+$0x4110] =	vst v19;
	v19 =	vadd.f32 v24, v13  }
0x47e: {  	p0 =	sne.s32 s28, $0x7;
	v63 =	vmul.f32 v62, v8;
	[tilespmem:s29+$0x4120] =	vst v18;
	v18 =	vadd.f32 v20, v14  }
.Ltmp2:
0x47f: {  	v21 =	vmul.f32 v21, v9;
	[tilespmem:s29+$0x4130] =	vst v19;
	v19 =	vadd.f32 v23, v15;
	(pc) =	sbr.rel @p0 .LBB2_7-.Ltmp2, $4  }
0x480: {  	[tilespmem:s29+$0x4140] =	vst v18;
	v18 =	vadd.f32 v63, v16  }
0x481: {  	[tilespmem:s29+$0x4150] =	vst v19;
	v19 =	vadd.f32 v21, v17  }
0x482: {  	[tilespmem:s29+$0x4160] =	vst v18  }
0x483: {  	s28 =	sadd.s32 $0x1, s28;
	[tilespmem:s29+$0x4170] =	vst v19  }
0x484: {  	s25 =	sadd.s32 $0x1, s25  }
0x485: {  	s0 =	sshll.u32 s26, $0x4;
	p0 =	sne.s32 s25, $0x32  }
.Ltmp3:
0x486: {  	s0 =	sadd.s32 s6, s0;
	(pc) =	sbr.rel @p0 .LBB2_6-.Ltmp3, $4  }
0x487: {  	[hbm4b:s0+s8] =	stream.linear.scatter [tilespmem:s22], [sflag:$0x2], $0x4000, $0x38;
	[tilespmem:$0x1AF00] =	vst v63  }
0x488: {  	_ =	swait.ge [sflag:s14], $0x4000  }
0x489: {  	[sflag:s14] =	ssyncset.done $0x0  }
0x48a: {  	[sflag:s14] =	ssyncadd.s32 $0xFFFFC000  }
0x48b: {  	s23 =	sadd.s32 $0x1, s23  }
0x48c: {  	p0 =	sne.s32 s23, s12  }
.Ltmp4:
0x48d: {  	_ = 	snop;
	(pc) =	sbr.rel @p0 .LBB2_1-.Ltmp4, $1  }
0x48e: {  	_ =	sdelay $0x3  }
0x48f: {  	_ =	sfence.sel $0x180000  }
0x490: {  	[bflag:$0x0] =	sbarrier.arrive $0xFFFF  }
0x491: {  	_ =	strace $0x90000047  }
0x492: {  	s0 =	stileid.u32;
	[bflag:$0x2] =	sbarrier.arrive $0xFFFF  }
0x493: {  	p0 =	sne.s32 s0, $0x0;
	s0 =	rddreg [dreg:$0x7]  }
0x494: {  	s0 =	sadd.s32 @!p0 $0x100000, s0  }
0x495: {  	[sflag:s0] =	ssyncadd.tile.s32 @!p0 $0x1;
	_ =	shalt  }
.Lfunc_end2:
_tile_overlayer_lowered:
.L_overlay_start_2:
0x496: {  	(tag) =	ssettag $0x2  }
0x497: {  	s0 =	rddreg [dreg:$0x0];
	s2 =	stileid.u32  }
0x498: {  	s1 =	rddreg [dreg:$0x1];
	p0 =	sne.s32 s2, $0x0  }
0x499: {  	s3 =	rddreg [dreg:$0x2];
	[bflag:$0x3] =	sbarrier.arrive $0xFFFF;
	s2 =	simm.s32 @!p0 $0x1C02  }
0x49a: {  	[timem:s3], [sflag:s2] =	dma.local @!p0 [hbm:s0], s1  }
0x49b: {  	s0 =	simm.s32 @!p0 $0x2  }
0x49c: {  	_ =	swait.ge @!p0 [sflag:s0], s1  }
0x49d: {  	s1 =	ssub.s32 @!p0 $0x0, s1;
	[sflag:s0] =	ssyncset.done @!p0 $0x0  }
0x49e: {  	[sflag:s0] =	ssyncadd.s32 @!p0 s1  }
0x49f: {  	[bflag:$0x3] =	sbarrier.arrive $0xFFFF  }
0x4a0: {  	_ =	shalt  }

</sc_bundles>
